<compile_context>
chip_gen: v7x
topology: tpu7x:2x2x1
jax: 0.10.2.dev20260603
libtpu: 0.0.44.dev20260713+nightly
codegen_flags: <defaults>
</compile_context>

<pallas_src>
import jax
import jax.numpy as jnp
from jax import lax
from jax.experimental import pallas as pl
from jax.experimental.pallas import tpu as pltpu
from jax.experimental.pallas import tpu_sc as plsc

B, N, T, C = 2, 10000, 4, 32
H, D, K = 2, 16, 2
E = 160000

NP = 10112
EFULL = E + N
BLKE = 64
NBLK = 84
PER_TILE = NBLK * BLKE
NTILES = 32
EP = NTILES * PER_TILE
ROWS_PT = NP // 16

_f32 = jnp.float32


def _stage1_body(x_ref, fc_ref, al_ref, ar_ref, feat_ref, el_ref, er_ref):
    zpad = None
    for k in range(K):
        fw = fc_ref[k]
        alk = al_ref[k]
        ark = ar_ref[k]
        for b in range(B):
            e_chunks = []
            r_chunks = []
            for t in range(T):
                xbt = x_ref[b, :, t, :]
                f = lax.dot_general(xbt, fw, (((1,), (1,)), ((), ())),
                                    preferred_element_type=_f32)
                feat_ref[k, b, :, pl.ds(t * 32, 32)] = f
                e_chunks.append(jnp.dot(f, alk, preferred_element_type=_f32))
                r_chunks.append(jnp.dot(f, ark, preferred_element_type=_f32))
            if b == 0:
                el0, er0 = e_chunks, r_chunks
            else:
                if zpad is None:
                    zpad = jnp.zeros((e_chunks[0].shape[0], 112), _f32)
                el_ref[k] = jnp.concatenate(el0 + e_chunks + [zpad], axis=-1)
                er_ref[k] = jnp.concatenate(er0 + r_chunks + [zpad], axis=-1)


def _stage1(input_feature, fc_w, al, ar):
    bn = 1000
    grid = (N // bn,)
    return pl.pallas_call(
        _stage1_body,
        grid=grid,
        in_specs=[
            pl.BlockSpec((B, bn, T, C), lambda i: (0, i, 0, 0)),
            pl.BlockSpec((K, H * D, C), lambda i: (0, 0, 0)),
            pl.BlockSpec((K, H * D, H), lambda i: (0, 0, 0)),
            pl.BlockSpec((K, H * D, H), lambda i: (0, 0, 0)),
        ],
        out_specs=[
            pl.BlockSpec((K, B, bn, 128), lambda i: (0, 0, i, 0)),
            pl.BlockSpec((K, bn, 128), lambda i: (0, i, 0)),
            pl.BlockSpec((K, bn, 128), lambda i: (0, i, 0)),
        ],
        out_shape=[
            jax.ShapeDtypeStruct((K, B, N, 128), _f32),
            jax.ShapeDtypeStruct((K, N, 128), _f32),
            jax.ShapeDtypeStruct((K, N, 128), _f32),
        ],
    )(input_feature, fc_w, al, ar)


def _bcast_lane(w, lane):
    idx = jnp.full((16, 1), lane, jnp.int32)
    return lax.gather(
        w, idx,
        lax.GatherDimensionNumbers(offset_dims=(), collapsed_slice_dims=(0,),
                                   start_index_map=(0,)),
        slice_sizes=(1,),
        mode=lax.GatherScatterMode.PROMISE_IN_BOUNDS)


_LOG2E = 1.4426950408889634
_MAGIC = 12582912.0
_C1 = 0.6931471805599453
_C2 = 0.2402265069591007
_C3 = 0.05550410866482158
_C4 = 0.009618129107628477
_C5 = 0.0013333558146428443


def _exp_fast(x):
    z = x * _LOG2E
    t = z + _MAGIC
    n = t - _MAGIC
    r = z - n
    p = _C5
    p = p * r + _C4
    p = p * r + _C3
    p = p * r + _C2
    p = p * r + _C1
    p = p * r + 1.0
    ni = n.astype(jnp.int32)
    scale = lax.bitcast_convert_type((ni + 127) << 23, _f32)
    return p * scale


def _sc_body(src2, dst2, el_h, er_h, feat_h, zeros_h, wside,
             den_out, num_out,
             table, src_v, dst_v, ga, gb, frow, wm, wlin,
             sem_a, sem_b, sem_c):
    cid = lax.axis_index("c")
    sid = lax.axis_index("s")
    wid = cid * 16 + sid
    row0 = sid * ROWS_PT
    ebase = wid * PER_TILE

    def zero_table():
        pltpu.sync_copy(zeros_h.at[pl.ds(row0, ROWS_PT)],
                        table.at[pl.ds(row0, ROWS_PT)])
        plsc.subcore_barrier()

    def flush(out_ref):
        plsc.subcore_barrier()
        pltpu.sync_copy(table.at[pl.ds(row0, ROWS_PT)],
                        out_ref.at[pl.ds(row0, ROWS_PT)])
        plsc.subcore_barrier()

    for k in range(K):
        def zrow(i, carry):
            for q in range(1, 8):
                wm[i, pl.ds(q * 16, 16)] = jnp.zeros((16,), _f32)
            return carry
        lax.fori_loop(0, BLKE, zrow, 0)
        zero_table()

        def dblk(j, carry):
            pltpu.sync_copy(src2.at[k, wid, j], src_v)
            pltpu.sync_copy(dst2.at[k, wid, j], dst_v)
            ce = pltpu.async_copy(el_h.at[k].at[src_v], ga, sem_a)
            cr = pltpu.async_copy(er_h.at[k].at[dst_v], gb, sem_b)
            ce.wait()
            cr.wait()

            def edge(i, c2):
                e = ga[i, pl.ds(0, 16)] + gb[i, pl.ds(0, 16)]
                w = jnp.exp(jnp.maximum(e, 0.2 * e))
                wm[i, pl.ds(0, 16)] = w
                wlin[pl.ds(i * 16, 16)] = w
                return c2
            lax.fori_loop(0, BLKE, edge, 0)
            cs = pltpu.async_copy(
                wlin, wside.at[pl.ds((k * EP + ebase + j * BLKE) * 16,
                                     BLKE * 16)], sem_c)
            pltpu.sync_copy(wm, table.at[dst_v], add=True)
            cs.wait()
            return carry

        lax.fori_loop(0, NBLK, dblk, 0)
        flush(den_out.at[k, cid])

        for b in range(B):
            zero_table()

            def mblk(j, carry):
                pltpu.sync_copy(dst2.at[k, wid, j], dst_v)
                pltpu.sync_copy(src2.at[k, wid, j], src_v)
                cw = pltpu.async_copy(
                    wside.at[pl.ds((k * EP + ebase + j * BLKE) * 16,
                                   BLKE * 16)], wlin, sem_a)
                cf = pltpu.async_copy(feat_h.at[k, b].at[src_v], frow, sem_b)
                cw.wait()
                cf.wait()

                def edge(i, c2):
                    w = wlin[pl.ds(i * 16, 16)]
                    for th in range(T * H):
                        sl = pl.ds(th * 16, 16)
                        wb = _bcast_lane(w, b * 8 + th)
                        wm[i, sl] = frow[i, sl] * wb
                    return c2
                lax.fori_loop(0, BLKE, edge, 0)
                pltpu.sync_copy(wm, table.at[dst_v], add=True)
                return carry

            lax.fori_loop(0, NBLK, mblk, 0)
            flush(num_out.at[k, b, cid])


def _stage2(src2, dst2, el, er_pad, feat, zeros_h):
    mesh = plsc.VectorSubcoreMesh(core_axis_name="c", subcore_axis_name="s",
                                  num_cores=2, num_subcores=16)
    kern = pl.kernel(
        _sc_body,
        out_type=[
            jax.ShapeDtypeStruct((K * EP * 16,), _f32),
            jax.ShapeDtypeStruct((K, 2, NP, 128), _f32),
            jax.ShapeDtypeStruct((K, B, 2, NP, 128), _f32),
        ],
        mesh=mesh,
        scratch_types=[
            pltpu.VMEM_SHARED((NP, 128), _f32),
            pltpu.VMEM((BLKE,), jnp.int32),
            pltpu.VMEM((BLKE,), jnp.int32),
            pltpu.VMEM((BLKE, 128), _f32),
            pltpu.VMEM((BLKE, 128), _f32),
            pltpu.VMEM((BLKE, 128), _f32),
            pltpu.VMEM((BLKE, 128), _f32),
            pltpu.VMEM((BLKE * 16,), _f32),
            pltpu.SemaphoreType.DMA,
            pltpu.SemaphoreType.DMA,
            pltpu.SemaphoreType.DMA,
        ],
    )
    _, den, num = kern(src2, dst2, el, er_pad, feat, zeros_h)
    return den, num


def _stage3_body(x_ref, den_ref, num_ref, kw_ref, bias_ref, mw_ref, mb_ref,
                 rw_ref, out_ref):
    dens = [den_ref[k, 0, :, pl.ds(0, 16)] + den_ref[k, 1, :, pl.ds(0, 16)]
            for k in range(K)]
    for b in range(B):
        res = [None] * (T * H)
        for k in range(K):
            kw = kw_ref[k, 0]
            den = dens[k]
            for t in range(T):
                for hh in range(H):
                    j = t * H + hh
                    col = b * 8 + j
                    num = (num_ref[k, b, 0, :, pl.ds(j * 16, 16)]
                           + num_ref[k, b, 1, :, pl.ds(j * 16, 16)])
                    d = den[:, col][:, None]
                    rst = num / d + bias_ref[k, pl.ds(hh * 16, 16)][None, :]
                    contrib = kw * rst
                    res[j] = contrib if res[j] is None else res[j] + contrib
        for t in range(T):
            r_t = jnp.concatenate([res[t * H + hh] for hh in range(H)],
                                  axis=-1)
            merged = lax.dot_general(r_t, mw_ref[...],
                                     (((1,), (1,)), ((), ())),
                                     preferred_element_type=_f32)
            merged = merged + mb_ref[0, :][None, :]
            resid = lax.dot_general(x_ref[b, :, t, :], rw_ref[...],
                                    (((1,), (1,)), ((), ())),
                                    preferred_element_type=_f32)
            out_ref[b, :, t, :] = jnp.maximum(merged, 0.01 * merged) + resid


def _stage3(input_feature, den, num, kernel_weight, gat_bias, merge_w,
            merge_b2, res_w):
    bn = 400
    grid = (N // bn,)
    return pl.pallas_call(
        _stage3_body,
        grid=grid,
        in_specs=[
            pl.BlockSpec((B, bn, T, C), lambda i: (0, i, 0, 0)),
            pl.BlockSpec((K, 2, bn, 128), lambda i: (0, 0, i, 0)),
            pl.BlockSpec((K, B, 2, bn, 128), lambda i: (0, 0, 0, i, 0)),
            pl.BlockSpec((K, 1), lambda i: (0, 0)),
            pl.BlockSpec((K, H * D), lambda i: (0, 0)),
            pl.BlockSpec((D, H * D), lambda i: (0, 0)),
            pl.BlockSpec((1, D), lambda i: (0, 0)),
            pl.BlockSpec((D, C), lambda i: (0, 0)),
        ],
        out_specs=pl.BlockSpec((B, bn, T, D), lambda i: (0, i, 0, 0)),
        out_shape=jax.ShapeDtypeStruct((B, N, T, D), _f32),
    )(input_feature, den, num, kernel_weight, gat_bias, merge_w, merge_b2,
      res_w)


def kernel(input_feature, kd_graph, fc_w, attn_l, attn_r, gat_bias,
           kernel_weight, merge_w, merge_b, res_w):
    rows = jnp.arange(H * D)
    sel = (rows[:, None] // D) == jnp.arange(H)[None, :]
    al = jnp.where(sel[None], attn_l.reshape(K, H * D)[:, :, None], 0.0)
    ar = jnp.where(sel[None], attn_r.reshape(K, H * D)[:, :, None], 0.0)

    feat, el, er = _stage1(input_feature, fc_w, al, ar)
    er_pad = jnp.pad(er, ((0, 0), (0, NP - N), (0, 0)))
    zeros_h = jnp.zeros((NP, 128), _f32)

    self_loop = jnp.arange(N, dtype=jnp.int32)
    npad = EP - EFULL
    pad_src = jnp.zeros((npad,), jnp.int32)
    pad_dst = (N + (jnp.arange(npad) % 16)).astype(jnp.int32)
    src2 = jnp.stack([
        jnp.concatenate([kd_graph[k, 0].astype(jnp.int32), self_loop, pad_src])
        for k in range(K)]).reshape(K, NTILES, NBLK, BLKE)
    dst2 = jnp.stack([
        jnp.concatenate([kd_graph[k, 1].astype(jnp.int32), self_loop, pad_dst])
        for k in range(K)]).reshape(K, NTILES, NBLK, BLKE)

    den, num = _stage2(src2, dst2, el, er_pad, feat, zeros_h)

    out = _stage3(input_feature, den, num,
                  kernel_weight.astype(_f32), gat_bias,
                  merge_w, merge_b.reshape(1, D), res_w)
    return out

# --- scband reference (transcript-rebuilt; emitter-appended) ---
"""Pipeline reference for scband-gconv-38671885533578 (READ-ONLY COPY).

The authoritative reference and input builder live on the scoring server;
editing this copy changes nothing except your own understanding.
"""

import jax, jax.numpy as jnp
import numpy as np

B, N, T, C = 2, 10000, 4, 32
H, D, K = 2, 16, 2
E = 160000


def setup_inputs(seed: int = 0) -> dict:
    key = jax.random.key(seed)
    ks = jax.random.split(key, 10)
    input_feature = jax.random.normal(ks[0], (B, N, T, C), dtype=jnp.float32)
    kd_graph = jax.random.randint(ks[1], (K, 2, E), 0, N)
    # per-kernel DGL-style GATConv params
    fc_w = jax.random.normal(ks[2], (K, H * D, C), dtype=jnp.float32) * 0.1
    attn_l = jax.random.normal(ks[3], (K, H, D), dtype=jnp.float32) * 0.1
    attn_r = jax.random.normal(ks[4], (K, H, D), dtype=jnp.float32) * 0.1
    gat_bias = jnp.zeros((K, H * D), dtype=jnp.float32)
    # GConv params
    kernel_weight = jax.random.normal(ks[5], (K, 1), dtype=jnp.float32) * 0.05
    merge_w = jax.random.normal(ks[6], (D, H * D), dtype=jnp.float32) * 0.1
    merge_b = jnp.zeros((D,), dtype=jnp.float32)
    res_w = jax.random.normal(ks[7], (D, C), dtype=jnp.float32) * 0.1
    return {"input_feature": input_feature, "kd_graph": kd_graph, "fc_w": fc_w,
            "attn_l": attn_l, "attn_r": attn_r, "gat_bias": gat_bias,
            "kernel_weight": kernel_weight, "merge_w": merge_w, "merge_b": merge_b,
            "res_w": res_w}


def reference(input_feature, kd_graph, fc_w, attn_l, attn_r, gat_bias,
              kernel_weight, merge_w, merge_b, res_w):
    # input_feature: [B, N, T, C] -> h: [N, B, T, C]
    h = jnp.transpose(input_feature, (1, 0, 2, 3))
    self_loop = jnp.arange(N)
    result = 0.0
    for i in range(K):
        # dgl.graph + dgl.add_self_loop
        src = jnp.concatenate([kd_graph[i, 0], self_loop])
        dst = jnp.concatenate([kd_graph[i, 1], self_loop])
        # GATConv: fc projection -> [N, B, T, H, D]
        feat = jnp.einsum('nbtc,oc->nbto', h, fc_w[i]).reshape(N, B, T, H, D)
        el = jnp.sum(feat * attn_l[i][None, None, None], axis=-1)  # [N,B,T,H]
        er = jnp.sum(feat * attn_r[i][None, None, None], axis=-1)
        e = jax.nn.leaky_relu(el[src] + er[dst], negative_slope=0.2)  # [E',B,T,H]
        # edge_softmax grouped by destination node
        e_max = jax.lax.stop_gradient(jax.ops.segment_max(e, dst, num_segments=N))
        e_exp = jnp.exp(e - e_max[dst])
        denom = jax.ops.segment_sum(e_exp, dst, num_segments=N)
        a = e_exp / denom[dst]
        # message passing: scatter-add of attention-weighted source features
        rst = jax.ops.segment_sum(feat[src] * a[..., None], dst, num_segments=N)
        rst = rst + gat_bias[i].reshape(1, 1, 1, H, D)
        result = result + kernel_weight[i] * rst
    merged = result.reshape(N, B, T, H * D) @ merge_w.T + merge_b  # merge MLP (linear)
    out = jax.nn.leaky_relu(merged, negative_slope=0.01) + h @ res_w.T  # act + residual MLP
    return jnp.transpose(out, (1, 0, 2, 3))  # [B, N, T, out_dim]

if __name__ == "__main__":
    import jax
    _d = setup_inputs()
    print(jax.jit(kernel)(*tuple(_d.values())))

</pallas_src>

<mosaic_0001>
#map = affine_map<(d0, d1) -> (0, 0, 0, 0)>
#map1 = affine_map<(d0, d1) -> (0, 0, 0)>
#map2 = affine_map<(d0, d1) -> (0, 0)>
#map3 = affine_map<(d0, d1) -> (0)>
#map4 = affine_map<(d0, d1) -> (0, 0, 0, 0, 0)>
module attributes {stable_mosaic.version = 14 : i64} {
  func.func @_sc_body(%arg0: i32, %arg1: i32, %arg2: memref<2x32x84x64xi32, #tpu.memory_space<hbm>>, %arg3: memref<2x32x84x64xi32, #tpu.memory_space<hbm>>, %arg4: memref<2x10000x128xf32, #tpu.memory_space<hbm>>, %arg5: memref<2x10112x128xf32, #tpu.memory_space<hbm>>, %arg6: memref<2x2x10000x128xf32, #tpu.memory_space<hbm>>, %arg7: memref<10112x128xf32, #tpu.memory_space<hbm>>, %arg8: memref<5505024xf32, #tpu.memory_space<hbm>>, %arg9: memref<2x2x10112x128xf32, #tpu.memory_space<hbm>>, %arg10: memref<2x2x2x10112x128xf32, #tpu.memory_space<hbm>>, %arg11: memref<10112x128xf32, #tpu.memory_space<vmem_shared>>, %arg12: memref<64xi32, #tpu.memory_space<vmem>>, %arg13: memref<64xi32, #tpu.memory_space<vmem>>, %arg14: memref<64x128xf32, #tpu.memory_space<vmem>>, %arg15: memref<64x128xf32, #tpu.memory_space<vmem>>, %arg16: memref<64x128xf32, #tpu.memory_space<vmem>>, %arg17: memref<64x128xf32, #tpu.memory_space<vmem>>, %arg18: memref<1024xf32, #tpu.memory_space<vmem>>, %arg19: memref<!tpu.dma_semaphore, #tpu.memory_space<semaphore_mem>>, %arg20: memref<!tpu.dma_semaphore, #tpu.memory_space<semaphore_mem>>, %arg21: memref<!tpu.dma_semaphore, #tpu.memory_space<semaphore_mem>>) attributes {dimension_semantics = [#tpu.dimension_semantics<core_parallel>, #tpu.dimension_semantics<subcore_parallel>], iteration_bounds = array<i64: 2, 16>, scalar_prefetch = 0 : i64, scratch_operands = 11 : i64, tpu.core_type = #tpu.core_type<sc_vector_subcore>, window_params = [{transform_indices = #map}, {transform_indices = #map}, {transform_indices = #map1}, {transform_indices = #map1}, {transform_indices = #map}, {transform_indices = #map2}, {transform_indices = #map3}, {transform_indices = #map}, {transform_indices = #map4}]} {
    %mul3A = arith.constant 16 : i32
    %mul3A_0 = arith.muli %arg0, %mul3A : i32
    %add3A = arith.addi %mul3A_0, %arg1 : i32
    %mul3A_1 = arith.constant 632 : i32
    %mul3A_2 = arith.muli %arg1, %mul3A_1 : i32
    %mul3A_3 = arith.constant 5376 : i32
    %mul3A_4 = arith.muli %add3A, %mul3A_3 : i32
    %scan3A = arith.constant 0 : i32
    %scan3A_5 = arith.constant 0 : i32
    %scan3A_6 = arith.constant 64 : i32
    %scan3A_7 = arith.addi %scan3A_5, %scan3A_6 : i32
    %scan3A_8 = arith.constant 1 : i32
    scf.for %scan3A_78 = %scan3A_5 to %scan3A_7 step %scan3A_8  : i32 {
      %broadcast_in_dim3A = arith.constant 0.000000e+00 : f32
      %broadcast_in_dim3A_79 = vector.broadcast %broadcast_in_dim3A : f32 to vector<16xf32>
      %swap3A = arith.index_cast %scan3A_78 : i32 to index
      %swap3A_80 = arith.constant 16 : index
      %swap3A_81 = tpu.vector_load %arg17[%swap3A, %swap3A_80] {strides = array<i32>} : memref<64x128xf32, #tpu.memory_space<vmem>>, vector<1x16xf32>,
      %swap3A_82 = vector.shape_cast %swap3A_81 : vector<1x16xf32> to vector<16xf32>
      %swap3A_83 = vector.shape_cast %broadcast_in_dim3A_79 : vector<16xf32> to vector<1x16xf32>
      tpu.vector_store %arg17[%swap3A, %swap3A_80], %swap3A_83 {strides = array<i32>} : memref<64x128xf32, #tpu.memory_space<vmem>>, vector<1x16xf32>,
      %broadcast_in_dim3A_84 = arith.constant 0.000000e+00 : f32
      %broadcast_in_dim3A_85 = vector.broadcast %broadcast_in_dim3A_84 : f32 to vector<16xf32>
      %swap3A_86 = arith.index_cast %scan3A_78 : i32 to index
      %swap3A_87 = arith.constant 32 : index
      %swap3A_88 = tpu.vector_load %arg17[%swap3A_86, %swap3A_87] {strides = array<i32>} : memref<64x128xf32, #tpu.memory_space<vmem>>, vector<1x16xf32>,
      %swap3A_89 = vector.shape_cast %swap3A_88 : vector<1x16xf32> to vector<16xf32>
      %swap3A_90 = vector.shape_cast %broadcast_in_dim3A_85 : vector<16xf32> to vector<1x16xf32>
      tpu.vector_store %arg17[%swap3A_86, %swap3A_87], %swap3A_90 {strides = array<i32>} : memref<64x128xf32, #tpu.memory_space<vmem>>, vector<1x16xf32>,
      %broadcast_in_dim3A_91 = arith.constant 0.000000e+00 : f32
      %broadcast_in_dim3A_92 = vector.broadcast %broadcast_in_dim3A_91 : f32 to vector<16xf32>
      %swap3A_93 = arith.index_cast %scan3A_78 : i32 to index
      %swap3A_94 = arith.constant 48 : index
      %swap3A_95 = tpu.vector_load %arg17[%swap3A_93, %swap3A_94] {strides = array<i32>} : memref<64x128xf32, #tpu.memory_space<vmem>>, vector<1x16xf32>,
      %swap3A_96 = vector.shape_cast %swap3A_95 : vector<1x16xf32> to vector<16xf32>
      %swap3A_97 = vector.shape_cast %broadcast_in_dim3A_92 : vector<16xf32> to vector<1x16xf32>
      tpu.vector_store %arg17[%swap3A_93, %swap3A_94], %swap3A_97 {strides = array<i32>} : memref<64x128xf32, #tpu.memory_space<vmem>>, vector<1x16xf32>,
      %broadcast_in_dim3A_98 = arith.constant 0.000000e+00 : f32
      %broadcast_in_dim3A_99 = vector.broadcast %broadcast_in_dim3A_98 : f32 to vector<16xf32>
      %swap3A_100 = arith.index_cast %scan3A_78 : i32 to index
      %swap3A_101 = arith.constant 64 : index
      %swap3A_102 = tpu.vector_load %arg17[%swap3A_100, %swap3A_101] {strides = array<i32>} : memref<64x128xf32, #tpu.memory_space<vmem>>, vector<1x16xf32>,
      %swap3A_103 = vector.shape_cast %swap3A_102 : vector<1x16xf32> to vector<16xf32>
      %swap3A_104 = vector.shape_cast %broadcast_in_dim3A_99 : vector<16xf32> to vector<1x16xf32>
      tpu.vector_store %arg17[%swap3A_100, %swap3A_101], %swap3A_104 {strides = array<i32>} : memref<64x128xf32, #tpu.memory_space<vmem>>, vector<1x16xf32>,
      %broadcast_in_dim3A_105 = arith.constant 0.000000e+00 : f32
      %broadcast_in_dim3A_106 = vector.broadcast %broadcast_in_dim3A_105 : f32 to vector<16xf32>
      %swap3A_107 = arith.index_cast %scan3A_78 : i32 to index
      %swap3A_108 = arith.constant 80 : index
      %swap3A_109 = tpu.vector_load %arg17[%swap3A_107, %swap3A_108] {strides = array<i32>} : memref<64x128xf32, #tpu.memory_space<vmem>>, vector<1x16xf32>,
      %swap3A_110 = vector.shape_cast %swap3A_109 : vector<1x16xf32> to vector<16xf32>
      %swap3A_111 = vector.shape_cast %broadcast_in_dim3A_106 : vector<16xf32> to vector<1x16xf32>
      tpu.vector_store %arg17[%swap3A_107, %swap3A_108], %swap3A_111 {strides = array<i32>} : memref<64x128xf32, #tpu.memory_space<vmem>>, vector<1x16xf32>,
      %broadcast_in_dim3A_112 = arith.constant 0.000000e+00 : f32
      %broadcast_in_dim3A_113 = vector.broadcast %broadcast_in_dim3A_112 : f32 to vector<16xf32>
      %swap3A_114 = arith.index_cast %scan3A_78 : i32 to index
      %swap3A_115 = arith.constant 96 : index
      %swap3A_116 = tpu.vector_load %arg17[%swap3A_114, %swap3A_115] {strides = array<i32>} : memref<64x128xf32, #tpu.memory_space<vmem>>, vector<1x16xf32>,
      %swap3A_117 = vector.shape_cast %swap3A_116 : vector<1x16xf32> to vector<16xf32>
      %swap3A_118 = vector.shape_cast %broadcast_in_dim3A_113 : vector<16xf32> to vector<1x16xf32>
      tpu.vector_store %arg17[%swap3A_114, %swap3A_115], %swap3A_118 {strides = array<i32>} : memref<64x128xf32, #tpu.memory_space<vmem>>, vector<1x16xf32>,
      %broadcast_in_dim3A_119 = arith.constant 0.000000e+00 : f32
      %broadcast_in_dim3A_120 = vector.broadcast %broadcast_in_dim3A_119 : f32 to vector<16xf32>
      %swap3A_121 = arith.index_cast %scan3A_78 : i32 to index
      %swap3A_122 = arith.constant 112 : index
      %swap3A_123 = tpu.vector_load %arg17[%swap3A_121, %swap3A_122] {strides = array<i32>} : memref<64x128xf32, #tpu.memory_space<vmem>>, vector<1x16xf32>,
      %swap3A_124 = vector.shape_cast %swap3A_123 : vector<1x16xf32> to vector<16xf32>
      %swap3A_125 = vector.shape_cast %broadcast_in_dim3A_120 : vector<16xf32> to vector<1x16xf32>
      tpu.vector_store %arg17[%swap3A_121, %swap3A_122], %swap3A_125 {strides = array<i32>} : memref<64x128xf32, #tpu.memory_space<vmem>>, vector<1x16xf32>,
    }
    %scan3A_9 = arith.constant 64 : i32
    "tpu.region"() ({
      %run_scoped3A_78 = tpu.sem_alloc : memref<!tpu.dma_semaphore, #tpu.memory_space<semaphore_mem>>
      %dma_start3A = arith.constant 0 : i32
      %dma_start3A_79 = tpu.memref_slice %arg11[%mul3A_2, %dma_start3A] : memref<10112x128xf32, #tpu.memory_space<vmem_shared>> -> memref<632x128xf32, #tpu.memory_space<vmem_shared>>
      %dma_start3A_80 = arith.constant 0 : i32
      %dma_start3A_81 = tpu.memref_slice %arg7[%mul3A_2, %dma_start3A_80] : memref<10112x128xf32, #tpu.memory_space<hbm>> -> memref<632x128xf32, #tpu.memory_space<hbm>>
      tpu.enqueue_dma source(%dma_start3A_81 : memref<632x128xf32, #tpu.memory_space<hbm>>) target(%dma_start3A_79 : memref<632x128xf32, #tpu.memory_space<vmem_shared>>) target_semaphore(%run_scoped3A_78 : memref<!tpu.dma_semaphore, #tpu.memory_space<semaphore_mem>>)
      %dma_wait3A = arith.constant 0 : i32
      %dma_wait3A_82 = tpu.memref_slice %arg11[%mul3A_2, %dma_wait3A] : memref<10112x128xf32, #tpu.memory_space<vmem_shared>> -> memref<632x128xf32, #tpu.memory_space<vmem_shared>>
      %dma_wait3A_83 = arith.constant 0 : i32
      %dma_wait3A_84 = tpu.memref_slice %arg7[%mul3A_2, %dma_wait3A_83] : memref<10112x128xf32, #tpu.memory_space<hbm>> -> memref<632x128xf32, #tpu.memory_space<hbm>>
      tpu.wait_dma2 semaphore(%run_scoped3A_78 : memref<!tpu.dma_semaphore, #tpu.memory_space<semaphore_mem>>) src(%dma_wait3A_84 : memref<632x128xf32, #tpu.memory_space<hbm>>) dst(%dma_wait3A_82 : memref<632x128xf32, #tpu.memory_space<vmem_shared>>)
      tpu.yield
    }) : () -> ()
    %barrier3A = arith.constant 0 : index
    tpu.barrier barrier_id(%barrier3A)
    %scan3A_10 = arith.constant 0 : i32
    %scan3A_11 = arith.constant 0 : i32
    %scan3A_12 = arith.constant 84 : i32
    %scan3A_13 = arith.addi %scan3A_11, %scan3A_12 : i32
    %scan3A_14 = arith.constant 1 : i32
    scf.for %scan3A_78 = %scan3A_11 to %scan3A_13 step %scan3A_14  : i32 {
      %run_scoped3A_79 = arith.constant 0 : i32
      "tpu.region"() ({
        %run_scoped3A_128 = tpu.sem_alloc : memref<!tpu.dma_semaphore, #tpu.memory_space<semaphore_mem>>
        %dma_start3A_129 = arith.constant 0 : i32
        %dma_start3A_130 = tpu.memref_slice %arg2[%run_scoped3A_79, %add3A, %scan3A_78, %dma_start3A_129] : memref<2x32x84x64xi32, #tpu.memory_space<hbm>> -> memref<1x1x1x64xi32, #tpu.memory_space<hbm>>
        %dma_start3A_131 = tpu.memref_squeeze %dma_start3A_130 : memref<1x1x1x64xi32, #tpu.memory_space<hbm>> -> memref<64xi32, #tpu.memory_space<hbm>>
        %dma_start3A_132 = arith.constant 0 : i32
        %dma_start3A_133 = tpu.memref_slice %arg2[%run_scoped3A_79, %add3A, %scan3A_78, %dma_start3A_132] : memref<2x32x84x64xi32, #tpu.memory_space<hbm>> -> memref<1x1x1x64xi32, #tpu.memory_space<hbm>>
        %dma_start3A_134 = tpu.memref_squeeze %dma_start3A_133 : memref<1x1x1x64xi32, #tpu.memory_space<hbm>> -> memref<64xi32, #tpu.memory_space<hbm>>
        tpu.enqueue_dma source(%dma_start3A_134 : memref<64xi32, #tpu.memory_space<hbm>>) target(%arg12 : memref<64xi32, #tpu.memory_space<vmem>>) target_semaphore(%run_scoped3A_128 : memref<!tpu.dma_semaphore, #tpu.memory_space<semaphore_mem>>)
        %dma_wait3A_135 = arith.constant 0 : i32
        %dma_wait3A_136 = tpu.memref_slice %arg2[%run_scoped3A_79, %add3A, %scan3A_78, %dma_wait3A_135] : memref<2x32x84x64xi32, #tpu.memory_space<hbm>> -> memref<1x1x1x64xi32, #tpu.memory_space<hbm>>
        %dma_wait3A_137 = tpu.memref_squeeze %dma_wait3A_136 : memref<1x1x1x64xi32, #tpu.memory_space<hbm>> -> memref<64xi32, #tpu.memory_space<hbm>>
        %dma_wait3A_138 = arith.constant 0 : i32
        %dma_wait3A_139 = tpu.memref_slice %arg2[%run_scoped3A_79, %add3A, %scan3A_78, %dma_wait3A_138] : memref<2x32x84x64xi32, #tpu.memory_space<hbm>> -> memref<1x1x1x64xi32, #tpu.memory_space<hbm>>
        %dma_wait3A_140 = tpu.memref_squeeze %dma_wait3A_139 : memref<1x1x1x64xi32, #tpu.memory_space<hbm>> -> memref<64xi32, #tpu.memory_space<hbm>>
        tpu.wait_dma2 semaphore(%run_scoped3A_128 : memref<!tpu.dma_semaphore, #tpu.memory_space<semaphore_mem>>) src(%dma_wait3A_140 : memref<64xi32, #tpu.memory_space<hbm>>) dst(%arg12 : memref<64xi32, #tpu.memory_space<vmem>>)
        tpu.yield
      }) : () -> ()
      %run_scoped3A_80 = arith.constant 0 : i32
      "tpu.region"() ({
        %run_scoped3A_128 = tpu.sem_alloc : memref<!tpu.dma_semaphore, #tpu.memory_space<semaphore_mem>>
        %dma_start3A_129 = arith.constant 0 : i32
        %dma_start3A_130 = tpu.memref_slice %arg3[%run_scoped3A_80, %add3A, %scan3A_78, %dma_start3A_129] : memref<2x32x84x64xi32, #tpu.memory_space<hbm>> -> memref<1x1x1x64xi32, #tpu.memory_space<hbm>>
        %dma_start3A_131 = tpu.memref_squeeze %dma_start3A_130 : memref<1x1x1x64xi32, #tpu.memory_space<hbm>> -> memref<64xi32, #tpu.memory_space<hbm>>
        %dma_start3A_132 = arith.constant 0 : i32
        %dma_start3A_133 = tpu.memref_slice %arg3[%run_scoped3A_80, %add3A, %scan3A_78, %dma_start3A_132] : memref<2x32x84x64xi32, #tpu.memory_space<hbm>> -> memref<1x1x1x64xi32, #tpu.memory_space<hbm>>
        %dma_start3A_134 = tpu.memref_squeeze %dma_start3A_133 : memref<1x1x1x64xi32, #tpu.memory_space<hbm>> -> memref<64xi32, #tpu.memory_space<hbm>>
        tpu.enqueue_dma source(%dma_start3A_134 : memref<64xi32, #tpu.memory_space<hbm>>) target(%arg13 : memref<64xi32, #tpu.memory_space<vmem>>) target_semaphore(%run_scoped3A_128 : memref<!tpu.dma_semaphore, #tpu.memory_space<semaphore_mem>>)
        %dma_wait3A_135 = arith.constant 0 : i32
        %dma_wait3A_136 = tpu.memref_slice %arg3[%run_scoped3A_80, %add3A, %scan3A_78, %dma_wait3A_135] : memref<2x32x84x64xi32, #tpu.memory_space<hbm>> -> memref<1x1x1x64xi32, #tpu.memory_space<hbm>>
        %dma_wait3A_137 = tpu.memref_squeeze %dma_wait3A_136 : memref<1x1x1x64xi32, #tpu.memory_space<hbm>> -> memref<64xi32, #tpu.memory_space<hbm>>
        %dma_wait3A_138 = arith.constant 0 : i32
        %dma_wait3A_139 = tpu.memref_slice %arg3[%run_scoped3A_80, %add3A, %scan3A_78, %dma_wait3A_138] : memref<2x32x84x64xi32, #tpu.memory_space<hbm>> -> memref<1x1x1x64xi32, #tpu.memory_space<hbm>>
        %dma_wait3A_140 = tpu.memref_squeeze %dma_wait3A_139 : memref<1x1x1x64xi32, #tpu.memory_space<hbm>> -> memref<64xi32, #tpu.memory_space<hbm>>
        tpu.wait_dma2 semaphore(%run_scoped3A_128 : memref<!tpu.dma_semaphore, #tpu.memory_space<semaphore_mem>>) src(%dma_wait3A_140 : memref<64xi32, #tpu.memory_space<hbm>>) dst(%arg13 : memref<64xi32, #tpu.memory_space<vmem>>)
        tpu.yield
      }) : () -> ()
      %dma_start3A = arith.constant 0 : i32
      %dma_start3A_81 = arith.constant 0 : i32
      %dma_start3A_82 = arith.constant 0 : i32
      %dma_start3A_83 = tpu.memref_slice %arg4[%dma_start3A, %dma_start3A_81, %dma_start3A_82] : memref<2x10000x128xf32, #tpu.memory_space<hbm>> -> memref<1x10000x128xf32, #tpu.memory_space<hbm>>
      %dma_start3A_84 = tpu.memref_squeeze %dma_start3A_83 : memref<1x10000x128xf32, #tpu.memory_space<hbm>> -> memref<10000x128xf32, #tpu.memory_space<hbm>>
      %dma_start3A_85 = arith.constant 0 : i32
      %dma_start3A_86 = arith.constant 0 : i32
      %dma_start3A_87 = tpu.memref_slice %dma_start3A_84[%dma_start3A_85, %dma_start3A_86] : memref<10000x128xf32, #tpu.memory_space<hbm>> -> memref<10000x128xf32, #tpu.memory_space<hbm>>
      tpu.enqueue_indirect_dma source(%dma_start3A_87 : memref<10000x128xf32, #tpu.memory_space<hbm>>) target(%arg14 : memref<64x128xf32, #tpu.memory_space<vmem>>) offsets(%arg12 : memref<64xi32, #tpu.memory_space<vmem>>) semaphore(%arg19 : memref<!tpu.dma_semaphore, #tpu.memory_space<semaphore_mem>>)
      %dma_start3A_88 = arith.constant 0 : i32
      %dma_start3A_89 = arith.constant 0 : i32
      %dma_start3A_90 = arith.constant 0 : i32
      %dma_start3A_91 = tpu.memref_slice %arg5[%dma_start3A_88, %dma_start3A_89, %dma_start3A_90] : memref<2x10112x128xf32, #tpu.memory_space<hbm>> -> memref<1x10112x128xf32, #tpu.memory_space<hbm>>
      %dma_start3A_92 = tpu.memref_squeeze %dma_start3A_91 : memref<1x10112x128xf32, #tpu.memory_space<hbm>> -> memref<10112x128xf32, #tpu.memory_space<hbm>>
      %dma_start3A_93 = arith.constant 0 : i32
      %dma_start3A_94 = arith.constant 0 : i32
      %dma_start3A_95 = tpu.memref_slice %dma_start3A_92[%dma_start3A_93, %dma_start3A_94] : memref<10112x128xf32, #tpu.memory_space<hbm>> -> memref<10112x128xf32, #tpu.memory_space<hbm>>
      tpu.enqueue_indirect_dma source(%dma_start3A_95 : memref<10112x128xf32, #tpu.memory_space<hbm>>) target(%arg15 : memref<64x128xf32, #tpu.memory_space<vmem>>) offsets(%arg13 : memref<64xi32, #tpu.memory_space<vmem>>) semaphore(%arg20 : memref<!tpu.dma_semaphore, #tpu.memory_space<semaphore_mem>>)
      %dma_wait3A = arith.constant 0 : i32
      %dma_wait3A_96 = arith.constant 0 : i32
      %dma_wait3A_97 = arith.constant 0 : i32
      %dma_wait3A_98 = tpu.memref_slice %arg4[%dma_wait3A, %dma_wait3A_96, %dma_wait3A_97] : memref<2x10000x128xf32, #tpu.memory_space<hbm>> -> memref<1x10000x128xf32, #tpu.memory_space<hbm>>
      %dma_wait3A_99 = tpu.memref_squeeze %dma_wait3A_98 : memref<1x10000x128xf32, #tpu.memory_space<hbm>> -> memref<10000x128xf32, #tpu.memory_space<hbm>>
      %dma_wait3A_100 = arith.constant 0 : i32
      %dma_wait3A_101 = arith.constant 0 : i32
      %dma_wait3A_102 = tpu.memref_slice %dma_wait3A_99[%dma_wait3A_100, %dma_wait3A_101] : memref<10000x128xf32, #tpu.memory_space<hbm>> -> memref<10000x128xf32, #tpu.memory_space<hbm>>
      tpu.wait_indirect_dma semaphore(%arg19 : memref<!tpu.dma_semaphore, #tpu.memory_space<semaphore_mem>>) src(%dma_wait3A_102 : memref<10000x128xf32, #tpu.memory_space<hbm>>) dst(%arg14 : memref<64x128xf32, #tpu.memory_space<vmem>>)
      %dma_wait3A_103 = arith.constant 0 : i32
      %dma_wait3A_104 = arith.constant 0 : i32
      %dma_wait3A_105 = arith.constant 0 : i32
      %dma_wait3A_106 = tpu.memref_slice %arg5[%dma_wait3A_103, %dma_wait3A_104, %dma_wait3A_105] : memref<2x10112x128xf32, #tpu.memory_space<hbm>> -> memref<1x10112x128xf32, #tpu.memory_space<hbm>>
      %dma_wait3A_107 = tpu.memref_squeeze %dma_wait3A_106 : memref<1x10112x128xf32, #tpu.memory_space<hbm>> -> memref<10112x128xf32, #tpu.memory_space<hbm>>
      %dma_wait3A_108 = arith.constant 0 : i32
      %dma_wait3A_109 = arith.constant 0 : i32
      %dma_wait3A_110 = tpu.memref_slice %dma_wait3A_107[%dma_wait3A_108, %dma_wait3A_109] : memref<10112x128xf32, #tpu.memory_space<hbm>> -> memref<10112x128xf32, #tpu.memory_space<hbm>>
      tpu.wait_indirect_dma semaphore(%arg20 : memref<!tpu.dma_semaphore, #tpu.memory_space<semaphore_mem>>) src(%dma_wait3A_110 : memref<10112x128xf32, #tpu.memory_space<hbm>>) dst(%arg15 : memref<64x128xf32, #tpu.memory_space<vmem>>)
      %scan3A_111 = arith.constant 0 : i32
      %scan3A_112 = arith.constant 0 : i32
      %scan3A_113 = arith.constant 64 : i32
      %scan3A_114 = arith.addi %scan3A_112, %scan3A_113 : i32
      %scan3A_115 = arith.constant 1 : i32
      scf.for %scan3A_128 = %scan3A_112 to %scan3A_114 step %scan3A_115  : i32 {
        %get3A = arith.index_cast %scan3A_128 : i32 to index
        %get3A_129 = arith.constant 0 : index
        %get3A_130 = tpu.vector_load %arg14[%get3A, %get3A_129] {strides = array<i32>} : memref<64x128xf32, #tpu.memory_space<vmem>>, vector<1x16xf32>,
        %get3A_131 = vector.shape_cast %get3A_130 : vector<1x16xf32> to vector<16xf32>
        %get3A_132 = arith.index_cast %scan3A_128 : i32 to index
        %get3A_133 = arith.constant 0 : index
        %get3A_134 = tpu.vector_load %arg15[%get3A_132, %get3A_133] {strides = array<i32>} : memref<64x128xf32, #tpu.memory_space<vmem>>, vector<1x16xf32>,
        %get3A_135 = vector.shape_cast %get3A_134 : vector<1x16xf32> to vector<16xf32>
        %add3A_136 = arith.addf %get3A_131, %get3A_135 : vector<16xf32>
        %mul3A_137 = arith.constant 2.000000e-01 : f32
        %mul3A_138 = vector.broadcast %mul3A_137 : f32 to vector<16xf32>
        %mul3A_139 = arith.mulf %mul3A_138, %add3A_136 : vector<16xf32>
        %max3A = arith.maximumf %add3A_136, %mul3A_139 : vector<16xf32>
        %exp3A = math.exp %max3A : vector<16xf32>
        %swap3A = arith.index_cast %scan3A_128 : i32 to index
        %swap3A_140 = arith.constant 0 : index
        %swap3A_141 = tpu.vector_load %arg17[%swap3A, %swap3A_140] {strides = array<i32>} : memref<64x128xf32, #tpu.memory_space<vmem>>, vector<1x16xf32>,
        %swap3A_142 = vector.shape_cast %swap3A_141 : vector<1x16xf32> to vector<16xf32>
        %swap3A_143 = vector.shape_cast %exp3A : vector<16xf32> to vector<1x16xf32>
        tpu.vector_store %arg17[%swap3A, %swap3A_140], %swap3A_143 {strides = array<i32>} : memref<64x128xf32, #tpu.memory_space<vmem>>, vector<1x16xf32>,
        %mul3A_144 = arith.constant 16 : i32
        %mul3A_145 = arith.muli %scan3A_128, %mul3A_144 : i32
        %swap3A_146 = arith.index_cast %mul3A_145 : i32 to index
        %swap3A_147 = tpu.vector_load %arg18[%swap3A_146] {strides = array<i32>} : memref<1024xf32, #tpu.memory_space<vmem>>, vector<16xf32>,
        %swap3A_148 = vector.shape_cast %swap3A_147 : vector<16xf32> to vector<16xf32>
        %swap3A_149 = vector.shape_cast %exp3A : vector<16xf32> to vector<16xf32>
        tpu.vector_store %arg18[%swap3A_146], %swap3A_149 {strides = array<i32>} : memref<1024xf32, #tpu.memory_space<vmem>>, vector<16xf32>,
      }
      %scan3A_116 = arith.constant 64 : i32
      %add3A_117 = arith.constant 0 : i32
      %add3A_118 = arith.addi %add3A_117, %mul3A_4 : i32
      %mul3A_119 = arith.constant 64 : i32
      %mul3A_120 = arith.muli %scan3A_78, %mul3A_119 : i32
      %add3A_121 = arith.addi %add3A_118, %mul3A_120 : i32
      %mul3A_122 = arith.constant 16 : i32
      %mul3A_123 = arith.muli %add3A_121, %mul3A_122 : i32
      %dma_start3A_124 = tpu.memref_slice %arg8[%mul3A_123] : memref<5505024xf32, #tpu.memory_space<hbm>> -> memref<1024xf32, #tpu.memory_space<hbm>>
      %dma_start3A_125 = tpu.memref_slice %arg8[%mul3A_123] : memref<5505024xf32, #tpu.memory_space<hbm>> -> memref<1024xf32, #tpu.memory_space<hbm>>
      tpu.enqueue_dma source(%arg18 : memref<1024xf32, #tpu.memory_space<vmem>>) target(%dma_start3A_125 : memref<1024xf32, #tpu.memory_space<hbm>>) target_semaphore(%arg21 : memref<!tpu.dma_semaphore, #tpu.memory_space<semaphore_mem>>)
      "tpu.region"() ({
        %run_scoped3A_128 = tpu.sem_alloc : memref<!tpu.dma_semaphore, #tpu.memory_space<semaphore_mem>>
        %dma_start3A_129 = arith.constant 0 : i32
        %dma_start3A_130 = arith.constant 0 : i32
        %dma_start3A_131 = tpu.memref_slice %arg11[%dma_start3A_129, %dma_start3A_130] : memref<10112x128xf32, #tpu.memory_space<vmem_shared>> -> memref<10112x128xf32, #tpu.memory_space<vmem_shared>>
        tpu.enqueue_indirect_dma source(%arg17 : memref<64x128xf32, #tpu.memory_space<vmem>>) target(%dma_start3A_131 : memref<10112x128xf32, #tpu.memory_space<vmem_shared>>) offsets(%arg13 : memref<64xi32, #tpu.memory_space<vmem>>) semaphore(%run_scoped3A_128 : memref<!tpu.dma_semaphore, #tpu.memory_space<semaphore_mem>>) {add = true}
        %dma_wait3A_132 = arith.constant 0 : i32
        %dma_wait3A_133 = arith.constant 0 : i32
        %dma_wait3A_134 = tpu.memref_slice %arg11[%dma_wait3A_132, %dma_wait3A_133] : memref<10112x128xf32, #tpu.memory_space<vmem_shared>> -> memref<10112x128xf32, #tpu.memory_space<vmem_shared>>
        tpu.wait_indirect_dma semaphore(%run_scoped3A_128 : memref<!tpu.dma_semaphore, #tpu.memory_space<semaphore_mem>>) src(%arg17 : memref<64x128xf32, #tpu.memory_space<vmem>>) dst(%dma_wait3A_134 : memref<10112x128xf32, #tpu.memory_space<vmem_shared>>)
        tpu.yield
      }) : () -> ()
      %dma_wait3A_126 = tpu.memref_slice %arg8[%mul3A_123] : memref<5505024xf32, #tpu.memory_space<hbm>> -> memref<1024xf32, #tpu.memory_space<hbm>>
      %dma_wait3A_127 = tpu.memref_slice %arg8[%mul3A_123] : memref<5505024xf32, #tpu.memory_space<hbm>> -> memref<1024xf32, #tpu.memory_space<hbm>>
      tpu.wait_dma2 semaphore(%arg21 : memref<!tpu.dma_semaphore, #tpu.memory_space<semaphore_mem>>) src(%arg18 : memref<1024xf32, #tpu.memory_space<vmem>>) dst(%dma_wait3A_127 : memref<1024xf32, #tpu.memory_space<hbm>>)
    }
    %scan3A_15 = arith.constant 84 : i32
    %barrier3A_16 = arith.constant 0 : index
    tpu.barrier barrier_id(%barrier3A_16)
    %run_scoped3A = arith.constant 0 : i32
    "tpu.region"() ({
      %run_scoped3A_78 = tpu.sem_alloc : memref<!tpu.dma_semaphore, #tpu.memory_space<semaphore_mem>>
      %dma_start3A = arith.constant 0 : i32
      %dma_start3A_79 = arith.constant 0 : i32
      %dma_start3A_80 = tpu.memref_slice %arg9[%run_scoped3A, %arg0, %dma_start3A, %dma_start3A_79] : memref<2x2x10112x128xf32, #tpu.memory_space<hbm>> -> memref<1x1x10112x128xf32, #tpu.memory_space<hbm>>
      %dma_start3A_81 = tpu.memref_squeeze %dma_start3A_80 : memref<1x1x10112x128xf32, #tpu.memory_space<hbm>> -> memref<10112x128xf32, #tpu.memory_space<hbm>>
      %dma_start3A_82 = arith.constant 0 : i32
      %dma_start3A_83 = tpu.memref_slice %dma_start3A_81[%mul3A_2, %dma_start3A_82] : memref<10112x128xf32, #tpu.memory_space<hbm>> -> memref<632x128xf32, #tpu.memory_space<hbm>>
      %dma_start3A_84 = arith.constant 0 : i32
      %dma_start3A_85 = tpu.memref_slice %arg11[%mul3A_2, %dma_start3A_84] : memref<10112x128xf32, #tpu.memory_space<vmem_shared>> -> memref<632x128xf32, #tpu.memory_space<vmem_shared>>
      tpu.enqueue_dma source(%dma_start3A_85 : memref<632x128xf32, #tpu.memory_space<vmem_shared>>) target(%dma_start3A_83 : memref<632x128xf32, #tpu.memory_space<hbm>>) target_semaphore(%run_scoped3A_78 : memref<!tpu.dma_semaphore, #tpu.memory_space<semaphore_mem>>)
      %dma_wait3A = arith.constant 0 : i32
      %dma_wait3A_86 = arith.constant 0 : i32
      %dma_wait3A_87 = tpu.memref_slice %arg9[%run_scoped3A, %arg0, %dma_wait3A, %dma_wait3A_86] : memref<2x2x10112x128xf32, #tpu.memory_space<hbm>> -> memref<1x1x10112x128xf32, #tpu.memory_space<hbm>>
      %dma_wait3A_88 = tpu.memref_squeeze %dma_wait3A_87 : memref<1x1x10112x128xf32, #tpu.memory_space<hbm>> -> memref<10112x128xf32, #tpu.memory_space<hbm>>
      %dma_wait3A_89 = arith.constant 0 : i32
      %dma_wait3A_90 = tpu.memref_slice %dma_wait3A_88[%mul3A_2, %dma_wait3A_89] : memref<10112x128xf32, #tpu.memory_space<hbm>> -> memref<632x128xf32, #tpu.memory_space<hbm>>
      %dma_wait3A_91 = arith.constant 0 : i32
      %dma_wait3A_92 = tpu.memref_slice %arg11[%mul3A_2, %dma_wait3A_91] : memref<10112x128xf32, #tpu.memory_space<vmem_shared>> -> memref<632x128xf32, #tpu.memory_space<vmem_shared>>
      tpu.wait_dma2 semaphore(%run_scoped3A_78 : memref<!tpu.dma_semaphore, #tpu.memory_space<semaphore_mem>>) src(%dma_wait3A_92 : memref<632x128xf32, #tpu.memory_space<vmem_shared>>) dst(%dma_wait3A_90 : memref<632x128xf32, #tpu.memory_space<hbm>>)
      tpu.yield
    }) : () -> ()
    %barrier3A_17 = arith.constant 0 : index
    tpu.barrier barrier_id(%barrier3A_17)
    "tpu.region"() ({
      %run_scoped3A_78 = tpu.sem_alloc : memref<!tpu.dma_semaphore, #tpu.memory_space<semaphore_mem>>
      %dma_start3A = arith.constant 0 : i32
      %dma_start3A_79 = tpu.memref_slice %arg11[%mul3A_2, %dma_start3A] : memref<10112x128xf32, #tpu.memory_space<vmem_shared>> -> memref<632x128xf32, #tpu.memory_space<vmem_shared>>
      %dma_start3A_80 = arith.constant 0 : i32
      %dma_start3A_81 = tpu.memref_slice %arg7[%mul3A_2, %dma_start3A_80] : memref<10112x128xf32, #tpu.memory_space<hbm>> -> memref<632x128xf32, #tpu.memory_space<hbm>>
      tpu.enqueue_dma source(%dma_start3A_81 : memref<632x128xf32, #tpu.memory_space<hbm>>) target(%dma_start3A_79 : memref<632x128xf32, #tpu.memory_space<vmem_shared>>) target_semaphore(%run_scoped3A_78 : memref<!tpu.dma_semaphore, #tpu.memory_space<semaphore_mem>>)
      %dma_wait3A = arith.constant 0 : i32
      %dma_wait3A_82 = tpu.memref_slice %arg11[%mul3A_2, %dma_wait3A] : memref<10112x128xf32, #tpu.memory_space<vmem_shared>> -> memref<632x128xf32, #tpu.memory_space<vmem_shared>>
      %dma_wait3A_83 = arith.constant 0 : i32
      %dma_wait3A_84 = tpu.memref_slice %arg7[%mul3A_2, %dma_wait3A_83] : memref<10112x128xf32, #tpu.memory_space<hbm>> -> memref<632x128xf32, #tpu.memory_space<hbm>>
      tpu.wait_dma2 semaphore(%run_scoped3A_78 : memref<!tpu.dma_semaphore, #tpu.memory_space<semaphore_mem>>) src(%dma_wait3A_84 : memref<632x128xf32, #tpu.memory_space<hbm>>) dst(%dma_wait3A_82 : memref<632x128xf32, #tpu.memory_space<vmem_shared>>)
      tpu.yield
    }) : () -> ()
    %barrier3A_18 = arith.constant 0 : index
    tpu.barrier barrier_id(%barrier3A_18)
    %scan3A_19 = arith.constant 0 : i32
    %scan3A_20 = arith.constant 0 : i32
    %scan3A_21 = arith.constant 84 : i32
    %scan3A_22 = arith.addi %scan3A_20, %scan3A_21 : i32
    %scan3A_23 = arith.constant 1 : i32
    scf.for %scan3A_78 = %scan3A_20 to %scan3A_22 step %scan3A_23  : i32 {
      %run_scoped3A_79 = arith.constant 0 : i32
      "tpu.region"() ({
        %run_scoped3A_114 = tpu.sem_alloc : memref<!tpu.dma_semaphore, #tpu.memory_space<semaphore_mem>>
        %dma_start3A_115 = arith.constant 0 : i32
        %dma_start3A_116 = tpu.memref_slice %arg3[%run_scoped3A_79, %add3A, %scan3A_78, %dma_start3A_115] : memref<2x32x84x64xi32, #tpu.memory_space<hbm>> -> memref<1x1x1x64xi32, #tpu.memory_space<hbm>>
        %dma_start3A_117 = tpu.memref_squeeze %dma_start3A_116 : memref<1x1x1x64xi32, #tpu.memory_space<hbm>> -> memref<64xi32, #tpu.memory_space<hbm>>
        %dma_start3A_118 = arith.constant 0 : i32
        %dma_start3A_119 = tpu.memref_slice %arg3[%run_scoped3A_79, %add3A, %scan3A_78, %dma_start3A_118] : memref<2x32x84x64xi32, #tpu.memory_space<hbm>> -> memref<1x1x1x64xi32, #tpu.memory_space<hbm>>
        %dma_start3A_120 = tpu.memref_squeeze %dma_start3A_119 : memref<1x1x1x64xi32, #tpu.memory_space<hbm>> -> memref<64xi32, #tpu.memory_space<hbm>>
        tpu.enqueue_dma source(%dma_start3A_120 : memref<64xi32, #tpu.memory_space<hbm>>) target(%arg13 : memref<64xi32, #tpu.memory_space<vmem>>) target_semaphore(%run_scoped3A_114 : memref<!tpu.dma_semaphore, #tpu.memory_space<semaphore_mem>>)
        %dma_wait3A_121 = arith.constant 0 : i32
        %dma_wait3A_122 = tpu.memref_slice %arg3[%run_scoped3A_79, %add3A, %scan3A_78, %dma_wait3A_121] : memref<2x32x84x64xi32, #tpu.memory_space<hbm>> -> memref<1x1x1x64xi32, #tpu.memory_space<hbm>>
        %dma_wait3A_123 = tpu.memref_squeeze %dma_wait3A_122 : memref<1x1x1x64xi32, #tpu.memory_space<hbm>> -> memref<64xi32, #tpu.memory_space<hbm>>
        %dma_wait3A_124 = arith.constant 0 : i32
        %dma_wait3A_125 = tpu.memref_slice %arg3[%run_scoped3A_79, %add3A, %scan3A_78, %dma_wait3A_124] : memref<2x32x84x64xi32, #tpu.memory_space<hbm>> -> memref<1x1x1x64xi32, #tpu.memory_space<hbm>>
        %dma_wait3A_126 = tpu.memref_squeeze %dma_wait3A_125 : memref<1x1x1x64xi32, #tpu.memory_space<hbm>> -> memref<64xi32, #tpu.memory_space<hbm>>
        tpu.wait_dma2 semaphore(%run_scoped3A_114 : memref<!tpu.dma_semaphore, #tpu.memory_space<semaphore_mem>>) src(%dma_wait3A_126 : memref<64xi32, #tpu.memory_space<hbm>>) dst(%arg13 : memref<64xi32, #tpu.memory_space<vmem>>)
        tpu.yield
      }) : () -> ()
      %run_scoped3A_80 = arith.constant 0 : i32
      "tpu.region"() ({
        %run_scoped3A_114 = tpu.sem_alloc : memref<!tpu.dma_semaphore, #tpu.memory_space<semaphore_mem>>
        %dma_start3A_115 = arith.constant 0 : i32
        %dma_start3A_116 = tpu.memref_slice %arg2[%run_scoped3A_80, %add3A, %scan3A_78, %dma_start3A_115] : memref<2x32x84x64xi32, #tpu.memory_space<hbm>> -> memref<1x1x1x64xi32, #tpu.memory_space<hbm>>
        %dma_start3A_117 = tpu.memref_squeeze %dma_start3A_116 : memref<1x1x1x64xi32, #tpu.memory_space<hbm>> -> memref<64xi32, #tpu.memory_space<hbm>>
        %dma_start3A_118 = arith.constant 0 : i32
        %dma_start3A_119 = tpu.memref_slice %arg2[%run_scoped3A_80, %add3A, %scan3A_78, %dma_start3A_118] : memref<2x32x84x64xi32, #tpu.memory_space<hbm>> -> memref<1x1x1x64xi32, #tpu.memory_space<hbm>>
        %dma_start3A_120 = tpu.memref_squeeze %dma_start3A_119 : memref<1x1x1x64xi32, #tpu.memory_space<hbm>> -> memref<64xi32, #tpu.memory_space<hbm>>
        tpu.enqueue_dma source(%dma_start3A_120 : memref<64xi32, #tpu.memory_space<hbm>>) target(%arg12 : memref<64xi32, #tpu.memory_space<vmem>>) target_semaphore(%run_scoped3A_114 : memref<!tpu.dma_semaphore, #tpu.memory_space<semaphore_mem>>)
        %dma_wait3A_121 = arith.constant 0 : i32
        %dma_wait3A_122 = tpu.memref_slice %arg2[%run_scoped3A_80, %add3A, %scan3A_78, %dma_wait3A_121] : memref<2x32x84x64xi32, #tpu.memory_space<hbm>> -> memref<1x1x1x64xi32, #tpu.memory_space<hbm>>
        %dma_wait3A_123 = tpu.memref_squeeze %dma_wait3A_122 : memref<1x1x1x64xi32, #tpu.memory_space<hbm>> -> memref<64xi32, #tpu.memory_space<hbm>>
        %dma_wait3A_124 = arith.constant 0 : i32
        %dma_wait3A_125 = tpu.memref_slice %arg2[%run_scoped3A_80, %add3A, %scan3A_78, %dma_wait3A_124] : memref<2x32x84x64xi32, #tpu.memory_space<hbm>> -> memref<1x1x1x64xi32, #tpu.memory_space<hbm>>
        %dma_wait3A_126 = tpu.memref_squeeze %dma_wait3A_125 : memref<1x1x1x64xi32, #tpu.memory_space<hbm>> -> memref<64xi32, #tpu.memory_space<hbm>>
        tpu.wait_dma2 semaphore(%run_scoped3A_114 : memref<!tpu.dma_semaphore, #tpu.memory_space<semaphore_mem>>) src(%dma_wait3A_126 : memref<64xi32, #tpu.memory_space<hbm>>) dst(%arg12 : memref<64xi32, #tpu.memory_space<vmem>>)
        tpu.yield
      }) : () -> ()
      %add3A_81 = arith.constant 0 : i32
      %add3A_82 = arith.addi %add3A_81, %mul3A_4 : i32
      %mul3A_83 = arith.constant 64 : i32
      %mul3A_84 = arith.muli %scan3A_78, %mul3A_83 : i32
      %add3A_85 = arith.addi %add3A_82, %mul3A_84 : i32
      %mul3A_86 = arith.constant 16 : i32
      %mul3A_87 = arith.muli %add3A_85, %mul3A_86 : i32
      %dma_start3A = tpu.memref_slice %arg8[%mul3A_87] : memref<5505024xf32, #tpu.memory_space<hbm>> -> memref<1024xf32, #tpu.memory_space<hbm>>
      %dma_start3A_88 = tpu.memref_slice %arg8[%mul3A_87] : memref<5505024xf32, #tpu.memory_space<hbm>> -> memref<1024xf32, #tpu.memory_space<hbm>>
      tpu.enqueue_dma source(%dma_start3A_88 : memref<1024xf32, #tpu.memory_space<hbm>>) target(%arg18 : memref<1024xf32, #tpu.memory_space<vmem>>) target_semaphore(%arg19 : memref<!tpu.dma_semaphore, #tpu.memory_space<semaphore_mem>>)
      %dma_start3A_89 = arith.constant 0 : i32
      %dma_start3A_90 = arith.constant 0 : i32
      %dma_start3A_91 = arith.constant 0 : i32
      %dma_start3A_92 = arith.constant 0 : i32
      %dma_start3A_93 = tpu.memref_slice %arg6[%dma_start3A_89, %dma_start3A_90, %dma_start3A_91, %dma_start3A_92] : memref<2x2x10000x128xf32, #tpu.memory_space<hbm>> -> memref<1x1x10000x128xf32, #tpu.memory_space<hbm>>
      %dma_start3A_94 = tpu.memref_squeeze %dma_start3A_93 : memref<1x1x10000x128xf32, #tpu.memory_space<hbm>> -> memref<10000x128xf32, #tpu.memory_space<hbm>>
      %dma_start3A_95 = arith.constant 0 : i32
      %dma_start3A_96 = arith.constant 0 : i32
      %dma_start3A_97 = tpu.memref_slice %dma_start3A_94[%dma_start3A_95, %dma_start3A_96] : memref<10000x128xf32, #tpu.memory_space<hbm>> -> memref<10000x128xf32, #tpu.memory_space<hbm>>
      tpu.enqueue_indirect_dma source(%dma_start3A_97 : memref<10000x128xf32, #tpu.memory_space<hbm>>) target(%arg16 : memref<64x128xf32, #tpu.memory_space<vmem>>) offsets(%arg12 : memref<64xi32, #tpu.memory_space<vmem>>) semaphore(%arg20 : memref<!tpu.dma_semaphore, #tpu.memory_space<semaphore_mem>>)
      %dma_wait3A = tpu.memref_slice %arg8[%mul3A_87] : memref<5505024xf32, #tpu.memory_space<hbm>> -> memref<1024xf32, #tpu.memory_space<hbm>>
      %dma_wait3A_98 = tpu.memref_slice %arg8[%mul3A_87] : memref<5505024xf32, #tpu.memory_space<hbm>> -> memref<1024xf32, #tpu.memory_space<hbm>>
      tpu.wait_dma2 semaphore(%arg19 : memref<!tpu.dma_semaphore, #tpu.memory_space<semaphore_mem>>) src(%dma_wait3A_98 : memref<1024xf32, #tpu.memory_space<hbm>>) dst(%arg18 : memref<1024xf32, #tpu.memory_space<vmem>>)
      %dma_wait3A_99 = arith.constant 0 : i32
      %dma_wait3A_100 = arith.constant 0 : i32
      %dma_wait3A_101 = arith.constant 0 : i32
      %dma_wait3A_102 = arith.constant 0 : i32
      %dma_wait3A_103 = tpu.memref_slice %arg6[%dma_wait3A_99, %dma_wait3A_100, %dma_wait3A_101, %dma_wait3A_102] : memref<2x2x10000x128xf32, #tpu.memory_space<hbm>> -> memref<1x1x10000x128xf32, #tpu.memory_space<hbm>>
      %dma_wait3A_104 = tpu.memref_squeeze %dma_wait3A_103 : memref<1x1x10000x128xf32, #tpu.memory_space<hbm>> -> memref<10000x128xf32, #tpu.memory_space<hbm>>
      %dma_wait3A_105 = arith.constant 0 : i32
      %dma_wait3A_106 = arith.constant 0 : i32
      %dma_wait3A_107 = tpu.memref_slice %dma_wait3A_104[%dma_wait3A_105, %dma_wait3A_106] : memref<10000x128xf32, #tpu.memory_space<hbm>> -> memref<10000x128xf32, #tpu.memory_space<hbm>>
      tpu.wait_indirect_dma semaphore(%arg20 : memref<!tpu.dma_semaphore, #tpu.memory_space<semaphore_mem>>) src(%dma_wait3A_107 : memref<10000x128xf32, #tpu.memory_space<hbm>>) dst(%arg16 : memref<64x128xf32, #tpu.memory_space<vmem>>)
      %scan3A_108 = arith.constant 0 : i32
      %scan3A_109 = arith.constant 0 : i32
      %scan3A_110 = arith.constant 64 : i32
      %scan3A_111 = arith.addi %scan3A_109, %scan3A_110 : i32
      %scan3A_112 = arith.constant 1 : i32
      scf.for %scan3A_114 = %scan3A_109 to %scan3A_111 step %scan3A_112  : i32 {
        %mul3A_115 = arith.constant 16 : i32
        %mul3A_116 = arith.muli %scan3A_114, %mul3A_115 : i32
        %get3A = arith.index_cast %mul3A_116 : i32 to index
        %get3A_117 = tpu.vector_load %arg18[%get3A] {strides = array<i32>} : memref<1024xf32, #tpu.memory_space<vmem>>, vector<16xf32>,
        %get3A_118 = vector.shape_cast %get3A_117 : vector<16xf32> to vector<16xf32>
        %broadcast_in_dim3A = arith.constant 0 : i32
        %broadcast_in_dim3A_119 = vector.broadcast %broadcast_in_dim3A : i32 to vector<16x1xi32>
        %gather3A = vector.shape_cast %broadcast_in_dim3A_119 : vector<16x1xi32> to vector<16xi32>
        %gather3A_120 = tpu.dynamic_gather %get3A_118[%gather3A] in [0] : vector<16xf32>, vector<16xi32> -> vector<16xf32>
        %get3A_121 = arith.index_cast %scan3A_114 : i32 to index
        %get3A_122 = arith.constant 0 : index
        %get3A_123 = tpu.vector_load %arg16[%get3A_121, %get3A_122] {strides = array<i32>} : memref<64x128xf32, #tpu.memory_space<vmem>>, vector<1x16xf32>,
        %get3A_124 = vector.shape_cast %get3A_123 : vector<1x16xf32> to vector<16xf32>
        %mul3A_125 = arith.mulf %get3A_124, %gather3A_120 : vector<16xf32>
        %swap3A = arith.index_cast %scan3A_114 : i32 to index
        %swap3A_126 = arith.constant 0 : index
        %swap3A_127 = tpu.vector_load %arg17[%swap3A, %swap3A_126] {strides = array<i32>} : memref<64x128xf32, #tpu.memory_space<vmem>>, vector<1x16xf32>,
        %swap3A_128 = vector.shape_cast %swap3A_127 : vector<1x16xf32> to vector<16xf32>
        %swap3A_129 = vector.shape_cast %mul3A_125 : vector<16xf32> to vector<1x16xf32>
        tpu.vector_store %arg17[%swap3A, %swap3A_126], %swap3A_129 {strides = array<i32>} : memref<64x128xf32, #tpu.memory_space<vmem>>, vector<1x16xf32>,
        %broadcast_in_dim3A_130 = arith.constant 1 : i32
        %broadcast_in_dim3A_131 = vector.broadcast %broadcast_in_dim3A_130 : i32 to vector<16x1xi32>
        %gather3A_132 = vector.shape_cast %broadcast_in_dim3A_131 : vector<16x1xi32> to vector<16xi32>
        %gather3A_133 = tpu.dynamic_gather %get3A_118[%gather3A_132] in [0] : vector<16xf32>, vector<16xi32> -> vector<16xf32>
        %get3A_134 = arith.index_cast %scan3A_114 : i32 to index
        %get3A_135 = arith.constant 16 : index
        %get3A_136 = tpu.vector_load %arg16[%get3A_134, %get3A_135] {strides = array<i32>} : memref<64x128xf32, #tpu.memory_space<vmem>>, vector<1x16xf32>,
        %get3A_137 = vector.shape_cast %get3A_136 : vector<1x16xf32> to vector<16xf32>
        %mul3A_138 = arith.mulf %get3A_137, %gather3A_133 : vector<16xf32>
        %swap3A_139 = arith.index_cast %scan3A_114 : i32 to index
        %swap3A_140 = arith.constant 16 : index
        %swap3A_141 = tpu.vector_load %arg17[%swap3A_139, %swap3A_140] {strides = array<i32>} : memref<64x128xf32, #tpu.memory_space<vmem>>, vector<1x16xf32>,
        %swap3A_142 = vector.shape_cast %swap3A_141 : vector<1x16xf32> to vector<16xf32>
        %swap3A_143 = vector.shape_cast %mul3A_138 : vector<16xf32> to vector<1x16xf32>
        tpu.vector_store %arg17[%swap3A_139, %swap3A_140], %swap3A_143 {strides = array<i32>} : memref<64x128xf32, #tpu.memory_space<vmem>>, vector<1x16xf32>,
        %broadcast_in_dim3A_144 = arith.constant 2 : i32
        %broadcast_in_dim3A_145 = vector.broadcast %broadcast_in_dim3A_144 : i32 to vector<16x1xi32>
        %gather3A_146 = vector.shape_cast %broadcast_in_dim3A_145 : vector<16x1xi32> to vector<16xi32>
        %gather3A_147 = tpu.dynamic_gather %get3A_118[%gather3A_146] in [0] : vector<16xf32>, vector<16xi32> -> vector<16xf32>
        %get3A_148 = arith.index_cast %scan3A_114 : i32 to index
        %get3A_149 = arith.constant 32 : index
        %get3A_150 = tpu.vector_load %arg16[%get3A_148, %get3A_149] {strides = array<i32>} : memref<64x128xf32, #tpu.memory_space<vmem>>, vector<1x16xf32>,
        %get3A_151 = vector.shape_cast %get3A_150 : vector<1x16xf32> to vector<16xf32>
        %mul3A_152 = arith.mulf %get3A_151, %gather3A_147 : vector<16xf32>
        %swap3A_153 = arith.index_cast %scan3A_114 : i32 to index
        %swap3A_154 = arith.constant 32 : index
        %swap3A_155 = tpu.vector_load %arg17[%swap3A_153, %swap3A_154] {strides = array<i32>} : memref<64x128xf32, #tpu.memory_space<vmem>>, vector<1x16xf32>,
        %swap3A_156 = vector.shape_cast %swap3A_155 : vector<1x16xf32> to vector<16xf32>
        %swap3A_157 = vector.shape_cast %mul3A_152 : vector<16xf32> to vector<1x16xf32>
        tpu.vector_store %arg17[%swap3A_153, %swap3A_154], %swap3A_157 {strides = array<i32>} : memref<64x128xf32, #tpu.memory_space<vmem>>, vector<1x16xf32>,
        %broadcast_in_dim3A_158 = arith.constant 3 : i32
        %broadcast_in_dim3A_159 = vector.broadcast %broadcast_in_dim3A_158 : i32 to vector<16x1xi32>
        %gather3A_160 = vector.shape_cast %broadcast_in_dim3A_159 : vector<16x1xi32> to vector<16xi32>
        %gather3A_161 = tpu.dynamic_gather %get3A_118[%gather3A_160] in [0] : vector<16xf32>, vector<16xi32> -> vector<16xf32>
        %get3A_162 = arith.index_cast %scan3A_114 : i32 to index
        %get3A_163 = arith.constant 48 : index
        %get3A_164 = tpu.vector_load %arg16[%get3A_162, %get3A_163] {strides = array<i32>} : memref<64x128xf32, #tpu.memory_space<vmem>>, vector<1x16xf32>,
        %get3A_165 = vector.shape_cast %get3A_164 : vector<1x16xf32> to vector<16xf32>
        %mul3A_166 = arith.mulf %get3A_165, %gather3A_161 : vector<16xf32>
        %swap3A_167 = arith.index_cast %scan3A_114 : i32 to index
        %swap3A_168 = arith.constant 48 : index
        %swap3A_169 = tpu.vector_load %arg17[%swap3A_167, %swap3A_168] {strides = array<i32>} : memref<64x128xf32, #tpu.memory_space<vmem>>, vector<1x16xf32>,
        %swap3A_170 = vector.shape_cast %swap3A_169 : vector<1x16xf32> to vector<16xf32>
        %swap3A_171 = vector.shape_cast %mul3A_166 : vector<16xf32> to vector<1x16xf32>
        tpu.vector_store %arg17[%swap3A_167, %swap3A_168], %swap3A_171 {strides = array<i32>} : memref<64x128xf32, #tpu.memory_space<vmem>>, vector<1x16xf32>,
        %broadcast_in_dim3A_172 = arith.constant 4 : i32
        %broadcast_in_dim3A_173 = vector.broadcast %broadcast_in_dim3A_172 : i32 to vector<16x1xi32>
        %gather3A_174 = vector.shape_cast %broadcast_in_dim3A_173 : vector<16x1xi32> to vector<16xi32>
        %gather3A_175 = tpu.dynamic_gather %get3A_118[%gather3A_174] in [0] : vector<16xf32>, vector<16xi32> -> vector<16xf32>
        %get3A_176 = arith.index_cast %scan3A_114 : i32 to index
        %get3A_177 = arith.constant 64 : index
        %get3A_178 = tpu.vector_load %arg16[%get3A_176, %get3A_177] {strides = array<i32>} : memref<64x128xf32, #tpu.memory_space<vmem>>, vector<1x16xf32>,
        %get3A_179 = vector.shape_cast %get3A_178 : vector<1x16xf32> to vector<16xf32>
        %mul3A_180 = arith.mulf %get3A_179, %gather3A_175 : vector<16xf32>
        %swap3A_181 = arith.index_cast %scan3A_114 : i32 to index
        %swap3A_182 = arith.constant 64 : index
        %swap3A_183 = tpu.vector_load %arg17[%swap3A_181, %swap3A_182] {strides = array<i32>} : memref<64x128xf32, #tpu.memory_space<vmem>>, vector<1x16xf32>,
        %swap3A_184 = vector.shape_cast %swap3A_183 : vector<1x16xf32> to vector<16xf32>
        %swap3A_185 = vector.shape_cast %mul3A_180 : vector<16xf32> to vector<1x16xf32>
        tpu.vector_store %arg17[%swap3A_181, %swap3A_182], %swap3A_185 {strides = array<i32>} : memref<64x128xf32, #tpu.memory_space<vmem>>, vector<1x16xf32>,
        %broadcast_in_dim3A_186 = arith.constant 5 : i32
        %broadcast_in_dim3A_187 = vector.broadcast %broadcast_in_dim3A_186 : i32 to vector<16x1xi32>
        %gather3A_188 = vector.shape_cast %broadcast_in_dim3A_187 : vector<16x1xi32> to vector<16xi32>
        %gather3A_189 = tpu.dynamic_gather %get3A_118[%gather3A_188] in [0] : vector<16xf32>, vector<16xi32> -> vector<16xf32>
        %get3A_190 = arith.index_cast %scan3A_114 : i32 to index
        %get3A_191 = arith.constant 80 : index
        %get3A_192 = tpu.vector_load %arg16[%get3A_190, %get3A_191] {strides = array<i32>} : memref<64x128xf32, #tpu.memory_space<vmem>>, vector<1x16xf32>,
        %get3A_193 = vector.shape_cast %get3A_192 : vector<1x16xf32> to vector<16xf32>
        %mul3A_194 = arith.mulf %get3A_193, %gather3A_189 : vector<16xf32>
        %swap3A_195 = arith.index_cast %scan3A_114 : i32 to index
        %swap3A_196 = arith.constant 80 : index
        %swap3A_197 = tpu.vector_load %arg17[%swap3A_195, %swap3A_196] {strides = array<i32>} : memref<64x128xf32, #tpu.memory_space<vmem>>, vector<1x16xf32>,
        %swap3A_198 = vector.shape_cast %swap3A_197 : vector<1x16xf32> to vector<16xf32>
        %swap3A_199 = vector.shape_cast %mul3A_194 : vector<16xf32> to vector<1x16xf32>
        tpu.vector_store %arg17[%swap3A_195, %swap3A_196], %swap3A_199 {strides = array<i32>} : memref<64x128xf32, #tpu.memory_space<vmem>>, vector<1x16xf32>,
        %broadcast_in_dim3A_200 = arith.constant 6 : i32
        %broadcast_in_dim3A_201 = vector.broadcast %broadcast_in_dim3A_200 : i32 to vector<16x1xi32>
        %gather3A_202 = vector.shape_cast %broadcast_in_dim3A_201 : vector<16x1xi32> to vector<16xi32>
        %gather3A_203 = tpu.dynamic_gather %get3A_118[%gather3A_202] in [0] : vector<16xf32>, vector<16xi32> -> vector<16xf32>
        %get3A_204 = arith.index_cast %scan3A_114 : i32 to index
        %get3A_205 = arith.constant 96 : index
        %get3A_206 = tpu.vector_load %arg16[%get3A_204, %get3A_205] {strides = array<i32>} : memref<64x128xf32, #tpu.memory_space<vmem>>, vector<1x16xf32>,
        %get3A_207 = vector.shape_cast %get3A_206 : vector<1x16xf32> to vector<16xf32>
        %mul3A_208 = arith.mulf %get3A_207, %gather3A_203 : vector<16xf32>
        %swap3A_209 = arith.index_cast %scan3A_114 : i32 to index
        %swap3A_210 = arith.constant 96 : index
        %swap3A_211 = tpu.vector_load %arg17[%swap3A_209, %swap3A_210] {strides = array<i32>} : memref<64x128xf32, #tpu.memory_space<vmem>>, vector<1x16xf32>,
        %swap3A_212 = vector.shape_cast %swap3A_211 : vector<1x16xf32> to vector<16xf32>
        %swap3A_213 = vector.shape_cast %mul3A_208 : vector<16xf32> to vector<1x16xf32>
        tpu.vector_store %arg17[%swap3A_209, %swap3A_210], %swap3A_213 {strides = array<i32>} : memref<64x128xf32, #tpu.memory_space<vmem>>, vector<1x16xf32>,
        %broadcast_in_dim3A_214 = arith.constant 7 : i32
        %broadcast_in_dim3A_215 = vector.broadcast %broadcast_in_dim3A_214 : i32 to vector<16x1xi32>
        %gather3A_216 = vector.shape_cast %broadcast_in_dim3A_215 : vector<16x1xi32> to vector<16xi32>
        %gather3A_217 = tpu.dynamic_gather %get3A_118[%gather3A_216] in [0] : vector<16xf32>, vector<16xi32> -> vector<16xf32>
        %get3A_218 = arith.index_cast %scan3A_114 : i32 to index
        %get3A_219 = arith.constant 112 : index
        %get3A_220 = tpu.vector_load %arg16[%get3A_218, %get3A_219] {strides = array<i32>} : memref<64x128xf32, #tpu.memory_space<vmem>>, vector<1x16xf32>,
        %get3A_221 = vector.shape_cast %get3A_220 : vector<1x16xf32> to vector<16xf32>
        %mul3A_222 = arith.mulf %get3A_221, %gather3A_217 : vector<16xf32>
        %swap3A_223 = arith.index_cast %scan3A_114 : i32 to index
        %swap3A_224 = arith.constant 112 : index
        %swap3A_225 = tpu.vector_load %arg17[%swap3A_223, %swap3A_224] {strides = array<i32>} : memref<64x128xf32, #tpu.memory_space<vmem>>, vector<1x16xf32>,
        %swap3A_226 = vector.shape_cast %swap3A_225 : vector<1x16xf32> to vector<16xf32>
        %swap3A_227 = vector.shape_cast %mul3A_222 : vector<16xf32> to vector<1x16xf32>
        tpu.vector_store %arg17[%swap3A_223, %swap3A_224], %swap3A_227 {strides = array<i32>} : memref<64x128xf32, #tpu.memory_space<vmem>>, vector<1x16xf32>,
      }
      %scan3A_113 = arith.constant 64 : i32
      "tpu.region"() ({
        %run_scoped3A_114 = tpu.sem_alloc : memref<!tpu.dma_semaphore, #tpu.memory_space<semaphore_mem>>
        %dma_start3A_115 = arith.constant 0 : i32
        %dma_start3A_116 = arith.constant 0 : i32
        %dma_start3A_117 = tpu.memref_slice %arg11[%dma_start3A_115, %dma_start3A_116] : memref<10112x128xf32, #tpu.memory_space<vmem_shared>> -> memref<10112x128xf32, #tpu.memory_space<vmem_shared>>
        tpu.enqueue_indirect_dma source(%arg17 : memref<64x128xf32, #tpu.memory_space<vmem>>) target(%dma_start3A_117 : memref<10112x128xf32, #tpu.memory_space<vmem_shared>>) offsets(%arg13 : memref<64xi32, #tpu.memory_space<vmem>>) semaphore(%run_scoped3A_114 : memref<!tpu.dma_semaphore, #tpu.memory_space<semaphore_mem>>) {add = true}
        %dma_wait3A_118 = arith.constant 0 : i32
        %dma_wait3A_119 = arith.constant 0 : i32
        %dma_wait3A_120 = tpu.memref_slice %arg11[%dma_wait3A_118, %dma_wait3A_119] : memref<10112x128xf32, #tpu.memory_space<vmem_shared>> -> memref<10112x128xf32, #tpu.memory_space<vmem_shared>>
        tpu.wait_indirect_dma semaphore(%run_scoped3A_114 : memref<!tpu.dma_semaphore, #tpu.memory_space<semaphore_mem>>) src(%arg17 : memref<64x128xf32, #tpu.memory_space<vmem>>) dst(%dma_wait3A_120 : memref<10112x128xf32, #tpu.memory_space<vmem_shared>>)
        tpu.yield
      }) : () -> ()
    }
    %scan3A_24 = arith.constant 84 : i32
    %barrier3A_25 = arith.constant 0 : index
    tpu.barrier barrier_id(%barrier3A_25)
    %run_scoped3A_26 = arith.constant 0 : i32
    %run_scoped3A_27 = arith.constant 0 : i32
    "tpu.region"() ({
      %run_scoped3A_78 = tpu.sem_alloc : memref<!tpu.dma_semaphore, #tpu.memory_space<semaphore_mem>>
      %dma_start3A = arith.constant 0 : i32
      %dma_start3A_79 = arith.constant 0 : i32
      %dma_start3A_80 = tpu.memref_slice %arg10[%run_scoped3A_26, %run_scoped3A_27, %arg0, %dma_start3A, %dma_start3A_79] : memref<2x2x2x10112x128xf32, #tpu.memory_space<hbm>> -> memref<1x1x1x10112x128xf32, #tpu.memory_space<hbm>>
      %dma_start3A_81 = tpu.memref_squeeze %dma_start3A_80 : memref<1x1x1x10112x128xf32, #tpu.memory_space<hbm>> -> memref<10112x128xf32, #tpu.memory_space<hbm>>
      %dma_start3A_82 = arith.constant 0 : i32
      %dma_start3A_83 = tpu.memref_slice %dma_start3A_81[%mul3A_2, %dma_start3A_82] : memref<10112x128xf32, #tpu.memory_space<hbm>> -> memref<632x128xf32, #tpu.memory_space<hbm>>
      %dma_start3A_84 = arith.constant 0 : i32
      %dma_start3A_85 = tpu.memref_slice %arg11[%mul3A_2, %dma_start3A_84] : memref<10112x128xf32, #tpu.memory_space<vmem_shared>> -> memref<632x128xf32, #tpu.memory_space<vmem_shared>>
      tpu.enqueue_dma source(%dma_start3A_85 : memref<632x128xf32, #tpu.memory_space<vmem_shared>>) target(%dma_start3A_83 : memref<632x128xf32, #tpu.memory_space<hbm>>) target_semaphore(%run_scoped3A_78 : memref<!tpu.dma_semaphore, #tpu.memory_space<semaphore_mem>>)
      %dma_wait3A = arith.constant 0 : i32
      %dma_wait3A_86 = arith.constant 0 : i32
      %dma_wait3A_87 = tpu.memref_slice %arg10[%run_scoped3A_26, %run_scoped3A_27, %arg0, %dma_wait3A, %dma_wait3A_86] : memref<2x2x2x10112x128xf32, #tpu.memory_space<hbm>> -> memref<1x1x1x10112x128xf32, #tpu.memory_space<hbm>>
      %dma_wait3A_88 = tpu.memref_squeeze %dma_wait3A_87 : memref<1x1x1x10112x128xf32, #tpu.memory_space<hbm>> -> memref<10112x128xf32, #tpu.memory_space<hbm>>
      %dma_wait3A_89 = arith.constant 0 : i32
      %dma_wait3A_90 = tpu.memref_slice %dma_wait3A_88[%mul3A_2, %dma_wait3A_89] : memref<10112x128xf32, #tpu.memory_space<hbm>> -> memref<632x128xf32, #tpu.memory_space<hbm>>
      %dma_wait3A_91 = arith.constant 0 : i32
      %dma_wait3A_92 = tpu.memref_slice %arg11[%mul3A_2, %dma_wait3A_91] : memref<10112x128xf32, #tpu.memory_space<vmem_shared>> -> memref<632x128xf32, #tpu.memory_space<vmem_shared>>
      tpu.wait_dma2 semaphore(%run_scoped3A_78 : memref<!tpu.dma_semaphore, #tpu.memory_space<semaphore_mem>>) src(%dma_wait3A_92 : memref<632x128xf32, #tpu.memory_space<vmem_shared>>) dst(%dma_wait3A_90 : memref<632x128xf32, #tpu.memory_space<hbm>>)
      tpu.yield
    }) : () -> ()
    %barrier3A_28 = arith.constant 0 : index
    tpu.barrier barrier_id(%barrier3A_28)
    "tpu.region"() ({
      %run_scoped3A_78 = tpu.sem_alloc : memref<!tpu.dma_semaphore, #tpu.memory_space<semaphore_mem>>
      %dma_start3A = arith.constant 0 : i32
      %dma_start3A_79 = tpu.memref_slice %arg11[%mul3A_2, %dma_start3A] : memref<10112x128xf32, #tpu.memory_space<vmem_shared>> -> memref<632x128xf32, #tpu.memory_space<vmem_shared>>
      %dma_start3A_80 = arith.constant 0 : i32
      %dma_start3A_81 = tpu.memref_slice %arg7[%mul3A_2, %dma_start3A_80] : memref<10112x128xf32, #tpu.memory_space<hbm>> -> memref<632x128xf32, #tpu.memory_space<hbm>>
      tpu.enqueue_dma source(%dma_start3A_81 : memref<632x128xf32, #tpu.memory_space<hbm>>) target(%dma_start3A_79 : memref<632x128xf32, #tpu.memory_space<vmem_shared>>) target_semaphore(%run_scoped3A_78 : memref<!tpu.dma_semaphore, #tpu.memory_space<semaphore_mem>>)
      %dma_wait3A = arith.constant 0 : i32
      %dma_wait3A_82 = tpu.memref_slice %arg11[%mul3A_2, %dma_wait3A] : memref<10112x128xf32, #tpu.memory_space<vmem_shared>> -> memref<632x128xf32, #tpu.memory_space<vmem_shared>>
      %dma_wait3A_83 = arith.constant 0 : i32
      %dma_wait3A_84 = tpu.memref_slice %arg7[%mul3A_2, %dma_wait3A_83] : memref<10112x128xf32, #tpu.memory_space<hbm>> -> memref<632x128xf32, #tpu.memory_space<hbm>>
      tpu.wait_dma2 semaphore(%run_scoped3A_78 : memref<!tpu.dma_semaphore, #tpu.memory_space<semaphore_mem>>) src(%dma_wait3A_84 : memref<632x128xf32, #tpu.memory_space<hbm>>) dst(%dma_wait3A_82 : memref<632x128xf32, #tpu.memory_space<vmem_shared>>)
      tpu.yield
    }) : () -> ()
    %barrier3A_29 = arith.constant 0 : index
    tpu.barrier barrier_id(%barrier3A_29)
    %scan3A_30 = arith.constant 0 : i32
    %scan3A_31 = arith.constant 0 : i32
    %scan3A_32 = arith.constant 84 : i32
    %scan3A_33 = arith.addi %scan3A_31, %scan3A_32 : i32
    %scan3A_34 = arith.constant 1 : i32
    scf.for %scan3A_78 = %scan3A_31 to %scan3A_33 step %scan3A_34  : i32 {
      %run_scoped3A_79 = arith.constant 0 : i32
      "tpu.region"() ({
        %run_scoped3A_114 = tpu.sem_alloc : memref<!tpu.dma_semaphore, #tpu.memory_space<semaphore_mem>>
        %dma_start3A_115 = arith.constant 0 : i32
        %dma_start3A_116 = tpu.memref_slice %arg3[%run_scoped3A_79, %add3A, %scan3A_78, %dma_start3A_115] : memref<2x32x84x64xi32, #tpu.memory_space<hbm>> -> memref<1x1x1x64xi32, #tpu.memory_space<hbm>>
        %dma_start3A_117 = tpu.memref_squeeze %dma_start3A_116 : memref<1x1x1x64xi32, #tpu.memory_space<hbm>> -> memref<64xi32, #tpu.memory_space<hbm>>
        %dma_start3A_118 = arith.constant 0 : i32
        %dma_start3A_119 = tpu.memref_slice %arg3[%run_scoped3A_79, %add3A, %scan3A_78, %dma_start3A_118] : memref<2x32x84x64xi32, #tpu.memory_space<hbm>> -> memref<1x1x1x64xi32, #tpu.memory_space<hbm>>
        %dma_start3A_120 = tpu.memref_squeeze %dma_start3A_119 : memref<1x1x1x64xi32, #tpu.memory_space<hbm>> -> memref<64xi32, #tpu.memory_space<hbm>>
        tpu.enqueue_dma source(%dma_start3A_120 : memref<64xi32, #tpu.memory_space<hbm>>) target(%arg13 : memref<64xi32, #tpu.memory_space<vmem>>) target_semaphore(%run_scoped3A_114 : memref<!tpu.dma_semaphore, #tpu.memory_space<semaphore_mem>>)
        %dma_wait3A_121 = arith.constant 0 : i32
        %dma_wait3A_122 = tpu.memref_slice %arg3[%run_scoped3A_79, %add3A, %scan3A_78, %dma_wait3A_121] : memref<2x32x84x64xi32, #tpu.memory_space<hbm>> -> memref<1x1x1x64xi32, #tpu.memory_space<hbm>>
        %dma_wait3A_123 = tpu.memref_squeeze %dma_wait3A_122 : memref<1x1x1x64xi32, #tpu.memory_space<hbm>> -> memref<64xi32, #tpu.memory_space<hbm>>
        %dma_wait3A_124 = arith.constant 0 : i32
        %dma_wait3A_125 = tpu.memref_slice %arg3[%run_scoped3A_79, %add3A, %scan3A_78, %dma_wait3A_124] : memref<2x32x84x64xi32, #tpu.memory_space<hbm>> -> memref<1x1x1x64xi32, #tpu.memory_space<hbm>>
        %dma_wait3A_126 = tpu.memref_squeeze %dma_wait3A_125 : memref<1x1x1x64xi32, #tpu.memory_space<hbm>> -> memref<64xi32, #tpu.memory_space<hbm>>
        tpu.wait_dma2 semaphore(%run_scoped3A_114 : memref<!tpu.dma_semaphore, #tpu.memory_space<semaphore_mem>>) src(%dma_wait3A_126 : memref<64xi32, #tpu.memory_space<hbm>>) dst(%arg13 : memref<64xi32, #tpu.memory_space<vmem>>)
        tpu.yield
      }) : () -> ()
      %run_scoped3A_80 = arith.constant 0 : i32
      "tpu.region"() ({
        %run_scoped3A_114 = tpu.sem_alloc : memref<!tpu.dma_semaphore, #tpu.memory_space<semaphore_mem>>
        %dma_start3A_115 = arith.constant 0 : i32
        %dma_start3A_116 = tpu.memref_slice %arg2[%run_scoped3A_80, %add3A, %scan3A_78, %dma_start3A_115] : memref<2x32x84x64xi32, #tpu.memory_space<hbm>> -> memref<1x1x1x64xi32, #tpu.memory_space<hbm>>
        %dma_start3A_117 = tpu.memref_squeeze %dma_start3A_116 : memref<1x1x1x64xi32, #tpu.memory_space<hbm>> -> memref<64xi32, #tpu.memory_space<hbm>>
        %dma_start3A_118 = arith.constant 0 : i32
        %dma_start3A_119 = tpu.memref_slice %arg2[%run_scoped3A_80, %add3A, %scan3A_78, %dma_start3A_118] : memref<2x32x84x64xi32, #tpu.memory_space<hbm>> -> memref<1x1x1x64xi32, #tpu.memory_space<hbm>>
        %dma_start3A_120 = tpu.memref_squeeze %dma_start3A_119 : memref<1x1x1x64xi32, #tpu.memory_space<hbm>> -> memref<64xi32, #tpu.memory_space<hbm>>
        tpu.enqueue_dma source(%dma_start3A_120 : memref<64xi32, #tpu.memory_space<hbm>>) target(%arg12 : memref<64xi32, #tpu.memory_space<vmem>>) target_semaphore(%run_scoped3A_114 : memref<!tpu.dma_semaphore, #tpu.memory_space<semaphore_mem>>)
        %dma_wait3A_121 = arith.constant 0 : i32
        %dma_wait3A_122 = tpu.memref_slice %arg2[%run_scoped3A_80, %add3A, %scan3A_78, %dma_wait3A_121] : memref<2x32x84x64xi32, #tpu.memory_space<hbm>> -> memref<1x1x1x64xi32, #tpu.memory_space<hbm>>
        %dma_wait3A_123 = tpu.memref_squeeze %dma_wait3A_122 : memref<1x1x1x64xi32, #tpu.memory_space<hbm>> -> memref<64xi32, #tpu.memory_space<hbm>>
        %dma_wait3A_124 = arith.constant 0 : i32
        %dma_wait3A_125 = tpu.memref_slice %arg2[%run_scoped3A_80, %add3A, %scan3A_78, %dma_wait3A_124] : memref<2x32x84x64xi32, #tpu.memory_space<hbm>> -> memref<1x1x1x64xi32, #tpu.memory_space<hbm>>
        %dma_wait3A_126 = tpu.memref_squeeze %dma_wait3A_125 : memref<1x1x1x64xi32, #tpu.memory_space<hbm>> -> memref<64xi32, #tpu.memory_space<hbm>>
        tpu.wait_dma2 semaphore(%run_scoped3A_114 : memref<!tpu.dma_semaphore, #tpu.memory_space<semaphore_mem>>) src(%dma_wait3A_126 : memref<64xi32, #tpu.memory_space<hbm>>) dst(%arg12 : memref<64xi32, #tpu.memory_space<vmem>>)
        tpu.yield
      }) : () -> ()
      %add3A_81 = arith.constant 0 : i32
      %add3A_82 = arith.addi %add3A_81, %mul3A_4 : i32
      %mul3A_83 = arith.constant 64 : i32
      %mul3A_84 = arith.muli %scan3A_78, %mul3A_83 : i32
      %add3A_85 = arith.addi %add3A_82, %mul3A_84 : i32
      %mul3A_86 = arith.constant 16 : i32
      %mul3A_87 = arith.muli %add3A_85, %mul3A_86 : i32
      %dma_start3A = tpu.memref_slice %arg8[%mul3A_87] : memref<5505024xf32, #tpu.memory_space<hbm>> -> memref<1024xf32, #tpu.memory_space<hbm>>
      %dma_start3A_88 = tpu.memref_slice %arg8[%mul3A_87] : memref<5505024xf32, #tpu.memory_space<hbm>> -> memref<1024xf32, #tpu.memory_space<hbm>>
      tpu.enqueue_dma source(%dma_start3A_88 : memref<1024xf32, #tpu.memory_space<hbm>>) target(%arg18 : memref<1024xf32, #tpu.memory_space<vmem>>) target_semaphore(%arg19 : memref<!tpu.dma_semaphore, #tpu.memory_space<semaphore_mem>>)
      %dma_start3A_89 = arith.constant 0 : i32
      %dma_start3A_90 = arith.constant 1 : i32
      %dma_start3A_91 = arith.constant 0 : i32
      %dma_start3A_92 = arith.constant 0 : i32
      %dma_start3A_93 = tpu.memref_slice %arg6[%dma_start3A_89, %dma_start3A_90, %dma_start3A_91, %dma_start3A_92] : memref<2x2x10000x128xf32, #tpu.memory_space<hbm>> -> memref<1x1x10000x128xf32, #tpu.memory_space<hbm>>
      %dma_start3A_94 = tpu.memref_squeeze %dma_start3A_93 : memref<1x1x10000x128xf32, #tpu.memory_space<hbm>> -> memref<10000x128xf32, #tpu.memory_space<hbm>>
      %dma_start3A_95 = arith.constant 0 : i32
      %dma_start3A_96 = arith.constant 0 : i32
      %dma_start3A_97 = tpu.memref_slice %dma_start3A_94[%dma_start3A_95, %dma_start3A_96] : memref<10000x128xf32, #tpu.memory_space<hbm>> -> memref<10000x128xf32, #tpu.memory_space<hbm>>
      tpu.enqueue_indirect_dma source(%dma_start3A_97 : memref<10000x128xf32, #tpu.memory_space<hbm>>) target(%arg16 : memref<64x128xf32, #tpu.memory_space<vmem>>) offsets(%arg12 : memref<64xi32, #tpu.memory_space<vmem>>) semaphore(%arg20 : memref<!tpu.dma_semaphore, #tpu.memory_space<semaphore_mem>>)
      %dma_wait3A = tpu.memref_slice %arg8[%mul3A_87] : memref<5505024xf32, #tpu.memory_space<hbm>> -> memref<1024xf32, #tpu.memory_space<hbm>>
      %dma_wait3A_98 = tpu.memref_slice %arg8[%mul3A_87] : memref<5505024xf32, #tpu.memory_space<hbm>> -> memref<1024xf32, #tpu.memory_space<hbm>>
      tpu.wait_dma2 semaphore(%arg19 : memref<!tpu.dma_semaphore, #tpu.memory_space<semaphore_mem>>) src(%dma_wait3A_98 : memref<1024xf32, #tpu.memory_space<hbm>>) dst(%arg18 : memref<1024xf32, #tpu.memory_space<vmem>>)
      %dma_wait3A_99 = arith.constant 0 : i32
      %dma_wait3A_100 = arith.constant 1 : i32
      %dma_wait3A_101 = arith.constant 0 : i32
      %dma_wait3A_102 = arith.constant 0 : i32
      %dma_wait3A_103 = tpu.memref_slice %arg6[%dma_wait3A_99, %dma_wait3A_100, %dma_wait3A_101, %dma_wait3A_102] : memref<2x2x10000x128xf32, #tpu.memory_space<hbm>> -> memref<1x1x10000x128xf32, #tpu.memory_space<hbm>>
      %dma_wait3A_104 = tpu.memref_squeeze %dma_wait3A_103 : memref<1x1x10000x128xf32, #tpu.memory_space<hbm>> -> memref<10000x128xf32, #tpu.memory_space<hbm>>
      %dma_wait3A_105 = arith.constant 0 : i32
      %dma_wait3A_106 = arith.constant 0 : i32
      %dma_wait3A_107 = tpu.memref_slice %dma_wait3A_104[%dma_wait3A_105, %dma_wait3A_106] : memref<10000x128xf32, #tpu.memory_space<hbm>> -> memref<10000x128xf32, #tpu.memory_space<hbm>>
      tpu.wait_indirect_dma semaphore(%arg20 : memref<!tpu.dma_semaphore, #tpu.memory_space<semaphore_mem>>) src(%dma_wait3A_107 : memref<10000x128xf32, #tpu.memory_space<hbm>>) dst(%arg16 : memref<64x128xf32, #tpu.memory_space<vmem>>)
      %scan3A_108 = arith.constant 0 : i32
      %scan3A_109 = arith.constant 0 : i32
      %scan3A_110 = arith.constant 64 : i32
      %scan3A_111 = arith.addi %scan3A_109, %scan3A_110 : i32
      %scan3A_112 = arith.constant 1 : i32
      scf.for %scan3A_114 = %scan3A_109 to %scan3A_111 step %scan3A_112  : i32 {
        %mul3A_115 = arith.constant 16 : i32
        %mul3A_116 = arith.muli %scan3A_114, %mul3A_115 : i32
        %get3A = arith.index_cast %mul3A_116 : i32 to index
        %get3A_117 = tpu.vector_load %arg18[%get3A] {strides = array<i32>} : memref<1024xf32, #tpu.memory_space<vmem>>, vector<16xf32>,
        %get3A_118 = vector.shape_cast %get3A_117 : vector<16xf32> to vector<16xf32>
        %broadcast_in_dim3A = arith.constant 8 : i32
        %broadcast_in_dim3A_119 = vector.broadcast %broadcast_in_dim3A : i32 to vector<16x1xi32>
        %gather3A = vector.shape_cast %broadcast_in_dim3A_119 : vector<16x1xi32> to vector<16xi32>
        %gather3A_120 = tpu.dynamic_gather %get3A_118[%gather3A] in [0] : vector<16xf32>, vector<16xi32> -> vector<16xf32>
        %get3A_121 = arith.index_cast %scan3A_114 : i32 to index
        %get3A_122 = arith.constant 0 : index
        %get3A_123 = tpu.vector_load %arg16[%get3A_121, %get3A_122] {strides = array<i32>} : memref<64x128xf32, #tpu.memory_space<vmem>>, vector<1x16xf32>,
        %get3A_124 = vector.shape_cast %get3A_123 : vector<1x16xf32> to vector<16xf32>
        %mul3A_125 = arith.mulf %get3A_124, %gather3A_120 : vector<16xf32>
        %swap3A = arith.index_cast %scan3A_114 : i32 to index
        %swap3A_126 = arith.constant 0 : index
        %swap3A_127 = tpu.vector_load %arg17[%swap3A, %swap3A_126] {strides = array<i32>} : memref<64x128xf32, #tpu.memory_space<vmem>>, vector<1x16xf32>,
        %swap3A_128 = vector.shape_cast %swap3A_127 : vector<1x16xf32> to vector<16xf32>
        %swap3A_129 = vector.shape_cast %mul3A_125 : vector<16xf32> to vector<1x16xf32>
        tpu.vector_store %arg17[%swap3A, %swap3A_126], %swap3A_129 {strides = array<i32>} : memref<64x128xf32, #tpu.memory_space<vmem>>, vector<1x16xf32>,
        %broadcast_in_dim3A_130 = arith.constant 9 : i32
        %broadcast_in_dim3A_131 = vector.broadcast %broadcast_in_dim3A_130 : i32 to vector<16x1xi32>
        %gather3A_132 = vector.shape_cast %broadcast_in_dim3A_131 : vector<16x1xi32> to vector<16xi32>
        %gather3A_133 = tpu.dynamic_gather %get3A_118[%gather3A_132] in [0] : vector<16xf32>, vector<16xi32> -> vector<16xf32>
        %get3A_134 = arith.index_cast %scan3A_114 : i32 to index
        %get3A_135 = arith.constant 16 : index
        %get3A_136 = tpu.vector_load %arg16[%get3A_134, %get3A_135] {strides = array<i32>} : memref<64x128xf32, #tpu.memory_space<vmem>>, vector<1x16xf32>,
        %get3A_137 = vector.shape_cast %get3A_136 : vector<1x16xf32> to vector<16xf32>
        %mul3A_138 = arith.mulf %get3A_137, %gather3A_133 : vector<16xf32>
        %swap3A_139 = arith.index_cast %scan3A_114 : i32 to index
        %swap3A_140 = arith.constant 16 : index
        %swap3A_141 = tpu.vector_load %arg17[%swap3A_139, %swap3A_140] {strides = array<i32>} : memref<64x128xf32, #tpu.memory_space<vmem>>, vector<1x16xf32>,
        %swap3A_142 = vector.shape_cast %swap3A_141 : vector<1x16xf32> to vector<16xf32>
        %swap3A_143 = vector.shape_cast %mul3A_138 : vector<16xf32> to vector<1x16xf32>
        tpu.vector_store %arg17[%swap3A_139, %swap3A_140], %swap3A_143 {strides = array<i32>} : memref<64x128xf32, #tpu.memory_space<vmem>>, vector<1x16xf32>,
        %broadcast_in_dim3A_144 = arith.constant 10 : i32
        %broadcast_in_dim3A_145 = vector.broadcast %broadcast_in_dim3A_144 : i32 to vector<16x1xi32>
        %gather3A_146 = vector.shape_cast %broadcast_in_dim3A_145 : vector<16x1xi32> to vector<16xi32>
        %gather3A_147 = tpu.dynamic_gather %get3A_118[%gather3A_146] in [0] : vector<16xf32>, vector<16xi32> -> vector<16xf32>
        %get3A_148 = arith.index_cast %scan3A_114 : i32 to index
        %get3A_149 = arith.constant 32 : index
        %get3A_150 = tpu.vector_load %arg16[%get3A_148, %get3A_149] {strides = array<i32>} : memref<64x128xf32, #tpu.memory_space<vmem>>, vector<1x16xf32>,
        %get3A_151 = vector.shape_cast %get3A_150 : vector<1x16xf32> to vector<16xf32>
        %mul3A_152 = arith.mulf %get3A_151, %gather3A_147 : vector<16xf32>
        %swap3A_153 = arith.index_cast %scan3A_114 : i32 to index
        %swap3A_154 = arith.constant 32 : index
        %swap3A_155 = tpu.vector_load %arg17[%swap3A_153, %swap3A_154] {strides = array<i32>} : memref<64x128xf32, #tpu.memory_space<vmem>>, vector<1x16xf32>,
        %swap3A_156 = vector.shape_cast %swap3A_155 : vector<1x16xf32> to vector<16xf32>
        %swap3A_157 = vector.shape_cast %mul3A_152 : vector<16xf32> to vector<1x16xf32>
        tpu.vector_store %arg17[%swap3A_153, %swap3A_154], %swap3A_157 {strides = array<i32>} : memref<64x128xf32, #tpu.memory_space<vmem>>, vector<1x16xf32>,
        %broadcast_in_dim3A_158 = arith.constant 11 : i32
        %broadcast_in_dim3A_159 = vector.broadcast %broadcast_in_dim3A_158 : i32 to vector<16x1xi32>
        %gather3A_160 = vector.shape_cast %broadcast_in_dim3A_159 : vector<16x1xi32> to vector<16xi32>
        %gather3A_161 = tpu.dynamic_gather %get3A_118[%gather3A_160] in [0] : vector<16xf32>, vector<16xi32> -> vector<16xf32>
        %get3A_162 = arith.index_cast %scan3A_114 : i32 to index
        %get3A_163 = arith.constant 48 : index
        %get3A_164 = tpu.vector_load %arg16[%get3A_162, %get3A_163] {strides = array<i32>} : memref<64x128xf32, #tpu.memory_space<vmem>>, vector<1x16xf32>,
        %get3A_165 = vector.shape_cast %get3A_164 : vector<1x16xf32> to vector<16xf32>
        %mul3A_166 = arith.mulf %get3A_165, %gather3A_161 : vector<16xf32>
        %swap3A_167 = arith.index_cast %scan3A_114 : i32 to index
        %swap3A_168 = arith.constant 48 : index
        %swap3A_169 = tpu.vector_load %arg17[%swap3A_167, %swap3A_168] {strides = array<i32>} : memref<64x128xf32, #tpu.memory_space<vmem>>, vector<1x16xf32>,
        %swap3A_170 = vector.shape_cast %swap3A_169 : vector<1x16xf32> to vector<16xf32>
        %swap3A_171 = vector.shape_cast %mul3A_166 : vector<16xf32> to vector<1x16xf32>
        tpu.vector_store %arg17[%swap3A_167, %swap3A_168], %swap3A_171 {strides = array<i32>} : memref<64x128xf32, #tpu.memory_space<vmem>>, vector<1x16xf32>,
        %broadcast_in_dim3A_172 = arith.constant 12 : i32
        %broadcast_in_dim3A_173 = vector.broadcast %broadcast_in_dim3A_172 : i32 to vector<16x1xi32>
        %gather3A_174 = vector.shape_cast %broadcast_in_dim3A_173 : vector<16x1xi32> to vector<16xi32>
        %gather3A_175 = tpu.dynamic_gather %get3A_118[%gather3A_174] in [0] : vector<16xf32>, vector<16xi32> -> vector<16xf32>
        %get3A_176 = arith.index_cast %scan3A_114 : i32 to index
        %get3A_177 = arith.constant 64 : index
        %get3A_178 = tpu.vector_load %arg16[%get3A_176, %get3A_177] {strides = array<i32>} : memref<64x128xf32, #tpu.memory_space<vmem>>, vector<1x16xf32>,
        %get3A_179 = vector.shape_cast %get3A_178 : vector<1x16xf32> to vector<16xf32>
        %mul3A_180 = arith.mulf %get3A_179, %gather3A_175 : vector<16xf32>
        %swap3A_181 = arith.index_cast %scan3A_114 : i32 to index
        %swap3A_182 = arith.constant 64 : index
        %swap3A_183 = tpu.vector_load %arg17[%swap3A_181, %swap3A_182] {strides = array<i32>} : memref<64x128xf32, #tpu.memory_space<vmem>>, vector<1x16xf32>,
        %swap3A_184 = vector.shape_cast %swap3A_183 : vector<1x16xf32> to vector<16xf32>
        %swap3A_185 = vector.shape_cast %mul3A_180 : vector<16xf32> to vector<1x16xf32>
        tpu.vector_store %arg17[%swap3A_181, %swap3A_182], %swap3A_185 {strides = array<i32>} : memref<64x128xf32, #tpu.memory_space<vmem>>, vector<1x16xf32>,
        %broadcast_in_dim3A_186 = arith.constant 13 : i32
        %broadcast_in_dim3A_187 = vector.broadcast %broadcast_in_dim3A_186 : i32 to vector<16x1xi32>
        %gather3A_188 = vector.shape_cast %broadcast_in_dim3A_187 : vector<16x1xi32> to vector<16xi32>
        %gather3A_189 = tpu.dynamic_gather %get3A_118[%gather3A_188] in [0] : vector<16xf32>, vector<16xi32> -> vector<16xf32>
        %get3A_190 = arith.index_cast %scan3A_114 : i32 to index
        %get3A_191 = arith.constant 80 : index
        %get3A_192 = tpu.vector_load %arg16[%get3A_190, %get3A_191] {strides = array<i32>} : memref<64x128xf32, #tpu.memory_space<vmem>>, vector<1x16xf32>,
        %get3A_193 = vector.shape_cast %get3A_192 : vector<1x16xf32> to vector<16xf32>
        %mul3A_194 = arith.mulf %get3A_193, %gather3A_189 : vector<16xf32>
        %swap3A_195 = arith.index_cast %scan3A_114 : i32 to index
        %swap3A_196 = arith.constant 80 : index
        %swap3A_197 = tpu.vector_load %arg17[%swap3A_195, %swap3A_196] {strides = array<i32>} : memref<64x128xf32, #tpu.memory_space<vmem>>, vector<1x16xf32>,
        %swap3A_198 = vector.shape_cast %swap3A_197 : vector<1x16xf32> to vector<16xf32>
        %swap3A_199 = vector.shape_cast %mul3A_194 : vector<16xf32> to vector<1x16xf32>
        tpu.vector_store %arg17[%swap3A_195, %swap3A_196], %swap3A_199 {strides = array<i32>} : memref<64x128xf32, #tpu.memory_space<vmem>>, vector<1x16xf32>,
        %broadcast_in_dim3A_200 = arith.constant 14 : i32
        %broadcast_in_dim3A_201 = vector.broadcast %broadcast_in_dim3A_200 : i32 to vector<16x1xi32>
        %gather3A_202 = vector.shape_cast %broadcast_in_dim3A_201 : vector<16x1xi32> to vector<16xi32>
        %gather3A_203 = tpu.dynamic_gather %get3A_118[%gather3A_202] in [0] : vector<16xf32>, vector<16xi32> -> vector<16xf32>
        %get3A_204 = arith.index_cast %scan3A_114 : i32 to index
        %get3A_205 = arith.constant 96 : index
        %get3A_206 = tpu.vector_load %arg16[%get3A_204, %get3A_205] {strides = array<i32>} : memref<64x128xf32, #tpu.memory_space<vmem>>, vector<1x16xf32>,
        %get3A_207 = vector.shape_cast %get3A_206 : vector<1x16xf32> to vector<16xf32>
        %mul3A_208 = arith.mulf %get3A_207, %gather3A_203 : vector<16xf32>
        %swap3A_209 = arith.index_cast %scan3A_114 : i32 to index
        %swap3A_210 = arith.constant 96 : index
        %swap3A_211 = tpu.vector_load %arg17[%swap3A_209, %swap3A_210] {strides = array<i32>} : memref<64x128xf32, #tpu.memory_space<vmem>>, vector<1x16xf32>,
        %swap3A_212 = vector.shape_cast %swap3A_211 : vector<1x16xf32> to vector<16xf32>
        %swap3A_213 = vector.shape_cast %mul3A_208 : vector<16xf32> to vector<1x16xf32>
        tpu.vector_store %arg17[%swap3A_209, %swap3A_210], %swap3A_213 {strides = array<i32>} : memref<64x128xf32, #tpu.memory_space<vmem>>, vector<1x16xf32>,
        %broadcast_in_dim3A_214 = arith.constant 15 : i32
        %broadcast_in_dim3A_215 = vector.broadcast %broadcast_in_dim3A_214 : i32 to vector<16x1xi32>
        %gather3A_216 = vector.shape_cast %broadcast_in_dim3A_215 : vector<16x1xi32> to vector<16xi32>
        %gather3A_217 = tpu.dynamic_gather %get3A_118[%gather3A_216] in [0] : vector<16xf32>, vector<16xi32> -> vector<16xf32>
        %get3A_218 = arith.index_cast %scan3A_114 : i32 to index
        %get3A_219 = arith.constant 112 : index
        %get3A_220 = tpu.vector_load %arg16[%get3A_218, %get3A_219] {strides = array<i32>} : memref<64x128xf32, #tpu.memory_space<vmem>>, vector<1x16xf32>,
        %get3A_221 = vector.shape_cast %get3A_220 : vector<1x16xf32> to vector<16xf32>
        %mul3A_222 = arith.mulf %get3A_221, %gather3A_217 : vector<16xf32>
        %swap3A_223 = arith.index_cast %scan3A_114 : i32 to index
        %swap3A_224 = arith.constant 112 : index
        %swap3A_225 = tpu.vector_load %arg17[%swap3A_223, %swap3A_224] {strides = array<i32>} : memref<64x128xf32, #tpu.memory_space<vmem>>, vector<1x16xf32>,
        %swap3A_226 = vector.shape_cast %swap3A_225 : vector<1x16xf32> to vector<16xf32>
        %swap3A_227 = vector.shape_cast %mul3A_222 : vector<16xf32> to vector<1x16xf32>
        tpu.vector_store %arg17[%swap3A_223, %swap3A_224], %swap3A_227 {strides = array<i32>} : memref<64x128xf32, #tpu.memory_space<vmem>>, vector<1x16xf32>,
      }
      %scan3A_113 = arith.constant 64 : i32
      "tpu.region"() ({
        %run_scoped3A_114 = tpu.sem_alloc : memref<!tpu.dma_semaphore, #tpu.memory_space<semaphore_mem>>
        %dma_start3A_115 = arith.constant 0 : i32
        %dma_start3A_116 = arith.constant 0 : i32
        %dma_start3A_117 = tpu.memref_slice %arg11[%dma_start3A_115, %dma_start3A_116] : memref<10112x128xf32, #tpu.memory_space<vmem_shared>> -> memref<10112x128xf32, #tpu.memory_space<vmem_shared>>
        tpu.enqueue_indirect_dma source(%arg17 : memref<64x128xf32, #tpu.memory_space<vmem>>) target(%dma_start3A_117 : memref<10112x128xf32, #tpu.memory_space<vmem_shared>>) offsets(%arg13 : memref<64xi32, #tpu.memory_space<vmem>>) semaphore(%run_scoped3A_114 : memref<!tpu.dma_semaphore, #tpu.memory_space<semaphore_mem>>) {add = true}
        %dma_wait3A_118 = arith.constant 0 : i32
        %dma_wait3A_119 = arith.constant 0 : i32
        %dma_wait3A_120 = tpu.memref_slice %arg11[%dma_wait3A_118, %dma_wait3A_119] : memref<10112x128xf32, #tpu.memory_space<vmem_shared>> -> memref<10112x128xf32, #tpu.memory_space<vmem_shared>>
        tpu.wait_indirect_dma semaphore(%run_scoped3A_114 : memref<!tpu.dma_semaphore, #tpu.memory_space<semaphore_mem>>) src(%arg17 : memref<64x128xf32, #tpu.memory_space<vmem>>) dst(%dma_wait3A_120 : memref<10112x128xf32, #tpu.memory_space<vmem_shared>>)
        tpu.yield
      }) : () -> ()
    }
    %scan3A_35 = arith.constant 84 : i32
    %barrier3A_36 = arith.constant 0 : index
    tpu.barrier barrier_id(%barrier3A_36)
    %run_scoped3A_37 = arith.constant 0 : i32
    %run_scoped3A_38 = arith.constant 1 : i32
    "tpu.region"() ({
      %run_scoped3A_78 = tpu.sem_alloc : memref<!tpu.dma_semaphore, #tpu.memory_space<semaphore_mem>>
      %dma_start3A = arith.constant 0 : i32
      %dma_start3A_79 = arith.constant 0 : i32
      %dma_start3A_80 = tpu.memref_slice %arg10[%run_scoped3A_37, %run_scoped3A_38, %arg0, %dma_start3A, %dma_start3A_79] : memref<2x2x2x10112x128xf32, #tpu.memory_space<hbm>> -> memref<1x1x1x10112x128xf32, #tpu.memory_space<hbm>>
      %dma_start3A_81 = tpu.memref_squeeze %dma_start3A_80 : memref<1x1x1x10112x128xf32, #tpu.memory_space<hbm>> -> memref<10112x128xf32, #tpu.memory_space<hbm>>
      %dma_start3A_82 = arith.constant 0 : i32
      %dma_start3A_83 = tpu.memref_slice %dma_start3A_81[%mul3A_2, %dma_start3A_82] : memref<10112x128xf32, #tpu.memory_space<hbm>> -> memref<632x128xf32, #tpu.memory_space<hbm>>
      %dma_start3A_84 = arith.constant 0 : i32
      %dma_start3A_85 = tpu.memref_slice %arg11[%mul3A_2, %dma_start3A_84] : memref<10112x128xf32, #tpu.memory_space<vmem_shared>> -> memref<632x128xf32, #tpu.memory_space<vmem_shared>>
      tpu.enqueue_dma source(%dma_start3A_85 : memref<632x128xf32, #tpu.memory_space<vmem_shared>>) target(%dma_start3A_83 : memref<632x128xf32, #tpu.memory_space<hbm>>) target_semaphore(%run_scoped3A_78 : memref<!tpu.dma_semaphore, #tpu.memory_space<semaphore_mem>>)
      %dma_wait3A = arith.constant 0 : i32
      %dma_wait3A_86 = arith.constant 0 : i32
      %dma_wait3A_87 = tpu.memref_slice %arg10[%run_scoped3A_37, %run_scoped3A_38, %arg0, %dma_wait3A, %dma_wait3A_86] : memref<2x2x2x10112x128xf32, #tpu.memory_space<hbm>> -> memref<1x1x1x10112x128xf32, #tpu.memory_space<hbm>>
      %dma_wait3A_88 = tpu.memref_squeeze %dma_wait3A_87 : memref<1x1x1x10112x128xf32, #tpu.memory_space<hbm>> -> memref<10112x128xf32, #tpu.memory_space<hbm>>
      %dma_wait3A_89 = arith.constant 0 : i32
      %dma_wait3A_90 = tpu.memref_slice %dma_wait3A_88[%mul3A_2, %dma_wait3A_89] : memref<10112x128xf32, #tpu.memory_space<hbm>> -> memref<632x128xf32, #tpu.memory_space<hbm>>
      %dma_wait3A_91 = arith.constant 0 : i32
      %dma_wait3A_92 = tpu.memref_slice %arg11[%mul3A_2, %dma_wait3A_91] : memref<10112x128xf32, #tpu.memory_space<vmem_shared>> -> memref<632x128xf32, #tpu.memory_space<vmem_shared>>
      tpu.wait_dma2 semaphore(%run_scoped3A_78 : memref<!tpu.dma_semaphore, #tpu.memory_space<semaphore_mem>>) src(%dma_wait3A_92 : memref<632x128xf32, #tpu.memory_space<vmem_shared>>) dst(%dma_wait3A_90 : memref<632x128xf32, #tpu.memory_space<hbm>>)
      tpu.yield
    }) : () -> ()
    %barrier3A_39 = arith.constant 0 : index
    tpu.barrier barrier_id(%barrier3A_39)
    %scan3A_40 = arith.constant 0 : i32
    %scan3A_41 = arith.constant 0 : i32
    %scan3A_42 = arith.constant 64 : i32
    %scan3A_43 = arith.addi %scan3A_41, %scan3A_42 : i32
    %scan3A_44 = arith.constant 1 : i32
    scf.for %scan3A_78 = %scan3A_41 to %scan3A_43 step %scan3A_44  : i32 {
      %broadcast_in_dim3A = arith.constant 0.000000e+00 : f32
      %broadcast_in_dim3A_79 = vector.broadcast %broadcast_in_dim3A : f32 to vector<16xf32>
      %swap3A = arith.index_cast %scan3A_78 : i32 to index
      %swap3A_80 = arith.constant 16 : index
      %swap3A_81 = tpu.vector_load %arg17[%swap3A, %swap3A_80] {strides = array<i32>} : memref<64x128xf32, #tpu.memory_space<vmem>>, vector<1x16xf32>,
      %swap3A_82 = vector.shape_cast %swap3A_81 : vector<1x16xf32> to vector<16xf32>
      %swap3A_83 = vector.shape_cast %broadcast_in_dim3A_79 : vector<16xf32> to vector<1x16xf32>
      tpu.vector_store %arg17[%swap3A, %swap3A_80], %swap3A_83 {strides = array<i32>} : memref<64x128xf32, #tpu.memory_space<vmem>>, vector<1x16xf32>,
      %broadcast_in_dim3A_84 = arith.constant 0.000000e+00 : f32
      %broadcast_in_dim3A_85 = vector.broadcast %broadcast_in_dim3A_84 : f32 to vector<16xf32>
      %swap3A_86 = arith.index_cast %scan3A_78 : i32 to index
      %swap3A_87 = arith.constant 32 : index
      %swap3A_88 = tpu.vector_load %arg17[%swap3A_86, %swap3A_87] {strides = array<i32>} : memref<64x128xf32, #tpu.memory_space<vmem>>, vector<1x16xf32>,
      %swap3A_89 = vector.shape_cast %swap3A_88 : vector<1x16xf32> to vector<16xf32>
      %swap3A_90 = vector.shape_cast %broadcast_in_dim3A_85 : vector<16xf32> to vector<1x16xf32>
      tpu.vector_store %arg17[%swap3A_86, %swap3A_87], %swap3A_90 {strides = array<i32>} : memref<64x128xf32, #tpu.memory_space<vmem>>, vector<1x16xf32>,
      %broadcast_in_dim3A_91 = arith.constant 0.000000e+00 : f32
      %broadcast_in_dim3A_92 = vector.broadcast %broadcast_in_dim3A_91 : f32 to vector<16xf32>
      %swap3A_93 = arith.index_cast %scan3A_78 : i32 to index
      %swap3A_94 = arith.constant 48 : index
      %swap3A_95 = tpu.vector_load %arg17[%swap3A_93, %swap3A_94] {strides = array<i32>} : memref<64x128xf32, #tpu.memory_space<vmem>>, vector<1x16xf32>,
      %swap3A_96 = vector.shape_cast %swap3A_95 : vector<1x16xf32> to vector<16xf32>
      %swap3A_97 = vector.shape_cast %broadcast_in_dim3A_92 : vector<16xf32> to vector<1x16xf32>
      tpu.vector_store %arg17[%swap3A_93, %swap3A_94], %swap3A_97 {strides = array<i32>} : memref<64x128xf32, #tpu.memory_space<vmem>>, vector<1x16xf32>,
      %broadcast_in_dim3A_98 = arith.constant 0.000000e+00 : f32
      %broadcast_in_dim3A_99 = vector.broadcast %broadcast_in_dim3A_98 : f32 to vector<16xf32>
      %swap3A_100 = arith.index_cast %scan3A_78 : i32 to index
      %swap3A_101 = arith.constant 64 : index
      %swap3A_102 = tpu.vector_load %arg17[%swap3A_100, %swap3A_101] {strides = array<i32>} : memref<64x128xf32, #tpu.memory_space<vmem>>, vector<1x16xf32>,
      %swap3A_103 = vector.shape_cast %swap3A_102 : vector<1x16xf32> to vector<16xf32>
      %swap3A_104 = vector.shape_cast %broadcast_in_dim3A_99 : vector<16xf32> to vector<1x16xf32>
      tpu.vector_store %arg17[%swap3A_100, %swap3A_101], %swap3A_104 {strides = array<i32>} : memref<64x128xf32, #tpu.memory_space<vmem>>, vector<1x16xf32>,
      %broadcast_in_dim3A_105 = arith.constant 0.000000e+00 : f32
      %broadcast_in_dim3A_106 = vector.broadcast %broadcast_in_dim3A_105 : f32 to vector<16xf32>
      %swap3A_107 = arith.index_cast %scan3A_78 : i32 to index
      %swap3A_108 = arith.constant 80 : index
      %swap3A_109 = tpu.vector_load %arg17[%swap3A_107, %swap3A_108] {strides = array<i32>} : memref<64x128xf32, #tpu.memory_space<vmem>>, vector<1x16xf32>,
      %swap3A_110 = vector.shape_cast %swap3A_109 : vector<1x16xf32> to vector<16xf32>
      %swap3A_111 = vector.shape_cast %broadcast_in_dim3A_106 : vector<16xf32> to vector<1x16xf32>
      tpu.vector_store %arg17[%swap3A_107, %swap3A_108], %swap3A_111 {strides = array<i32>} : memref<64x128xf32, #tpu.memory_space<vmem>>, vector<1x16xf32>,
      %broadcast_in_dim3A_112 = arith.constant 0.000000e+00 : f32
      %broadcast_in_dim3A_113 = vector.broadcast %broadcast_in_dim3A_112 : f32 to vector<16xf32>
      %swap3A_114 = arith.index_cast %scan3A_78 : i32 to index
      %swap3A_115 = arith.constant 96 : index
      %swap3A_116 = tpu.vector_load %arg17[%swap3A_114, %swap3A_115] {strides = array<i32>} : memref<64x128xf32, #tpu.memory_space<vmem>>, vector<1x16xf32>,
      %swap3A_117 = vector.shape_cast %swap3A_116 : vector<1x16xf32> to vector<16xf32>
      %swap3A_118 = vector.shape_cast %broadcast_in_dim3A_113 : vector<16xf32> to vector<1x16xf32>
      tpu.vector_store %arg17[%swap3A_114, %swap3A_115], %swap3A_118 {strides = array<i32>} : memref<64x128xf32, #tpu.memory_space<vmem>>, vector<1x16xf32>,
      %broadcast_in_dim3A_119 = arith.constant 0.000000e+00 : f32
      %broadcast_in_dim3A_120 = vector.broadcast %broadcast_in_dim3A_119 : f32 to vector<16xf32>
      %swap3A_121 = arith.index_cast %scan3A_78 : i32 to index
      %swap3A_122 = arith.constant 112 : index
      %swap3A_123 = tpu.vector_load %arg17[%swap3A_121, %swap3A_122] {strides = array<i32>} : memref<64x128xf32, #tpu.memory_space<vmem>>, vector<1x16xf32>,
      %swap3A_124 = vector.shape_cast %swap3A_123 : vector<1x16xf32> to vector<16xf32>
      %swap3A_125 = vector.shape_cast %broadcast_in_dim3A_120 : vector<16xf32> to vector<1x16xf32>
      tpu.vector_store %arg17[%swap3A_121, %swap3A_122], %swap3A_125 {strides = array<i32>} : memref<64x128xf32, #tpu.memory_space<vmem>>, vector<1x16xf32>,
    }
    %scan3A_45 = arith.constant 64 : i32
    "tpu.region"() ({
      %run_scoped3A_78 = tpu.sem_alloc : memref<!tpu.dma_semaphore, #tpu.memory_space<semaphore_mem>>
      %dma_start3A = arith.constant 0 : i32
      %dma_start3A_79 = tpu.memref_slice %arg11[%mul3A_2, %dma_start3A] : memref<10112x128xf32, #tpu.memory_space<vmem_shared>> -> memref<632x128xf32, #tpu.memory_space<vmem_shared>>
      %dma_start3A_80 = arith.constant 0 : i32
      %dma_start3A_81 = tpu.memref_slice %arg7[%mul3A_2, %dma_start3A_80] : memref<10112x128xf32, #tpu.memory_space<hbm>> -> memref<632x128xf32, #tpu.memory_space<hbm>>
      tpu.enqueue_dma source(%dma_start3A_81 : memref<632x128xf32, #tpu.memory_space<hbm>>) target(%dma_start3A_79 : memref<632x128xf32, #tpu.memory_space<vmem_shared>>) target_semaphore(%run_scoped3A_78 : memref<!tpu.dma_semaphore, #tpu.memory_space<semaphore_mem>>)
      %dma_wait3A = arith.constant 0 : i32
      %dma_wait3A_82 = tpu.memref_slice %arg11[%mul3A_2, %dma_wait3A] : memref<10112x128xf32, #tpu.memory_space<vmem_shared>> -> memref<632x128xf32, #tpu.memory_space<vmem_shared>>
      %dma_wait3A_83 = arith.constant 0 : i32
      %dma_wait3A_84 = tpu.memref_slice %arg7[%mul3A_2, %dma_wait3A_83] : memref<10112x128xf32, #tpu.memory_space<hbm>> -> memref<632x128xf32, #tpu.memory_space<hbm>>
      tpu.wait_dma2 semaphore(%run_scoped3A_78 : memref<!tpu.dma_semaphore, #tpu.memory_space<semaphore_mem>>) src(%dma_wait3A_84 : memref<632x128xf32, #tpu.memory_space<hbm>>) dst(%dma_wait3A_82 : memref<632x128xf32, #tpu.memory_space<vmem_shared>>)
      tpu.yield
    }) : () -> ()
    %barrier3A_46 = arith.constant 0 : index
    tpu.barrier barrier_id(%barrier3A_46)
    %scan3A_47 = arith.constant 0 : i32
    %scan3A_48 = arith.constant 0 : i32
    %scan3A_49 = arith.constant 84 : i32
    %scan3A_50 = arith.addi %scan3A_48, %scan3A_49 : i32
    %scan3A_51 = arith.constant 1 : i32
    scf.for %scan3A_78 = %scan3A_48 to %scan3A_50 step %scan3A_51  : i32 {
      %run_scoped3A_79 = arith.constant 1 : i32
      "tpu.region"() ({
        %run_scoped3A_128 = tpu.sem_alloc : memref<!tpu.dma_semaphore, #tpu.memory_space<semaphore_mem>>
        %dma_start3A_129 = arith.constant 0 : i32
        %dma_start3A_130 = tpu.memref_slice %arg2[%run_scoped3A_79, %add3A, %scan3A_78, %dma_start3A_129] : memref<2x32x84x64xi32, #tpu.memory_space<hbm>> -> memref<1x1x1x64xi32, #tpu.memory_space<hbm>>
        %dma_start3A_131 = tpu.memref_squeeze %dma_start3A_130 : memref<1x1x1x64xi32, #tpu.memory_space<hbm>> -> memref<64xi32, #tpu.memory_space<hbm>>
        %dma_start3A_132 = arith.constant 0 : i32
        %dma_start3A_133 = tpu.memref_slice %arg2[%run_scoped3A_79, %add3A, %scan3A_78, %dma_start3A_132] : memref<2x32x84x64xi32, #tpu.memory_space<hbm>> -> memref<1x1x1x64xi32, #tpu.memory_space<hbm>>
        %dma_start3A_134 = tpu.memref_squeeze %dma_start3A_133 : memref<1x1x1x64xi32, #tpu.memory_space<hbm>> -> memref<64xi32, #tpu.memory_space<hbm>>
        tpu.enqueue_dma source(%dma_start3A_134 : memref<64xi32, #tpu.memory_space<hbm>>) target(%arg12 : memref<64xi32, #tpu.memory_space<vmem>>) target_semaphore(%run_scoped3A_128 : memref<!tpu.dma_semaphore, #tpu.memory_space<semaphore_mem>>)
        %dma_wait3A_135 = arith.constant 0 : i32
        %dma_wait3A_136 = tpu.memref_slice %arg2[%run_scoped3A_79, %add3A, %scan3A_78, %dma_wait3A_135] : memref<2x32x84x64xi32, #tpu.memory_space<hbm>> -> memref<1x1x1x64xi32, #tpu.memory_space<hbm>>
        %dma_wait3A_137 = tpu.memref_squeeze %dma_wait3A_136 : memref<1x1x1x64xi32, #tpu.memory_space<hbm>> -> memref<64xi32, #tpu.memory_space<hbm>>
        %dma_wait3A_138 = arith.constant 0 : i32
        %dma_wait3A_139 = tpu.memref_slice %arg2[%run_scoped3A_79, %add3A, %scan3A_78, %dma_wait3A_138] : memref<2x32x84x64xi32, #tpu.memory_space<hbm>> -> memref<1x1x1x64xi32, #tpu.memory_space<hbm>>
        %dma_wait3A_140 = tpu.memref_squeeze %dma_wait3A_139 : memref<1x1x1x64xi32, #tpu.memory_space<hbm>> -> memref<64xi32, #tpu.memory_space<hbm>>
        tpu.wait_dma2 semaphore(%run_scoped3A_128 : memref<!tpu.dma_semaphore, #tpu.memory_space<semaphore_mem>>) src(%dma_wait3A_140 : memref<64xi32, #tpu.memory_space<hbm>>) dst(%arg12 : memref<64xi32, #tpu.memory_space<vmem>>)
        tpu.yield
      }) : () -> ()
      %run_scoped3A_80 = arith.constant 1 : i32
      "tpu.region"() ({
        %run_scoped3A_128 = tpu.sem_alloc : memref<!tpu.dma_semaphore, #tpu.memory_space<semaphore_mem>>
        %dma_start3A_129 = arith.constant 0 : i32
        %dma_start3A_130 = tpu.memref_slice %arg3[%run_scoped3A_80, %add3A, %scan3A_78, %dma_start3A_129] : memref<2x32x84x64xi32, #tpu.memory_space<hbm>> -> memref<1x1x1x64xi32, #tpu.memory_space<hbm>>
        %dma_start3A_131 = tpu.memref_squeeze %dma_start3A_130 : memref<1x1x1x64xi32, #tpu.memory_space<hbm>> -> memref<64xi32, #tpu.memory_space<hbm>>
        %dma_start3A_132 = arith.constant 0 : i32
        %dma_start3A_133 = tpu.memref_slice %arg3[%run_scoped3A_80, %add3A, %scan3A_78, %dma_start3A_132] : memref<2x32x84x64xi32, #tpu.memory_space<hbm>> -> memref<1x1x1x64xi32, #tpu.memory_space<hbm>>
        %dma_start3A_134 = tpu.memref_squeeze %dma_start3A_133 : memref<1x1x1x64xi32, #tpu.memory_space<hbm>> -> memref<64xi32, #tpu.memory_space<hbm>>
        tpu.enqueue_dma source(%dma_start3A_134 : memref<64xi32, #tpu.memory_space<hbm>>) target(%arg13 : memref<64xi32, #tpu.memory_space<vmem>>) target_semaphore(%run_scoped3A_128 : memref<!tpu.dma_semaphore, #tpu.memory_space<semaphore_mem>>)
        %dma_wait3A_135 = arith.constant 0 : i32
        %dma_wait3A_136 = tpu.memref_slice %arg3[%run_scoped3A_80, %add3A, %scan3A_78, %dma_wait3A_135] : memref<2x32x84x64xi32, #tpu.memory_space<hbm>> -> memref<1x1x1x64xi32, #tpu.memory_space<hbm>>
        %dma_wait3A_137 = tpu.memref_squeeze %dma_wait3A_136 : memref<1x1x1x64xi32, #tpu.memory_space<hbm>> -> memref<64xi32, #tpu.memory_space<hbm>>
        %dma_wait3A_138 = arith.constant 0 : i32
        %dma_wait3A_139 = tpu.memref_slice %arg3[%run_scoped3A_80, %add3A, %scan3A_78, %dma_wait3A_138] : memref<2x32x84x64xi32, #tpu.memory_space<hbm>> -> memref<1x1x1x64xi32, #tpu.memory_space<hbm>>
        %dma_wait3A_140 = tpu.memref_squeeze %dma_wait3A_139 : memref<1x1x1x64xi32, #tpu.memory_space<hbm>> -> memref<64xi32, #tpu.memory_space<hbm>>
        tpu.wait_dma2 semaphore(%run_scoped3A_128 : memref<!tpu.dma_semaphore, #tpu.memory_space<semaphore_mem>>) src(%dma_wait3A_140 : memref<64xi32, #tpu.memory_space<hbm>>) dst(%arg13 : memref<64xi32, #tpu.memory_space<vmem>>)
        tpu.yield
      }) : () -> ()
      %dma_start3A = arith.constant 1 : i32
      %dma_start3A_81 = arith.constant 0 : i32
      %dma_start3A_82 = arith.constant 0 : i32
      %dma_start3A_83 = tpu.memref_slice %arg4[%dma_start3A, %dma_start3A_81, %dma_start3A_82] : memref<2x10000x128xf32, #tpu.memory_space<hbm>> -> memref<1x10000x128xf32, #tpu.memory_space<hbm>>
      %dma_start3A_84 = tpu.memref_squeeze %dma_start3A_83 : memref<1x10000x128xf32, #tpu.memory_space<hbm>> -> memref<10000x128xf32, #tpu.memory_space<hbm>>
      %dma_start3A_85 = arith.constant 0 : i32
      %dma_start3A_86 = arith.constant 0 : i32
      %dma_start3A_87 = tpu.memref_slice %dma_start3A_84[%dma_start3A_85, %dma_start3A_86] : memref<10000x128xf32, #tpu.memory_space<hbm>> -> memref<10000x128xf32, #tpu.memory_space<hbm>>
      tpu.enqueue_indirect_dma source(%dma_start3A_87 : memref<10000x128xf32, #tpu.memory_space<hbm>>) target(%arg14 : memref<64x128xf32, #tpu.memory_space<vmem>>) offsets(%arg12 : memref<64xi32, #tpu.memory_space<vmem>>) semaphore(%arg19 : memref<!tpu.dma_semaphore, #tpu.memory_space<semaphore_mem>>)
      %dma_start3A_88 = arith.constant 1 : i32
      %dma_start3A_89 = arith.constant 0 : i32
      %dma_start3A_90 = arith.constant 0 : i32
      %dma_start3A_91 = tpu.memref_slice %arg5[%dma_start3A_88, %dma_start3A_89, %dma_start3A_90] : memref<2x10112x128xf32, #tpu.memory_space<hbm>> -> memref<1x10112x128xf32, #tpu.memory_space<hbm>>
      %dma_start3A_92 = tpu.memref_squeeze %dma_start3A_91 : memref<1x10112x128xf32, #tpu.memory_space<hbm>> -> memref<10112x128xf32, #tpu.memory_space<hbm>>
      %dma_start3A_93 = arith.constant 0 : i32
      %dma_start3A_94 = arith.constant 0 : i32
      %dma_start3A_95 = tpu.memref_slice %dma_start3A_92[%dma_start3A_93, %dma_start3A_94] : memref<10112x128xf32, #tpu.memory_space<hbm>> -> memref<10112x128xf32, #tpu.memory_space<hbm>>
      tpu.enqueue_indirect_dma source(%dma_start3A_95 : memref<10112x128xf32, #tpu.memory_space<hbm>>) target(%arg15 : memref<64x128xf32, #tpu.memory_space<vmem>>) offsets(%arg13 : memref<64xi32, #tpu.memory_space<vmem>>) semaphore(%arg20 : memref<!tpu.dma_semaphore, #tpu.memory_space<semaphore_mem>>)
      %dma_wait3A = arith.constant 1 : i32
      %dma_wait3A_96 = arith.constant 0 : i32
      %dma_wait3A_97 = arith.constant 0 : i32
      %dma_wait3A_98 = tpu.memref_slice %arg4[%dma_wait3A, %dma_wait3A_96, %dma_wait3A_97] : memref<2x10000x128xf32, #tpu.memory_space<hbm>> -> memref<1x10000x128xf32, #tpu.memory_space<hbm>>
      %dma_wait3A_99 = tpu.memref_squeeze %dma_wait3A_98 : memref<1x10000x128xf32, #tpu.memory_space<hbm>> -> memref<10000x128xf32, #tpu.memory_space<hbm>>
      %dma_wait3A_100 = arith.constant 0 : i32
      %dma_wait3A_101 = arith.constant 0 : i32
      %dma_wait3A_102 = tpu.memref_slice %dma_wait3A_99[%dma_wait3A_100, %dma_wait3A_101] : memref<10000x128xf32, #tpu.memory_space<hbm>> -> memref<10000x128xf32, #tpu.memory_space<hbm>>
      tpu.wait_indirect_dma semaphore(%arg19 : memref<!tpu.dma_semaphore, #tpu.memory_space<semaphore_mem>>) src(%dma_wait3A_102 : memref<10000x128xf32, #tpu.memory_space<hbm>>) dst(%arg14 : memref<64x128xf32, #tpu.memory_space<vmem>>)
      %dma_wait3A_103 = arith.constant 1 : i32
      %dma_wait3A_104 = arith.constant 0 : i32
      %dma_wait3A_105 = arith.constant 0 : i32
      %dma_wait3A_106 = tpu.memref_slice %arg5[%dma_wait3A_103, %dma_wait3A_104, %dma_wait3A_105] : memref<2x10112x128xf32, #tpu.memory_space<hbm>> -> memref<1x10112x128xf32, #tpu.memory_space<hbm>>
      %dma_wait3A_107 = tpu.memref_squeeze %dma_wait3A_106 : memref<1x10112x128xf32, #tpu.memory_space<hbm>> -> memref<10112x128xf32, #tpu.memory_space<hbm>>
      %dma_wait3A_108 = arith.constant 0 : i32
      %dma_wait3A_109 = arith.constant 0 : i32
      %dma_wait3A_110 = tpu.memref_slice %dma_wait3A_107[%dma_wait3A_108, %dma_wait3A_109] : memref<10112x128xf32, #tpu.memory_space<hbm>> -> memref<10112x128xf32, #tpu.memory_space<hbm>>
      tpu.wait_indirect_dma semaphore(%arg20 : memref<!tpu.dma_semaphore, #tpu.memory_space<semaphore_mem>>) src(%dma_wait3A_110 : memref<10112x128xf32, #tpu.memory_space<hbm>>) dst(%arg15 : memref<64x128xf32, #tpu.memory_space<vmem>>)
      %scan3A_111 = arith.constant 0 : i32
      %scan3A_112 = arith.constant 0 : i32
      %scan3A_113 = arith.constant 64 : i32
      %scan3A_114 = arith.addi %scan3A_112, %scan3A_113 : i32
      %scan3A_115 = arith.constant 1 : i32
      scf.for %scan3A_128 = %scan3A_112 to %scan3A_114 step %scan3A_115  : i32 {
        %get3A = arith.index_cast %scan3A_128 : i32 to index
        %get3A_129 = arith.constant 0 : index
        %get3A_130 = tpu.vector_load %arg14[%get3A, %get3A_129] {strides = array<i32>} : memref<64x128xf32, #tpu.memory_space<vmem>>, vector<1x16xf32>,
        %get3A_131 = vector.shape_cast %get3A_130 : vector<1x16xf32> to vector<16xf32>
        %get3A_132 = arith.index_cast %scan3A_128 : i32 to index
        %get3A_133 = arith.constant 0 : index
        %get3A_134 = tpu.vector_load %arg15[%get3A_132, %get3A_133] {strides = array<i32>} : memref<64x128xf32, #tpu.memory_space<vmem>>, vector<1x16xf32>,
        %get3A_135 = vector.shape_cast %get3A_134 : vector<1x16xf32> to vector<16xf32>
        %add3A_136 = arith.addf %get3A_131, %get3A_135 : vector<16xf32>
        %mul3A_137 = arith.constant 2.000000e-01 : f32
        %mul3A_138 = vector.broadcast %mul3A_137 : f32 to vector<16xf32>
        %mul3A_139 = arith.mulf %mul3A_138, %add3A_136 : vector<16xf32>
        %max3A = arith.maximumf %add3A_136, %mul3A_139 : vector<16xf32>
        %exp3A = math.exp %max3A : vector<16xf32>
        %swap3A = arith.index_cast %scan3A_128 : i32 to index
        %swap3A_140 = arith.constant 0 : index
        %swap3A_141 = tpu.vector_load %arg17[%swap3A, %swap3A_140] {strides = array<i32>} : memref<64x128xf32, #tpu.memory_space<vmem>>, vector<1x16xf32>,
        %swap3A_142 = vector.shape_cast %swap3A_141 : vector<1x16xf32> to vector<16xf32>
        %swap3A_143 = vector.shape_cast %exp3A : vector<16xf32> to vector<1x16xf32>
        tpu.vector_store %arg17[%swap3A, %swap3A_140], %swap3A_143 {strides = array<i32>} : memref<64x128xf32, #tpu.memory_space<vmem>>, vector<1x16xf32>,
        %mul3A_144 = arith.constant 16 : i32
        %mul3A_145 = arith.muli %scan3A_128, %mul3A_144 : i32
        %swap3A_146 = arith.index_cast %mul3A_145 : i32 to index
        %swap3A_147 = tpu.vector_load %arg18[%swap3A_146] {strides = array<i32>} : memref<1024xf32, #tpu.memory_space<vmem>>, vector<16xf32>,
        %swap3A_148 = vector.shape_cast %swap3A_147 : vector<16xf32> to vector<16xf32>
        %swap3A_149 = vector.shape_cast %exp3A : vector<16xf32> to vector<16xf32>
        tpu.vector_store %arg18[%swap3A_146], %swap3A_149 {strides = array<i32>} : memref<1024xf32, #tpu.memory_space<vmem>>, vector<16xf32>,
      }
      %scan3A_116 = arith.constant 64 : i32
      %add3A_117 = arith.constant 172032 : i32
      %add3A_118 = arith.addi %add3A_117, %mul3A_4 : i32
      %mul3A_119 = arith.constant 64 : i32
      %mul3A_120 = arith.muli %scan3A_78, %mul3A_119 : i32
      %add3A_121 = arith.addi %add3A_118, %mul3A_120 : i32
      %mul3A_122 = arith.constant 16 : i32
      %mul3A_123 = arith.muli %add3A_121, %mul3A_122 : i32
      %dma_start3A_124 = tpu.memref_slice %arg8[%mul3A_123] : memref<5505024xf32, #tpu.memory_space<hbm>> -> memref<1024xf32, #tpu.memory_space<hbm>>
      %dma_start3A_125 = tpu.memref_slice %arg8[%mul3A_123] : memref<5505024xf32, #tpu.memory_space<hbm>> -> memref<1024xf32, #tpu.memory_space<hbm>>
      tpu.enqueue_dma source(%arg18 : memref<1024xf32, #tpu.memory_space<vmem>>) target(%dma_start3A_125 : memref<1024xf32, #tpu.memory_space<hbm>>) target_semaphore(%arg21 : memref<!tpu.dma_semaphore, #tpu.memory_space<semaphore_mem>>)
      "tpu.region"() ({
        %run_scoped3A_128 = tpu.sem_alloc : memref<!tpu.dma_semaphore, #tpu.memory_space<semaphore_mem>>
        %dma_start3A_129 = arith.constant 0 : i32
        %dma_start3A_130 = arith.constant 0 : i32
        %dma_start3A_131 = tpu.memref_slice %arg11[%dma_start3A_129, %dma_start3A_130] : memref<10112x128xf32, #tpu.memory_space<vmem_shared>> -> memref<10112x128xf32, #tpu.memory_space<vmem_shared>>
        tpu.enqueue_indirect_dma source(%arg17 : memref<64x128xf32, #tpu.memory_space<vmem>>) target(%dma_start3A_131 : memref<10112x128xf32, #tpu.memory_space<vmem_shared>>) offsets(%arg13 : memref<64xi32, #tpu.memory_space<vmem>>) semaphore(%run_scoped3A_128 : memref<!tpu.dma_semaphore, #tpu.memory_space<semaphore_mem>>) {add = true}
        %dma_wait3A_132 = arith.constant 0 : i32
        %dma_wait3A_133 = arith.constant 0 : i32
        %dma_wait3A_134 = tpu.memref_slice %arg11[%dma_wait3A_132, %dma_wait3A_133] : memref<10112x128xf32, #tpu.memory_space<vmem_shared>> -> memref<10112x128xf32, #tpu.memory_space<vmem_shared>>
        tpu.wait_indirect_dma semaphore(%run_scoped3A_128 : memref<!tpu.dma_semaphore, #tpu.memory_space<semaphore_mem>>) src(%arg17 : memref<64x128xf32, #tpu.memory_space<vmem>>) dst(%dma_wait3A_134 : memref<10112x128xf32, #tpu.memory_space<vmem_shared>>)
        tpu.yield
      }) : () -> ()
      %dma_wait3A_126 = tpu.memref_slice %arg8[%mul3A_123] : memref<5505024xf32, #tpu.memory_space<hbm>> -> memref<1024xf32, #tpu.memory_space<hbm>>
      %dma_wait3A_127 = tpu.memref_slice %arg8[%mul3A_123] : memref<5505024xf32, #tpu.memory_space<hbm>> -> memref<1024xf32, #tpu.memory_space<hbm>>
      tpu.wait_dma2 semaphore(%arg21 : memref<!tpu.dma_semaphore, #tpu.memory_space<semaphore_mem>>) src(%arg18 : memref<1024xf32, #tpu.memory_space<vmem>>) dst(%dma_wait3A_127 : memref<1024xf32, #tpu.memory_space<hbm>>)
    }
    %scan3A_52 = arith.constant 84 : i32
    %barrier3A_53 = arith.constant 0 : index
    tpu.barrier barrier_id(%barrier3A_53)
    %run_scoped3A_54 = arith.constant 1 : i32
    "tpu.region"() ({
      %run_scoped3A_78 = tpu.sem_alloc : memref<!tpu.dma_semaphore, #tpu.memory_space<semaphore_mem>>
      %dma_start3A = arith.constant 0 : i32
      %dma_start3A_79 = arith.constant 0 : i32
      %dma_start3A_80 = tpu.memref_slice %arg9[%run_scoped3A_54, %arg0, %dma_start3A, %dma_start3A_79] : memref<2x2x10112x128xf32, #tpu.memory_space<hbm>> -> memref<1x1x10112x128xf32, #tpu.memory_space<hbm>>
      %dma_start3A_81 = tpu.memref_squeeze %dma_start3A_80 : memref<1x1x10112x128xf32, #tpu.memory_space<hbm>> -> memref<10112x128xf32, #tpu.memory_space<hbm>>
      %dma_start3A_82 = arith.constant 0 : i32
      %dma_start3A_83 = tpu.memref_slice %dma_start3A_81[%mul3A_2, %dma_start3A_82] : memref<10112x128xf32, #tpu.memory_space<hbm>> -> memref<632x128xf32, #tpu.memory_space<hbm>>
      %dma_start3A_84 = arith.constant 0 : i32
      %dma_start3A_85 = tpu.memref_slice %arg11[%mul3A_2, %dma_start3A_84] : memref<10112x128xf32, #tpu.memory_space<vmem_shared>> -> memref<632x128xf32, #tpu.memory_space<vmem_shared>>
      tpu.enqueue_dma source(%dma_start3A_85 : memref<632x128xf32, #tpu.memory_space<vmem_shared>>) target(%dma_start3A_83 : memref<632x128xf32, #tpu.memory_space<hbm>>) target_semaphore(%run_scoped3A_78 : memref<!tpu.dma_semaphore, #tpu.memory_space<semaphore_mem>>)
      %dma_wait3A = arith.constant 0 : i32
      %dma_wait3A_86 = arith.constant 0 : i32
      %dma_wait3A_87 = tpu.memref_slice %arg9[%run_scoped3A_54, %arg0, %dma_wait3A, %dma_wait3A_86] : memref<2x2x10112x128xf32, #tpu.memory_space<hbm>> -> memref<1x1x10112x128xf32, #tpu.memory_space<hbm>>
      %dma_wait3A_88 = tpu.memref_squeeze %dma_wait3A_87 : memref<1x1x10112x128xf32, #tpu.memory_space<hbm>> -> memref<10112x128xf32, #tpu.memory_space<hbm>>
      %dma_wait3A_89 = arith.constant 0 : i32
      %dma_wait3A_90 = tpu.memref_slice %dma_wait3A_88[%mul3A_2, %dma_wait3A_89] : memref<10112x128xf32, #tpu.memory_space<hbm>> -> memref<632x128xf32, #tpu.memory_space<hbm>>
      %dma_wait3A_91 = arith.constant 0 : i32
      %dma_wait3A_92 = tpu.memref_slice %arg11[%mul3A_2, %dma_wait3A_91] : memref<10112x128xf32, #tpu.memory_space<vmem_shared>> -> memref<632x128xf32, #tpu.memory_space<vmem_shared>>
      tpu.wait_dma2 semaphore(%run_scoped3A_78 : memref<!tpu.dma_semaphore, #tpu.memory_space<semaphore_mem>>) src(%dma_wait3A_92 : memref<632x128xf32, #tpu.memory_space<vmem_shared>>) dst(%dma_wait3A_90 : memref<632x128xf32, #tpu.memory_space<hbm>>)
      tpu.yield
    }) : () -> ()
    %barrier3A_55 = arith.constant 0 : index
    tpu.barrier barrier_id(%barrier3A_55)
    "tpu.region"() ({
      %run_scoped3A_78 = tpu.sem_alloc : memref<!tpu.dma_semaphore, #tpu.memory_space<semaphore_mem>>
      %dma_start3A = arith.constant 0 : i32
      %dma_start3A_79 = tpu.memref_slice %arg11[%mul3A_2, %dma_start3A] : memref<10112x128xf32, #tpu.memory_space<vmem_shared>> -> memref<632x128xf32, #tpu.memory_space<vmem_shared>>
      %dma_start3A_80 = arith.constant 0 : i32
      %dma_start3A_81 = tpu.memref_slice %arg7[%mul3A_2, %dma_start3A_80] : memref<10112x128xf32, #tpu.memory_space<hbm>> -> memref<632x128xf32, #tpu.memory_space<hbm>>
      tpu.enqueue_dma source(%dma_start3A_81 : memref<632x128xf32, #tpu.memory_space<hbm>>) target(%dma_start3A_79 : memref<632x128xf32, #tpu.memory_space<vmem_shared>>) target_semaphore(%run_scoped3A_78 : memref<!tpu.dma_semaphore, #tpu.memory_space<semaphore_mem>>)
      %dma_wait3A = arith.constant 0 : i32
      %dma_wait3A_82 = tpu.memref_slice %arg11[%mul3A_2, %dma_wait3A] : memref<10112x128xf32, #tpu.memory_space<vmem_shared>> -> memref<632x128xf32, #tpu.memory_space<vmem_shared>>
      %dma_wait3A_83 = arith.constant 0 : i32
      %dma_wait3A_84 = tpu.memref_slice %arg7[%mul3A_2, %dma_wait3A_83] : memref<10112x128xf32, #tpu.memory_space<hbm>> -> memref<632x128xf32, #tpu.memory_space<hbm>>
      tpu.wait_dma2 semaphore(%run_scoped3A_78 : memref<!tpu.dma_semaphore, #tpu.memory_space<semaphore_mem>>) src(%dma_wait3A_84 : memref<632x128xf32, #tpu.memory_space<hbm>>) dst(%dma_wait3A_82 : memref<632x128xf32, #tpu.memory_space<vmem_shared>>)
      tpu.yield
    }) : () -> ()
    %barrier3A_56 = arith.constant 0 : index
    tpu.barrier barrier_id(%barrier3A_56)
    %scan3A_57 = arith.constant 0 : i32
    %scan3A_58 = arith.constant 0 : i32
    %scan3A_59 = arith.constant 84 : i32
    %scan3A_60 = arith.addi %scan3A_58, %scan3A_59 : i32
    %scan3A_61 = arith.constant 1 : i32
    scf.for %scan3A_78 = %scan3A_58 to %scan3A_60 step %scan3A_61  : i32 {
      %run_scoped3A_79 = arith.constant 1 : i32
      "tpu.region"() ({
        %run_scoped3A_114 = tpu.sem_alloc : memref<!tpu.dma_semaphore, #tpu.memory_space<semaphore_mem>>
        %dma_start3A_115 = arith.constant 0 : i32
        %dma_start3A_116 = tpu.memref_slice %arg3[%run_scoped3A_79, %add3A, %scan3A_78, %dma_start3A_115] : memref<2x32x84x64xi32, #tpu.memory_space<hbm>> -> memref<1x1x1x64xi32, #tpu.memory_space<hbm>>
        %dma_start3A_117 = tpu.memref_squeeze %dma_start3A_116 : memref<1x1x1x64xi32, #tpu.memory_space<hbm>> -> memref<64xi32, #tpu.memory_space<hbm>>
        %dma_start3A_118 = arith.constant 0 : i32
        %dma_start3A_119 = tpu.memref_slice %arg3[%run_scoped3A_79, %add3A, %scan3A_78, %dma_start3A_118] : memref<2x32x84x64xi32, #tpu.memory_space<hbm>> -> memref<1x1x1x64xi32, #tpu.memory_space<hbm>>
        %dma_start3A_120 = tpu.memref_squeeze %dma_start3A_119 : memref<1x1x1x64xi32, #tpu.memory_space<hbm>> -> memref<64xi32, #tpu.memory_space<hbm>>
        tpu.enqueue_dma source(%dma_start3A_120 : memref<64xi32, #tpu.memory_space<hbm>>) target(%arg13 : memref<64xi32, #tpu.memory_space<vmem>>) target_semaphore(%run_scoped3A_114 : memref<!tpu.dma_semaphore, #tpu.memory_space<semaphore_mem>>)
        %dma_wait3A_121 = arith.constant 0 : i32
        %dma_wait3A_122 = tpu.memref_slice %arg3[%run_scoped3A_79, %add3A, %scan3A_78, %dma_wait3A_121] : memref<2x32x84x64xi32, #tpu.memory_space<hbm>> -> memref<1x1x1x64xi32, #tpu.memory_space<hbm>>
        %dma_wait3A_123 = tpu.memref_squeeze %dma_wait3A_122 : memref<1x1x1x64xi32, #tpu.memory_space<hbm>> -> memref<64xi32, #tpu.memory_space<hbm>>
        %dma_wait3A_124 = arith.constant 0 : i32
        %dma_wait3A_125 = tpu.memref_slice %arg3[%run_scoped3A_79, %add3A, %scan3A_78, %dma_wait3A_124] : memref<2x32x84x64xi32, #tpu.memory_space<hbm>> -> memref<1x1x1x64xi32, #tpu.memory_space<hbm>>
        %dma_wait3A_126 = tpu.memref_squeeze %dma_wait3A_125 : memref<1x1x1x64xi32, #tpu.memory_space<hbm>> -> memref<64xi32, #tpu.memory_space<hbm>>
        tpu.wait_dma2 semaphore(%run_scoped3A_114 : memref<!tpu.dma_semaphore, #tpu.memory_space<semaphore_mem>>) src(%dma_wait3A_126 : memref<64xi32, #tpu.memory_space<hbm>>) dst(%arg13 : memref<64xi32, #tpu.memory_space<vmem>>)
        tpu.yield
      }) : () -> ()
      %run_scoped3A_80 = arith.constant 1 : i32
      "tpu.region"() ({
        %run_scoped3A_114 = tpu.sem_alloc : memref<!tpu.dma_semaphore, #tpu.memory_space<semaphore_mem>>
        %dma_start3A_115 = arith.constant 0 : i32
        %dma_start3A_116 = tpu.memref_slice %arg2[%run_scoped3A_80, %add3A, %scan3A_78, %dma_start3A_115] : memref<2x32x84x64xi32, #tpu.memory_space<hbm>> -> memref<1x1x1x64xi32, #tpu.memory_space<hbm>>
        %dma_start3A_117 = tpu.memref_squeeze %dma_start3A_116 : memref<1x1x1x64xi32, #tpu.memory_space<hbm>> -> memref<64xi32, #tpu.memory_space<hbm>>
        %dma_start3A_118 = arith.constant 0 : i32
        %dma_start3A_119 = tpu.memref_slice %arg2[%run_scoped3A_80, %add3A, %scan3A_78, %dma_start3A_118] : memref<2x32x84x64xi32, #tpu.memory_space<hbm>> -> memref<1x1x1x64xi32, #tpu.memory_space<hbm>>
        %dma_start3A_120 = tpu.memref_squeeze %dma_start3A_119 : memref<1x1x1x64xi32, #tpu.memory_space<hbm>> -> memref<64xi32, #tpu.memory_space<hbm>>
        tpu.enqueue_dma source(%dma_start3A_120 : memref<64xi32, #tpu.memory_space<hbm>>) target(%arg12 : memref<64xi32, #tpu.memory_space<vmem>>) target_semaphore(%run_scoped3A_114 : memref<!tpu.dma_semaphore, #tpu.memory_space<semaphore_mem>>)
        %dma_wait3A_121 = arith.constant 0 : i32
        %dma_wait3A_122 = tpu.memref_slice %arg2[%run_scoped3A_80, %add3A, %scan3A_78, %dma_wait3A_121] : memref<2x32x84x64xi32, #tpu.memory_space<hbm>> -> memref<1x1x1x64xi32, #tpu.memory_space<hbm>>
        %dma_wait3A_123 = tpu.memref_squeeze %dma_wait3A_122 : memref<1x1x1x64xi32, #tpu.memory_space<hbm>> -> memref<64xi32, #tpu.memory_space<hbm>>
        %dma_wait3A_124 = arith.constant 0 : i32
        %dma_wait3A_125 = tpu.memref_slice %arg2[%run_scoped3A_80, %add3A, %scan3A_78, %dma_wait3A_124] : memref<2x32x84x64xi32, #tpu.memory_space<hbm>> -> memref<1x1x1x64xi32, #tpu.memory_space<hbm>>
        %dma_wait3A_126 = tpu.memref_squeeze %dma_wait3A_125 : memref<1x1x1x64xi32, #tpu.memory_space<hbm>> -> memref<64xi32, #tpu.memory_space<hbm>>
        tpu.wait_dma2 semaphore(%run_scoped3A_114 : memref<!tpu.dma_semaphore, #tpu.memory_space<semaphore_mem>>) src(%dma_wait3A_126 : memref<64xi32, #tpu.memory_space<hbm>>) dst(%arg12 : memref<64xi32, #tpu.memory_space<vmem>>)
        tpu.yield
      }) : () -> ()
      %add3A_81 = arith.constant 172032 : i32
      %add3A_82 = arith.addi %add3A_81, %mul3A_4 : i32
      %mul3A_83 = arith.constant 64 : i32
      %mul3A_84 = arith.muli %scan3A_78, %mul3A_83 : i32
      %add3A_85 = arith.addi %add3A_82, %mul3A_84 : i32
      %mul3A_86 = arith.constant 16 : i32
      %mul3A_87 = arith.muli %add3A_85, %mul3A_86 : i32
      %dma_start3A = tpu.memref_slice %arg8[%mul3A_87] : memref<5505024xf32, #tpu.memory_space<hbm>> -> memref<1024xf32, #tpu.memory_space<hbm>>
      %dma_start3A_88 = tpu.memref_slice %arg8[%mul3A_87] : memref<5505024xf32, #tpu.memory_space<hbm>> -> memref<1024xf32, #tpu.memory_space<hbm>>
      tpu.enqueue_dma source(%dma_start3A_88 : memref<1024xf32, #tpu.memory_space<hbm>>) target(%arg18 : memref<1024xf32, #tpu.memory_space<vmem>>) target_semaphore(%arg19 : memref<!tpu.dma_semaphore, #tpu.memory_space<semaphore_mem>>)
      %dma_start3A_89 = arith.constant 1 : i32
      %dma_start3A_90 = arith.constant 0 : i32
      %dma_start3A_91 = arith.constant 0 : i32
      %dma_start3A_92 = arith.constant 0 : i32
      %dma_start3A_93 = tpu.memref_slice %arg6[%dma_start3A_89, %dma_start3A_90, %dma_start3A_91, %dma_start3A_92] : memref<2x2x10000x128xf32, #tpu.memory_space<hbm>> -> memref<1x1x10000x128xf32, #tpu.memory_space<hbm>>
      %dma_start3A_94 = tpu.memref_squeeze %dma_start3A_93 : memref<1x1x10000x128xf32, #tpu.memory_space<hbm>> -> memref<10000x128xf32, #tpu.memory_space<hbm>>
      %dma_start3A_95 = arith.constant 0 : i32
      %dma_start3A_96 = arith.constant 0 : i32
      %dma_start3A_97 = tpu.memref_slice %dma_start3A_94[%dma_start3A_95, %dma_start3A_96] : memref<10000x128xf32, #tpu.memory_space<hbm>> -> memref<10000x128xf32, #tpu.memory_space<hbm>>
      tpu.enqueue_indirect_dma source(%dma_start3A_97 : memref<10000x128xf32, #tpu.memory_space<hbm>>) target(%arg16 : memref<64x128xf32, #tpu.memory_space<vmem>>) offsets(%arg12 : memref<64xi32, #tpu.memory_space<vmem>>) semaphore(%arg20 : memref<!tpu.dma_semaphore, #tpu.memory_space<semaphore_mem>>)
      %dma_wait3A = tpu.memref_slice %arg8[%mul3A_87] : memref<5505024xf32, #tpu.memory_space<hbm>> -> memref<1024xf32, #tpu.memory_space<hbm>>
      %dma_wait3A_98 = tpu.memref_slice %arg8[%mul3A_87] : memref<5505024xf32, #tpu.memory_space<hbm>> -> memref<1024xf32, #tpu.memory_space<hbm>>
      tpu.wait_dma2 semaphore(%arg19 : memref<!tpu.dma_semaphore, #tpu.memory_space<semaphore_mem>>) src(%dma_wait3A_98 : memref<1024xf32, #tpu.memory_space<hbm>>) dst(%arg18 : memref<1024xf32, #tpu.memory_space<vmem>>)
      %dma_wait3A_99 = arith.constant 1 : i32
      %dma_wait3A_100 = arith.constant 0 : i32
      %dma_wait3A_101 = arith.constant 0 : i32
      %dma_wait3A_102 = arith.constant 0 : i32
      %dma_wait3A_103 = tpu.memref_slice %arg6[%dma_wait3A_99, %dma_wait3A_100, %dma_wait3A_101, %dma_wait3A_102] : memref<2x2x10000x128xf32, #tpu.memory_space<hbm>> -> memref<1x1x10000x128xf32, #tpu.memory_space<hbm>>
      %dma_wait3A_104 = tpu.memref_squeeze %dma_wait3A_103 : memref<1x1x10000x128xf32, #tpu.memory_space<hbm>> -> memref<10000x128xf32, #tpu.memory_space<hbm>>
      %dma_wait3A_105 = arith.constant 0 : i32
      %dma_wait3A_106 = arith.constant 0 : i32
      %dma_wait3A_107 = tpu.memref_slice %dma_wait3A_104[%dma_wait3A_105, %dma_wait3A_106] : memref<10000x128xf32, #tpu.memory_space<hbm>> -> memref<10000x128xf32, #tpu.memory_space<hbm>>
      tpu.wait_indirect_dma semaphore(%arg20 : memref<!tpu.dma_semaphore, #tpu.memory_space<semaphore_mem>>) src(%dma_wait3A_107 : memref<10000x128xf32, #tpu.memory_space<hbm>>) dst(%arg16 : memref<64x128xf32, #tpu.memory_space<vmem>>)
      %scan3A_108 = arith.constant 0 : i32
      %scan3A_109 = arith.constant 0 : i32
      %scan3A_110 = arith.constant 64 : i32
      %scan3A_111 = arith.addi %scan3A_109, %scan3A_110 : i32
      %scan3A_112 = arith.constant 1 : i32
      scf.for %scan3A_114 = %scan3A_109 to %scan3A_111 step %scan3A_112  : i32 {
        %mul3A_115 = arith.constant 16 : i32
        %mul3A_116 = arith.muli %scan3A_114, %mul3A_115 : i32
        %get3A = arith.index_cast %mul3A_116 : i32 to index
        %get3A_117 = tpu.vector_load %arg18[%get3A] {strides = array<i32>} : memref<1024xf32, #tpu.memory_space<vmem>>, vector<16xf32>,
        %get3A_118 = vector.shape_cast %get3A_117 : vector<16xf32> to vector<16xf32>
        %broadcast_in_dim3A = arith.constant 0 : i32
        %broadcast_in_dim3A_119 = vector.broadcast %broadcast_in_dim3A : i32 to vector<16x1xi32>
        %gather3A = vector.shape_cast %broadcast_in_dim3A_119 : vector<16x1xi32> to vector<16xi32>
        %gather3A_120 = tpu.dynamic_gather %get3A_118[%gather3A] in [0] : vector<16xf32>, vector<16xi32> -> vector<16xf32>
        %get3A_121 = arith.index_cast %scan3A_114 : i32 to index
        %get3A_122 = arith.constant 0 : index
        %get3A_123 = tpu.vector_load %arg16[%get3A_121, %get3A_122] {strides = array<i32>} : memref<64x128xf32, #tpu.memory_space<vmem>>, vector<1x16xf32>,
        %get3A_124 = vector.shape_cast %get3A_123 : vector<1x16xf32> to vector<16xf32>
        %mul3A_125 = arith.mulf %get3A_124, %gather3A_120 : vector<16xf32>
        %swap3A = arith.index_cast %scan3A_114 : i32 to index
        %swap3A_126 = arith.constant 0 : index
        %swap3A_127 = tpu.vector_load %arg17[%swap3A, %swap3A_126] {strides = array<i32>} : memref<64x128xf32, #tpu.memory_space<vmem>>, vector<1x16xf32>,
        %swap3A_128 = vector.shape_cast %swap3A_127 : vector<1x16xf32> to vector<16xf32>
        %swap3A_129 = vector.shape_cast %mul3A_125 : vector<16xf32> to vector<1x16xf32>
        tpu.vector_store %arg17[%swap3A, %swap3A_126], %swap3A_129 {strides = array<i32>} : memref<64x128xf32, #tpu.memory_space<vmem>>, vector<1x16xf32>,
        %broadcast_in_dim3A_130 = arith.constant 1 : i32
        %broadcast_in_dim3A_131 = vector.broadcast %broadcast_in_dim3A_130 : i32 to vector<16x1xi32>
        %gather3A_132 = vector.shape_cast %broadcast_in_dim3A_131 : vector<16x1xi32> to vector<16xi32>
        %gather3A_133 = tpu.dynamic_gather %get3A_118[%gather3A_132] in [0] : vector<16xf32>, vector<16xi32> -> vector<16xf32>
        %get3A_134 = arith.index_cast %scan3A_114 : i32 to index
        %get3A_135 = arith.constant 16 : index
        %get3A_136 = tpu.vector_load %arg16[%get3A_134, %get3A_135] {strides = array<i32>} : memref<64x128xf32, #tpu.memory_space<vmem>>, vector<1x16xf32>,
        %get3A_137 = vector.shape_cast %get3A_136 : vector<1x16xf32> to vector<16xf32>
        %mul3A_138 = arith.mulf %get3A_137, %gather3A_133 : vector<16xf32>
        %swap3A_139 = arith.index_cast %scan3A_114 : i32 to index
        %swap3A_140 = arith.constant 16 : index
        %swap3A_141 = tpu.vector_load %arg17[%swap3A_139, %swap3A_140] {strides = array<i32>} : memref<64x128xf32, #tpu.memory_space<vmem>>, vector<1x16xf32>,
        %swap3A_142 = vector.shape_cast %swap3A_141 : vector<1x16xf32> to vector<16xf32>
        %swap3A_143 = vector.shape_cast %mul3A_138 : vector<16xf32> to vector<1x16xf32>
        tpu.vector_store %arg17[%swap3A_139, %swap3A_140], %swap3A_143 {strides = array<i32>} : memref<64x128xf32, #tpu.memory_space<vmem>>, vector<1x16xf32>,
        %broadcast_in_dim3A_144 = arith.constant 2 : i32
        %broadcast_in_dim3A_145 = vector.broadcast %broadcast_in_dim3A_144 : i32 to vector<16x1xi32>
        %gather3A_146 = vector.shape_cast %broadcast_in_dim3A_145 : vector<16x1xi32> to vector<16xi32>
        %gather3A_147 = tpu.dynamic_gather %get3A_118[%gather3A_146] in [0] : vector<16xf32>, vector<16xi32> -> vector<16xf32>
        %get3A_148 = arith.index_cast %scan3A_114 : i32 to index
        %get3A_149 = arith.constant 32 : index
        %get3A_150 = tpu.vector_load %arg16[%get3A_148, %get3A_149] {strides = array<i32>} : memref<64x128xf32, #tpu.memory_space<vmem>>, vector<1x16xf32>,
        %get3A_151 = vector.shape_cast %get3A_150 : vector<1x16xf32> to vector<16xf32>
        %mul3A_152 = arith.mulf %get3A_151, %gather3A_147 : vector<16xf32>
        %swap3A_153 = arith.index_cast %scan3A_114 : i32 to index
        %swap3A_154 = arith.constant 32 : index
        %swap3A_155 = tpu.vector_load %arg17[%swap3A_153, %swap3A_154] {strides = array<i32>} : memref<64x128xf32, #tpu.memory_space<vmem>>, vector<1x16xf32>,
        %swap3A_156 = vector.shape_cast %swap3A_155 : vector<1x16xf32> to vector<16xf32>
        %swap3A_157 = vector.shape_cast %mul3A_152 : vector<16xf32> to vector<1x16xf32>
        tpu.vector_store %arg17[%swap3A_153, %swap3A_154], %swap3A_157 {strides = array<i32>} : memref<64x128xf32, #tpu.memory_space<vmem>>, vector<1x16xf32>,
        %broadcast_in_dim3A_158 = arith.constant 3 : i32
        %broadcast_in_dim3A_159 = vector.broadcast %broadcast_in_dim3A_158 : i32 to vector<16x1xi32>
        %gather3A_160 = vector.shape_cast %broadcast_in_dim3A_159 : vector<16x1xi32> to vector<16xi32>
        %gather3A_161 = tpu.dynamic_gather %get3A_118[%gather3A_160] in [0] : vector<16xf32>, vector<16xi32> -> vector<16xf32>
        %get3A_162 = arith.index_cast %scan3A_114 : i32 to index
        %get3A_163 = arith.constant 48 : index
        %get3A_164 = tpu.vector_load %arg16[%get3A_162, %get3A_163] {strides = array<i32>} : memref<64x128xf32, #tpu.memory_space<vmem>>, vector<1x16xf32>,
        %get3A_165 = vector.shape_cast %get3A_164 : vector<1x16xf32> to vector<16xf32>
        %mul3A_166 = arith.mulf %get3A_165, %gather3A_161 : vector<16xf32>
        %swap3A_167 = arith.index_cast %scan3A_114 : i32 to index
        %swap3A_168 = arith.constant 48 : index
        %swap3A_169 = tpu.vector_load %arg17[%swap3A_167, %swap3A_168] {strides = array<i32>} : memref<64x128xf32, #tpu.memory_space<vmem>>, vector<1x16xf32>,
        %swap3A_170 = vector.shape_cast %swap3A_169 : vector<1x16xf32> to vector<16xf32>
        %swap3A_171 = vector.shape_cast %mul3A_166 : vector<16xf32> to vector<1x16xf32>
        tpu.vector_store %arg17[%swap3A_167, %swap3A_168], %swap3A_171 {strides = array<i32>} : memref<64x128xf32, #tpu.memory_space<vmem>>, vector<1x16xf32>,
        %broadcast_in_dim3A_172 = arith.constant 4 : i32
        %broadcast_in_dim3A_173 = vector.broadcast %broadcast_in_dim3A_172 : i32 to vector<16x1xi32>
        %gather3A_174 = vector.shape_cast %broadcast_in_dim3A_173 : vector<16x1xi32> to vector<16xi32>
        %gather3A_175 = tpu.dynamic_gather %get3A_118[%gather3A_174] in [0] : vector<16xf32>, vector<16xi32> -> vector<16xf32>
        %get3A_176 = arith.index_cast %scan3A_114 : i32 to index
        %get3A_177 = arith.constant 64 : index
        %get3A_178 = tpu.vector_load %arg16[%get3A_176, %get3A_177] {strides = array<i32>} : memref<64x128xf32, #tpu.memory_space<vmem>>, vector<1x16xf32>,
        %get3A_179 = vector.shape_cast %get3A_178 : vector<1x16xf32> to vector<16xf32>
        %mul3A_180 = arith.mulf %get3A_179, %gather3A_175 : vector<16xf32>
        %swap3A_181 = arith.index_cast %scan3A_114 : i32 to index
        %swap3A_182 = arith.constant 64 : index
        %swap3A_183 = tpu.vector_load %arg17[%swap3A_181, %swap3A_182] {strides = array<i32>} : memref<64x128xf32, #tpu.memory_space<vmem>>, vector<1x16xf32>,
        %swap3A_184 = vector.shape_cast %swap3A_183 : vector<1x16xf32> to vector<16xf32>
        %swap3A_185 = vector.shape_cast %mul3A_180 : vector<16xf32> to vector<1x16xf32>
        tpu.vector_store %arg17[%swap3A_181, %swap3A_182], %swap3A_185 {strides = array<i32>} : memref<64x128xf32, #tpu.memory_space<vmem>>, vector<1x16xf32>,
        %broadcast_in_dim3A_186 = arith.constant 5 : i32
        %broadcast_in_dim3A_187 = vector.broadcast %broadcast_in_dim3A_186 : i32 to vector<16x1xi32>
        %gather3A_188 = vector.shape_cast %broadcast_in_dim3A_187 : vector<16x1xi32> to vector<16xi32>
        %gather3A_189 = tpu.dynamic_gather %get3A_118[%gather3A_188] in [0] : vector<16xf32>, vector<16xi32> -> vector<16xf32>
        %get3A_190 = arith.index_cast %scan3A_114 : i32 to index
        %get3A_191 = arith.constant 80 : index
        %get3A_192 = tpu.vector_load %arg16[%get3A_190, %get3A_191] {strides = array<i32>} : memref<64x128xf32, #tpu.memory_space<vmem>>, vector<1x16xf32>,
        %get3A_193 = vector.shape_cast %get3A_192 : vector<1x16xf32> to vector<16xf32>
        %mul3A_194 = arith.mulf %get3A_193, %gather3A_189 : vector<16xf32>
        %swap3A_195 = arith.index_cast %scan3A_114 : i32 to index
        %swap3A_196 = arith.constant 80 : index
        %swap3A_197 = tpu.vector_load %arg17[%swap3A_195, %swap3A_196] {strides = array<i32>} : memref<64x128xf32, #tpu.memory_space<vmem>>, vector<1x16xf32>,
        %swap3A_198 = vector.shape_cast %swap3A_197 : vector<1x16xf32> to vector<16xf32>
        %swap3A_199 = vector.shape_cast %mul3A_194 : vector<16xf32> to vector<1x16xf32>
        tpu.vector_store %arg17[%swap3A_195, %swap3A_196], %swap3A_199 {strides = array<i32>} : memref<64x128xf32, #tpu.memory_space<vmem>>, vector<1x16xf32>,
        %broadcast_in_dim3A_200 = arith.constant 6 : i32
        %broadcast_in_dim3A_201 = vector.broadcast %broadcast_in_dim3A_200 : i32 to vector<16x1xi32>
        %gather3A_202 = vector.shape_cast %broadcast_in_dim3A_201 : vector<16x1xi32> to vector<16xi32>
        %gather3A_203 = tpu.dynamic_gather %get3A_118[%gather3A_202] in [0] : vector<16xf32>, vector<16xi32> -> vector<16xf32>
        %get3A_204 = arith.index_cast %scan3A_114 : i32 to index
        %get3A_205 = arith.constant 96 : index
        %get3A_206 = tpu.vector_load %arg16[%get3A_204, %get3A_205] {strides = array<i32>} : memref<64x128xf32, #tpu.memory_space<vmem>>, vector<1x16xf32>,
        %get3A_207 = vector.shape_cast %get3A_206 : vector<1x16xf32> to vector<16xf32>
        %mul3A_208 = arith.mulf %get3A_207, %gather3A_203 : vector<16xf32>
        %swap3A_209 = arith.index_cast %scan3A_114 : i32 to index
        %swap3A_210 = arith.constant 96 : index
        %swap3A_211 = tpu.vector_load %arg17[%swap3A_209, %swap3A_210] {strides = array<i32>} : memref<64x128xf32, #tpu.memory_space<vmem>>, vector<1x16xf32>,
        %swap3A_212 = vector.shape_cast %swap3A_211 : vector<1x16xf32> to vector<16xf32>
        %swap3A_213 = vector.shape_cast %mul3A_208 : vector<16xf32> to vector<1x16xf32>
        tpu.vector_store %arg17[%swap3A_209, %swap3A_210], %swap3A_213 {strides = array<i32>} : memref<64x128xf32, #tpu.memory_space<vmem>>, vector<1x16xf32>,
        %broadcast_in_dim3A_214 = arith.constant 7 : i32
        %broadcast_in_dim3A_215 = vector.broadcast %broadcast_in_dim3A_214 : i32 to vector<16x1xi32>
        %gather3A_216 = vector.shape_cast %broadcast_in_dim3A_215 : vector<16x1xi32> to vector<16xi32>
        %gather3A_217 = tpu.dynamic_gather %get3A_118[%gather3A_216] in [0] : vector<16xf32>, vector<16xi32> -> vector<16xf32>
        %get3A_218 = arith.index_cast %scan3A_114 : i32 to index
        %get3A_219 = arith.constant 112 : index
        %get3A_220 = tpu.vector_load %arg16[%get3A_218, %get3A_219] {strides = array<i32>} : memref<64x128xf32, #tpu.memory_space<vmem>>, vector<1x16xf32>,
        %get3A_221 = vector.shape_cast %get3A_220 : vector<1x16xf32> to vector<16xf32>
        %mul3A_222 = arith.mulf %get3A_221, %gather3A_217 : vector<16xf32>
        %swap3A_223 = arith.index_cast %scan3A_114 : i32 to index
        %swap3A_224 = arith.constant 112 : index
        %swap3A_225 = tpu.vector_load %arg17[%swap3A_223, %swap3A_224] {strides = array<i32>} : memref<64x128xf32, #tpu.memory_space<vmem>>, vector<1x16xf32>,
        %swap3A_226 = vector.shape_cast %swap3A_225 : vector<1x16xf32> to vector<16xf32>
        %swap3A_227 = vector.shape_cast %mul3A_222 : vector<16xf32> to vector<1x16xf32>
        tpu.vector_store %arg17[%swap3A_223, %swap3A_224], %swap3A_227 {strides = array<i32>} : memref<64x128xf32, #tpu.memory_space<vmem>>, vector<1x16xf32>,
      }
      %scan3A_113 = arith.constant 64 : i32
      "tpu.region"() ({
        %run_scoped3A_114 = tpu.sem_alloc : memref<!tpu.dma_semaphore, #tpu.memory_space<semaphore_mem>>
        %dma_start3A_115 = arith.constant 0 : i32
        %dma_start3A_116 = arith.constant 0 : i32
        %dma_start3A_117 = tpu.memref_slice %arg11[%dma_start3A_115, %dma_start3A_116] : memref<10112x128xf32, #tpu.memory_space<vmem_shared>> -> memref<10112x128xf32, #tpu.memory_space<vmem_shared>>
        tpu.enqueue_indirect_dma source(%arg17 : memref<64x128xf32, #tpu.memory_space<vmem>>) target(%dma_start3A_117 : memref<10112x128xf32, #tpu.memory_space<vmem_shared>>) offsets(%arg13 : memref<64xi32, #tpu.memory_space<vmem>>) semaphore(%run_scoped3A_114 : memref<!tpu.dma_semaphore, #tpu.memory_space<semaphore_mem>>) {add = true}
        %dma_wait3A_118 = arith.constant 0 : i32
        %dma_wait3A_119 = arith.constant 0 : i32
        %dma_wait3A_120 = tpu.memref_slice %arg11[%dma_wait3A_118, %dma_wait3A_119] : memref<10112x128xf32, #tpu.memory_space<vmem_shared>> -> memref<10112x128xf32, #tpu.memory_space<vmem_shared>>
        tpu.wait_indirect_dma semaphore(%run_scoped3A_114 : memref<!tpu.dma_semaphore, #tpu.memory_space<semaphore_mem>>) src(%arg17 : memref<64x128xf32, #tpu.memory_space<vmem>>) dst(%dma_wait3A_120 : memref<10112x128xf32, #tpu.memory_space<vmem_shared>>)
        tpu.yield
      }) : () -> ()
    }
    %scan3A_62 = arith.constant 84 : i32
    %barrier3A_63 = arith.constant 0 : index
    tpu.barrier barrier_id(%barrier3A_63)
    %run_scoped3A_64 = arith.constant 1 : i32
    %run_scoped3A_65 = arith.constant 0 : i32
    "tpu.region"() ({
      %run_scoped3A_78 = tpu.sem_alloc : memref<!tpu.dma_semaphore, #tpu.memory_space<semaphore_mem>>
      %dma_start3A = arith.constant 0 : i32
      %dma_start3A_79 = arith.constant 0 : i32
      %dma_start3A_80 = tpu.memref_slice %arg10[%run_scoped3A_64, %run_scoped3A_65, %arg0, %dma_start3A, %dma_start3A_79] : memref<2x2x2x10112x128xf32, #tpu.memory_space<hbm>> -> memref<1x1x1x10112x128xf32, #tpu.memory_space<hbm>>
      %dma_start3A_81 = tpu.memref_squeeze %dma_start3A_80 : memref<1x1x1x10112x128xf32, #tpu.memory_space<hbm>> -> memref<10112x128xf32, #tpu.memory_space<hbm>>
      %dma_start3A_82 = arith.constant 0 : i32
      %dma_start3A_83 = tpu.memref_slice %dma_start3A_81[%mul3A_2, %dma_start3A_82] : memref<10112x128xf32, #tpu.memory_space<hbm>> -> memref<632x128xf32, #tpu.memory_space<hbm>>
      %dma_start3A_84 = arith.constant 0 : i32
      %dma_start3A_85 = tpu.memref_slice %arg11[%mul3A_2, %dma_start3A_84] : memref<10112x128xf32, #tpu.memory_space<vmem_shared>> -> memref<632x128xf32, #tpu.memory_space<vmem_shared>>
      tpu.enqueue_dma source(%dma_start3A_85 : memref<632x128xf32, #tpu.memory_space<vmem_shared>>) target(%dma_start3A_83 : memref<632x128xf32, #tpu.memory_space<hbm>>) target_semaphore(%run_scoped3A_78 : memref<!tpu.dma_semaphore, #tpu.memory_space<semaphore_mem>>)
      %dma_wait3A = arith.constant 0 : i32
      %dma_wait3A_86 = arith.constant 0 : i32
      %dma_wait3A_87 = tpu.memref_slice %arg10[%run_scoped3A_64, %run_scoped3A_65, %arg0, %dma_wait3A, %dma_wait3A_86] : memref<2x2x2x10112x128xf32, #tpu.memory_space<hbm>> -> memref<1x1x1x10112x128xf32, #tpu.memory_space<hbm>>
      %dma_wait3A_88 = tpu.memref_squeeze %dma_wait3A_87 : memref<1x1x1x10112x128xf32, #tpu.memory_space<hbm>> -> memref<10112x128xf32, #tpu.memory_space<hbm>>
      %dma_wait3A_89 = arith.constant 0 : i32
      %dma_wait3A_90 = tpu.memref_slice %dma_wait3A_88[%mul3A_2, %dma_wait3A_89] : memref<10112x128xf32, #tpu.memory_space<hbm>> -> memref<632x128xf32, #tpu.memory_space<hbm>>
      %dma_wait3A_91 = arith.constant 0 : i32
      %dma_wait3A_92 = tpu.memref_slice %arg11[%mul3A_2, %dma_wait3A_91] : memref<10112x128xf32, #tpu.memory_space<vmem_shared>> -> memref<632x128xf32, #tpu.memory_space<vmem_shared>>
      tpu.wait_dma2 semaphore(%run_scoped3A_78 : memref<!tpu.dma_semaphore, #tpu.memory_space<semaphore_mem>>) src(%dma_wait3A_92 : memref<632x128xf32, #tpu.memory_space<vmem_shared>>) dst(%dma_wait3A_90 : memref<632x128xf32, #tpu.memory_space<hbm>>)
      tpu.yield
    }) : () -> ()
    %barrier3A_66 = arith.constant 0 : index
    tpu.barrier barrier_id(%barrier3A_66)
    "tpu.region"() ({
      %run_scoped3A_78 = tpu.sem_alloc : memref<!tpu.dma_semaphore, #tpu.memory_space<semaphore_mem>>
      %dma_start3A = arith.constant 0 : i32
      %dma_start3A_79 = tpu.memref_slice %arg11[%mul3A_2, %dma_start3A] : memref<10112x128xf32, #tpu.memory_space<vmem_shared>> -> memref<632x128xf32, #tpu.memory_space<vmem_shared>>
      %dma_start3A_80 = arith.constant 0 : i32
      %dma_start3A_81 = tpu.memref_slice %arg7[%mul3A_2, %dma_start3A_80] : memref<10112x128xf32, #tpu.memory_space<hbm>> -> memref<632x128xf32, #tpu.memory_space<hbm>>
      tpu.enqueue_dma source(%dma_start3A_81 : memref<632x128xf32, #tpu.memory_space<hbm>>) target(%dma_start3A_79 : memref<632x128xf32, #tpu.memory_space<vmem_shared>>) target_semaphore(%run_scoped3A_78 : memref<!tpu.dma_semaphore, #tpu.memory_space<semaphore_mem>>)
      %dma_wait3A = arith.constant 0 : i32
      %dma_wait3A_82 = tpu.memref_slice %arg11[%mul3A_2, %dma_wait3A] : memref<10112x128xf32, #tpu.memory_space<vmem_shared>> -> memref<632x128xf32, #tpu.memory_space<vmem_shared>>
      %dma_wait3A_83 = arith.constant 0 : i32
      %dma_wait3A_84 = tpu.memref_slice %arg7[%mul3A_2, %dma_wait3A_83] : memref<10112x128xf32, #tpu.memory_space<hbm>> -> memref<632x128xf32, #tpu.memory_space<hbm>>
      tpu.wait_dma2 semaphore(%run_scoped3A_78 : memref<!tpu.dma_semaphore, #tpu.memory_space<semaphore_mem>>) src(%dma_wait3A_84 : memref<632x128xf32, #tpu.memory_space<hbm>>) dst(%dma_wait3A_82 : memref<632x128xf32, #tpu.memory_space<vmem_shared>>)
      tpu.yield
    }) : () -> ()
    %barrier3A_67 = arith.constant 0 : index
    tpu.barrier barrier_id(%barrier3A_67)
    %scan3A_68 = arith.constant 0 : i32
    %scan3A_69 = arith.constant 0 : i32
    %scan3A_70 = arith.constant 84 : i32
    %scan3A_71 = arith.addi %scan3A_69, %scan3A_70 : i32
    %scan3A_72 = arith.constant 1 : i32
    scf.for %scan3A_78 = %scan3A_69 to %scan3A_71 step %scan3A_72  : i32 {
      %run_scoped3A_79 = arith.constant 1 : i32
      "tpu.region"() ({
        %run_scoped3A_114 = tpu.sem_alloc : memref<!tpu.dma_semaphore, #tpu.memory_space<semaphore_mem>>
        %dma_start3A_115 = arith.constant 0 : i32
        %dma_start3A_116 = tpu.memref_slice %arg3[%run_scoped3A_79, %add3A, %scan3A_78, %dma_start3A_115] : memref<2x32x84x64xi32, #tpu.memory_space<hbm>> -> memref<1x1x1x64xi32, #tpu.memory_space<hbm>>
        %dma_start3A_117 = tpu.memref_squeeze %dma_start3A_116 : memref<1x1x1x64xi32, #tpu.memory_space<hbm>> -> memref<64xi32, #tpu.memory_space<hbm>>
        %dma_start3A_118 = arith.constant 0 : i32
        %dma_start3A_119 = tpu.memref_slice %arg3[%run_scoped3A_79, %add3A, %scan3A_78, %dma_start3A_118] : memref<2x32x84x64xi32, #tpu.memory_space<hbm>> -> memref<1x1x1x64xi32, #tpu.memory_space<hbm>>
        %dma_start3A_120 = tpu.memref_squeeze %dma_start3A_119 : memref<1x1x1x64xi32, #tpu.memory_space<hbm>> -> memref<64xi32, #tpu.memory_space<hbm>>
        tpu.enqueue_dma source(%dma_start3A_120 : memref<64xi32, #tpu.memory_space<hbm>>) target(%arg13 : memref<64xi32, #tpu.memory_space<vmem>>) target_semaphore(%run_scoped3A_114 : memref<!tpu.dma_semaphore, #tpu.memory_space<semaphore_mem>>)
        %dma_wait3A_121 = arith.constant 0 : i32
        %dma_wait3A_122 = tpu.memref_slice %arg3[%run_scoped3A_79, %add3A, %scan3A_78, %dma_wait3A_121] : memref<2x32x84x64xi32, #tpu.memory_space<hbm>> -> memref<1x1x1x64xi32, #tpu.memory_space<hbm>>
        %dma_wait3A_123 = tpu.memref_squeeze %dma_wait3A_122 : memref<1x1x1x64xi32, #tpu.memory_space<hbm>> -> memref<64xi32, #tpu.memory_space<hbm>>
        %dma_wait3A_124 = arith.constant 0 : i32
        %dma_wait3A_125 = tpu.memref_slice %arg3[%run_scoped3A_79, %add3A, %scan3A_78, %dma_wait3A_124] : memref<2x32x84x64xi32, #tpu.memory_space<hbm>> -> memref<1x1x1x64xi32, #tpu.memory_space<hbm>>
        %dma_wait3A_126 = tpu.memref_squeeze %dma_wait3A_125 : memref<1x1x1x64xi32, #tpu.memory_space<hbm>> -> memref<64xi32, #tpu.memory_space<hbm>>
        tpu.wait_dma2 semaphore(%run_scoped3A_114 : memref<!tpu.dma_semaphore, #tpu.memory_space<semaphore_mem>>) src(%dma_wait3A_126 : memref<64xi32, #tpu.memory_space<hbm>>) dst(%arg13 : memref<64xi32, #tpu.memory_space<vmem>>)
        tpu.yield
      }) : () -> ()
      %run_scoped3A_80 = arith.constant 1 : i32
      "tpu.region"() ({
        %run_scoped3A_114 = tpu.sem_alloc : memref<!tpu.dma_semaphore, #tpu.memory_space<semaphore_mem>>
        %dma_start3A_115 = arith.constant 0 : i32
        %dma_start3A_116 = tpu.memref_slice %arg2[%run_scoped3A_80, %add3A, %scan3A_78, %dma_start3A_115] : memref<2x32x84x64xi32, #tpu.memory_space<hbm>> -> memref<1x1x1x64xi32, #tpu.memory_space<hbm>>
        %dma_start3A_117 = tpu.memref_squeeze %dma_start3A_116 : memref<1x1x1x64xi32, #tpu.memory_space<hbm>> -> memref<64xi32, #tpu.memory_space<hbm>>
        %dma_start3A_118 = arith.constant 0 : i32
        %dma_start3A_119 = tpu.memref_slice %arg2[%run_scoped3A_80, %add3A, %scan3A_78, %dma_start3A_118] : memref<2x32x84x64xi32, #tpu.memory_space<hbm>> -> memref<1x1x1x64xi32, #tpu.memory_space<hbm>>
        %dma_start3A_120 = tpu.memref_squeeze %dma_start3A_119 : memref<1x1x1x64xi32, #tpu.memory_space<hbm>> -> memref<64xi32, #tpu.memory_space<hbm>>
        tpu.enqueue_dma source(%dma_start3A_120 : memref<64xi32, #tpu.memory_space<hbm>>) target(%arg12 : memref<64xi32, #tpu.memory_space<vmem>>) target_semaphore(%run_scoped3A_114 : memref<!tpu.dma_semaphore, #tpu.memory_space<semaphore_mem>>)
        %dma_wait3A_121 = arith.constant 0 : i32
        %dma_wait3A_122 = tpu.memref_slice %arg2[%run_scoped3A_80, %add3A, %scan3A_78, %dma_wait3A_121] : memref<2x32x84x64xi32, #tpu.memory_space<hbm>> -> memref<1x1x1x64xi32, #tpu.memory_space<hbm>>
        %dma_wait3A_123 = tpu.memref_squeeze %dma_wait3A_122 : memref<1x1x1x64xi32, #tpu.memory_space<hbm>> -> memref<64xi32, #tpu.memory_space<hbm>>
        %dma_wait3A_124 = arith.constant 0 : i32
        %dma_wait3A_125 = tpu.memref_slice %arg2[%run_scoped3A_80, %add3A, %scan3A_78, %dma_wait3A_124] : memref<2x32x84x64xi32, #tpu.memory_space<hbm>> -> memref<1x1x1x64xi32, #tpu.memory_space<hbm>>
        %dma_wait3A_126 = tpu.memref_squeeze %dma_wait3A_125 : memref<1x1x1x64xi32, #tpu.memory_space<hbm>> -> memref<64xi32, #tpu.memory_space<hbm>>
        tpu.wait_dma2 semaphore(%run_scoped3A_114 : memref<!tpu.dma_semaphore, #tpu.memory_space<semaphore_mem>>) src(%dma_wait3A_126 : memref<64xi32, #tpu.memory_space<hbm>>) dst(%arg12 : memref<64xi32, #tpu.memory_space<vmem>>)
        tpu.yield
      }) : () -> ()
      %add3A_81 = arith.constant 172032 : i32
      %add3A_82 = arith.addi %add3A_81, %mul3A_4 : i32
      %mul3A_83 = arith.constant 64 : i32
      %mul3A_84 = arith.muli %scan3A_78, %mul3A_83 : i32
      %add3A_85 = arith.addi %add3A_82, %mul3A_84 : i32
      %mul3A_86 = arith.constant 16 : i32
      %mul3A_87 = arith.muli %add3A_85, %mul3A_86 : i32
      %dma_start3A = tpu.memref_slice %arg8[%mul3A_87] : memref<5505024xf32, #tpu.memory_space<hbm>> -> memref<1024xf32, #tpu.memory_space<hbm>>
      %dma_start3A_88 = tpu.memref_slice %arg8[%mul3A_87] : memref<5505024xf32, #tpu.memory_space<hbm>> -> memref<1024xf32, #tpu.memory_space<hbm>>
      tpu.enqueue_dma source(%dma_start3A_88 : memref<1024xf32, #tpu.memory_space<hbm>>) target(%arg18 : memref<1024xf32, #tpu.memory_space<vmem>>) target_semaphore(%arg19 : memref<!tpu.dma_semaphore, #tpu.memory_space<semaphore_mem>>)
      %dma_start3A_89 = arith.constant 1 : i32
      %dma_start3A_90 = arith.constant 1 : i32
      %dma_start3A_91 = arith.constant 0 : i32
      %dma_start3A_92 = arith.constant 0 : i32
      %dma_start3A_93 = tpu.memref_slice %arg6[%dma_start3A_89, %dma_start3A_90, %dma_start3A_91, %dma_start3A_92] : memref<2x2x10000x128xf32, #tpu.memory_space<hbm>> -> memref<1x1x10000x128xf32, #tpu.memory_space<hbm>>
      %dma_start3A_94 = tpu.memref_squeeze %dma_start3A_93 : memref<1x1x10000x128xf32, #tpu.memory_space<hbm>> -> memref<10000x128xf32, #tpu.memory_space<hbm>>
      %dma_start3A_95 = arith.constant 0 : i32
      %dma_start3A_96 = arith.constant 0 : i32
      %dma_start3A_97 = tpu.memref_slice %dma_start3A_94[%dma_start3A_95, %dma_start3A_96] : memref<10000x128xf32, #tpu.memory_space<hbm>> -> memref<10000x128xf32, #tpu.memory_space<hbm>>
      tpu.enqueue_indirect_dma source(%dma_start3A_97 : memref<10000x128xf32, #tpu.memory_space<hbm>>) target(%arg16 : memref<64x128xf32, #tpu.memory_space<vmem>>) offsets(%arg12 : memref<64xi32, #tpu.memory_space<vmem>>) semaphore(%arg20 : memref<!tpu.dma_semaphore, #tpu.memory_space<semaphore_mem>>)
      %dma_wait3A = tpu.memref_slice %arg8[%mul3A_87] : memref<5505024xf32, #tpu.memory_space<hbm>> -> memref<1024xf32, #tpu.memory_space<hbm>>
      %dma_wait3A_98 = tpu.memref_slice %arg8[%mul3A_87] : memref<5505024xf32, #tpu.memory_space<hbm>> -> memref<1024xf32, #tpu.memory_space<hbm>>
      tpu.wait_dma2 semaphore(%arg19 : memref<!tpu.dma_semaphore, #tpu.memory_space<semaphore_mem>>) src(%dma_wait3A_98 : memref<1024xf32, #tpu.memory_space<hbm>>) dst(%arg18 : memref<1024xf32, #tpu.memory_space<vmem>>)
      %dma_wait3A_99 = arith.constant 1 : i32
      %dma_wait3A_100 = arith.constant 1 : i32
      %dma_wait3A_101 = arith.constant 0 : i32
      %dma_wait3A_102 = arith.constant 0 : i32
      %dma_wait3A_103 = tpu.memref_slice %arg6[%dma_wait3A_99, %dma_wait3A_100, %dma_wait3A_101, %dma_wait3A_102] : memref<2x2x10000x128xf32, #tpu.memory_space<hbm>> -> memref<1x1x10000x128xf32, #tpu.memory_space<hbm>>
      %dma_wait3A_104 = tpu.memref_squeeze %dma_wait3A_103 : memref<1x1x10000x128xf32, #tpu.memory_space<hbm>> -> memref<10000x128xf32, #tpu.memory_space<hbm>>
      %dma_wait3A_105 = arith.constant 0 : i32
      %dma_wait3A_106 = arith.constant 0 : i32
      %dma_wait3A_107 = tpu.memref_slice %dma_wait3A_104[%dma_wait3A_105, %dma_wait3A_106] : memref<10000x128xf32, #tpu.memory_space<hbm>> -> memref<10000x128xf32, #tpu.memory_space<hbm>>
      tpu.wait_indirect_dma semaphore(%arg20 : memref<!tpu.dma_semaphore, #tpu.memory_space<semaphore_mem>>) src(%dma_wait3A_107 : memref<10000x128xf32, #tpu.memory_space<hbm>>) dst(%arg16 : memref<64x128xf32, #tpu.memory_space<vmem>>)
      %scan3A_108 = arith.constant 0 : i32
      %scan3A_109 = arith.constant 0 : i32
      %scan3A_110 = arith.constant 64 : i32
      %scan3A_111 = arith.addi %scan3A_109, %scan3A_110 : i32
      %scan3A_112 = arith.constant 1 : i32
      scf.for %scan3A_114 = %scan3A_109 to %scan3A_111 step %scan3A_112  : i32 {
        %mul3A_115 = arith.constant 16 : i32
        %mul3A_116 = arith.muli %scan3A_114, %mul3A_115 : i32
        %get3A = arith.index_cast %mul3A_116 : i32 to index
        %get3A_117 = tpu.vector_load %arg18[%get3A] {strides = array<i32>} : memref<1024xf32, #tpu.memory_space<vmem>>, vector<16xf32>,
        %get3A_118 = vector.shape_cast %get3A_117 : vector<16xf32> to vector<16xf32>
        %broadcast_in_dim3A = arith.constant 8 : i32
        %broadcast_in_dim3A_119 = vector.broadcast %broadcast_in_dim3A : i32 to vector<16x1xi32>
        %gather3A = vector.shape_cast %broadcast_in_dim3A_119 : vector<16x1xi32> to vector<16xi32>
        %gather3A_120 = tpu.dynamic_gather %get3A_118[%gather3A] in [0] : vector<16xf32>, vector<16xi32> -> vector<16xf32>
        %get3A_121 = arith.index_cast %scan3A_114 : i32 to index
        %get3A_122 = arith.constant 0 : index
        %get3A_123 = tpu.vector_load %arg16[%get3A_121, %get3A_122] {strides = array<i32>} : memref<64x128xf32, #tpu.memory_space<vmem>>, vector<1x16xf32>,
        %get3A_124 = vector.shape_cast %get3A_123 : vector<1x16xf32> to vector<16xf32>
        %mul3A_125 = arith.mulf %get3A_124, %gather3A_120 : vector<16xf32>
        %swap3A = arith.index_cast %scan3A_114 : i32 to index
        %swap3A_126 = arith.constant 0 : index
        %swap3A_127 = tpu.vector_load %arg17[%swap3A, %swap3A_126] {strides = array<i32>} : memref<64x128xf32, #tpu.memory_space<vmem>>, vector<1x16xf32>,
        %swap3A_128 = vector.shape_cast %swap3A_127 : vector<1x16xf32> to vector<16xf32>
        %swap3A_129 = vector.shape_cast %mul3A_125 : vector<16xf32> to vector<1x16xf32>
        tpu.vector_store %arg17[%swap3A, %swap3A_126], %swap3A_129 {strides = array<i32>} : memref<64x128xf32, #tpu.memory_space<vmem>>, vector<1x16xf32>,
        %broadcast_in_dim3A_130 = arith.constant 9 : i32
        %broadcast_in_dim3A_131 = vector.broadcast %broadcast_in_dim3A_130 : i32 to vector<16x1xi32>
        %gather3A_132 = vector.shape_cast %broadcast_in_dim3A_131 : vector<16x1xi32> to vector<16xi32>
        %gather3A_133 = tpu.dynamic_gather %get3A_118[%gather3A_132] in [0] : vector<16xf32>, vector<16xi32> -> vector<16xf32>
        %get3A_134 = arith.index_cast %scan3A_114 : i32 to index
        %get3A_135 = arith.constant 16 : index
        %get3A_136 = tpu.vector_load %arg16[%get3A_134, %get3A_135] {strides = array<i32>} : memref<64x128xf32, #tpu.memory_space<vmem>>, vector<1x16xf32>,
        %get3A_137 = vector.shape_cast %get3A_136 : vector<1x16xf32> to vector<16xf32>
        %mul3A_138 = arith.mulf %get3A_137, %gather3A_133 : vector<16xf32>
        %swap3A_139 = arith.index_cast %scan3A_114 : i32 to index
        %swap3A_140 = arith.constant 16 : index
        %swap3A_141 = tpu.vector_load %arg17[%swap3A_139, %swap3A_140] {strides = array<i32>} : memref<64x128xf32, #tpu.memory_space<vmem>>, vector<1x16xf32>,
        %swap3A_142 = vector.shape_cast %swap3A_141 : vector<1x16xf32> to vector<16xf32>
        %swap3A_143 = vector.shape_cast %mul3A_138 : vector<16xf32> to vector<1x16xf32>
        tpu.vector_store %arg17[%swap3A_139, %swap3A_140], %swap3A_143 {strides = array<i32>} : memref<64x128xf32, #tpu.memory_space<vmem>>, vector<1x16xf32>,
        %broadcast_in_dim3A_144 = arith.constant 10 : i32
        %broadcast_in_dim3A_145 = vector.broadcast %broadcast_in_dim3A_144 : i32 to vector<16x1xi32>
        %gather3A_146 = vector.shape_cast %broadcast_in_dim3A_145 : vector<16x1xi32> to vector<16xi32>
        %gather3A_147 = tpu.dynamic_gather %get3A_118[%gather3A_146] in [0] : vector<16xf32>, vector<16xi32> -> vector<16xf32>
        %get3A_148 = arith.index_cast %scan3A_114 : i32 to index
        %get3A_149 = arith.constant 32 : index
        %get3A_150 = tpu.vector_load %arg16[%get3A_148, %get3A_149] {strides = array<i32>} : memref<64x128xf32, #tpu.memory_space<vmem>>, vector<1x16xf32>,
        %get3A_151 = vector.shape_cast %get3A_150 : vector<1x16xf32> to vector<16xf32>
        %mul3A_152 = arith.mulf %get3A_151, %gather3A_147 : vector<16xf32>
        %swap3A_153 = arith.index_cast %scan3A_114 : i32 to index
        %swap3A_154 = arith.constant 32 : index
        %swap3A_155 = tpu.vector_load %arg17[%swap3A_153, %swap3A_154] {strides = array<i32>} : memref<64x128xf32, #tpu.memory_space<vmem>>, vector<1x16xf32>,
        %swap3A_156 = vector.shape_cast %swap3A_155 : vector<1x16xf32> to vector<16xf32>
        %swap3A_157 = vector.shape_cast %mul3A_152 : vector<16xf32> to vector<1x16xf32>
        tpu.vector_store %arg17[%swap3A_153, %swap3A_154], %swap3A_157 {strides = array<i32>} : memref<64x128xf32, #tpu.memory_space<vmem>>, vector<1x16xf32>,
        %broadcast_in_dim3A_158 = arith.constant 11 : i32
        %broadcast_in_dim3A_159 = vector.broadcast %broadcast_in_dim3A_158 : i32 to vector<16x1xi32>
        %gather3A_160 = vector.shape_cast %broadcast_in_dim3A_159 : vector<16x1xi32> to vector<16xi32>
        %gather3A_161 = tpu.dynamic_gather %get3A_118[%gather3A_160] in [0] : vector<16xf32>, vector<16xi32> -> vector<16xf32>
        %get3A_162 = arith.index_cast %scan3A_114 : i32 to index
        %get3A_163 = arith.constant 48 : index
        %get3A_164 = tpu.vector_load %arg16[%get3A_162, %get3A_163] {strides = array<i32>} : memref<64x128xf32, #tpu.memory_space<vmem>>, vector<1x16xf32>,
        %get3A_165 = vector.shape_cast %get3A_164 : vector<1x16xf32> to vector<16xf32>
        %mul3A_166 = arith.mulf %get3A_165, %gather3A_161 : vector<16xf32>
        %swap3A_167 = arith.index_cast %scan3A_114 : i32 to index
        %swap3A_168 = arith.constant 48 : index
        %swap3A_169 = tpu.vector_load %arg17[%swap3A_167, %swap3A_168] {strides = array<i32>} : memref<64x128xf32, #tpu.memory_space<vmem>>, vector<1x16xf32>,
        %swap3A_170 = vector.shape_cast %swap3A_169 : vector<1x16xf32> to vector<16xf32>
        %swap3A_171 = vector.shape_cast %mul3A_166 : vector<16xf32> to vector<1x16xf32>
        tpu.vector_store %arg17[%swap3A_167, %swap3A_168], %swap3A_171 {strides = array<i32>} : memref<64x128xf32, #tpu.memory_space<vmem>>, vector<1x16xf32>,
        %broadcast_in_dim3A_172 = arith.constant 12 : i32
        %broadcast_in_dim3A_173 = vector.broadcast %broadcast_in_dim3A_172 : i32 to vector<16x1xi32>
        %gather3A_174 = vector.shape_cast %broadcast_in_dim3A_173 : vector<16x1xi32> to vector<16xi32>
        %gather3A_175 = tpu.dynamic_gather %get3A_118[%gather3A_174] in [0] : vector<16xf32>, vector<16xi32> -> vector<16xf32>
        %get3A_176 = arith.index_cast %scan3A_114 : i32 to index
        %get3A_177 = arith.constant 64 : index
        %get3A_178 = tpu.vector_load %arg16[%get3A_176, %get3A_177] {strides = array<i32>} : memref<64x128xf32, #tpu.memory_space<vmem>>, vector<1x16xf32>,
        %get3A_179 = vector.shape_cast %get3A_178 : vector<1x16xf32> to vector<16xf32>
        %mul3A_180 = arith.mulf %get3A_179, %gather3A_175 : vector<16xf32>
        %swap3A_181 = arith.index_cast %scan3A_114 : i32 to index
        %swap3A_182 = arith.constant 64 : index
        %swap3A_183 = tpu.vector_load %arg17[%swap3A_181, %swap3A_182] {strides = array<i32>} : memref<64x128xf32, #tpu.memory_space<vmem>>, vector<1x16xf32>,
        %swap3A_184 = vector.shape_cast %swap3A_183 : vector<1x16xf32> to vector<16xf32>
        %swap3A_185 = vector.shape_cast %mul3A_180 : vector<16xf32> to vector<1x16xf32>
        tpu.vector_store %arg17[%swap3A_181, %swap3A_182], %swap3A_185 {strides = array<i32>} : memref<64x128xf32, #tpu.memory_space<vmem>>, vector<1x16xf32>,
        %broadcast_in_dim3A_186 = arith.constant 13 : i32
        %broadcast_in_dim3A_187 = vector.broadcast %broadcast_in_dim3A_186 : i32 to vector<16x1xi32>
        %gather3A_188 = vector.shape_cast %broadcast_in_dim3A_187 : vector<16x1xi32> to vector<16xi32>
        %gather3A_189 = tpu.dynamic_gather %get3A_118[%gather3A_188] in [0] : vector<16xf32>, vector<16xi32> -> vector<16xf32>
        %get3A_190 = arith.index_cast %scan3A_114 : i32 to index
        %get3A_191 = arith.constant 80 : index
        %get3A_192 = tpu.vector_load %arg16[%get3A_190, %get3A_191] {strides = array<i32>} : memref<64x128xf32, #tpu.memory_space<vmem>>, vector<1x16xf32>,
        %get3A_193 = vector.shape_cast %get3A_192 : vector<1x16xf32> to vector<16xf32>
        %mul3A_194 = arith.mulf %get3A_193, %gather3A_189 : vector<16xf32>
        %swap3A_195 = arith.index_cast %scan3A_114 : i32 to index
        %swap3A_196 = arith.constant 80 : index
        %swap3A_197 = tpu.vector_load %arg17[%swap3A_195, %swap3A_196] {strides = array<i32>} : memref<64x128xf32, #tpu.memory_space<vmem>>, vector<1x16xf32>,
        %swap3A_198 = vector.shape_cast %swap3A_197 : vector<1x16xf32> to vector<16xf32>
        %swap3A_199 = vector.shape_cast %mul3A_194 : vector<16xf32> to vector<1x16xf32>
        tpu.vector_store %arg17[%swap3A_195, %swap3A_196], %swap3A_199 {strides = array<i32>} : memref<64x128xf32, #tpu.memory_space<vmem>>, vector<1x16xf32>,
        %broadcast_in_dim3A_200 = arith.constant 14 : i32
        %broadcast_in_dim3A_201 = vector.broadcast %broadcast_in_dim3A_200 : i32 to vector<16x1xi32>
        %gather3A_202 = vector.shape_cast %broadcast_in_dim3A_201 : vector<16x1xi32> to vector<16xi32>
        %gather3A_203 = tpu.dynamic_gather %get3A_118[%gather3A_202] in [0] : vector<16xf32>, vector<16xi32> -> vector<16xf32>
        %get3A_204 = arith.index_cast %scan3A_114 : i32 to index
        %get3A_205 = arith.constant 96 : index
        %get3A_206 = tpu.vector_load %arg16[%get3A_204, %get3A_205] {strides = array<i32>} : memref<64x128xf32, #tpu.memory_space<vmem>>, vector<1x16xf32>,
        %get3A_207 = vector.shape_cast %get3A_206 : vector<1x16xf32> to vector<16xf32>
        %mul3A_208 = arith.mulf %get3A_207, %gather3A_203 : vector<16xf32>
        %swap3A_209 = arith.index_cast %scan3A_114 : i32 to index
        %swap3A_210 = arith.constant 96 : index
        %swap3A_211 = tpu.vector_load %arg17[%swap3A_209, %swap3A_210] {strides = array<i32>} : memref<64x128xf32, #tpu.memory_space<vmem>>, vector<1x16xf32>,
        %swap3A_212 = vector.shape_cast %swap3A_211 : vector<1x16xf32> to vector<16xf32>
        %swap3A_213 = vector.shape_cast %mul3A_208 : vector<16xf32> to vector<1x16xf32>
        tpu.vector_store %arg17[%swap3A_209, %swap3A_210], %swap3A_213 {strides = array<i32>} : memref<64x128xf32, #tpu.memory_space<vmem>>, vector<1x16xf32>,
        %broadcast_in_dim3A_214 = arith.constant 15 : i32
        %broadcast_in_dim3A_215 = vector.broadcast %broadcast_in_dim3A_214 : i32 to vector<16x1xi32>
        %gather3A_216 = vector.shape_cast %broadcast_in_dim3A_215 : vector<16x1xi32> to vector<16xi32>
        %gather3A_217 = tpu.dynamic_gather %get3A_118[%gather3A_216] in [0] : vector<16xf32>, vector<16xi32> -> vector<16xf32>
        %get3A_218 = arith.index_cast %scan3A_114 : i32 to index
        %get3A_219 = arith.constant 112 : index
        %get3A_220 = tpu.vector_load %arg16[%get3A_218, %get3A_219] {strides = array<i32>} : memref<64x128xf32, #tpu.memory_space<vmem>>, vector<1x16xf32>,
        %get3A_221 = vector.shape_cast %get3A_220 : vector<1x16xf32> to vector<16xf32>
        %mul3A_222 = arith.mulf %get3A_221, %gather3A_217 : vector<16xf32>
        %swap3A_223 = arith.index_cast %scan3A_114 : i32 to index
        %swap3A_224 = arith.constant 112 : index
        %swap3A_225 = tpu.vector_load %arg17[%swap3A_223, %swap3A_224] {strides = array<i32>} : memref<64x128xf32, #tpu.memory_space<vmem>>, vector<1x16xf32>,
        %swap3A_226 = vector.shape_cast %swap3A_225 : vector<1x16xf32> to vector<16xf32>
        %swap3A_227 = vector.shape_cast %mul3A_222 : vector<16xf32> to vector<1x16xf32>
        tpu.vector_store %arg17[%swap3A_223, %swap3A_224], %swap3A_227 {strides = array<i32>} : memref<64x128xf32, #tpu.memory_space<vmem>>, vector<1x16xf32>,
      }
      %scan3A_113 = arith.constant 64 : i32
      "tpu.region"() ({
        %run_scoped3A_114 = tpu.sem_alloc : memref<!tpu.dma_semaphore, #tpu.memory_space<semaphore_mem>>
        %dma_start3A_115 = arith.constant 0 : i32
        %dma_start3A_116 = arith.constant 0 : i32
        %dma_start3A_117 = tpu.memref_slice %arg11[%dma_start3A_115, %dma_start3A_116] : memref<10112x128xf32, #tpu.memory_space<vmem_shared>> -> memref<10112x128xf32, #tpu.memory_space<vmem_shared>>
        tpu.enqueue_indirect_dma source(%arg17 : memref<64x128xf32, #tpu.memory_space<vmem>>) target(%dma_start3A_117 : memref<10112x128xf32, #tpu.memory_space<vmem_shared>>) offsets(%arg13 : memref<64xi32, #tpu.memory_space<vmem>>) semaphore(%run_scoped3A_114 : memref<!tpu.dma_semaphore, #tpu.memory_space<semaphore_mem>>) {add = true}
        %dma_wait3A_118 = arith.constant 0 : i32
        %dma_wait3A_119 = arith.constant 0 : i32
        %dma_wait3A_120 = tpu.memref_slice %arg11[%dma_wait3A_118, %dma_wait3A_119] : memref<10112x128xf32, #tpu.memory_space<vmem_shared>> -> memref<10112x128xf32, #tpu.memory_space<vmem_shared>>
        tpu.wait_indirect_dma semaphore(%run_scoped3A_114 : memref<!tpu.dma_semaphore, #tpu.memory_space<semaphore_mem>>) src(%arg17 : memref<64x128xf32, #tpu.memory_space<vmem>>) dst(%dma_wait3A_120 : memref<10112x128xf32, #tpu.memory_space<vmem_shared>>)
        tpu.yield
      }) : () -> ()
    }
    %scan3A_73 = arith.constant 84 : i32
    %barrier3A_74 = arith.constant 0 : index
    tpu.barrier barrier_id(%barrier3A_74)
    %run_scoped3A_75 = arith.constant 1 : i32
    %run_scoped3A_76 = arith.constant 1 : i32
    "tpu.region"() ({
      %run_scoped3A_78 = tpu.sem_alloc : memref<!tpu.dma_semaphore, #tpu.memory_space<semaphore_mem>>
      %dma_start3A = arith.constant 0 : i32
      %dma_start3A_79 = arith.constant 0 : i32
      %dma_start3A_80 = tpu.memref_slice %arg10[%run_scoped3A_75, %run_scoped3A_76, %arg0, %dma_start3A, %dma_start3A_79] : memref<2x2x2x10112x128xf32, #tpu.memory_space<hbm>> -> memref<1x1x1x10112x128xf32, #tpu.memory_space<hbm>>
      %dma_start3A_81 = tpu.memref_squeeze %dma_start3A_80 : memref<1x1x1x10112x128xf32, #tpu.memory_space<hbm>> -> memref<10112x128xf32, #tpu.memory_space<hbm>>
      %dma_start3A_82 = arith.constant 0 : i32
      %dma_start3A_83 = tpu.memref_slice %dma_start3A_81[%mul3A_2, %dma_start3A_82] : memref<10112x128xf32, #tpu.memory_space<hbm>> -> memref<632x128xf32, #tpu.memory_space<hbm>>
      %dma_start3A_84 = arith.constant 0 : i32
      %dma_start3A_85 = tpu.memref_slice %arg11[%mul3A_2, %dma_start3A_84] : memref<10112x128xf32, #tpu.memory_space<vmem_shared>> -> memref<632x128xf32, #tpu.memory_space<vmem_shared>>
      tpu.enqueue_dma source(%dma_start3A_85 : memref<632x128xf32, #tpu.memory_space<vmem_shared>>) target(%dma_start3A_83 : memref<632x128xf32, #tpu.memory_space<hbm>>) target_semaphore(%run_scoped3A_78 : memref<!tpu.dma_semaphore, #tpu.memory_space<semaphore_mem>>)
      %dma_wait3A = arith.constant 0 : i32
      %dma_wait3A_86 = arith.constant 0 : i32
      %dma_wait3A_87 = tpu.memref_slice %arg10[%run_scoped3A_75, %run_scoped3A_76, %arg0, %dma_wait3A, %dma_wait3A_86] : memref<2x2x2x10112x128xf32, #tpu.memory_space<hbm>> -> memref<1x1x1x10112x128xf32, #tpu.memory_space<hbm>>
      %dma_wait3A_88 = tpu.memref_squeeze %dma_wait3A_87 : memref<1x1x1x10112x128xf32, #tpu.memory_space<hbm>> -> memref<10112x128xf32, #tpu.memory_space<hbm>>
      %dma_wait3A_89 = arith.constant 0 : i32
      %dma_wait3A_90 = tpu.memref_slice %dma_wait3A_88[%mul3A_2, %dma_wait3A_89] : memref<10112x128xf32, #tpu.memory_space<hbm>> -> memref<632x128xf32, #tpu.memory_space<hbm>>
      %dma_wait3A_91 = arith.constant 0 : i32
      %dma_wait3A_92 = tpu.memref_slice %arg11[%mul3A_2, %dma_wait3A_91] : memref<10112x128xf32, #tpu.memory_space<vmem_shared>> -> memref<632x128xf32, #tpu.memory_space<vmem_shared>>
      tpu.wait_dma2 semaphore(%run_scoped3A_78 : memref<!tpu.dma_semaphore, #tpu.memory_space<semaphore_mem>>) src(%dma_wait3A_92 : memref<632x128xf32, #tpu.memory_space<vmem_shared>>) dst(%dma_wait3A_90 : memref<632x128xf32, #tpu.memory_space<hbm>>)
      tpu.yield
    }) : () -> ()
    %barrier3A_77 = arith.constant 0 : index
    tpu.barrier barrier_id(%barrier3A_77)
    return
  }
}

module attributes {stable_mosaic.version = 14 : i64} {
  func.func @_stage1_body(%arg0: i32, %arg1: memref<2x1000x4x32xf32, #tpu.memory_space<vmem>>, %arg2: memref<2x32x32xf32, #tpu.memory_space<vmem>>, %arg3: memref<2x32x2xf32, #tpu.memory_space<vmem>>, %arg4: memref<2x32x2xf32, #tpu.memory_space<vmem>>, %arg5: memref<2x2x1000x128xf32, #tpu.memory_space<vmem>>, %arg6: memref<2x1000x128xf32, #tpu.memory_space<vmem>>, %arg7: memref<2x1000x128xf32, #tpu.memory_space<vmem>>) attributes {dimension_semantics = [#tpu.dimension_semantics<arbitrary>], iteration_bounds = array<i64: 10>, scalar_prefetch = 0 : i64, scratch_operands = 0 : i64, tpu.core_type = #tpu.core_type<tc>, window_params = [{transform_indices = @transform_0, window_bounds = array<i64: 2, 1000, 4, 32>}, {pipeline_mode = #tpu.pipeline_mode<synchronous>, transform_indices = @transform_1, window_bounds = array<i64: 2, 32, 32>}, {pipeline_mode = #tpu.pipeline_mode<synchronous>, transform_indices = @transform_2, window_bounds = array<i64: 2, 32, 2>}, {pipeline_mode = #tpu.pipeline_mode<synchronous>, transform_indices = @transform_3, window_bounds = array<i64: 2, 32, 2>}, {transform_indices = @transform_4, window_bounds = array<i64: 2, 2, 1000, 128>}, {transform_indices = @transform_5, window_bounds = array<i64: 2, 1000, 128>}, {transform_indices = @transform_6, window_bounds = array<i64: 2, 1000, 128>}]} {
    %get3A = arith.constant 0 : index
    %get3A_0 = arith.constant 0 : index
    %get3A_1 = arith.constant 0 : index
    %get3A_2 = vector.load %arg2[%get3A, %get3A_0, %get3A_1] : memref<2x32x32xf32, #tpu.memory_space<vmem>>, vector<1x32x32xf32>
    %get3A_3 = vector.shape_cast %get3A_2 : vector<1x32x32xf32> to vector<32x32xf32>
    %get3A_4 = arith.constant 0 : index
    %get3A_5 = arith.constant 0 : index
    %get3A_6 = arith.constant 0 : index
    %get3A_7 = vector.load %arg3[%get3A_4, %get3A_5, %get3A_6] : memref<2x32x2xf32, #tpu.memory_space<vmem>>, vector<1x32x2xf32>
    %get3A_8 = vector.shape_cast %get3A_7 : vector<1x32x2xf32> to vector<32x2xf32>
    %get3A_9 = arith.constant 0 : index
    %get3A_10 = arith.constant 0 : index
    %get3A_11 = arith.constant 0 : index
    %get3A_12 = vector.load %arg4[%get3A_9, %get3A_10, %get3A_11] : memref<2x32x2xf32, #tpu.memory_space<vmem>>, vector<1x32x2xf32>
    %get3A_13 = vector.shape_cast %get3A_12 : vector<1x32x2xf32> to vector<32x2xf32>
    %get3A_14 = arith.constant 0 : index
    %get3A_15 = arith.constant 0 : index
    %get3A_16 = arith.constant 0 : index
    %get3A_17 = arith.constant 0 : index
    %get3A_18 = vector.load %arg1[%get3A_14, %get3A_15, %get3A_16, %get3A_17] : memref<2x1000x4x32xf32, #tpu.memory_space<vmem>>, vector<1x1000x1x32xf32>
    %get3A_19 = vector.shape_cast %get3A_18 : vector<1x1000x1x32xf32> to vector<1000x32xf32>
    %dot_general3A = arith.constant dense<0.000000e+00> : vector<1000x32xf32>
    %dot_general3A_20 = tpu.matmul %get3A_19, %get3A_3, %dot_general3A {dimension_numbers = #tpu.dot_dimension_numbers<[1], [1], [0], [0], [0, 0, 1, 0], [], []>, transpose_lhs_hint = false} : vector<1000x32xf32>, vector<32x32xf32>, vector<1000x32xf32> -> vector<1000x32xf32>
    %swap3A = arith.constant 0 : index
    %swap3A_21 = arith.constant 0 : index
    %swap3A_22 = arith.constant 0 : index
    %swap3A_23 = arith.constant 0 : index
    %swap3A_24 = vector.load %arg5[%swap3A, %swap3A_21, %swap3A_22, %swap3A_23] : memref<2x2x1000x128xf32, #tpu.memory_space<vmem>>, vector<1x1x1000x32xf32>
    %swap3A_25 = vector.shape_cast %swap3A_24 : vector<1x1x1000x32xf32> to vector<1000x32xf32>
    %swap3A_26 = vector.shape_cast %dot_general3A_20 : vector<1000x32xf32> to vector<1x1x1000x32xf32>
    tpu.vector_store %arg5[%swap3A, %swap3A_21, %swap3A_22, %swap3A_23], %swap3A_26 {strides = array<i32>} : memref<2x2x1000x128xf32, #tpu.memory_space<vmem>>, vector<1x1x1000x32xf32>,
    %dot_general3A_27 = arith.constant dense<0.000000e+00> : vector<1000x2xf32>
    %dot_general3A_28 = tpu.matmul %dot_general3A_20, %get3A_8, %dot_general3A_27 {dimension_numbers = #tpu.dot_dimension_numbers<[1], [0], [0], [1], [0, 0, 1, 1], [], []>, transpose_lhs_hint = false} : vector<1000x32xf32>, vector<32x2xf32>, vector<1000x2xf32> -> vector<1000x2xf32>
    %dot_general3A_29 = arith.constant dense<0.000000e+00> : vector<1000x2xf32>
    %dot_general3A_30 = tpu.matmul %dot_general3A_20, %get3A_13, %dot_general3A_29 {dimension_numbers = #tpu.dot_dimension_numbers<[1], [0], [0], [1], [0, 0, 1, 1], [], []>, transpose_lhs_hint = false} : vector<1000x32xf32>, vector<32x2xf32>, vector<1000x2xf32> -> vector<1000x2xf32>
    %get3A_31 = arith.constant 0 : index
    %get3A_32 = arith.constant 0 : index
    %get3A_33 = arith.constant 1 : index
    %get3A_34 = arith.constant 0 : index
    %get3A_35 = vector.load %arg1[%get3A_31, %get3A_32, %get3A_33, %get3A_34] : memref<2x1000x4x32xf32, #tpu.memory_space<vmem>>, vector<1x1000x1x32xf32>
    %get3A_36 = vector.shape_cast %get3A_35 : vector<1x1000x1x32xf32> to vector<1000x32xf32>
    %dot_general3A_37 = arith.constant dense<0.000000e+00> : vector<1000x32xf32>
    %dot_general3A_38 = tpu.matmul %get3A_36, %get3A_3, %dot_general3A_37 {dimension_numbers = #tpu.dot_dimension_numbers<[1], [1], [0], [0], [0, 0, 1, 0], [], []>, transpose_lhs_hint = false} : vector<1000x32xf32>, vector<32x32xf32>, vector<1000x32xf32> -> vector<1000x32xf32>
    %swap3A_39 = arith.constant 0 : index
    %swap3A_40 = arith.constant 0 : index
    %swap3A_41 = arith.constant 0 : index
    %swap3A_42 = arith.constant 32 : index
    %swap3A_43 = vector.load %arg5[%swap3A_39, %swap3A_40, %swap3A_41, %swap3A_42] : memref<2x2x1000x128xf32, #tpu.memory_space<vmem>>, vector<1x1x1000x32xf32>
    %swap3A_44 = vector.shape_cast %swap3A_43 : vector<1x1x1000x32xf32> to vector<1000x32xf32>
    %swap3A_45 = vector.shape_cast %dot_general3A_38 : vector<1000x32xf32> to vector<1x1x1000x32xf32>
    tpu.vector_store %arg5[%swap3A_39, %swap3A_40, %swap3A_41, %swap3A_42], %swap3A_45 {strides = array<i32>} : memref<2x2x1000x128xf32, #tpu.memory_space<vmem>>, vector<1x1x1000x32xf32>,
    %dot_general3A_46 = arith.constant dense<0.000000e+00> : vector<1000x2xf32>
    %dot_general3A_47 = tpu.matmul %dot_general3A_38, %get3A_8, %dot_general3A_46 {dimension_numbers = #tpu.dot_dimension_numbers<[1], [0], [0], [1], [0, 0, 1, 1], [], []>, transpose_lhs_hint = false} : vector<1000x32xf32>, vector<32x2xf32>, vector<1000x2xf32> -> vector<1000x2xf32>
    %dot_general3A_48 = arith.constant dense<0.000000e+00> : vector<1000x2xf32>
    %dot_general3A_49 = tpu.matmul %dot_general3A_38, %get3A_13, %dot_general3A_48 {dimension_numbers = #tpu.dot_dimension_numbers<[1], [0], [0], [1], [0, 0, 1, 1], [], []>, transpose_lhs_hint = false} : vector<1000x32xf32>, vector<32x2xf32>, vector<1000x2xf32> -> vector<1000x2xf32>
    %get3A_50 = arith.constant 0 : index
    %get3A_51 = arith.constant 0 : index
    %get3A_52 = arith.constant 2 : index
    %get3A_53 = arith.constant 0 : index
    %get3A_54 = vector.load %arg1[%get3A_50, %get3A_51, %get3A_52, %get3A_53] : memref<2x1000x4x32xf32, #tpu.memory_space<vmem>>, vector<1x1000x1x32xf32>
    %get3A_55 = vector.shape_cast %get3A_54 : vector<1x1000x1x32xf32> to vector<1000x32xf32>
    %dot_general3A_56 = arith.constant dense<0.000000e+00> : vector<1000x32xf32>
    %dot_general3A_57 = tpu.matmul %get3A_55, %get3A_3, %dot_general3A_56 {dimension_numbers = #tpu.dot_dimension_numbers<[1], [1], [0], [0], [0, 0, 1, 0], [], []>, transpose_lhs_hint = false} : vector<1000x32xf32>, vector<32x32xf32>, vector<1000x32xf32> -> vector<1000x32xf32>
    %swap3A_58 = arith.constant 0 : index
    %swap3A_59 = arith.constant 0 : index
    %swap3A_60 = arith.constant 0 : index
    %swap3A_61 = arith.constant 64 : index
    %swap3A_62 = vector.load %arg5[%swap3A_58, %swap3A_59, %swap3A_60, %swap3A_61] : memref<2x2x1000x128xf32, #tpu.memory_space<vmem>>, vector<1x1x1000x32xf32>
    %swap3A_63 = vector.shape_cast %swap3A_62 : vector<1x1x1000x32xf32> to vector<1000x32xf32>
    %swap3A_64 = vector.shape_cast %dot_general3A_57 : vector<1000x32xf32> to vector<1x1x1000x32xf32>
    tpu.vector_store %arg5[%swap3A_58, %swap3A_59, %swap3A_60, %swap3A_61], %swap3A_64 {strides = array<i32>} : memref<2x2x1000x128xf32, #tpu.memory_space<vmem>>, vector<1x1x1000x32xf32>,
    %dot_general3A_65 = arith.constant dense<0.000000e+00> : vector<1000x2xf32>
    %dot_general3A_66 = tpu.matmul %dot_general3A_57, %get3A_8, %dot_general3A_65 {dimension_numbers = #tpu.dot_dimension_numbers<[1], [0], [0], [1], [0, 0, 1, 1], [], []>, transpose_lhs_hint = false} : vector<1000x32xf32>, vector<32x2xf32>, vector<1000x2xf32> -> vector<1000x2xf32>
    %dot_general3A_67 = arith.constant dense<0.000000e+00> : vector<1000x2xf32>
    %dot_general3A_68 = tpu.matmul %dot_general3A_57, %get3A_13, %dot_general3A_67 {dimension_numbers = #tpu.dot_dimension_numbers<[1], [0], [0], [1], [0, 0, 1, 1], [], []>, transpose_lhs_hint = false} : vector<1000x32xf32>, vector<32x2xf32>, vector<1000x2xf32> -> vector<1000x2xf32>
    %get3A_69 = arith.constant 0 : index
    %get3A_70 = arith.constant 0 : index
    %get3A_71 = arith.constant 3 : index
    %get3A_72 = arith.constant 0 : index
    %get3A_73 = vector.load %arg1[%get3A_69, %get3A_70, %get3A_71, %get3A_72] : memref<2x1000x4x32xf32, #tpu.memory_space<vmem>>, vector<1x1000x1x32xf32>
    %get3A_74 = vector.shape_cast %get3A_73 : vector<1x1000x1x32xf32> to vector<1000x32xf32>
    %dot_general3A_75 = arith.constant dense<0.000000e+00> : vector<1000x32xf32>
    %dot_general3A_76 = tpu.matmul %get3A_74, %get3A_3, %dot_general3A_75 {dimension_numbers = #tpu.dot_dimension_numbers<[1], [1], [0], [0], [0, 0, 1, 0], [], []>, transpose_lhs_hint = false} : vector<1000x32xf32>, vector<32x32xf32>, vector<1000x32xf32> -> vector<1000x32xf32>
    %swap3A_77 = arith.constant 0 : index
    %swap3A_78 = arith.constant 0 : index
    %swap3A_79 = arith.constant 0 : index
    %swap3A_80 = arith.constant 96 : index
    %swap3A_81 = vector.load %arg5[%swap3A_77, %swap3A_78, %swap3A_79, %swap3A_80] : memref<2x2x1000x128xf32, #tpu.memory_space<vmem>>, vector<1x1x1000x32xf32>
    %swap3A_82 = vector.shape_cast %swap3A_81 : vector<1x1x1000x32xf32> to vector<1000x32xf32>
    %swap3A_83 = vector.shape_cast %dot_general3A_76 : vector<1000x32xf32> to vector<1x1x1000x32xf32>
    tpu.vector_store %arg5[%swap3A_77, %swap3A_78, %swap3A_79, %swap3A_80], %swap3A_83 {strides = array<i32>} : memref<2x2x1000x128xf32, #tpu.memory_space<vmem>>, vector<1x1x1000x32xf32>,
    %dot_general3A_84 = arith.constant dense<0.000000e+00> : vector<1000x2xf32>
    %dot_general3A_85 = tpu.matmul %dot_general3A_76, %get3A_8, %dot_general3A_84 {dimension_numbers = #tpu.dot_dimension_numbers<[1], [0], [0], [1], [0, 0, 1, 1], [], []>, transpose_lhs_hint = false} : vector<1000x32xf32>, vector<32x2xf32>, vector<1000x2xf32> -> vector<1000x2xf32>
    %dot_general3A_86 = arith.constant dense<0.000000e+00> : vector<1000x2xf32>
    %dot_general3A_87 = tpu.matmul %dot_general3A_76, %get3A_13, %dot_general3A_86 {dimension_numbers = #tpu.dot_dimension_numbers<[1], [0], [0], [1], [0, 0, 1, 1], [], []>, transpose_lhs_hint = false} : vector<1000x32xf32>, vector<32x2xf32>, vector<1000x2xf32> -> vector<1000x2xf32>
    %get3A_88 = arith.constant 1 : index
    %get3A_89 = arith.constant 0 : index
    %get3A_90 = arith.constant 0 : index
    %get3A_91 = arith.constant 0 : index
    %get3A_92 = vector.load %arg1[%get3A_88, %get3A_89, %get3A_90, %get3A_91] : memref<2x1000x4x32xf32, #tpu.memory_space<vmem>>, vector<1x1000x1x32xf32>
    %get3A_93 = vector.shape_cast %get3A_92 : vector<1x1000x1x32xf32> to vector<1000x32xf32>
    %dot_general3A_94 = arith.constant dense<0.000000e+00> : vector<1000x32xf32>
    %dot_general3A_95 = tpu.matmul %get3A_93, %get3A_3, %dot_general3A_94 {dimension_numbers = #tpu.dot_dimension_numbers<[1], [1], [0], [0], [0, 0, 1, 0], [], []>, transpose_lhs_hint = false} : vector<1000x32xf32>, vector<32x32xf32>, vector<1000x32xf32> -> vector<1000x32xf32>
    %swap3A_96 = arith.constant 0 : index
    %swap3A_97 = arith.constant 1 : index
    %swap3A_98 = arith.constant 0 : index
    %swap3A_99 = arith.constant 0 : index
    %swap3A_100 = vector.load %arg5[%swap3A_96, %swap3A_97, %swap3A_98, %swap3A_99] : memref<2x2x1000x128xf32, #tpu.memory_space<vmem>>, vector<1x1x1000x32xf32>
    %swap3A_101 = vector.shape_cast %swap3A_100 : vector<1x1x1000x32xf32> to vector<1000x32xf32>
    %swap3A_102 = vector.shape_cast %dot_general3A_95 : vector<1000x32xf32> to vector<1x1x1000x32xf32>
    tpu.vector_store %arg5[%swap3A_96, %swap3A_97, %swap3A_98, %swap3A_99], %swap3A_102 {strides = array<i32>} : memref<2x2x1000x128xf32, #tpu.memory_space<vmem>>, vector<1x1x1000x32xf32>,
    %dot_general3A_103 = arith.constant dense<0.000000e+00> : vector<1000x2xf32>
    %dot_general3A_104 = tpu.matmul %dot_general3A_95, %get3A_8, %dot_general3A_103 {dimension_numbers = #tpu.dot_dimension_numbers<[1], [0], [0], [1], [0, 0, 1, 1], [], []>, transpose_lhs_hint = false} : vector<1000x32xf32>, vector<32x2xf32>, vector<1000x2xf32> -> vector<1000x2xf32>
    %dot_general3A_105 = arith.constant dense<0.000000e+00> : vector<1000x2xf32>
    %dot_general3A_106 = tpu.matmul %dot_general3A_95, %get3A_13, %dot_general3A_105 {dimension_numbers = #tpu.dot_dimension_numbers<[1], [0], [0], [1], [0, 0, 1, 1], [], []>, transpose_lhs_hint = false} : vector<1000x32xf32>, vector<32x2xf32>, vector<1000x2xf32> -> vector<1000x2xf32>
    %get3A_107 = arith.constant 1 : index
    %get3A_108 = arith.constant 0 : index
    %get3A_109 = arith.constant 1 : index
    %get3A_110 = arith.constant 0 : index
    %get3A_111 = vector.load %arg1[%get3A_107, %get3A_108, %get3A_109, %get3A_110] : memref<2x1000x4x32xf32, #tpu.memory_space<vmem>>, vector<1x1000x1x32xf32>
    %get3A_112 = vector.shape_cast %get3A_111 : vector<1x1000x1x32xf32> to vector<1000x32xf32>
    %dot_general3A_113 = arith.constant dense<0.000000e+00> : vector<1000x32xf32>
    %dot_general3A_114 = tpu.matmul %get3A_112, %get3A_3, %dot_general3A_113 {dimension_numbers = #tpu.dot_dimension_numbers<[1], [1], [0], [0], [0, 0, 1, 0], [], []>, transpose_lhs_hint = false} : vector<1000x32xf32>, vector<32x32xf32>, vector<1000x32xf32> -> vector<1000x32xf32>
    %swap3A_115 = arith.constant 0 : index
    %swap3A_116 = arith.constant 1 : index
    %swap3A_117 = arith.constant 0 : index
    %swap3A_118 = arith.constant 32 : index
    %swap3A_119 = vector.load %arg5[%swap3A_115, %swap3A_116, %swap3A_117, %swap3A_118] : memref<2x2x1000x128xf32, #tpu.memory_space<vmem>>, vector<1x1x1000x32xf32>
    %swap3A_120 = vector.shape_cast %swap3A_119 : vector<1x1x1000x32xf32> to vector<1000x32xf32>
    %swap3A_121 = vector.shape_cast %dot_general3A_114 : vector<1000x32xf32> to vector<1x1x1000x32xf32>
    tpu.vector_store %arg5[%swap3A_115, %swap3A_116, %swap3A_117, %swap3A_118], %swap3A_121 {strides = array<i32>} : memref<2x2x1000x128xf32, #tpu.memory_space<vmem>>, vector<1x1x1000x32xf32>,
    %dot_general3A_122 = arith.constant dense<0.000000e+00> : vector<1000x2xf32>
    %dot_general3A_123 = tpu.matmul %dot_general3A_114, %get3A_8, %dot_general3A_122 {dimension_numbers = #tpu.dot_dimension_numbers<[1], [0], [0], [1], [0, 0, 1, 1], [], []>, transpose_lhs_hint = false} : vector<1000x32xf32>, vector<32x2xf32>, vector<1000x2xf32> -> vector<1000x2xf32>
    %dot_general3A_124 = arith.constant dense<0.000000e+00> : vector<1000x2xf32>
    %dot_general3A_125 = tpu.matmul %dot_general3A_114, %get3A_13, %dot_general3A_124 {dimension_numbers = #tpu.dot_dimension_numbers<[1], [0], [0], [1], [0, 0, 1, 1], [], []>, transpose_lhs_hint = false} : vector<1000x32xf32>, vector<32x2xf32>, vector<1000x2xf32> -> vector<1000x2xf32>
    %get3A_126 = arith.constant 1 : index
    %get3A_127 = arith.constant 0 : index
    %get3A_128 = arith.constant 2 : index
    %get3A_129 = arith.constant 0 : index
    %get3A_130 = vector.load %arg1[%get3A_126, %get3A_127, %get3A_128, %get3A_129] : memref<2x1000x4x32xf32, #tpu.memory_space<vmem>>, vector<1x1000x1x32xf32>
    %get3A_131 = vector.shape_cast %get3A_130 : vector<1x1000x1x32xf32> to vector<1000x32xf32>
    %dot_general3A_132 = arith.constant dense<0.000000e+00> : vector<1000x32xf32>
    %dot_general3A_133 = tpu.matmul %get3A_131, %get3A_3, %dot_general3A_132 {dimension_numbers = #tpu.dot_dimension_numbers<[1], [1], [0], [0], [0, 0, 1, 0], [], []>, transpose_lhs_hint = false} : vector<1000x32xf32>, vector<32x32xf32>, vector<1000x32xf32> -> vector<1000x32xf32>
    %swap3A_134 = arith.constant 0 : index
    %swap3A_135 = arith.constant 1 : index
    %swap3A_136 = arith.constant 0 : index
    %swap3A_137 = arith.constant 64 : index
    %swap3A_138 = vector.load %arg5[%swap3A_134, %swap3A_135, %swap3A_136, %swap3A_137] : memref<2x2x1000x128xf32, #tpu.memory_space<vmem>>, vector<1x1x1000x32xf32>
    %swap3A_139 = vector.shape_cast %swap3A_138 : vector<1x1x1000x32xf32> to vector<1000x32xf32>
    %swap3A_140 = vector.shape_cast %dot_general3A_133 : vector<1000x32xf32> to vector<1x1x1000x32xf32>
    tpu.vector_store %arg5[%swap3A_134, %swap3A_135, %swap3A_136, %swap3A_137], %swap3A_140 {strides = array<i32>} : memref<2x2x1000x128xf32, #tpu.memory_space<vmem>>, vector<1x1x1000x32xf32>,
    %dot_general3A_141 = arith.constant dense<0.000000e+00> : vector<1000x2xf32>
    %dot_general3A_142 = tpu.matmul %dot_general3A_133, %get3A_8, %dot_general3A_141 {dimension_numbers = #tpu.dot_dimension_numbers<[1], [0], [0], [1], [0, 0, 1, 1], [], []>, transpose_lhs_hint = false} : vector<1000x32xf32>, vector<32x2xf32>, vector<1000x2xf32> -> vector<1000x2xf32>
    %dot_general3A_143 = arith.constant dense<0.000000e+00> : vector<1000x2xf32>
    %dot_general3A_144 = tpu.matmul %dot_general3A_133, %get3A_13, %dot_general3A_143 {dimension_numbers = #tpu.dot_dimension_numbers<[1], [0], [0], [1], [0, 0, 1, 1], [], []>, transpose_lhs_hint = false} : vector<1000x32xf32>, vector<32x2xf32>, vector<1000x2xf32> -> vector<1000x2xf32>
    %get3A_145 = arith.constant 1 : index
    %get3A_146 = arith.constant 0 : index
    %get3A_147 = arith.constant 3 : index
    %get3A_148 = arith.constant 0 : index
    %get3A_149 = vector.load %arg1[%get3A_145, %get3A_146, %get3A_147, %get3A_148] : memref<2x1000x4x32xf32, #tpu.memory_space<vmem>>, vector<1x1000x1x32xf32>
    %get3A_150 = vector.shape_cast %get3A_149 : vector<1x1000x1x32xf32> to vector<1000x32xf32>
    %dot_general3A_151 = arith.constant dense<0.000000e+00> : vector<1000x32xf32>
    %dot_general3A_152 = tpu.matmul %get3A_150, %get3A_3, %dot_general3A_151 {dimension_numbers = #tpu.dot_dimension_numbers<[1], [1], [0], [0], [0, 0, 1, 0], [], []>, transpose_lhs_hint = false} : vector<1000x32xf32>, vector<32x32xf32>, vector<1000x32xf32> -> vector<1000x32xf32>
    %swap3A_153 = arith.constant 0 : index
    %swap3A_154 = arith.constant 1 : index
    %swap3A_155 = arith.constant 0 : index
    %swap3A_156 = arith.constant 96 : index
    %swap3A_157 = vector.load %arg5[%swap3A_153, %swap3A_154, %swap3A_155, %swap3A_156] : memref<2x2x1000x128xf32, #tpu.memory_space<vmem>>, vector<1x1x1000x32xf32>
    %swap3A_158 = vector.shape_cast %swap3A_157 : vector<1x1x1000x32xf32> to vector<1000x32xf32>
    %swap3A_159 = vector.shape_cast %dot_general3A_152 : vector<1000x32xf32> to vector<1x1x1000x32xf32>
    tpu.vector_store %arg5[%swap3A_153, %swap3A_154, %swap3A_155, %swap3A_156], %swap3A_159 {strides = array<i32>} : memref<2x2x1000x128xf32, #tpu.memory_space<vmem>>, vector<1x1x1000x32xf32>,
    %dot_general3A_160 = arith.constant dense<0.000000e+00> : vector<1000x2xf32>
    %dot_general3A_161 = tpu.matmul %dot_general3A_152, %get3A_8, %dot_general3A_160 {dimension_numbers = #tpu.dot_dimension_numbers<[1], [0], [0], [1], [0, 0, 1, 1], [], []>, transpose_lhs_hint = false} : vector<1000x32xf32>, vector<32x2xf32>, vector<1000x2xf32> -> vector<1000x2xf32>
    %dot_general3A_162 = arith.constant dense<0.000000e+00> : vector<1000x2xf32>
    %dot_general3A_163 = tpu.matmul %dot_general3A_152, %get3A_13, %dot_general3A_162 {dimension_numbers = #tpu.dot_dimension_numbers<[1], [0], [0], [1], [0, 0, 1, 1], [], []>, transpose_lhs_hint = false} : vector<1000x32xf32>, vector<32x2xf32>, vector<1000x2xf32> -> vector<1000x2xf32>
    %broadcast_in_dim3A = arith.constant 0.000000e+00 : f32
    %broadcast_in_dim3A_164 = vector.broadcast %broadcast_in_dim3A : f32 to vector<1000x112xf32>
    %concatenate3A = tpu.concatenate %dot_general3A_28, %dot_general3A_47, %dot_general3A_66, %dot_general3A_85, %dot_general3A_104, %dot_general3A_123, %dot_general3A_142, %dot_general3A_161, %broadcast_in_dim3A_164 in 1 : vector<1000x2xf32>, vector<1000x2xf32>, vector<1000x2xf32>, vector<1000x2xf32>, vector<1000x2xf32>, vector<1000x2xf32>, vector<1000x2xf32>, vector<1000x2xf32>, vector<1000x112xf32> -> vector<1000x128xf32>
    %swap3A_165 = arith.constant 0 : index
    %swap3A_166 = arith.constant 0 : index
    %swap3A_167 = arith.constant 0 : index
    %swap3A_168 = vector.load %arg6[%swap3A_165, %swap3A_166, %swap3A_167] : memref<2x1000x128xf32, #tpu.memory_space<vmem>>, vector<1x1000x128xf32>
    %swap3A_169 = vector.shape_cast %swap3A_168 : vector<1x1000x128xf32> to vector<1000x128xf32>
    %swap3A_170 = vector.shape_cast %concatenate3A : vector<1000x128xf32> to vector<1x1000x128xf32>
    tpu.vector_store %arg6[%swap3A_165, %swap3A_166, %swap3A_167], %swap3A_170 {strides = array<i32>} : memref<2x1000x128xf32, #tpu.memory_space<vmem>>, vector<1x1000x128xf32>,
    %concatenate3A_171 = tpu.concatenate %dot_general3A_30, %dot_general3A_49, %dot_general3A_68, %dot_general3A_87, %dot_general3A_106, %dot_general3A_125, %dot_general3A_144, %dot_general3A_163, %broadcast_in_dim3A_164 in 1 : vector<1000x2xf32>, vector<1000x2xf32>, vector<1000x2xf32>, vector<1000x2xf32>, vector<1000x2xf32>, vector<1000x2xf32>, vector<1000x2xf32>, vector<1000x2xf32>, vector<1000x112xf32> -> vector<1000x128xf32>
    %swap3A_172 = arith.constant 0 : index
    %swap3A_173 = arith.constant 0 : index
    %swap3A_174 = arith.constant 0 : index
    %swap3A_175 = vector.load %arg7[%swap3A_172, %swap3A_173, %swap3A_174] : memref<2x1000x128xf32, #tpu.memory_space<vmem>>, vector<1x1000x128xf32>
    %swap3A_176 = vector.shape_cast %swap3A_175 : vector<1x1000x128xf32> to vector<1000x128xf32>
    %swap3A_177 = vector.shape_cast %concatenate3A_171 : vector<1000x128xf32> to vector<1x1000x128xf32>
    tpu.vector_store %arg7[%swap3A_172, %swap3A_173, %swap3A_174], %swap3A_177 {strides = array<i32>} : memref<2x1000x128xf32, #tpu.memory_space<vmem>>, vector<1x1000x128xf32>,
    %get3A_178 = arith.constant 1 : index
    %get3A_179 = arith.constant 0 : index
    %get3A_180 = arith.constant 0 : index
    %get3A_181 = vector.load %arg2[%get3A_178, %get3A_179, %get3A_180] : memref<2x32x32xf32, #tpu.memory_space<vmem>>, vector<1x32x32xf32>
    %get3A_182 = vector.shape_cast %get3A_181 : vector<1x32x32xf32> to vector<32x32xf32>
    %get3A_183 = arith.constant 1 : index
    %get3A_184 = arith.constant 0 : index
    %get3A_185 = arith.constant 0 : index
    %get3A_186 = vector.load %arg3[%get3A_183, %get3A_184, %get3A_185] : memref<2x32x2xf32, #tpu.memory_space<vmem>>, vector<1x32x2xf32>
    %get3A_187 = vector.shape_cast %get3A_186 : vector<1x32x2xf32> to vector<32x2xf32>
    %get3A_188 = arith.constant 1 : index
    %get3A_189 = arith.constant 0 : index
    %get3A_190 = arith.constant 0 : index
    %get3A_191 = vector.load %arg4[%get3A_188, %get3A_189, %get3A_190] : memref<2x32x2xf32, #tpu.memory_space<vmem>>, vector<1x32x2xf32>
    %get3A_192 = vector.shape_cast %get3A_191 : vector<1x32x2xf32> to vector<32x2xf32>
    %get3A_193 = arith.constant 0 : index
    %get3A_194 = arith.constant 0 : index
    %get3A_195 = arith.constant 0 : index
    %get3A_196 = arith.constant 0 : index
    %get3A_197 = vector.load %arg1[%get3A_193, %get3A_194, %get3A_195, %get3A_196] : memref<2x1000x4x32xf32, #tpu.memory_space<vmem>>, vector<1x1000x1x32xf32>
    %get3A_198 = vector.shape_cast %get3A_197 : vector<1x1000x1x32xf32> to vector<1000x32xf32>
    %dot_general3A_199 = arith.constant dense<0.000000e+00> : vector<1000x32xf32>
    %dot_general3A_200 = tpu.matmul %get3A_198, %get3A_182, %dot_general3A_199 {dimension_numbers = #tpu.dot_dimension_numbers<[1], [1], [0], [0], [0, 0, 1, 0], [], []>, transpose_lhs_hint = false} : vector<1000x32xf32>, vector<32x32xf32>, vector<1000x32xf32> -> vector<1000x32xf32>
    %swap3A_201 = arith.constant 1 : index
    %swap3A_202 = arith.constant 0 : index
    %swap3A_203 = arith.constant 0 : index
    %swap3A_204 = arith.constant 0 : index
    %swap3A_205 = vector.load %arg5[%swap3A_201, %swap3A_202, %swap3A_203, %swap3A_204] : memref<2x2x1000x128xf32, #tpu.memory_space<vmem>>, vector<1x1x1000x32xf32>
    %swap3A_206 = vector.shape_cast %swap3A_205 : vector<1x1x1000x32xf32> to vector<1000x32xf32>
    %swap3A_207 = vector.shape_cast %dot_general3A_200 : vector<1000x32xf32> to vector<1x1x1000x32xf32>
    tpu.vector_store %arg5[%swap3A_201, %swap3A_202, %swap3A_203, %swap3A_204], %swap3A_207 {strides = array<i32>} : memref<2x2x1000x128xf32, #tpu.memory_space<vmem>>, vector<1x1x1000x32xf32>,
    %dot_general3A_208 = arith.constant dense<0.000000e+00> : vector<1000x2xf32>
    %dot_general3A_209 = tpu.matmul %dot_general3A_200, %get3A_187, %dot_general3A_208 {dimension_numbers = #tpu.dot_dimension_numbers<[1], [0], [0], [1], [0, 0, 1, 1], [], []>, transpose_lhs_hint = false} : vector<1000x32xf32>, vector<32x2xf32>, vector<1000x2xf32> -> vector<1000x2xf32>
    %dot_general3A_210 = arith.constant dense<0.000000e+00> : vector<1000x2xf32>
    %dot_general3A_211 = tpu.matmul %dot_general3A_200, %get3A_192, %dot_general3A_210 {dimension_numbers = #tpu.dot_dimension_numbers<[1], [0], [0], [1], [0, 0, 1, 1], [], []>, transpose_lhs_hint = false} : vector<1000x32xf32>, vector<32x2xf32>, vector<1000x2xf32> -> vector<1000x2xf32>
    %get3A_212 = arith.constant 0 : index
    %get3A_213 = arith.constant 0 : index
    %get3A_214 = arith.constant 1 : index
    %get3A_215 = arith.constant 0 : index
    %get3A_216 = vector.load %arg1[%get3A_212, %get3A_213, %get3A_214, %get3A_215] : memref<2x1000x4x32xf32, #tpu.memory_space<vmem>>, vector<1x1000x1x32xf32>
    %get3A_217 = vector.shape_cast %get3A_216 : vector<1x1000x1x32xf32> to vector<1000x32xf32>
    %dot_general3A_218 = arith.constant dense<0.000000e+00> : vector<1000x32xf32>
    %dot_general3A_219 = tpu.matmul %get3A_217, %get3A_182, %dot_general3A_218 {dimension_numbers = #tpu.dot_dimension_numbers<[1], [1], [0], [0], [0, 0, 1, 0], [], []>, transpose_lhs_hint = false} : vector<1000x32xf32>, vector<32x32xf32>, vector<1000x32xf32> -> vector<1000x32xf32>
    %swap3A_220 = arith.constant 1 : index
    %swap3A_221 = arith.constant 0 : index
    %swap3A_222 = arith.constant 0 : index
    %swap3A_223 = arith.constant 32 : index
    %swap3A_224 = vector.load %arg5[%swap3A_220, %swap3A_221, %swap3A_222, %swap3A_223] : memref<2x2x1000x128xf32, #tpu.memory_space<vmem>>, vector<1x1x1000x32xf32>
    %swap3A_225 = vector.shape_cast %swap3A_224 : vector<1x1x1000x32xf32> to vector<1000x32xf32>
    %swap3A_226 = vector.shape_cast %dot_general3A_219 : vector<1000x32xf32> to vector<1x1x1000x32xf32>
    tpu.vector_store %arg5[%swap3A_220, %swap3A_221, %swap3A_222, %swap3A_223], %swap3A_226 {strides = array<i32>} : memref<2x2x1000x128xf32, #tpu.memory_space<vmem>>, vector<1x1x1000x32xf32>,
    %dot_general3A_227 = arith.constant dense<0.000000e+00> : vector<1000x2xf32>
    %dot_general3A_228 = tpu.matmul %dot_general3A_219, %get3A_187, %dot_general3A_227 {dimension_numbers = #tpu.dot_dimension_numbers<[1], [0], [0], [1], [0, 0, 1, 1], [], []>, transpose_lhs_hint = false} : vector<1000x32xf32>, vector<32x2xf32>, vector<1000x2xf32> -> vector<1000x2xf32>
    %dot_general3A_229 = arith.constant dense<0.000000e+00> : vector<1000x2xf32>
    %dot_general3A_230 = tpu.matmul %dot_general3A_219, %get3A_192, %dot_general3A_229 {dimension_numbers = #tpu.dot_dimension_numbers<[1], [0], [0], [1], [0, 0, 1, 1], [], []>, transpose_lhs_hint = false} : vector<1000x32xf32>, vector<32x2xf32>, vector<1000x2xf32> -> vector<1000x2xf32>
    %get3A_231 = arith.constant 0 : index
    %get3A_232 = arith.constant 0 : index
    %get3A_233 = arith.constant 2 : index
    %get3A_234 = arith.constant 0 : index
    %get3A_235 = vector.load %arg1[%get3A_231, %get3A_232, %get3A_233, %get3A_234] : memref<2x1000x4x32xf32, #tpu.memory_space<vmem>>, vector<1x1000x1x32xf32>
    %get3A_236 = vector.shape_cast %get3A_235 : vector<1x1000x1x32xf32> to vector<1000x32xf32>
    %dot_general3A_237 = arith.constant dense<0.000000e+00> : vector<1000x32xf32>
    %dot_general3A_238 = tpu.matmul %get3A_236, %get3A_182, %dot_general3A_237 {dimension_numbers = #tpu.dot_dimension_numbers<[1], [1], [0], [0], [0, 0, 1, 0], [], []>, transpose_lhs_hint = false} : vector<1000x32xf32>, vector<32x32xf32>, vector<1000x32xf32> -> vector<1000x32xf32>
    %swap3A_239 = arith.constant 1 : index
    %swap3A_240 = arith.constant 0 : index
    %swap3A_241 = arith.constant 0 : index
    %swap3A_242 = arith.constant 64 : index
    %swap3A_243 = vector.load %arg5[%swap3A_239, %swap3A_240, %swap3A_241, %swap3A_242] : memref<2x2x1000x128xf32, #tpu.memory_space<vmem>>, vector<1x1x1000x32xf32>
    %swap3A_244 = vector.shape_cast %swap3A_243 : vector<1x1x1000x32xf32> to vector<1000x32xf32>
    %swap3A_245 = vector.shape_cast %dot_general3A_238 : vector<1000x32xf32> to vector<1x1x1000x32xf32>
    tpu.vector_store %arg5[%swap3A_239, %swap3A_240, %swap3A_241, %swap3A_242], %swap3A_245 {strides = array<i32>} : memref<2x2x1000x128xf32, #tpu.memory_space<vmem>>, vector<1x1x1000x32xf32>,
    %dot_general3A_246 = arith.constant dense<0.000000e+00> : vector<1000x2xf32>
    %dot_general3A_247 = tpu.matmul %dot_general3A_238, %get3A_187, %dot_general3A_246 {dimension_numbers = #tpu.dot_dimension_numbers<[1], [0], [0], [1], [0, 0, 1, 1], [], []>, transpose_lhs_hint = false} : vector<1000x32xf32>, vector<32x2xf32>, vector<1000x2xf32> -> vector<1000x2xf32>
    %dot_general3A_248 = arith.constant dense<0.000000e+00> : vector<1000x2xf32>
    %dot_general3A_249 = tpu.matmul %dot_general3A_238, %get3A_192, %dot_general3A_248 {dimension_numbers = #tpu.dot_dimension_numbers<[1], [0], [0], [1], [0, 0, 1, 1], [], []>, transpose_lhs_hint = false} : vector<1000x32xf32>, vector<32x2xf32>, vector<1000x2xf32> -> vector<1000x2xf32>
    %get3A_250 = arith.constant 0 : index
    %get3A_251 = arith.constant 0 : index
    %get3A_252 = arith.constant 3 : index
    %get3A_253 = arith.constant 0 : index
    %get3A_254 = vector.load %arg1[%get3A_250, %get3A_251, %get3A_252, %get3A_253] : memref<2x1000x4x32xf32, #tpu.memory_space<vmem>>, vector<1x1000x1x32xf32>
    %get3A_255 = vector.shape_cast %get3A_254 : vector<1x1000x1x32xf32> to vector<1000x32xf32>
    %dot_general3A_256 = arith.constant dense<0.000000e+00> : vector<1000x32xf32>
    %dot_general3A_257 = tpu.matmul %get3A_255, %get3A_182, %dot_general3A_256 {dimension_numbers = #tpu.dot_dimension_numbers<[1], [1], [0], [0], [0, 0, 1, 0], [], []>, transpose_lhs_hint = false} : vector<1000x32xf32>, vector<32x32xf32>, vector<1000x32xf32> -> vector<1000x32xf32>
    %swap3A_258 = arith.constant 1 : index
    %swap3A_259 = arith.constant 0 : index
    %swap3A_260 = arith.constant 0 : index
    %swap3A_261 = arith.constant 96 : index
    %swap3A_262 = vector.load %arg5[%swap3A_258, %swap3A_259, %swap3A_260, %swap3A_261] : memref<2x2x1000x128xf32, #tpu.memory_space<vmem>>, vector<1x1x1000x32xf32>
    %swap3A_263 = vector.shape_cast %swap3A_262 : vector<1x1x1000x32xf32> to vector<1000x32xf32>
    %swap3A_264 = vector.shape_cast %dot_general3A_257 : vector<1000x32xf32> to vector<1x1x1000x32xf32>
    tpu.vector_store %arg5[%swap3A_258, %swap3A_259, %swap3A_260, %swap3A_261], %swap3A_264 {strides = array<i32>} : memref<2x2x1000x128xf32, #tpu.memory_space<vmem>>, vector<1x1x1000x32xf32>,
    %dot_general3A_265 = arith.constant dense<0.000000e+00> : vector<1000x2xf32>
    %dot_general3A_266 = tpu.matmul %dot_general3A_257, %get3A_187, %dot_general3A_265 {dimension_numbers = #tpu.dot_dimension_numbers<[1], [0], [0], [1], [0, 0, 1, 1], [], []>, transpose_lhs_hint = false} : vector<1000x32xf32>, vector<32x2xf32>, vector<1000x2xf32> -> vector<1000x2xf32>
    %dot_general3A_267 = arith.constant dense<0.000000e+00> : vector<1000x2xf32>
    %dot_general3A_268 = tpu.matmul %dot_general3A_257, %get3A_192, %dot_general3A_267 {dimension_numbers = #tpu.dot_dimension_numbers<[1], [0], [0], [1], [0, 0, 1, 1], [], []>, transpose_lhs_hint = false} : vector<1000x32xf32>, vector<32x2xf32>, vector<1000x2xf32> -> vector<1000x2xf32>
    %get3A_269 = arith.constant 1 : index
    %get3A_270 = arith.constant 0 : index
    %get3A_271 = arith.constant 0 : index
    %get3A_272 = arith.constant 0 : index
    %get3A_273 = vector.load %arg1[%get3A_269, %get3A_270, %get3A_271, %get3A_272] : memref<2x1000x4x32xf32, #tpu.memory_space<vmem>>, vector<1x1000x1x32xf32>
    %get3A_274 = vector.shape_cast %get3A_273 : vector<1x1000x1x32xf32> to vector<1000x32xf32>
    %dot_general3A_275 = arith.constant dense<0.000000e+00> : vector<1000x32xf32>
    %dot_general3A_276 = tpu.matmul %get3A_274, %get3A_182, %dot_general3A_275 {dimension_numbers = #tpu.dot_dimension_numbers<[1], [1], [0], [0], [0, 0, 1, 0], [], []>, transpose_lhs_hint = false} : vector<1000x32xf32>, vector<32x32xf32>, vector<1000x32xf32> -> vector<1000x32xf32>
    %swap3A_277 = arith.constant 1 : index
    %swap3A_278 = arith.constant 1 : index
    %swap3A_279 = arith.constant 0 : index
    %swap3A_280 = arith.constant 0 : index
    %swap3A_281 = vector.load %arg5[%swap3A_277, %swap3A_278, %swap3A_279, %swap3A_280] : memref<2x2x1000x128xf32, #tpu.memory_space<vmem>>, vector<1x1x1000x32xf32>
    %swap3A_282 = vector.shape_cast %swap3A_281 : vector<1x1x1000x32xf32> to vector<1000x32xf32>
    %swap3A_283 = vector.shape_cast %dot_general3A_276 : vector<1000x32xf32> to vector<1x1x1000x32xf32>
    tpu.vector_store %arg5[%swap3A_277, %swap3A_278, %swap3A_279, %swap3A_280], %swap3A_283 {strides = array<i32>} : memref<2x2x1000x128xf32, #tpu.memory_space<vmem>>, vector<1x1x1000x32xf32>,
    %dot_general3A_284 = arith.constant dense<0.000000e+00> : vector<1000x2xf32>
    %dot_general3A_285 = tpu.matmul %dot_general3A_276, %get3A_187, %dot_general3A_284 {dimension_numbers = #tpu.dot_dimension_numbers<[1], [0], [0], [1], [0, 0, 1, 1], [], []>, transpose_lhs_hint = false} : vector<1000x32xf32>, vector<32x2xf32>, vector<1000x2xf32> -> vector<1000x2xf32>
    %dot_general3A_286 = arith.constant dense<0.000000e+00> : vector<1000x2xf32>
    %dot_general3A_287 = tpu.matmul %dot_general3A_276, %get3A_192, %dot_general3A_286 {dimension_numbers = #tpu.dot_dimension_numbers<[1], [0], [0], [1], [0, 0, 1, 1], [], []>, transpose_lhs_hint = false} : vector<1000x32xf32>, vector<32x2xf32>, vector<1000x2xf32> -> vector<1000x2xf32>
    %get3A_288 = arith.constant 1 : index
    %get3A_289 = arith.constant 0 : index
    %get3A_290 = arith.constant 1 : index
    %get3A_291 = arith.constant 0 : index
    %get3A_292 = vector.load %arg1[%get3A_288, %get3A_289, %get3A_290, %get3A_291] : memref<2x1000x4x32xf32, #tpu.memory_space<vmem>>, vector<1x1000x1x32xf32>
    %get3A_293 = vector.shape_cast %get3A_292 : vector<1x1000x1x32xf32> to vector<1000x32xf32>
    %dot_general3A_294 = arith.constant dense<0.000000e+00> : vector<1000x32xf32>
    %dot_general3A_295 = tpu.matmul %get3A_293, %get3A_182, %dot_general3A_294 {dimension_numbers = #tpu.dot_dimension_numbers<[1], [1], [0], [0], [0, 0, 1, 0], [], []>, transpose_lhs_hint = false} : vector<1000x32xf32>, vector<32x32xf32>, vector<1000x32xf32> -> vector<1000x32xf32>
    %swap3A_296 = arith.constant 1 : index
    %swap3A_297 = arith.constant 1 : index
    %swap3A_298 = arith.constant 0 : index
    %swap3A_299 = arith.constant 32 : index
    %swap3A_300 = vector.load %arg5[%swap3A_296, %swap3A_297, %swap3A_298, %swap3A_299] : memref<2x2x1000x128xf32, #tpu.memory_space<vmem>>, vector<1x1x1000x32xf32>
    %swap3A_301 = vector.shape_cast %swap3A_300 : vector<1x1x1000x32xf32> to vector<1000x32xf32>
    %swap3A_302 = vector.shape_cast %dot_general3A_295 : vector<1000x32xf32> to vector<1x1x1000x32xf32>
    tpu.vector_store %arg5[%swap3A_296, %swap3A_297, %swap3A_298, %swap3A_299], %swap3A_302 {strides = array<i32>} : memref<2x2x1000x128xf32, #tpu.memory_space<vmem>>, vector<1x1x1000x32xf32>,
    %dot_general3A_303 = arith.constant dense<0.000000e+00> : vector<1000x2xf32>
    %dot_general3A_304 = tpu.matmul %dot_general3A_295, %get3A_187, %dot_general3A_303 {dimension_numbers = #tpu.dot_dimension_numbers<[1], [0], [0], [1], [0, 0, 1, 1], [], []>, transpose_lhs_hint = false} : vector<1000x32xf32>, vector<32x2xf32>, vector<1000x2xf32> -> vector<1000x2xf32>
    %dot_general3A_305 = arith.constant dense<0.000000e+00> : vector<1000x2xf32>
    %dot_general3A_306 = tpu.matmul %dot_general3A_295, %get3A_192, %dot_general3A_305 {dimension_numbers = #tpu.dot_dimension_numbers<[1], [0], [0], [1], [0, 0, 1, 1], [], []>, transpose_lhs_hint = false} : vector<1000x32xf32>, vector<32x2xf32>, vector<1000x2xf32> -> vector<1000x2xf32>
    %get3A_307 = arith.constant 1 : index
    %get3A_308 = arith.constant 0 : index
    %get3A_309 = arith.constant 2 : index
    %get3A_310 = arith.constant 0 : index
    %get3A_311 = vector.load %arg1[%get3A_307, %get3A_308, %get3A_309, %get3A_310] : memref<2x1000x4x32xf32, #tpu.memory_space<vmem>>, vector<1x1000x1x32xf32>
    %get3A_312 = vector.shape_cast %get3A_311 : vector<1x1000x1x32xf32> to vector<1000x32xf32>
    %dot_general3A_313 = arith.constant dense<0.000000e+00> : vector<1000x32xf32>
    %dot_general3A_314 = tpu.matmul %get3A_312, %get3A_182, %dot_general3A_313 {dimension_numbers = #tpu.dot_dimension_numbers<[1], [1], [0], [0], [0, 0, 1, 0], [], []>, transpose_lhs_hint = false} : vector<1000x32xf32>, vector<32x32xf32>, vector<1000x32xf32> -> vector<1000x32xf32>
    %swap3A_315 = arith.constant 1 : index
    %swap3A_316 = arith.constant 1 : index
    %swap3A_317 = arith.constant 0 : index
    %swap3A_318 = arith.constant 64 : index
    %swap3A_319 = vector.load %arg5[%swap3A_315, %swap3A_316, %swap3A_317, %swap3A_318] : memref<2x2x1000x128xf32, #tpu.memory_space<vmem>>, vector<1x1x1000x32xf32>
    %swap3A_320 = vector.shape_cast %swap3A_319 : vector<1x1x1000x32xf32> to vector<1000x32xf32>
    %swap3A_321 = vector.shape_cast %dot_general3A_314 : vector<1000x32xf32> to vector<1x1x1000x32xf32>
    tpu.vector_store %arg5[%swap3A_315, %swap3A_316, %swap3A_317, %swap3A_318], %swap3A_321 {strides = array<i32>} : memref<2x2x1000x128xf32, #tpu.memory_space<vmem>>, vector<1x1x1000x32xf32>,
    %dot_general3A_322 = arith.constant dense<0.000000e+00> : vector<1000x2xf32>
    %dot_general3A_323 = tpu.matmul %dot_general3A_314, %get3A_187, %dot_general3A_322 {dimension_numbers = #tpu.dot_dimension_numbers<[1], [0], [0], [1], [0, 0, 1, 1], [], []>, transpose_lhs_hint = false} : vector<1000x32xf32>, vector<32x2xf32>, vector<1000x2xf32> -> vector<1000x2xf32>
    %dot_general3A_324 = arith.constant dense<0.000000e+00> : vector<1000x2xf32>
    %dot_general3A_325 = tpu.matmul %dot_general3A_314, %get3A_192, %dot_general3A_324 {dimension_numbers = #tpu.dot_dimension_numbers<[1], [0], [0], [1], [0, 0, 1, 1], [], []>, transpose_lhs_hint = false} : vector<1000x32xf32>, vector<32x2xf32>, vector<1000x2xf32> -> vector<1000x2xf32>
    %get3A_326 = arith.constant 1 : index
    %get3A_327 = arith.constant 0 : index
    %get3A_328 = arith.constant 3 : index
    %get3A_329 = arith.constant 0 : index
    %get3A_330 = vector.load %arg1[%get3A_326, %get3A_327, %get3A_328, %get3A_329] : memref<2x1000x4x32xf32, #tpu.memory_space<vmem>>, vector<1x1000x1x32xf32>
    %get3A_331 = vector.shape_cast %get3A_330 : vector<1x1000x1x32xf32> to vector<1000x32xf32>
    %dot_general3A_332 = arith.constant dense<0.000000e+00> : vector<1000x32xf32>
    %dot_general3A_333 = tpu.matmul %get3A_331, %get3A_182, %dot_general3A_332 {dimension_numbers = #tpu.dot_dimension_numbers<[1], [1], [0], [0], [0, 0, 1, 0], [], []>, transpose_lhs_hint = false} : vector<1000x32xf32>, vector<32x32xf32>, vector<1000x32xf32> -> vector<1000x32xf32>
    %swap3A_334 = arith.constant 1 : index
    %swap3A_335 = arith.constant 1 : index
    %swap3A_336 = arith.constant 0 : index
    %swap3A_337 = arith.constant 96 : index
    %swap3A_338 = vector.load %arg5[%swap3A_334, %swap3A_335, %swap3A_336, %swap3A_337] : memref<2x2x1000x128xf32, #tpu.memory_space<vmem>>, vector<1x1x1000x32xf32>
    %swap3A_339 = vector.shape_cast %swap3A_338 : vector<1x1x1000x32xf32> to vector<1000x32xf32>
    %swap3A_340 = vector.shape_cast %dot_general3A_333 : vector<1000x32xf32> to vector<1x1x1000x32xf32>
    tpu.vector_store %arg5[%swap3A_334, %swap3A_335, %swap3A_336, %swap3A_337], %swap3A_340 {strides = array<i32>} : memref<2x2x1000x128xf32, #tpu.memory_space<vmem>>, vector<1x1x1000x32xf32>,
    %dot_general3A_341 = arith.constant dense<0.000000e+00> : vector<1000x2xf32>
    %dot_general3A_342 = tpu.matmul %dot_general3A_333, %get3A_187, %dot_general3A_341 {dimension_numbers = #tpu.dot_dimension_numbers<[1], [0], [0], [1], [0, 0, 1, 1], [], []>, transpose_lhs_hint = false} : vector<1000x32xf32>, vector<32x2xf32>, vector<1000x2xf32> -> vector<1000x2xf32>
    %dot_general3A_343 = arith.constant dense<0.000000e+00> : vector<1000x2xf32>
    %dot_general3A_344 = tpu.matmul %dot_general3A_333, %get3A_192, %dot_general3A_343 {dimension_numbers = #tpu.dot_dimension_numbers<[1], [0], [0], [1], [0, 0, 1, 1], [], []>, transpose_lhs_hint = false} : vector<1000x32xf32>, vector<32x2xf32>, vector<1000x2xf32> -> vector<1000x2xf32>
    %concatenate3A_345 = tpu.concatenate %dot_general3A_209, %dot_general3A_228, %dot_general3A_247, %dot_general3A_266, %dot_general3A_285, %dot_general3A_304, %dot_general3A_323, %dot_general3A_342, %broadcast_in_dim3A_164 in 1 : vector<1000x2xf32>, vector<1000x2xf32>, vector<1000x2xf32>, vector<1000x2xf32>, vector<1000x2xf32>, vector<1000x2xf32>, vector<1000x2xf32>, vector<1000x2xf32>, vector<1000x112xf32> -> vector<1000x128xf32>
    %swap3A_346 = arith.constant 1 : index
    %swap3A_347 = arith.constant 0 : index
    %swap3A_348 = arith.constant 0 : index
    %swap3A_349 = vector.load %arg6[%swap3A_346, %swap3A_347, %swap3A_348] : memref<2x1000x128xf32, #tpu.memory_space<vmem>>, vector<1x1000x128xf32>
    %swap3A_350 = vector.shape_cast %swap3A_349 : vector<1x1000x128xf32> to vector<1000x128xf32>
    %swap3A_351 = vector.shape_cast %concatenate3A_345 : vector<1000x128xf32> to vector<1x1000x128xf32>
    tpu.vector_store %arg6[%swap3A_346, %swap3A_347, %swap3A_348], %swap3A_351 {strides = array<i32>} : memref<2x1000x128xf32, #tpu.memory_space<vmem>>, vector<1x1000x128xf32>,
    %concatenate3A_352 = tpu.concatenate %dot_general3A_211, %dot_general3A_230, %dot_general3A_249, %dot_general3A_268, %dot_general3A_287, %dot_general3A_306, %dot_general3A_325, %dot_general3A_344, %broadcast_in_dim3A_164 in 1 : vector<1000x2xf32>, vector<1000x2xf32>, vector<1000x2xf32>, vector<1000x2xf32>, vector<1000x2xf32>, vector<1000x2xf32>, vector<1000x2xf32>, vector<1000x2xf32>, vector<1000x112xf32> -> vector<1000x128xf32>
    %swap3A_353 = arith.constant 1 : index
    %swap3A_354 = arith.constant 0 : index
    %swap3A_355 = arith.constant 0 : index
    %swap3A_356 = vector.load %arg7[%swap3A_353, %swap3A_354, %swap3A_355] : memref<2x1000x128xf32, #tpu.memory_space<vmem>>, vector<1x1000x128xf32>
    %swap3A_357 = vector.shape_cast %swap3A_356 : vector<1x1000x128xf32> to vector<1000x128xf32>
    %swap3A_358 = vector.shape_cast %concatenate3A_352 : vector<1000x128xf32> to vector<1x1000x128xf32>
    tpu.vector_store %arg7[%swap3A_353, %swap3A_354, %swap3A_355], %swap3A_358 {strides = array<i32>} : memref<2x1000x128xf32, #tpu.memory_space<vmem>>, vector<1x1000x128xf32>,
    return
  }
  func.func @transform_0(%arg0: i32) -> (i32, i32, i32, i32) {
    %c0_i32 = arith.constant 0 : i32
    %c0_i32_0 = arith.constant 0 : i32
    %c0_i32_1 = arith.constant 0 : i32
    %c0_i32_2 = arith.constant 0 : i32
    return %c0_i32, %arg0, %c0_i32_0, %c0_i32_1 : i32, i32, i32, i32
  }
  func.func @transform_1(%arg0: i32) -> (i32, i32, i32) {
    %c0_i32 = arith.constant 0 : i32
    %c0_i32_0 = arith.constant 0 : i32
    %c0_i32_1 = arith.constant 0 : i32
    %c0_i32_2 = arith.constant 0 : i32
    return %c0_i32, %c0_i32_0, %c0_i32_1 : i32, i32, i32
  }
  func.func @transform_2(%arg0: i32) -> (i32, i32, i32) {
    %c0_i32 = arith.constant 0 : i32
    %c0_i32_0 = arith.constant 0 : i32
    %c0_i32_1 = arith.constant 0 : i32
    %c0_i32_2 = arith.constant 0 : i32
    return %c0_i32, %c0_i32_0, %c0_i32_1 : i32, i32, i32
  }
  func.func @transform_3(%arg0: i32) -> (i32, i32, i32) {
    %c0_i32 = arith.constant 0 : i32
    %c0_i32_0 = arith.constant 0 : i32
    %c0_i32_1 = arith.constant 0 : i32
    %c0_i32_2 = arith.constant 0 : i32
    return %c0_i32, %c0_i32_0, %c0_i32_1 : i32, i32, i32
  }
  func.func @transform_4(%arg0: i32) -> (i32, i32, i32, i32) {
    %c0_i32 = arith.constant 0 : i32
    %c0_i32_0 = arith.constant 0 : i32
    %c0_i32_1 = arith.constant 0 : i32
    %c0_i32_2 = arith.constant 0 : i32
    return %c0_i32, %c0_i32_0, %arg0, %c0_i32_1 : i32, i32, i32, i32
  }
  func.func @transform_5(%arg0: i32) -> (i32, i32, i32) {
    %c0_i32 = arith.constant 0 : i32
    %c0_i32_0 = arith.constant 0 : i32
    %c0_i32_1 = arith.constant 0 : i32
    return %c0_i32, %arg0, %c0_i32_0 : i32, i32, i32
  }
  func.func @transform_6(%arg0: i32) -> (i32, i32, i32) {
    %c0_i32 = arith.constant 0 : i32
    %c0_i32_0 = arith.constant 0 : i32
    %c0_i32_1 = arith.constant 0 : i32
    return %c0_i32, %arg0, %c0_i32_0 : i32, i32, i32
  }
}

module attributes {stable_mosaic.version = 14 : i64} {
  func.func @_stage3_body(%arg0: i32, %arg1: memref<2x400x4x32xf32, #tpu.memory_space<vmem>>, %arg2: memref<2x2x400x128xf32, #tpu.memory_space<vmem>>, %arg3: memref<2x2x2x400x128xf32, #tpu.memory_space<vmem>>, %arg4: memref<2x1xf32, #tpu.memory_space<vmem>>, %arg5: memref<2x32xf32, #tpu.memory_space<vmem>>, %arg6: memref<16x32xf32, #tpu.memory_space<vmem>>, %arg7: memref<1x16xf32, #tpu.memory_space<vmem>>, %arg8: memref<16x32xf32, #tpu.memory_space<vmem>>, %arg9: memref<2x400x4x16xf32, #tpu.memory_space<vmem>>) attributes {dimension_semantics = [#tpu.dimension_semantics<arbitrary>], iteration_bounds = array<i64: 25>, scalar_prefetch = 0 : i64, scratch_operands = 0 : i64, tpu.core_type = #tpu.core_type<tc>, window_params = [{transform_indices = @transform_0, window_bounds = array<i64: 2, 400, 4, 32>}, {transform_indices = @transform_1, window_bounds = array<i64: 2, 2, 400, 128>}, {transform_indices = @transform_2, window_bounds = array<i64: 2, 2, 2, 400, 128>}, {pipeline_mode = #tpu.pipeline_mode<synchronous>, transform_indices = @transform_3, window_bounds = array<i64: 2, 1>}, {pipeline_mode = #tpu.pipeline_mode<synchronous>, transform_indices = @transform_4, window_bounds = array<i64: 2, 32>}, {pipeline_mode = #tpu.pipeline_mode<synchronous>, transform_indices = @transform_5, window_bounds = array<i64: 16, 32>}, {pipeline_mode = #tpu.pipeline_mode<synchronous>, transform_indices = @transform_6, window_bounds = array<i64: 1, 16>}, {pipeline_mode = #tpu.pipeline_mode<synchronous>, transform_indices = @transform_7, window_bounds = array<i64: 16, 32>}, {transform_indices = @transform_8, window_bounds = array<i64: 2, 400, 4, 16>}]} {
    %get3A = arith.constant 0 : index
    %get3A_0 = arith.constant 0 : index
    %get3A_1 = arith.constant 0 : index
    %get3A_2 = arith.constant 0 : index
    %get3A_3 = vector.load %arg2[%get3A, %get3A_0, %get3A_1, %get3A_2] : memref<2x2x400x128xf32, #tpu.memory_space<vmem>>, vector<1x1x400x16xf32>
    %get3A_4 = vector.shape_cast %get3A_3 : vector<1x1x400x16xf32> to vector<400x16xf32>
    %get3A_5 = arith.constant 0 : index
    %get3A_6 = arith.constant 1 : index
    %get3A_7 = arith.constant 0 : index
    %get3A_8 = arith.constant 0 : index
    %get3A_9 = vector.load %arg2[%get3A_5, %get3A_6, %get3A_7, %get3A_8] : memref<2x2x400x128xf32, #tpu.memory_space<vmem>>, vector<1x1x400x16xf32>
    %get3A_10 = vector.shape_cast %get3A_9 : vector<1x1x400x16xf32> to vector<400x16xf32>
    %add3A = arith.addf %get3A_4, %get3A_10 : vector<400x16xf32>
    %get3A_11 = arith.constant 1 : index
    %get3A_12 = arith.constant 0 : index
    %get3A_13 = arith.constant 0 : index
    %get3A_14 = arith.constant 0 : index
    %get3A_15 = vector.load %arg2[%get3A_11, %get3A_12, %get3A_13, %get3A_14] : memref<2x2x400x128xf32, #tpu.memory_space<vmem>>, vector<1x1x400x16xf32>
    %get3A_16 = vector.shape_cast %get3A_15 : vector<1x1x400x16xf32> to vector<400x16xf32>
    %get3A_17 = arith.constant 1 : index
    %get3A_18 = arith.constant 1 : index
    %get3A_19 = arith.constant 0 : index
    %get3A_20 = arith.constant 0 : index
    %get3A_21 = vector.load %arg2[%get3A_17, %get3A_18, %get3A_19, %get3A_20] : memref<2x2x400x128xf32, #tpu.memory_space<vmem>>, vector<1x1x400x16xf32>
    %get3A_22 = vector.shape_cast %get3A_21 : vector<1x1x400x16xf32> to vector<400x16xf32>
    %add3A_23 = arith.addf %get3A_16, %get3A_22 : vector<400x16xf32>
    %get3A_24 = arith.constant 0 : index
    %get3A_25 = arith.constant 0 : index
    %get3A_26 = vector.load %arg4[%get3A_24, %get3A_25] : memref<2x1xf32, #tpu.memory_space<vmem>>, vector<1x1xf32>
    %get3A_27 = vector.extract %get3A_26[0, 0] : f32 from vector<1x1xf32>
    %get3A_28 = arith.constant 0 : index
    %get3A_29 = arith.constant 0 : index
    %get3A_30 = arith.constant 0 : index
    %get3A_31 = arith.constant 0 : index
    %get3A_32 = arith.constant 0 : index
    %get3A_33 = vector.load %arg3[%get3A_28, %get3A_29, %get3A_30, %get3A_31, %get3A_32] : memref<2x2x2x400x128xf32, #tpu.memory_space<vmem>>, vector<1x1x1x400x16xf32>
    %get3A_34 = vector.shape_cast %get3A_33 : vector<1x1x1x400x16xf32> to vector<400x16xf32>
    %get3A_35 = arith.constant 0 : index
    %get3A_36 = arith.constant 0 : index
    %get3A_37 = arith.constant 1 : index
    %get3A_38 = arith.constant 0 : index
    %get3A_39 = arith.constant 0 : index
    %get3A_40 = vector.load %arg3[%get3A_35, %get3A_36, %get3A_37, %get3A_38, %get3A_39] : memref<2x2x2x400x128xf32, #tpu.memory_space<vmem>>, vector<1x1x1x400x16xf32>
    %get3A_41 = vector.shape_cast %get3A_40 : vector<1x1x1x400x16xf32> to vector<400x16xf32>
    %add3A_42 = arith.addf %get3A_34, %get3A_41 : vector<400x16xf32>
    %slice3A = vector.extract_strided_slice %add3A {offsets = [0, 0], sizes = [400, 1], strides = [1, 1]} : vector<400x16xf32> to vector<400x1xf32>
    %squeeze3A = vector.shape_cast %slice3A : vector<400x1xf32> to vector<400xf32>
    %broadcast_in_dim3A = vector.shape_cast %squeeze3A : vector<400xf32> to vector<400x1xf32>
    %div3A = vector.broadcast %broadcast_in_dim3A : vector<400x1xf32> to vector<400x16xf32>
    %div3A_43 = arith.divf %add3A_42, %div3A : vector<400x16xf32>
    %get3A_44 = arith.constant 0 : index
    %get3A_45 = arith.constant 0 : index
    %get3A_46 = vector.load %arg5[%get3A_44, %get3A_45] : memref<2x32xf32, #tpu.memory_space<vmem>>, vector<1x16xf32>
    %get3A_47 = vector.shape_cast %get3A_46 : vector<1x16xf32> to vector<16xf32>
    %broadcast_in_dim3A_48 = vector.shape_cast %get3A_47 : vector<16xf32> to vector<1x16xf32>
    %add3A_49 = vector.broadcast %broadcast_in_dim3A_48 : vector<1x16xf32> to vector<400x16xf32>
    %add3A_50 = arith.addf %div3A_43, %add3A_49 : vector<400x16xf32>
    %mul3A = vector.broadcast %get3A_27 : f32 to vector<400x16xf32>
    %mul3A_51 = arith.mulf %mul3A, %add3A_50 : vector<400x16xf32>
    %get3A_52 = arith.constant 0 : index
    %get3A_53 = arith.constant 0 : index
    %get3A_54 = arith.constant 0 : index
    %get3A_55 = arith.constant 0 : index
    %get3A_56 = arith.constant 16 : index
    %get3A_57 = vector.load %arg3[%get3A_52, %get3A_53, %get3A_54, %get3A_55, %get3A_56] : memref<2x2x2x400x128xf32, #tpu.memory_space<vmem>>, vector<1x1x1x400x16xf32>
    %get3A_58 = vector.shape_cast %get3A_57 : vector<1x1x1x400x16xf32> to vector<400x16xf32>
    %get3A_59 = arith.constant 0 : index
    %get3A_60 = arith.constant 0 : index
    %get3A_61 = arith.constant 1 : index
    %get3A_62 = arith.constant 0 : index
    %get3A_63 = arith.constant 16 : index
    %get3A_64 = vector.load %arg3[%get3A_59, %get3A_60, %get3A_61, %get3A_62, %get3A_63] : memref<2x2x2x400x128xf32, #tpu.memory_space<vmem>>, vector<1x1x1x400x16xf32>
    %get3A_65 = vector.shape_cast %get3A_64 : vector<1x1x1x400x16xf32> to vector<400x16xf32>
    %add3A_66 = arith.addf %get3A_58, %get3A_65 : vector<400x16xf32>
    %slice3A_67 = vector.extract_strided_slice %add3A {offsets = [0, 1], sizes = [400, 1], strides = [1, 1]} : vector<400x16xf32> to vector<400x1xf32>
    %squeeze3A_68 = vector.shape_cast %slice3A_67 : vector<400x1xf32> to vector<400xf32>
    %broadcast_in_dim3A_69 = vector.shape_cast %squeeze3A_68 : vector<400xf32> to vector<400x1xf32>
    %div3A_70 = vector.broadcast %broadcast_in_dim3A_69 : vector<400x1xf32> to vector<400x16xf32>
    %div3A_71 = arith.divf %add3A_66, %div3A_70 : vector<400x16xf32>
    %get3A_72 = arith.constant 0 : index
    %get3A_73 = arith.constant 16 : index
    %get3A_74 = vector.load %arg5[%get3A_72, %get3A_73] : memref<2x32xf32, #tpu.memory_space<vmem>>, vector<1x16xf32>
    %get3A_75 = vector.shape_cast %get3A_74 : vector<1x16xf32> to vector<16xf32>
    %broadcast_in_dim3A_76 = vector.shape_cast %get3A_75 : vector<16xf32> to vector<1x16xf32>
    %add3A_77 = vector.broadcast %broadcast_in_dim3A_76 : vector<1x16xf32> to vector<400x16xf32>
    %add3A_78 = arith.addf %div3A_71, %add3A_77 : vector<400x16xf32>
    %mul3A_79 = vector.broadcast %get3A_27 : f32 to vector<400x16xf32>
    %mul3A_80 = arith.mulf %mul3A_79, %add3A_78 : vector<400x16xf32>
    %get3A_81 = arith.constant 0 : index
    %get3A_82 = arith.constant 0 : index
    %get3A_83 = arith.constant 0 : index
    %get3A_84 = arith.constant 0 : index
    %get3A_85 = arith.constant 32 : index
    %get3A_86 = vector.load %arg3[%get3A_81, %get3A_82, %get3A_83, %get3A_84, %get3A_85] : memref<2x2x2x400x128xf32, #tpu.memory_space<vmem>>, vector<1x1x1x400x16xf32>
    %get3A_87 = vector.shape_cast %get3A_86 : vector<1x1x1x400x16xf32> to vector<400x16xf32>
    %get3A_88 = arith.constant 0 : index
    %get3A_89 = arith.constant 0 : index
    %get3A_90 = arith.constant 1 : index
    %get3A_91 = arith.constant 0 : index
    %get3A_92 = arith.constant 32 : index
    %get3A_93 = vector.load %arg3[%get3A_88, %get3A_89, %get3A_90, %get3A_91, %get3A_92] : memref<2x2x2x400x128xf32, #tpu.memory_space<vmem>>, vector<1x1x1x400x16xf32>
    %get3A_94 = vector.shape_cast %get3A_93 : vector<1x1x1x400x16xf32> to vector<400x16xf32>
    %add3A_95 = arith.addf %get3A_87, %get3A_94 : vector<400x16xf32>
    %slice3A_96 = vector.extract_strided_slice %add3A {offsets = [0, 2], sizes = [400, 1], strides = [1, 1]} : vector<400x16xf32> to vector<400x1xf32>
    %squeeze3A_97 = vector.shape_cast %slice3A_96 : vector<400x1xf32> to vector<400xf32>
    %broadcast_in_dim3A_98 = vector.shape_cast %squeeze3A_97 : vector<400xf32> to vector<400x1xf32>
    %div3A_99 = vector.broadcast %broadcast_in_dim3A_98 : vector<400x1xf32> to vector<400x16xf32>
    %div3A_100 = arith.divf %add3A_95, %div3A_99 : vector<400x16xf32>
    %get3A_101 = arith.constant 0 : index
    %get3A_102 = arith.constant 0 : index
    %get3A_103 = vector.load %arg5[%get3A_101, %get3A_102] : memref<2x32xf32, #tpu.memory_space<vmem>>, vector<1x16xf32>
    %get3A_104 = vector.shape_cast %get3A_103 : vector<1x16xf32> to vector<16xf32>
    %broadcast_in_dim3A_105 = vector.shape_cast %get3A_104 : vector<16xf32> to vector<1x16xf32>
    %add3A_106 = vector.broadcast %broadcast_in_dim3A_105 : vector<1x16xf32> to vector<400x16xf32>
    %add3A_107 = arith.addf %div3A_100, %add3A_106 : vector<400x16xf32>
    %mul3A_108 = vector.broadcast %get3A_27 : f32 to vector<400x16xf32>
    %mul3A_109 = arith.mulf %mul3A_108, %add3A_107 : vector<400x16xf32>
    %get3A_110 = arith.constant 0 : index
    %get3A_111 = arith.constant 0 : index
    %get3A_112 = arith.constant 0 : index
    %get3A_113 = arith.constant 0 : index
    %get3A_114 = arith.constant 48 : index
    %get3A_115 = vector.load %arg3[%get3A_110, %get3A_111, %get3A_112, %get3A_113, %get3A_114] : memref<2x2x2x400x128xf32, #tpu.memory_space<vmem>>, vector<1x1x1x400x16xf32>
    %get3A_116 = vector.shape_cast %get3A_115 : vector<1x1x1x400x16xf32> to vector<400x16xf32>
    %get3A_117 = arith.constant 0 : index
    %get3A_118 = arith.constant 0 : index
    %get3A_119 = arith.constant 1 : index
    %get3A_120 = arith.constant 0 : index
    %get3A_121 = arith.constant 48 : index
    %get3A_122 = vector.load %arg3[%get3A_117, %get3A_118, %get3A_119, %get3A_120, %get3A_121] : memref<2x2x2x400x128xf32, #tpu.memory_space<vmem>>, vector<1x1x1x400x16xf32>
    %get3A_123 = vector.shape_cast %get3A_122 : vector<1x1x1x400x16xf32> to vector<400x16xf32>
    %add3A_124 = arith.addf %get3A_116, %get3A_123 : vector<400x16xf32>
    %slice3A_125 = vector.extract_strided_slice %add3A {offsets = [0, 3], sizes = [400, 1], strides = [1, 1]} : vector<400x16xf32> to vector<400x1xf32>
    %squeeze3A_126 = vector.shape_cast %slice3A_125 : vector<400x1xf32> to vector<400xf32>
    %broadcast_in_dim3A_127 = vector.shape_cast %squeeze3A_126 : vector<400xf32> to vector<400x1xf32>
    %div3A_128 = vector.broadcast %broadcast_in_dim3A_127 : vector<400x1xf32> to vector<400x16xf32>
    %div3A_129 = arith.divf %add3A_124, %div3A_128 : vector<400x16xf32>
    %get3A_130 = arith.constant 0 : index
    %get3A_131 = arith.constant 16 : index
    %get3A_132 = vector.load %arg5[%get3A_130, %get3A_131] : memref<2x32xf32, #tpu.memory_space<vmem>>, vector<1x16xf32>
    %get3A_133 = vector.shape_cast %get3A_132 : vector<1x16xf32> to vector<16xf32>
    %broadcast_in_dim3A_134 = vector.shape_cast %get3A_133 : vector<16xf32> to vector<1x16xf32>
    %add3A_135 = vector.broadcast %broadcast_in_dim3A_134 : vector<1x16xf32> to vector<400x16xf32>
    %add3A_136 = arith.addf %div3A_129, %add3A_135 : vector<400x16xf32>
    %mul3A_137 = vector.broadcast %get3A_27 : f32 to vector<400x16xf32>
    %mul3A_138 = arith.mulf %mul3A_137, %add3A_136 : vector<400x16xf32>
    %get3A_139 = arith.constant 0 : index
    %get3A_140 = arith.constant 0 : index
    %get3A_141 = arith.constant 0 : index
    %get3A_142 = arith.constant 0 : index
    %get3A_143 = arith.constant 64 : index
    %get3A_144 = vector.load %arg3[%get3A_139, %get3A_140, %get3A_141, %get3A_142, %get3A_143] : memref<2x2x2x400x128xf32, #tpu.memory_space<vmem>>, vector<1x1x1x400x16xf32>
    %get3A_145 = vector.shape_cast %get3A_144 : vector<1x1x1x400x16xf32> to vector<400x16xf32>
    %get3A_146 = arith.constant 0 : index
    %get3A_147 = arith.constant 0 : index
    %get3A_148 = arith.constant 1 : index
    %get3A_149 = arith.constant 0 : index
    %get3A_150 = arith.constant 64 : index
    %get3A_151 = vector.load %arg3[%get3A_146, %get3A_147, %get3A_148, %get3A_149, %get3A_150] : memref<2x2x2x400x128xf32, #tpu.memory_space<vmem>>, vector<1x1x1x400x16xf32>
    %get3A_152 = vector.shape_cast %get3A_151 : vector<1x1x1x400x16xf32> to vector<400x16xf32>
    %add3A_153 = arith.addf %get3A_145, %get3A_152 : vector<400x16xf32>
    %slice3A_154 = vector.extract_strided_slice %add3A {offsets = [0, 4], sizes = [400, 1], strides = [1, 1]} : vector<400x16xf32> to vector<400x1xf32>
    %squeeze3A_155 = vector.shape_cast %slice3A_154 : vector<400x1xf32> to vector<400xf32>
    %broadcast_in_dim3A_156 = vector.shape_cast %squeeze3A_155 : vector<400xf32> to vector<400x1xf32>
    %div3A_157 = vector.broadcast %broadcast_in_dim3A_156 : vector<400x1xf32> to vector<400x16xf32>
    %div3A_158 = arith.divf %add3A_153, %div3A_157 : vector<400x16xf32>
    %get3A_159 = arith.constant 0 : index
    %get3A_160 = arith.constant 0 : index
    %get3A_161 = vector.load %arg5[%get3A_159, %get3A_160] : memref<2x32xf32, #tpu.memory_space<vmem>>, vector<1x16xf32>
    %get3A_162 = vector.shape_cast %get3A_161 : vector<1x16xf32> to vector<16xf32>
    %broadcast_in_dim3A_163 = vector.shape_cast %get3A_162 : vector<16xf32> to vector<1x16xf32>
    %add3A_164 = vector.broadcast %broadcast_in_dim3A_163 : vector<1x16xf32> to vector<400x16xf32>
    %add3A_165 = arith.addf %div3A_158, %add3A_164 : vector<400x16xf32>
    %mul3A_166 = vector.broadcast %get3A_27 : f32 to vector<400x16xf32>
    %mul3A_167 = arith.mulf %mul3A_166, %add3A_165 : vector<400x16xf32>
    %get3A_168 = arith.constant 0 : index
    %get3A_169 = arith.constant 0 : index
    %get3A_170 = arith.constant 0 : index
    %get3A_171 = arith.constant 0 : index
    %get3A_172 = arith.constant 80 : index
    %get3A_173 = vector.load %arg3[%get3A_168, %get3A_169, %get3A_170, %get3A_171, %get3A_172] : memref<2x2x2x400x128xf32, #tpu.memory_space<vmem>>, vector<1x1x1x400x16xf32>
    %get3A_174 = vector.shape_cast %get3A_173 : vector<1x1x1x400x16xf32> to vector<400x16xf32>
    %get3A_175 = arith.constant 0 : index
    %get3A_176 = arith.constant 0 : index
    %get3A_177 = arith.constant 1 : index
    %get3A_178 = arith.constant 0 : index
    %get3A_179 = arith.constant 80 : index
    %get3A_180 = vector.load %arg3[%get3A_175, %get3A_176, %get3A_177, %get3A_178, %get3A_179] : memref<2x2x2x400x128xf32, #tpu.memory_space<vmem>>, vector<1x1x1x400x16xf32>
    %get3A_181 = vector.shape_cast %get3A_180 : vector<1x1x1x400x16xf32> to vector<400x16xf32>
    %add3A_182 = arith.addf %get3A_174, %get3A_181 : vector<400x16xf32>
    %slice3A_183 = vector.extract_strided_slice %add3A {offsets = [0, 5], sizes = [400, 1], strides = [1, 1]} : vector<400x16xf32> to vector<400x1xf32>
    %squeeze3A_184 = vector.shape_cast %slice3A_183 : vector<400x1xf32> to vector<400xf32>
    %broadcast_in_dim3A_185 = vector.shape_cast %squeeze3A_184 : vector<400xf32> to vector<400x1xf32>
    %div3A_186 = vector.broadcast %broadcast_in_dim3A_185 : vector<400x1xf32> to vector<400x16xf32>
    %div3A_187 = arith.divf %add3A_182, %div3A_186 : vector<400x16xf32>
    %get3A_188 = arith.constant 0 : index
    %get3A_189 = arith.constant 16 : index
    %get3A_190 = vector.load %arg5[%get3A_188, %get3A_189] : memref<2x32xf32, #tpu.memory_space<vmem>>, vector<1x16xf32>
    %get3A_191 = vector.shape_cast %get3A_190 : vector<1x16xf32> to vector<16xf32>
    %broadcast_in_dim3A_192 = vector.shape_cast %get3A_191 : vector<16xf32> to vector<1x16xf32>
    %add3A_193 = vector.broadcast %broadcast_in_dim3A_192 : vector<1x16xf32> to vector<400x16xf32>
    %add3A_194 = arith.addf %div3A_187, %add3A_193 : vector<400x16xf32>
    %mul3A_195 = vector.broadcast %get3A_27 : f32 to vector<400x16xf32>
    %mul3A_196 = arith.mulf %mul3A_195, %add3A_194 : vector<400x16xf32>
    %get3A_197 = arith.constant 0 : index
    %get3A_198 = arith.constant 0 : index
    %get3A_199 = arith.constant 0 : index
    %get3A_200 = arith.constant 0 : index
    %get3A_201 = arith.constant 96 : index
    %get3A_202 = vector.load %arg3[%get3A_197, %get3A_198, %get3A_199, %get3A_200, %get3A_201] : memref<2x2x2x400x128xf32, #tpu.memory_space<vmem>>, vector<1x1x1x400x16xf32>
    %get3A_203 = vector.shape_cast %get3A_202 : vector<1x1x1x400x16xf32> to vector<400x16xf32>
    %get3A_204 = arith.constant 0 : index
    %get3A_205 = arith.constant 0 : index
    %get3A_206 = arith.constant 1 : index
    %get3A_207 = arith.constant 0 : index
    %get3A_208 = arith.constant 96 : index
    %get3A_209 = vector.load %arg3[%get3A_204, %get3A_205, %get3A_206, %get3A_207, %get3A_208] : memref<2x2x2x400x128xf32, #tpu.memory_space<vmem>>, vector<1x1x1x400x16xf32>
    %get3A_210 = vector.shape_cast %get3A_209 : vector<1x1x1x400x16xf32> to vector<400x16xf32>
    %add3A_211 = arith.addf %get3A_203, %get3A_210 : vector<400x16xf32>
    %slice3A_212 = vector.extract_strided_slice %add3A {offsets = [0, 6], sizes = [400, 1], strides = [1, 1]} : vector<400x16xf32> to vector<400x1xf32>
    %squeeze3A_213 = vector.shape_cast %slice3A_212 : vector<400x1xf32> to vector<400xf32>
    %broadcast_in_dim3A_214 = vector.shape_cast %squeeze3A_213 : vector<400xf32> to vector<400x1xf32>
    %div3A_215 = vector.broadcast %broadcast_in_dim3A_214 : vector<400x1xf32> to vector<400x16xf32>
    %div3A_216 = arith.divf %add3A_211, %div3A_215 : vector<400x16xf32>
    %get3A_217 = arith.constant 0 : index
    %get3A_218 = arith.constant 0 : index
    %get3A_219 = vector.load %arg5[%get3A_217, %get3A_218] : memref<2x32xf32, #tpu.memory_space<vmem>>, vector<1x16xf32>
    %get3A_220 = vector.shape_cast %get3A_219 : vector<1x16xf32> to vector<16xf32>
    %broadcast_in_dim3A_221 = vector.shape_cast %get3A_220 : vector<16xf32> to vector<1x16xf32>
    %add3A_222 = vector.broadcast %broadcast_in_dim3A_221 : vector<1x16xf32> to vector<400x16xf32>
    %add3A_223 = arith.addf %div3A_216, %add3A_222 : vector<400x16xf32>
    %mul3A_224 = vector.broadcast %get3A_27 : f32 to vector<400x16xf32>
    %mul3A_225 = arith.mulf %mul3A_224, %add3A_223 : vector<400x16xf32>
    %get3A_226 = arith.constant 0 : index
    %get3A_227 = arith.constant 0 : index
    %get3A_228 = arith.constant 0 : index
    %get3A_229 = arith.constant 0 : index
    %get3A_230 = arith.constant 112 : index
    %get3A_231 = vector.load %arg3[%get3A_226, %get3A_227, %get3A_228, %get3A_229, %get3A_230] : memref<2x2x2x400x128xf32, #tpu.memory_space<vmem>>, vector<1x1x1x400x16xf32>
    %get3A_232 = vector.shape_cast %get3A_231 : vector<1x1x1x400x16xf32> to vector<400x16xf32>
    %get3A_233 = arith.constant 0 : index
    %get3A_234 = arith.constant 0 : index
    %get3A_235 = arith.constant 1 : index
    %get3A_236 = arith.constant 0 : index
    %get3A_237 = arith.constant 112 : index
    %get3A_238 = vector.load %arg3[%get3A_233, %get3A_234, %get3A_235, %get3A_236, %get3A_237] : memref<2x2x2x400x128xf32, #tpu.memory_space<vmem>>, vector<1x1x1x400x16xf32>
    %get3A_239 = vector.shape_cast %get3A_238 : vector<1x1x1x400x16xf32> to vector<400x16xf32>
    %add3A_240 = arith.addf %get3A_232, %get3A_239 : vector<400x16xf32>
    %slice3A_241 = vector.extract_strided_slice %add3A {offsets = [0, 7], sizes = [400, 1], strides = [1, 1]} : vector<400x16xf32> to vector<400x1xf32>
    %squeeze3A_242 = vector.shape_cast %slice3A_241 : vector<400x1xf32> to vector<400xf32>
    %broadcast_in_dim3A_243 = vector.shape_cast %squeeze3A_242 : vector<400xf32> to vector<400x1xf32>
    %div3A_244 = vector.broadcast %broadcast_in_dim3A_243 : vector<400x1xf32> to vector<400x16xf32>
    %div3A_245 = arith.divf %add3A_240, %div3A_244 : vector<400x16xf32>
    %get3A_246 = arith.constant 0 : index
    %get3A_247 = arith.constant 16 : index
    %get3A_248 = vector.load %arg5[%get3A_246, %get3A_247] : memref<2x32xf32, #tpu.memory_space<vmem>>, vector<1x16xf32>
    %get3A_249 = vector.shape_cast %get3A_248 : vector<1x16xf32> to vector<16xf32>
    %broadcast_in_dim3A_250 = vector.shape_cast %get3A_249 : vector<16xf32> to vector<1x16xf32>
    %add3A_251 = vector.broadcast %broadcast_in_dim3A_250 : vector<1x16xf32> to vector<400x16xf32>
    %add3A_252 = arith.addf %div3A_245, %add3A_251 : vector<400x16xf32>
    %mul3A_253 = vector.broadcast %get3A_27 : f32 to vector<400x16xf32>
    %mul3A_254 = arith.mulf %mul3A_253, %add3A_252 : vector<400x16xf32>
    %get3A_255 = arith.constant 1 : index
    %get3A_256 = arith.constant 0 : index
    %get3A_257 = vector.load %arg4[%get3A_255, %get3A_256] : memref<2x1xf32, #tpu.memory_space<vmem>>, vector<1x1xf32>
    %get3A_258 = vector.extract %get3A_257[0, 0] : f32 from vector<1x1xf32>
    %get3A_259 = arith.constant 1 : index
    %get3A_260 = arith.constant 0 : index
    %get3A_261 = arith.constant 0 : index
    %get3A_262 = arith.constant 0 : index
    %get3A_263 = arith.constant 0 : index
    %get3A_264 = vector.load %arg3[%get3A_259, %get3A_260, %get3A_261, %get3A_262, %get3A_263] : memref<2x2x2x400x128xf32, #tpu.memory_space<vmem>>, vector<1x1x1x400x16xf32>
    %get3A_265 = vector.shape_cast %get3A_264 : vector<1x1x1x400x16xf32> to vector<400x16xf32>
    %get3A_266 = arith.constant 1 : index
    %get3A_267 = arith.constant 0 : index
    %get3A_268 = arith.constant 1 : index
    %get3A_269 = arith.constant 0 : index
    %get3A_270 = arith.constant 0 : index
    %get3A_271 = vector.load %arg3[%get3A_266, %get3A_267, %get3A_268, %get3A_269, %get3A_270] : memref<2x2x2x400x128xf32, #tpu.memory_space<vmem>>, vector<1x1x1x400x16xf32>
    %get3A_272 = vector.shape_cast %get3A_271 : vector<1x1x1x400x16xf32> to vector<400x16xf32>
    %add3A_273 = arith.addf %get3A_265, %get3A_272 : vector<400x16xf32>
    %slice3A_274 = vector.extract_strided_slice %add3A_23 {offsets = [0, 0], sizes = [400, 1], strides = [1, 1]} : vector<400x16xf32> to vector<400x1xf32>
    %squeeze3A_275 = vector.shape_cast %slice3A_274 : vector<400x1xf32> to vector<400xf32>
    %broadcast_in_dim3A_276 = vector.shape_cast %squeeze3A_275 : vector<400xf32> to vector<400x1xf32>
    %div3A_277 = vector.broadcast %broadcast_in_dim3A_276 : vector<400x1xf32> to vector<400x16xf32>
    %div3A_278 = arith.divf %add3A_273, %div3A_277 : vector<400x16xf32>
    %get3A_279 = arith.constant 1 : index
    %get3A_280 = arith.constant 0 : index
    %get3A_281 = vector.load %arg5[%get3A_279, %get3A_280] : memref<2x32xf32, #tpu.memory_space<vmem>>, vector<1x16xf32>
    %get3A_282 = vector.shape_cast %get3A_281 : vector<1x16xf32> to vector<16xf32>
    %broadcast_in_dim3A_283 = vector.shape_cast %get3A_282 : vector<16xf32> to vector<1x16xf32>
    %add3A_284 = vector.broadcast %broadcast_in_dim3A_283 : vector<1x16xf32> to vector<400x16xf32>
    %add3A_285 = arith.addf %div3A_278, %add3A_284 : vector<400x16xf32>
    %mul3A_286 = vector.broadcast %get3A_258 : f32 to vector<400x16xf32>
    %mul3A_287 = arith.mulf %mul3A_286, %add3A_285 : vector<400x16xf32>
    %add3A_288 = arith.addf %mul3A_51, %mul3A_287 : vector<400x16xf32>
    %get3A_289 = arith.constant 1 : index
    %get3A_290 = arith.constant 0 : index
    %get3A_291 = arith.constant 0 : index
    %get3A_292 = arith.constant 0 : index
    %get3A_293 = arith.constant 16 : index
    %get3A_294 = vector.load %arg3[%get3A_289, %get3A_290, %get3A_291, %get3A_292, %get3A_293] : memref<2x2x2x400x128xf32, #tpu.memory_space<vmem>>, vector<1x1x1x400x16xf32>
    %get3A_295 = vector.shape_cast %get3A_294 : vector<1x1x1x400x16xf32> to vector<400x16xf32>
    %get3A_296 = arith.constant 1 : index
    %get3A_297 = arith.constant 0 : index
    %get3A_298 = arith.constant 1 : index
    %get3A_299 = arith.constant 0 : index
    %get3A_300 = arith.constant 16 : index
    %get3A_301 = vector.load %arg3[%get3A_296, %get3A_297, %get3A_298, %get3A_299, %get3A_300] : memref<2x2x2x400x128xf32, #tpu.memory_space<vmem>>, vector<1x1x1x400x16xf32>
    %get3A_302 = vector.shape_cast %get3A_301 : vector<1x1x1x400x16xf32> to vector<400x16xf32>
    %add3A_303 = arith.addf %get3A_295, %get3A_302 : vector<400x16xf32>
    %slice3A_304 = vector.extract_strided_slice %add3A_23 {offsets = [0, 1], sizes = [400, 1], strides = [1, 1]} : vector<400x16xf32> to vector<400x1xf32>
    %squeeze3A_305 = vector.shape_cast %slice3A_304 : vector<400x1xf32> to vector<400xf32>
    %broadcast_in_dim3A_306 = vector.shape_cast %squeeze3A_305 : vector<400xf32> to vector<400x1xf32>
    %div3A_307 = vector.broadcast %broadcast_in_dim3A_306 : vector<400x1xf32> to vector<400x16xf32>
    %div3A_308 = arith.divf %add3A_303, %div3A_307 : vector<400x16xf32>
    %get3A_309 = arith.constant 1 : index
    %get3A_310 = arith.constant 16 : index
    %get3A_311 = vector.load %arg5[%get3A_309, %get3A_310] : memref<2x32xf32, #tpu.memory_space<vmem>>, vector<1x16xf32>
    %get3A_312 = vector.shape_cast %get3A_311 : vector<1x16xf32> to vector<16xf32>
    %broadcast_in_dim3A_313 = vector.shape_cast %get3A_312 : vector<16xf32> to vector<1x16xf32>
    %add3A_314 = vector.broadcast %broadcast_in_dim3A_313 : vector<1x16xf32> to vector<400x16xf32>
    %add3A_315 = arith.addf %div3A_308, %add3A_314 : vector<400x16xf32>
    %mul3A_316 = vector.broadcast %get3A_258 : f32 to vector<400x16xf32>
    %mul3A_317 = arith.mulf %mul3A_316, %add3A_315 : vector<400x16xf32>
    %add3A_318 = arith.addf %mul3A_80, %mul3A_317 : vector<400x16xf32>
    %get3A_319 = arith.constant 1 : index
    %get3A_320 = arith.constant 0 : index
    %get3A_321 = arith.constant 0 : index
    %get3A_322 = arith.constant 0 : index
    %get3A_323 = arith.constant 32 : index
    %get3A_324 = vector.load %arg3[%get3A_319, %get3A_320, %get3A_321, %get3A_322, %get3A_323] : memref<2x2x2x400x128xf32, #tpu.memory_space<vmem>>, vector<1x1x1x400x16xf32>
    %get3A_325 = vector.shape_cast %get3A_324 : vector<1x1x1x400x16xf32> to vector<400x16xf32>
    %get3A_326 = arith.constant 1 : index
    %get3A_327 = arith.constant 0 : index
    %get3A_328 = arith.constant 1 : index
    %get3A_329 = arith.constant 0 : index
    %get3A_330 = arith.constant 32 : index
    %get3A_331 = vector.load %arg3[%get3A_326, %get3A_327, %get3A_328, %get3A_329, %get3A_330] : memref<2x2x2x400x128xf32, #tpu.memory_space<vmem>>, vector<1x1x1x400x16xf32>
    %get3A_332 = vector.shape_cast %get3A_331 : vector<1x1x1x400x16xf32> to vector<400x16xf32>
    %add3A_333 = arith.addf %get3A_325, %get3A_332 : vector<400x16xf32>
    %slice3A_334 = vector.extract_strided_slice %add3A_23 {offsets = [0, 2], sizes = [400, 1], strides = [1, 1]} : vector<400x16xf32> to vector<400x1xf32>
    %squeeze3A_335 = vector.shape_cast %slice3A_334 : vector<400x1xf32> to vector<400xf32>
    %broadcast_in_dim3A_336 = vector.shape_cast %squeeze3A_335 : vector<400xf32> to vector<400x1xf32>
    %div3A_337 = vector.broadcast %broadcast_in_dim3A_336 : vector<400x1xf32> to vector<400x16xf32>
    %div3A_338 = arith.divf %add3A_333, %div3A_337 : vector<400x16xf32>
    %get3A_339 = arith.constant 1 : index
    %get3A_340 = arith.constant 0 : index
    %get3A_341 = vector.load %arg5[%get3A_339, %get3A_340] : memref<2x32xf32, #tpu.memory_space<vmem>>, vector<1x16xf32>
    %get3A_342 = vector.shape_cast %get3A_341 : vector<1x16xf32> to vector<16xf32>
    %broadcast_in_dim3A_343 = vector.shape_cast %get3A_342 : vector<16xf32> to vector<1x16xf32>
    %add3A_344 = vector.broadcast %broadcast_in_dim3A_343 : vector<1x16xf32> to vector<400x16xf32>
    %add3A_345 = arith.addf %div3A_338, %add3A_344 : vector<400x16xf32>
    %mul3A_346 = vector.broadcast %get3A_258 : f32 to vector<400x16xf32>
    %mul3A_347 = arith.mulf %mul3A_346, %add3A_345 : vector<400x16xf32>
    %add3A_348 = arith.addf %mul3A_109, %mul3A_347 : vector<400x16xf32>
    %get3A_349 = arith.constant 1 : index
    %get3A_350 = arith.constant 0 : index
    %get3A_351 = arith.constant 0 : index
    %get3A_352 = arith.constant 0 : index
    %get3A_353 = arith.constant 48 : index
    %get3A_354 = vector.load %arg3[%get3A_349, %get3A_350, %get3A_351, %get3A_352, %get3A_353] : memref<2x2x2x400x128xf32, #tpu.memory_space<vmem>>, vector<1x1x1x400x16xf32>
    %get3A_355 = vector.shape_cast %get3A_354 : vector<1x1x1x400x16xf32> to vector<400x16xf32>
    %get3A_356 = arith.constant 1 : index
    %get3A_357 = arith.constant 0 : index
    %get3A_358 = arith.constant 1 : index
    %get3A_359 = arith.constant 0 : index
    %get3A_360 = arith.constant 48 : index
    %get3A_361 = vector.load %arg3[%get3A_356, %get3A_357, %get3A_358, %get3A_359, %get3A_360] : memref<2x2x2x400x128xf32, #tpu.memory_space<vmem>>, vector<1x1x1x400x16xf32>
    %get3A_362 = vector.shape_cast %get3A_361 : vector<1x1x1x400x16xf32> to vector<400x16xf32>
    %add3A_363 = arith.addf %get3A_355, %get3A_362 : vector<400x16xf32>
    %slice3A_364 = vector.extract_strided_slice %add3A_23 {offsets = [0, 3], sizes = [400, 1], strides = [1, 1]} : vector<400x16xf32> to vector<400x1xf32>
    %squeeze3A_365 = vector.shape_cast %slice3A_364 : vector<400x1xf32> to vector<400xf32>
    %broadcast_in_dim3A_366 = vector.shape_cast %squeeze3A_365 : vector<400xf32> to vector<400x1xf32>
    %div3A_367 = vector.broadcast %broadcast_in_dim3A_366 : vector<400x1xf32> to vector<400x16xf32>
    %div3A_368 = arith.divf %add3A_363, %div3A_367 : vector<400x16xf32>
    %get3A_369 = arith.constant 1 : index
    %get3A_370 = arith.constant 16 : index
    %get3A_371 = vector.load %arg5[%get3A_369, %get3A_370] : memref<2x32xf32, #tpu.memory_space<vmem>>, vector<1x16xf32>
    %get3A_372 = vector.shape_cast %get3A_371 : vector<1x16xf32> to vector<16xf32>
    %broadcast_in_dim3A_373 = vector.shape_cast %get3A_372 : vector<16xf32> to vector<1x16xf32>
    %add3A_374 = vector.broadcast %broadcast_in_dim3A_373 : vector<1x16xf32> to vector<400x16xf32>
    %add3A_375 = arith.addf %div3A_368, %add3A_374 : vector<400x16xf32>
    %mul3A_376 = vector.broadcast %get3A_258 : f32 to vector<400x16xf32>
    %mul3A_377 = arith.mulf %mul3A_376, %add3A_375 : vector<400x16xf32>
    %add3A_378 = arith.addf %mul3A_138, %mul3A_377 : vector<400x16xf32>
    %get3A_379 = arith.constant 1 : index
    %get3A_380 = arith.constant 0 : index
    %get3A_381 = arith.constant 0 : index
    %get3A_382 = arith.constant 0 : index
    %get3A_383 = arith.constant 64 : index
    %get3A_384 = vector.load %arg3[%get3A_379, %get3A_380, %get3A_381, %get3A_382, %get3A_383] : memref<2x2x2x400x128xf32, #tpu.memory_space<vmem>>, vector<1x1x1x400x16xf32>
    %get3A_385 = vector.shape_cast %get3A_384 : vector<1x1x1x400x16xf32> to vector<400x16xf32>
    %get3A_386 = arith.constant 1 : index
    %get3A_387 = arith.constant 0 : index
    %get3A_388 = arith.constant 1 : index
    %get3A_389 = arith.constant 0 : index
    %get3A_390 = arith.constant 64 : index
    %get3A_391 = vector.load %arg3[%get3A_386, %get3A_387, %get3A_388, %get3A_389, %get3A_390] : memref<2x2x2x400x128xf32, #tpu.memory_space<vmem>>, vector<1x1x1x400x16xf32>
    %get3A_392 = vector.shape_cast %get3A_391 : vector<1x1x1x400x16xf32> to vector<400x16xf32>
    %add3A_393 = arith.addf %get3A_385, %get3A_392 : vector<400x16xf32>
    %slice3A_394 = vector.extract_strided_slice %add3A_23 {offsets = [0, 4], sizes = [400, 1], strides = [1, 1]} : vector<400x16xf32> to vector<400x1xf32>
    %squeeze3A_395 = vector.shape_cast %slice3A_394 : vector<400x1xf32> to vector<400xf32>
    %broadcast_in_dim3A_396 = vector.shape_cast %squeeze3A_395 : vector<400xf32> to vector<400x1xf32>
    %div3A_397 = vector.broadcast %broadcast_in_dim3A_396 : vector<400x1xf32> to vector<400x16xf32>
    %div3A_398 = arith.divf %add3A_393, %div3A_397 : vector<400x16xf32>
    %get3A_399 = arith.constant 1 : index
    %get3A_400 = arith.constant 0 : index
    %get3A_401 = vector.load %arg5[%get3A_399, %get3A_400] : memref<2x32xf32, #tpu.memory_space<vmem>>, vector<1x16xf32>
    %get3A_402 = vector.shape_cast %get3A_401 : vector<1x16xf32> to vector<16xf32>
    %broadcast_in_dim3A_403 = vector.shape_cast %get3A_402 : vector<16xf32> to vector<1x16xf32>
    %add3A_404 = vector.broadcast %broadcast_in_dim3A_403 : vector<1x16xf32> to vector<400x16xf32>
    %add3A_405 = arith.addf %div3A_398, %add3A_404 : vector<400x16xf32>
    %mul3A_406 = vector.broadcast %get3A_258 : f32 to vector<400x16xf32>
    %mul3A_407 = arith.mulf %mul3A_406, %add3A_405 : vector<400x16xf32>
    %add3A_408 = arith.addf %mul3A_167, %mul3A_407 : vector<400x16xf32>
    %get3A_409 = arith.constant 1 : index
    %get3A_410 = arith.constant 0 : index
    %get3A_411 = arith.constant 0 : index
    %get3A_412 = arith.constant 0 : index
    %get3A_413 = arith.constant 80 : index
    %get3A_414 = vector.load %arg3[%get3A_409, %get3A_410, %get3A_411, %get3A_412, %get3A_413] : memref<2x2x2x400x128xf32, #tpu.memory_space<vmem>>, vector<1x1x1x400x16xf32>
    %get3A_415 = vector.shape_cast %get3A_414 : vector<1x1x1x400x16xf32> to vector<400x16xf32>
    %get3A_416 = arith.constant 1 : index
    %get3A_417 = arith.constant 0 : index
    %get3A_418 = arith.constant 1 : index
    %get3A_419 = arith.constant 0 : index
    %get3A_420 = arith.constant 80 : index
    %get3A_421 = vector.load %arg3[%get3A_416, %get3A_417, %get3A_418, %get3A_419, %get3A_420] : memref<2x2x2x400x128xf32, #tpu.memory_space<vmem>>, vector<1x1x1x400x16xf32>
    %get3A_422 = vector.shape_cast %get3A_421 : vector<1x1x1x400x16xf32> to vector<400x16xf32>
    %add3A_423 = arith.addf %get3A_415, %get3A_422 : vector<400x16xf32>
    %slice3A_424 = vector.extract_strided_slice %add3A_23 {offsets = [0, 5], sizes = [400, 1], strides = [1, 1]} : vector<400x16xf32> to vector<400x1xf32>
    %squeeze3A_425 = vector.shape_cast %slice3A_424 : vector<400x1xf32> to vector<400xf32>
    %broadcast_in_dim3A_426 = vector.shape_cast %squeeze3A_425 : vector<400xf32> to vector<400x1xf32>
    %div3A_427 = vector.broadcast %broadcast_in_dim3A_426 : vector<400x1xf32> to vector<400x16xf32>
    %div3A_428 = arith.divf %add3A_423, %div3A_427 : vector<400x16xf32>
    %get3A_429 = arith.constant 1 : index
    %get3A_430 = arith.constant 16 : index
    %get3A_431 = vector.load %arg5[%get3A_429, %get3A_430] : memref<2x32xf32, #tpu.memory_space<vmem>>, vector<1x16xf32>
    %get3A_432 = vector.shape_cast %get3A_431 : vector<1x16xf32> to vector<16xf32>
    %broadcast_in_dim3A_433 = vector.shape_cast %get3A_432 : vector<16xf32> to vector<1x16xf32>
    %add3A_434 = vector.broadcast %broadcast_in_dim3A_433 : vector<1x16xf32> to vector<400x16xf32>
    %add3A_435 = arith.addf %div3A_428, %add3A_434 : vector<400x16xf32>
    %mul3A_436 = vector.broadcast %get3A_258 : f32 to vector<400x16xf32>
    %mul3A_437 = arith.mulf %mul3A_436, %add3A_435 : vector<400x16xf32>
    %add3A_438 = arith.addf %mul3A_196, %mul3A_437 : vector<400x16xf32>
    %get3A_439 = arith.constant 1 : index
    %get3A_440 = arith.constant 0 : index
    %get3A_441 = arith.constant 0 : index
    %get3A_442 = arith.constant 0 : index
    %get3A_443 = arith.constant 96 : index
    %get3A_444 = vector.load %arg3[%get3A_439, %get3A_440, %get3A_441, %get3A_442, %get3A_443] : memref<2x2x2x400x128xf32, #tpu.memory_space<vmem>>, vector<1x1x1x400x16xf32>
    %get3A_445 = vector.shape_cast %get3A_444 : vector<1x1x1x400x16xf32> to vector<400x16xf32>
    %get3A_446 = arith.constant 1 : index
    %get3A_447 = arith.constant 0 : index
    %get3A_448 = arith.constant 1 : index
    %get3A_449 = arith.constant 0 : index
    %get3A_450 = arith.constant 96 : index
    %get3A_451 = vector.load %arg3[%get3A_446, %get3A_447, %get3A_448, %get3A_449, %get3A_450] : memref<2x2x2x400x128xf32, #tpu.memory_space<vmem>>, vector<1x1x1x400x16xf32>
    %get3A_452 = vector.shape_cast %get3A_451 : vector<1x1x1x400x16xf32> to vector<400x16xf32>
    %add3A_453 = arith.addf %get3A_445, %get3A_452 : vector<400x16xf32>
    %slice3A_454 = vector.extract_strided_slice %add3A_23 {offsets = [0, 6], sizes = [400, 1], strides = [1, 1]} : vector<400x16xf32> to vector<400x1xf32>
    %squeeze3A_455 = vector.shape_cast %slice3A_454 : vector<400x1xf32> to vector<400xf32>
    %broadcast_in_dim3A_456 = vector.shape_cast %squeeze3A_455 : vector<400xf32> to vector<400x1xf32>
    %div3A_457 = vector.broadcast %broadcast_in_dim3A_456 : vector<400x1xf32> to vector<400x16xf32>
    %div3A_458 = arith.divf %add3A_453, %div3A_457 : vector<400x16xf32>
    %get3A_459 = arith.constant 1 : index
    %get3A_460 = arith.constant 0 : index
    %get3A_461 = vector.load %arg5[%get3A_459, %get3A_460] : memref<2x32xf32, #tpu.memory_space<vmem>>, vector<1x16xf32>
    %get3A_462 = vector.shape_cast %get3A_461 : vector<1x16xf32> to vector<16xf32>
    %broadcast_in_dim3A_463 = vector.shape_cast %get3A_462 : vector<16xf32> to vector<1x16xf32>
    %add3A_464 = vector.broadcast %broadcast_in_dim3A_463 : vector<1x16xf32> to vector<400x16xf32>
    %add3A_465 = arith.addf %div3A_458, %add3A_464 : vector<400x16xf32>
    %mul3A_466 = vector.broadcast %get3A_258 : f32 to vector<400x16xf32>
    %mul3A_467 = arith.mulf %mul3A_466, %add3A_465 : vector<400x16xf32>
    %add3A_468 = arith.addf %mul3A_225, %mul3A_467 : vector<400x16xf32>
    %get3A_469 = arith.constant 1 : index
    %get3A_470 = arith.constant 0 : index
    %get3A_471 = arith.constant 0 : index
    %get3A_472 = arith.constant 0 : index
    %get3A_473 = arith.constant 112 : index
    %get3A_474 = vector.load %arg3[%get3A_469, %get3A_470, %get3A_471, %get3A_472, %get3A_473] : memref<2x2x2x400x128xf32, #tpu.memory_space<vmem>>, vector<1x1x1x400x16xf32>
    %get3A_475 = vector.shape_cast %get3A_474 : vector<1x1x1x400x16xf32> to vector<400x16xf32>
    %get3A_476 = arith.constant 1 : index
    %get3A_477 = arith.constant 0 : index
    %get3A_478 = arith.constant 1 : index
    %get3A_479 = arith.constant 0 : index
    %get3A_480 = arith.constant 112 : index
    %get3A_481 = vector.load %arg3[%get3A_476, %get3A_477, %get3A_478, %get3A_479, %get3A_480] : memref<2x2x2x400x128xf32, #tpu.memory_space<vmem>>, vector<1x1x1x400x16xf32>
    %get3A_482 = vector.shape_cast %get3A_481 : vector<1x1x1x400x16xf32> to vector<400x16xf32>
    %add3A_483 = arith.addf %get3A_475, %get3A_482 : vector<400x16xf32>
    %slice3A_484 = vector.extract_strided_slice %add3A_23 {offsets = [0, 7], sizes = [400, 1], strides = [1, 1]} : vector<400x16xf32> to vector<400x1xf32>
    %squeeze3A_485 = vector.shape_cast %slice3A_484 : vector<400x1xf32> to vector<400xf32>
    %broadcast_in_dim3A_486 = vector.shape_cast %squeeze3A_485 : vector<400xf32> to vector<400x1xf32>
    %div3A_487 = vector.broadcast %broadcast_in_dim3A_486 : vector<400x1xf32> to vector<400x16xf32>
    %div3A_488 = arith.divf %add3A_483, %div3A_487 : vector<400x16xf32>
    %get3A_489 = arith.constant 1 : index
    %get3A_490 = arith.constant 16 : index
    %get3A_491 = vector.load %arg5[%get3A_489, %get3A_490] : memref<2x32xf32, #tpu.memory_space<vmem>>, vector<1x16xf32>
    %get3A_492 = vector.shape_cast %get3A_491 : vector<1x16xf32> to vector<16xf32>
    %broadcast_in_dim3A_493 = vector.shape_cast %get3A_492 : vector<16xf32> to vector<1x16xf32>
    %add3A_494 = vector.broadcast %broadcast_in_dim3A_493 : vector<1x16xf32> to vector<400x16xf32>
    %add3A_495 = arith.addf %div3A_488, %add3A_494 : vector<400x16xf32>
    %mul3A_496 = vector.broadcast %get3A_258 : f32 to vector<400x16xf32>
    %mul3A_497 = arith.mulf %mul3A_496, %add3A_495 : vector<400x16xf32>
    %add3A_498 = arith.addf %mul3A_254, %mul3A_497 : vector<400x16xf32>
    %concatenate3A = tpu.concatenate %add3A_288, %add3A_318 in 1 : vector<400x16xf32>, vector<400x16xf32> -> vector<400x32xf32>
    %get3A_499 = arith.constant 0 : index
    %get3A_500 = arith.constant 0 : index
    %get3A_501 = vector.load %arg6[%get3A_499, %get3A_500] : memref<16x32xf32, #tpu.memory_space<vmem>>, vector<16x32xf32>
    %dot_general3A = arith.constant dense<0.000000e+00> : vector<400x16xf32>
    %dot_general3A_502 = tpu.matmul %concatenate3A, %get3A_501, %dot_general3A {dimension_numbers = #tpu.dot_dimension_numbers<[1], [1], [0], [0], [0, 0, 1, 0], [], []>, transpose_lhs_hint = false} : vector<400x32xf32>, vector<16x32xf32>, vector<400x16xf32> -> vector<400x16xf32>
    %get3A_503 = arith.constant 0 : index
    %get3A_504 = arith.constant 0 : index
    %get3A_505 = vector.load %arg7[%get3A_503, %get3A_504] : memref<1x16xf32, #tpu.memory_space<vmem>>, vector<1x16xf32>
    %get3A_506 = vector.shape_cast %get3A_505 : vector<1x16xf32> to vector<16xf32>
    %broadcast_in_dim3A_507 = vector.shape_cast %get3A_506 : vector<16xf32> to vector<1x16xf32>
    %add3A_508 = vector.broadcast %broadcast_in_dim3A_507 : vector<1x16xf32> to vector<400x16xf32>
    %add3A_509 = arith.addf %dot_general3A_502, %add3A_508 : vector<400x16xf32>
    %get3A_510 = arith.constant 0 : index
    %get3A_511 = arith.constant 0 : index
    %get3A_512 = arith.constant 0 : index
    %get3A_513 = arith.constant 0 : index
    %get3A_514 = vector.load %arg1[%get3A_510, %get3A_511, %get3A_512, %get3A_513] : memref<2x400x4x32xf32, #tpu.memory_space<vmem>>, vector<1x400x1x32xf32>
    %get3A_515 = vector.shape_cast %get3A_514 : vector<1x400x1x32xf32> to vector<400x32xf32>
    %get3A_516 = arith.constant 0 : index
    %get3A_517 = arith.constant 0 : index
    %get3A_518 = vector.load %arg8[%get3A_516, %get3A_517] : memref<16x32xf32, #tpu.memory_space<vmem>>, vector<16x32xf32>
    %dot_general3A_519 = arith.constant dense<0.000000e+00> : vector<400x16xf32>
    %dot_general3A_520 = tpu.matmul %get3A_515, %get3A_518, %dot_general3A_519 {dimension_numbers = #tpu.dot_dimension_numbers<[1], [1], [0], [0], [0, 0, 1, 0], [], []>, transpose_lhs_hint = false} : vector<400x32xf32>, vector<16x32xf32>, vector<400x16xf32> -> vector<400x16xf32>
    %mul3A_521 = arith.constant 0.00999999977 : f32
    %mul3A_522 = vector.broadcast %mul3A_521 : f32 to vector<400x16xf32>
    %mul3A_523 = arith.mulf %mul3A_522, %add3A_509 : vector<400x16xf32>
    %max3A = arith.maximumf %add3A_509, %mul3A_523 : vector<400x16xf32>
    %add3A_524 = arith.addf %max3A, %dot_general3A_520 : vector<400x16xf32>
    %swap3A = arith.constant 0 : index
    %swap3A_525 = arith.constant 0 : index
    %swap3A_526 = arith.constant 0 : index
    %swap3A_527 = arith.constant 0 : index
    %swap3A_528 = vector.load %arg9[%swap3A, %swap3A_525, %swap3A_526, %swap3A_527] : memref<2x400x4x16xf32, #tpu.memory_space<vmem>>, vector<1x400x1x16xf32>
    %swap3A_529 = vector.shape_cast %swap3A_528 : vector<1x400x1x16xf32> to vector<400x16xf32>
    %swap3A_530 = vector.shape_cast %add3A_524 : vector<400x16xf32> to vector<1x400x1x16xf32>
    tpu.vector_store %arg9[%swap3A, %swap3A_525, %swap3A_526, %swap3A_527], %swap3A_530 {strides = array<i32>} : memref<2x400x4x16xf32, #tpu.memory_space<vmem>>, vector<1x400x1x16xf32>,
    %concatenate3A_531 = tpu.concatenate %add3A_348, %add3A_378 in 1 : vector<400x16xf32>, vector<400x16xf32> -> vector<400x32xf32>
    %get3A_532 = arith.constant 0 : index
    %get3A_533 = arith.constant 0 : index
    %get3A_534 = vector.load %arg6[%get3A_532, %get3A_533] : memref<16x32xf32, #tpu.memory_space<vmem>>, vector<16x32xf32>
    %dot_general3A_535 = arith.constant dense<0.000000e+00> : vector<400x16xf32>
    %dot_general3A_536 = tpu.matmul %concatenate3A_531, %get3A_534, %dot_general3A_535 {dimension_numbers = #tpu.dot_dimension_numbers<[1], [1], [0], [0], [0, 0, 1, 0], [], []>, transpose_lhs_hint = false} : vector<400x32xf32>, vector<16x32xf32>, vector<400x16xf32> -> vector<400x16xf32>
    %get3A_537 = arith.constant 0 : index
    %get3A_538 = arith.constant 0 : index
    %get3A_539 = vector.load %arg7[%get3A_537, %get3A_538] : memref<1x16xf32, #tpu.memory_space<vmem>>, vector<1x16xf32>
    %get3A_540 = vector.shape_cast %get3A_539 : vector<1x16xf32> to vector<16xf32>
    %broadcast_in_dim3A_541 = vector.shape_cast %get3A_540 : vector<16xf32> to vector<1x16xf32>
    %add3A_542 = vector.broadcast %broadcast_in_dim3A_541 : vector<1x16xf32> to vector<400x16xf32>
    %add3A_543 = arith.addf %dot_general3A_536, %add3A_542 : vector<400x16xf32>
    %get3A_544 = arith.constant 0 : index
    %get3A_545 = arith.constant 0 : index
    %get3A_546 = arith.constant 1 : index
    %get3A_547 = arith.constant 0 : index
    %get3A_548 = vector.load %arg1[%get3A_544, %get3A_545, %get3A_546, %get3A_547] : memref<2x400x4x32xf32, #tpu.memory_space<vmem>>, vector<1x400x1x32xf32>
    %get3A_549 = vector.shape_cast %get3A_548 : vector<1x400x1x32xf32> to vector<400x32xf32>
    %get3A_550 = arith.constant 0 : index
    %get3A_551 = arith.constant 0 : index
    %get3A_552 = vector.load %arg8[%get3A_550, %get3A_551] : memref<16x32xf32, #tpu.memory_space<vmem>>, vector<16x32xf32>
    %dot_general3A_553 = arith.constant dense<0.000000e+00> : vector<400x16xf32>
    %dot_general3A_554 = tpu.matmul %get3A_549, %get3A_552, %dot_general3A_553 {dimension_numbers = #tpu.dot_dimension_numbers<[1], [1], [0], [0], [0, 0, 1, 0], [], []>, transpose_lhs_hint = false} : vector<400x32xf32>, vector<16x32xf32>, vector<400x16xf32> -> vector<400x16xf32>
    %mul3A_555 = arith.constant 0.00999999977 : f32
    %mul3A_556 = vector.broadcast %mul3A_555 : f32 to vector<400x16xf32>
    %mul3A_557 = arith.mulf %mul3A_556, %add3A_543 : vector<400x16xf32>
    %max3A_558 = arith.maximumf %add3A_543, %mul3A_557 : vector<400x16xf32>
    %add3A_559 = arith.addf %max3A_558, %dot_general3A_554 : vector<400x16xf32>
    %swap3A_560 = arith.constant 0 : index
    %swap3A_561 = arith.constant 0 : index
    %swap3A_562 = arith.constant 1 : index
    %swap3A_563 = arith.constant 0 : index
    %swap3A_564 = vector.load %arg9[%swap3A_560, %swap3A_561, %swap3A_562, %swap3A_563] : memref<2x400x4x16xf32, #tpu.memory_space<vmem>>, vector<1x400x1x16xf32>
    %swap3A_565 = vector.shape_cast %swap3A_564 : vector<1x400x1x16xf32> to vector<400x16xf32>
    %swap3A_566 = vector.shape_cast %add3A_559 : vector<400x16xf32> to vector<1x400x1x16xf32>
    tpu.vector_store %arg9[%swap3A_560, %swap3A_561, %swap3A_562, %swap3A_563], %swap3A_566 {strides = array<i32>} : memref<2x400x4x16xf32, #tpu.memory_space<vmem>>, vector<1x400x1x16xf32>,
    %concatenate3A_567 = tpu.concatenate %add3A_408, %add3A_438 in 1 : vector<400x16xf32>, vector<400x16xf32> -> vector<400x32xf32>
    %get3A_568 = arith.constant 0 : index
    %get3A_569 = arith.constant 0 : index
    %get3A_570 = vector.load %arg6[%get3A_568, %get3A_569] : memref<16x32xf32, #tpu.memory_space<vmem>>, vector<16x32xf32>
    %dot_general3A_571 = arith.constant dense<0.000000e+00> : vector<400x16xf32>
    %dot_general3A_572 = tpu.matmul %concatenate3A_567, %get3A_570, %dot_general3A_571 {dimension_numbers = #tpu.dot_dimension_numbers<[1], [1], [0], [0], [0, 0, 1, 0], [], []>, transpose_lhs_hint = false} : vector<400x32xf32>, vector<16x32xf32>, vector<400x16xf32> -> vector<400x16xf32>
    %get3A_573 = arith.constant 0 : index
    %get3A_574 = arith.constant 0 : index
    %get3A_575 = vector.load %arg7[%get3A_573, %get3A_574] : memref<1x16xf32, #tpu.memory_space<vmem>>, vector<1x16xf32>
    %get3A_576 = vector.shape_cast %get3A_575 : vector<1x16xf32> to vector<16xf32>
    %broadcast_in_dim3A_577 = vector.shape_cast %get3A_576 : vector<16xf32> to vector<1x16xf32>
    %add3A_578 = vector.broadcast %broadcast_in_dim3A_577 : vector<1x16xf32> to vector<400x16xf32>
    %add3A_579 = arith.addf %dot_general3A_572, %add3A_578 : vector<400x16xf32>
    %get3A_580 = arith.constant 0 : index
    %get3A_581 = arith.constant 0 : index
    %get3A_582 = arith.constant 2 : index
    %get3A_583 = arith.constant 0 : index
    %get3A_584 = vector.load %arg1[%get3A_580, %get3A_581, %get3A_582, %get3A_583] : memref<2x400x4x32xf32, #tpu.memory_space<vmem>>, vector<1x400x1x32xf32>
    %get3A_585 = vector.shape_cast %get3A_584 : vector<1x400x1x32xf32> to vector<400x32xf32>
    %get3A_586 = arith.constant 0 : index
    %get3A_587 = arith.constant 0 : index
    %get3A_588 = vector.load %arg8[%get3A_586, %get3A_587] : memref<16x32xf32, #tpu.memory_space<vmem>>, vector<16x32xf32>
    %dot_general3A_589 = arith.constant dense<0.000000e+00> : vector<400x16xf32>
    %dot_general3A_590 = tpu.matmul %get3A_585, %get3A_588, %dot_general3A_589 {dimension_numbers = #tpu.dot_dimension_numbers<[1], [1], [0], [0], [0, 0, 1, 0], [], []>, transpose_lhs_hint = false} : vector<400x32xf32>, vector<16x32xf32>, vector<400x16xf32> -> vector<400x16xf32>
    %mul3A_591 = arith.constant 0.00999999977 : f32
    %mul3A_592 = vector.broadcast %mul3A_591 : f32 to vector<400x16xf32>
    %mul3A_593 = arith.mulf %mul3A_592, %add3A_579 : vector<400x16xf32>
    %max3A_594 = arith.maximumf %add3A_579, %mul3A_593 : vector<400x16xf32>
    %add3A_595 = arith.addf %max3A_594, %dot_general3A_590 : vector<400x16xf32>
    %swap3A_596 = arith.constant 0 : index
    %swap3A_597 = arith.constant 0 : index
    %swap3A_598 = arith.constant 2 : index
    %swap3A_599 = arith.constant 0 : index
    %swap3A_600 = vector.load %arg9[%swap3A_596, %swap3A_597, %swap3A_598, %swap3A_599] : memref<2x400x4x16xf32, #tpu.memory_space<vmem>>, vector<1x400x1x16xf32>
    %swap3A_601 = vector.shape_cast %swap3A_600 : vector<1x400x1x16xf32> to vector<400x16xf32>
    %swap3A_602 = vector.shape_cast %add3A_595 : vector<400x16xf32> to vector<1x400x1x16xf32>
    tpu.vector_store %arg9[%swap3A_596, %swap3A_597, %swap3A_598, %swap3A_599], %swap3A_602 {strides = array<i32>} : memref<2x400x4x16xf32, #tpu.memory_space<vmem>>, vector<1x400x1x16xf32>,
    %concatenate3A_603 = tpu.concatenate %add3A_468, %add3A_498 in 1 : vector<400x16xf32>, vector<400x16xf32> -> vector<400x32xf32>
    %get3A_604 = arith.constant 0 : index
    %get3A_605 = arith.constant 0 : index
    %get3A_606 = vector.load %arg6[%get3A_604, %get3A_605] : memref<16x32xf32, #tpu.memory_space<vmem>>, vector<16x32xf32>
    %dot_general3A_607 = arith.constant dense<0.000000e+00> : vector<400x16xf32>
    %dot_general3A_608 = tpu.matmul %concatenate3A_603, %get3A_606, %dot_general3A_607 {dimension_numbers = #tpu.dot_dimension_numbers<[1], [1], [0], [0], [0, 0, 1, 0], [], []>, transpose_lhs_hint = false} : vector<400x32xf32>, vector<16x32xf32>, vector<400x16xf32> -> vector<400x16xf32>
    %get3A_609 = arith.constant 0 : index
    %get3A_610 = arith.constant 0 : index
    %get3A_611 = vector.load %arg7[%get3A_609, %get3A_610] : memref<1x16xf32, #tpu.memory_space<vmem>>, vector<1x16xf32>
    %get3A_612 = vector.shape_cast %get3A_611 : vector<1x16xf32> to vector<16xf32>
    %broadcast_in_dim3A_613 = vector.shape_cast %get3A_612 : vector<16xf32> to vector<1x16xf32>
    %add3A_614 = vector.broadcast %broadcast_in_dim3A_613 : vector<1x16xf32> to vector<400x16xf32>
    %add3A_615 = arith.addf %dot_general3A_608, %add3A_614 : vector<400x16xf32>
    %get3A_616 = arith.constant 0 : index
    %get3A_617 = arith.constant 0 : index
    %get3A_618 = arith.constant 3 : index
    %get3A_619 = arith.constant 0 : index
    %get3A_620 = vector.load %arg1[%get3A_616, %get3A_617, %get3A_618, %get3A_619] : memref<2x400x4x32xf32, #tpu.memory_space<vmem>>, vector<1x400x1x32xf32>
    %get3A_621 = vector.shape_cast %get3A_620 : vector<1x400x1x32xf32> to vector<400x32xf32>
    %get3A_622 = arith.constant 0 : index
    %get3A_623 = arith.constant 0 : index
    %get3A_624 = vector.load %arg8[%get3A_622, %get3A_623] : memref<16x32xf32, #tpu.memory_space<vmem>>, vector<16x32xf32>
    %dot_general3A_625 = arith.constant dense<0.000000e+00> : vector<400x16xf32>
    %dot_general3A_626 = tpu.matmul %get3A_621, %get3A_624, %dot_general3A_625 {dimension_numbers = #tpu.dot_dimension_numbers<[1], [1], [0], [0], [0, 0, 1, 0], [], []>, transpose_lhs_hint = false} : vector<400x32xf32>, vector<16x32xf32>, vector<400x16xf32> -> vector<400x16xf32>
    %mul3A_627 = arith.constant 0.00999999977 : f32
    %mul3A_628 = vector.broadcast %mul3A_627 : f32 to vector<400x16xf32>
    %mul3A_629 = arith.mulf %mul3A_628, %add3A_615 : vector<400x16xf32>
    %max3A_630 = arith.maximumf %add3A_615, %mul3A_629 : vector<400x16xf32>
    %add3A_631 = arith.addf %max3A_630, %dot_general3A_626 : vector<400x16xf32>
    %swap3A_632 = arith.constant 0 : index
    %swap3A_633 = arith.constant 0 : index
    %swap3A_634 = arith.constant 3 : index
    %swap3A_635 = arith.constant 0 : index
    %swap3A_636 = vector.load %arg9[%swap3A_632, %swap3A_633, %swap3A_634, %swap3A_635] : memref<2x400x4x16xf32, #tpu.memory_space<vmem>>, vector<1x400x1x16xf32>
    %swap3A_637 = vector.shape_cast %swap3A_636 : vector<1x400x1x16xf32> to vector<400x16xf32>
    %swap3A_638 = vector.shape_cast %add3A_631 : vector<400x16xf32> to vector<1x400x1x16xf32>
    tpu.vector_store %arg9[%swap3A_632, %swap3A_633, %swap3A_634, %swap3A_635], %swap3A_638 {strides = array<i32>} : memref<2x400x4x16xf32, #tpu.memory_space<vmem>>, vector<1x400x1x16xf32>,
    %get3A_639 = arith.constant 0 : index
    %get3A_640 = arith.constant 0 : index
    %get3A_641 = vector.load %arg4[%get3A_639, %get3A_640] : memref<2x1xf32, #tpu.memory_space<vmem>>, vector<1x1xf32>
    %get3A_642 = vector.extract %get3A_641[0, 0] : f32 from vector<1x1xf32>
    %get3A_643 = arith.constant 0 : index
    %get3A_644 = arith.constant 1 : index
    %get3A_645 = arith.constant 0 : index
    %get3A_646 = arith.constant 0 : index
    %get3A_647 = arith.constant 0 : index
    %get3A_648 = vector.load %arg3[%get3A_643, %get3A_644, %get3A_645, %get3A_646, %get3A_647] : memref<2x2x2x400x128xf32, #tpu.memory_space<vmem>>, vector<1x1x1x400x16xf32>
    %get3A_649 = vector.shape_cast %get3A_648 : vector<1x1x1x400x16xf32> to vector<400x16xf32>
    %get3A_650 = arith.constant 0 : index
    %get3A_651 = arith.constant 1 : index
    %get3A_652 = arith.constant 1 : index
    %get3A_653 = arith.constant 0 : index
    %get3A_654 = arith.constant 0 : index
    %get3A_655 = vector.load %arg3[%get3A_650, %get3A_651, %get3A_652, %get3A_653, %get3A_654] : memref<2x2x2x400x128xf32, #tpu.memory_space<vmem>>, vector<1x1x1x400x16xf32>
    %get3A_656 = vector.shape_cast %get3A_655 : vector<1x1x1x400x16xf32> to vector<400x16xf32>
    %add3A_657 = arith.addf %get3A_649, %get3A_656 : vector<400x16xf32>
    %slice3A_658 = vector.extract_strided_slice %add3A {offsets = [0, 8], sizes = [400, 1], strides = [1, 1]} : vector<400x16xf32> to vector<400x1xf32>
    %squeeze3A_659 = vector.shape_cast %slice3A_658 : vector<400x1xf32> to vector<400xf32>
    %broadcast_in_dim3A_660 = vector.shape_cast %squeeze3A_659 : vector<400xf32> to vector<400x1xf32>
    %div3A_661 = vector.broadcast %broadcast_in_dim3A_660 : vector<400x1xf32> to vector<400x16xf32>
    %div3A_662 = arith.divf %add3A_657, %div3A_661 : vector<400x16xf32>
    %get3A_663 = arith.constant 0 : index
    %get3A_664 = arith.constant 0 : index
    %get3A_665 = vector.load %arg5[%get3A_663, %get3A_664] : memref<2x32xf32, #tpu.memory_space<vmem>>, vector<1x16xf32>
    %get3A_666 = vector.shape_cast %get3A_665 : vector<1x16xf32> to vector<16xf32>
    %broadcast_in_dim3A_667 = vector.shape_cast %get3A_666 : vector<16xf32> to vector<1x16xf32>
    %add3A_668 = vector.broadcast %broadcast_in_dim3A_667 : vector<1x16xf32> to vector<400x16xf32>
    %add3A_669 = arith.addf %div3A_662, %add3A_668 : vector<400x16xf32>
    %mul3A_670 = vector.broadcast %get3A_642 : f32 to vector<400x16xf32>
    %mul3A_671 = arith.mulf %mul3A_670, %add3A_669 : vector<400x16xf32>
    %get3A_672 = arith.constant 0 : index
    %get3A_673 = arith.constant 1 : index
    %get3A_674 = arith.constant 0 : index
    %get3A_675 = arith.constant 0 : index
    %get3A_676 = arith.constant 16 : index
    %get3A_677 = vector.load %arg3[%get3A_672, %get3A_673, %get3A_674, %get3A_675, %get3A_676] : memref<2x2x2x400x128xf32, #tpu.memory_space<vmem>>, vector<1x1x1x400x16xf32>
    %get3A_678 = vector.shape_cast %get3A_677 : vector<1x1x1x400x16xf32> to vector<400x16xf32>
    %get3A_679 = arith.constant 0 : index
    %get3A_680 = arith.constant 1 : index
    %get3A_681 = arith.constant 1 : index
    %get3A_682 = arith.constant 0 : index
    %get3A_683 = arith.constant 16 : index
    %get3A_684 = vector.load %arg3[%get3A_679, %get3A_680, %get3A_681, %get3A_682, %get3A_683] : memref<2x2x2x400x128xf32, #tpu.memory_space<vmem>>, vector<1x1x1x400x16xf32>
    %get3A_685 = vector.shape_cast %get3A_684 : vector<1x1x1x400x16xf32> to vector<400x16xf32>
    %add3A_686 = arith.addf %get3A_678, %get3A_685 : vector<400x16xf32>
    %slice3A_687 = vector.extract_strided_slice %add3A {offsets = [0, 9], sizes = [400, 1], strides = [1, 1]} : vector<400x16xf32> to vector<400x1xf32>
    %squeeze3A_688 = vector.shape_cast %slice3A_687 : vector<400x1xf32> to vector<400xf32>
    %broadcast_in_dim3A_689 = vector.shape_cast %squeeze3A_688 : vector<400xf32> to vector<400x1xf32>
    %div3A_690 = vector.broadcast %broadcast_in_dim3A_689 : vector<400x1xf32> to vector<400x16xf32>
    %div3A_691 = arith.divf %add3A_686, %div3A_690 : vector<400x16xf32>
    %get3A_692 = arith.constant 0 : index
    %get3A_693 = arith.constant 16 : index
    %get3A_694 = vector.load %arg5[%get3A_692, %get3A_693] : memref<2x32xf32, #tpu.memory_space<vmem>>, vector<1x16xf32>
    %get3A_695 = vector.shape_cast %get3A_694 : vector<1x16xf32> to vector<16xf32>
    %broadcast_in_dim3A_696 = vector.shape_cast %get3A_695 : vector<16xf32> to vector<1x16xf32>
    %add3A_697 = vector.broadcast %broadcast_in_dim3A_696 : vector<1x16xf32> to vector<400x16xf32>
    %add3A_698 = arith.addf %div3A_691, %add3A_697 : vector<400x16xf32>
    %mul3A_699 = vector.broadcast %get3A_642 : f32 to vector<400x16xf32>
    %mul3A_700 = arith.mulf %mul3A_699, %add3A_698 : vector<400x16xf32>
    %get3A_701 = arith.constant 0 : index
    %get3A_702 = arith.constant 1 : index
    %get3A_703 = arith.constant 0 : index
    %get3A_704 = arith.constant 0 : index
    %get3A_705 = arith.constant 32 : index
    %get3A_706 = vector.load %arg3[%get3A_701, %get3A_702, %get3A_703, %get3A_704, %get3A_705] : memref<2x2x2x400x128xf32, #tpu.memory_space<vmem>>, vector<1x1x1x400x16xf32>
    %get3A_707 = vector.shape_cast %get3A_706 : vector<1x1x1x400x16xf32> to vector<400x16xf32>
    %get3A_708 = arith.constant 0 : index
    %get3A_709 = arith.constant 1 : index
    %get3A_710 = arith.constant 1 : index
    %get3A_711 = arith.constant 0 : index
    %get3A_712 = arith.constant 32 : index
    %get3A_713 = vector.load %arg3[%get3A_708, %get3A_709, %get3A_710, %get3A_711, %get3A_712] : memref<2x2x2x400x128xf32, #tpu.memory_space<vmem>>, vector<1x1x1x400x16xf32>
    %get3A_714 = vector.shape_cast %get3A_713 : vector<1x1x1x400x16xf32> to vector<400x16xf32>
    %add3A_715 = arith.addf %get3A_707, %get3A_714 : vector<400x16xf32>
    %slice3A_716 = vector.extract_strided_slice %add3A {offsets = [0, 10], sizes = [400, 1], strides = [1, 1]} : vector<400x16xf32> to vector<400x1xf32>
    %squeeze3A_717 = vector.shape_cast %slice3A_716 : vector<400x1xf32> to vector<400xf32>
    %broadcast_in_dim3A_718 = vector.shape_cast %squeeze3A_717 : vector<400xf32> to vector<400x1xf32>
    %div3A_719 = vector.broadcast %broadcast_in_dim3A_718 : vector<400x1xf32> to vector<400x16xf32>
    %div3A_720 = arith.divf %add3A_715, %div3A_719 : vector<400x16xf32>
    %get3A_721 = arith.constant 0 : index
    %get3A_722 = arith.constant 0 : index
    %get3A_723 = vector.load %arg5[%get3A_721, %get3A_722] : memref<2x32xf32, #tpu.memory_space<vmem>>, vector<1x16xf32>
    %get3A_724 = vector.shape_cast %get3A_723 : vector<1x16xf32> to vector<16xf32>
    %broadcast_in_dim3A_725 = vector.shape_cast %get3A_724 : vector<16xf32> to vector<1x16xf32>
    %add3A_726 = vector.broadcast %broadcast_in_dim3A_725 : vector<1x16xf32> to vector<400x16xf32>
    %add3A_727 = arith.addf %div3A_720, %add3A_726 : vector<400x16xf32>
    %mul3A_728 = vector.broadcast %get3A_642 : f32 to vector<400x16xf32>
    %mul3A_729 = arith.mulf %mul3A_728, %add3A_727 : vector<400x16xf32>
    %get3A_730 = arith.constant 0 : index
    %get3A_731 = arith.constant 1 : index
    %get3A_732 = arith.constant 0 : index
    %get3A_733 = arith.constant 0 : index
    %get3A_734 = arith.constant 48 : index
    %get3A_735 = vector.load %arg3[%get3A_730, %get3A_731, %get3A_732, %get3A_733, %get3A_734] : memref<2x2x2x400x128xf32, #tpu.memory_space<vmem>>, vector<1x1x1x400x16xf32>
    %get3A_736 = vector.shape_cast %get3A_735 : vector<1x1x1x400x16xf32> to vector<400x16xf32>
    %get3A_737 = arith.constant 0 : index
    %get3A_738 = arith.constant 1 : index
    %get3A_739 = arith.constant 1 : index
    %get3A_740 = arith.constant 0 : index
    %get3A_741 = arith.constant 48 : index
    %get3A_742 = vector.load %arg3[%get3A_737, %get3A_738, %get3A_739, %get3A_740, %get3A_741] : memref<2x2x2x400x128xf32, #tpu.memory_space<vmem>>, vector<1x1x1x400x16xf32>
    %get3A_743 = vector.shape_cast %get3A_742 : vector<1x1x1x400x16xf32> to vector<400x16xf32>
    %add3A_744 = arith.addf %get3A_736, %get3A_743 : vector<400x16xf32>
    %slice3A_745 = vector.extract_strided_slice %add3A {offsets = [0, 11], sizes = [400, 1], strides = [1, 1]} : vector<400x16xf32> to vector<400x1xf32>
    %squeeze3A_746 = vector.shape_cast %slice3A_745 : vector<400x1xf32> to vector<400xf32>
    %broadcast_in_dim3A_747 = vector.shape_cast %squeeze3A_746 : vector<400xf32> to vector<400x1xf32>
    %div3A_748 = vector.broadcast %broadcast_in_dim3A_747 : vector<400x1xf32> to vector<400x16xf32>
    %div3A_749 = arith.divf %add3A_744, %div3A_748 : vector<400x16xf32>
    %get3A_750 = arith.constant 0 : index
    %get3A_751 = arith.constant 16 : index
    %get3A_752 = vector.load %arg5[%get3A_750, %get3A_751] : memref<2x32xf32, #tpu.memory_space<vmem>>, vector<1x16xf32>
    %get3A_753 = vector.shape_cast %get3A_752 : vector<1x16xf32> to vector<16xf32>
    %broadcast_in_dim3A_754 = vector.shape_cast %get3A_753 : vector<16xf32> to vector<1x16xf32>
    %add3A_755 = vector.broadcast %broadcast_in_dim3A_754 : vector<1x16xf32> to vector<400x16xf32>
    %add3A_756 = arith.addf %div3A_749, %add3A_755 : vector<400x16xf32>
    %mul3A_757 = vector.broadcast %get3A_642 : f32 to vector<400x16xf32>
    %mul3A_758 = arith.mulf %mul3A_757, %add3A_756 : vector<400x16xf32>
    %get3A_759 = arith.constant 0 : index
    %get3A_760 = arith.constant 1 : index
    %get3A_761 = arith.constant 0 : index
    %get3A_762 = arith.constant 0 : index
    %get3A_763 = arith.constant 64 : index
    %get3A_764 = vector.load %arg3[%get3A_759, %get3A_760, %get3A_761, %get3A_762, %get3A_763] : memref<2x2x2x400x128xf32, #tpu.memory_space<vmem>>, vector<1x1x1x400x16xf32>
    %get3A_765 = vector.shape_cast %get3A_764 : vector<1x1x1x400x16xf32> to vector<400x16xf32>
    %get3A_766 = arith.constant 0 : index
    %get3A_767 = arith.constant 1 : index
    %get3A_768 = arith.constant 1 : index
    %get3A_769 = arith.constant 0 : index
    %get3A_770 = arith.constant 64 : index
    %get3A_771 = vector.load %arg3[%get3A_766, %get3A_767, %get3A_768, %get3A_769, %get3A_770] : memref<2x2x2x400x128xf32, #tpu.memory_space<vmem>>, vector<1x1x1x400x16xf32>
    %get3A_772 = vector.shape_cast %get3A_771 : vector<1x1x1x400x16xf32> to vector<400x16xf32>
    %add3A_773 = arith.addf %get3A_765, %get3A_772 : vector<400x16xf32>
    %slice3A_774 = vector.extract_strided_slice %add3A {offsets = [0, 12], sizes = [400, 1], strides = [1, 1]} : vector<400x16xf32> to vector<400x1xf32>
    %squeeze3A_775 = vector.shape_cast %slice3A_774 : vector<400x1xf32> to vector<400xf32>
    %broadcast_in_dim3A_776 = vector.shape_cast %squeeze3A_775 : vector<400xf32> to vector<400x1xf32>
    %div3A_777 = vector.broadcast %broadcast_in_dim3A_776 : vector<400x1xf32> to vector<400x16xf32>
    %div3A_778 = arith.divf %add3A_773, %div3A_777 : vector<400x16xf32>
    %get3A_779 = arith.constant 0 : index
    %get3A_780 = arith.constant 0 : index
    %get3A_781 = vector.load %arg5[%get3A_779, %get3A_780] : memref<2x32xf32, #tpu.memory_space<vmem>>, vector<1x16xf32>
    %get3A_782 = vector.shape_cast %get3A_781 : vector<1x16xf32> to vector<16xf32>
    %broadcast_in_dim3A_783 = vector.shape_cast %get3A_782 : vector<16xf32> to vector<1x16xf32>
    %add3A_784 = vector.broadcast %broadcast_in_dim3A_783 : vector<1x16xf32> to vector<400x16xf32>
    %add3A_785 = arith.addf %div3A_778, %add3A_784 : vector<400x16xf32>
    %mul3A_786 = vector.broadcast %get3A_642 : f32 to vector<400x16xf32>
    %mul3A_787 = arith.mulf %mul3A_786, %add3A_785 : vector<400x16xf32>
    %get3A_788 = arith.constant 0 : index
    %get3A_789 = arith.constant 1 : index
    %get3A_790 = arith.constant 0 : index
    %get3A_791 = arith.constant 0 : index
    %get3A_792 = arith.constant 80 : index
    %get3A_793 = vector.load %arg3[%get3A_788, %get3A_789, %get3A_790, %get3A_791, %get3A_792] : memref<2x2x2x400x128xf32, #tpu.memory_space<vmem>>, vector<1x1x1x400x16xf32>
    %get3A_794 = vector.shape_cast %get3A_793 : vector<1x1x1x400x16xf32> to vector<400x16xf32>
    %get3A_795 = arith.constant 0 : index
    %get3A_796 = arith.constant 1 : index
    %get3A_797 = arith.constant 1 : index
    %get3A_798 = arith.constant 0 : index
    %get3A_799 = arith.constant 80 : index
    %get3A_800 = vector.load %arg3[%get3A_795, %get3A_796, %get3A_797, %get3A_798, %get3A_799] : memref<2x2x2x400x128xf32, #tpu.memory_space<vmem>>, vector<1x1x1x400x16xf32>
    %get3A_801 = vector.shape_cast %get3A_800 : vector<1x1x1x400x16xf32> to vector<400x16xf32>
    %add3A_802 = arith.addf %get3A_794, %get3A_801 : vector<400x16xf32>
    %slice3A_803 = vector.extract_strided_slice %add3A {offsets = [0, 13], sizes = [400, 1], strides = [1, 1]} : vector<400x16xf32> to vector<400x1xf32>
    %squeeze3A_804 = vector.shape_cast %slice3A_803 : vector<400x1xf32> to vector<400xf32>
    %broadcast_in_dim3A_805 = vector.shape_cast %squeeze3A_804 : vector<400xf32> to vector<400x1xf32>
    %div3A_806 = vector.broadcast %broadcast_in_dim3A_805 : vector<400x1xf32> to vector<400x16xf32>
    %div3A_807 = arith.divf %add3A_802, %div3A_806 : vector<400x16xf32>
    %get3A_808 = arith.constant 0 : index
    %get3A_809 = arith.constant 16 : index
    %get3A_810 = vector.load %arg5[%get3A_808, %get3A_809] : memref<2x32xf32, #tpu.memory_space<vmem>>, vector<1x16xf32>
    %get3A_811 = vector.shape_cast %get3A_810 : vector<1x16xf32> to vector<16xf32>
    %broadcast_in_dim3A_812 = vector.shape_cast %get3A_811 : vector<16xf32> to vector<1x16xf32>
    %add3A_813 = vector.broadcast %broadcast_in_dim3A_812 : vector<1x16xf32> to vector<400x16xf32>
    %add3A_814 = arith.addf %div3A_807, %add3A_813 : vector<400x16xf32>
    %mul3A_815 = vector.broadcast %get3A_642 : f32 to vector<400x16xf32>
    %mul3A_816 = arith.mulf %mul3A_815, %add3A_814 : vector<400x16xf32>
    %get3A_817 = arith.constant 0 : index
    %get3A_818 = arith.constant 1 : index
    %get3A_819 = arith.constant 0 : index
    %get3A_820 = arith.constant 0 : index
    %get3A_821 = arith.constant 96 : index
    %get3A_822 = vector.load %arg3[%get3A_817, %get3A_818, %get3A_819, %get3A_820, %get3A_821] : memref<2x2x2x400x128xf32, #tpu.memory_space<vmem>>, vector<1x1x1x400x16xf32>
    %get3A_823 = vector.shape_cast %get3A_822 : vector<1x1x1x400x16xf32> to vector<400x16xf32>
    %get3A_824 = arith.constant 0 : index
    %get3A_825 = arith.constant 1 : index
    %get3A_826 = arith.constant 1 : index
    %get3A_827 = arith.constant 0 : index
    %get3A_828 = arith.constant 96 : index
    %get3A_829 = vector.load %arg3[%get3A_824, %get3A_825, %get3A_826, %get3A_827, %get3A_828] : memref<2x2x2x400x128xf32, #tpu.memory_space<vmem>>, vector<1x1x1x400x16xf32>
    %get3A_830 = vector.shape_cast %get3A_829 : vector<1x1x1x400x16xf32> to vector<400x16xf32>
    %add3A_831 = arith.addf %get3A_823, %get3A_830 : vector<400x16xf32>
    %slice3A_832 = vector.extract_strided_slice %add3A {offsets = [0, 14], sizes = [400, 1], strides = [1, 1]} : vector<400x16xf32> to vector<400x1xf32>
    %squeeze3A_833 = vector.shape_cast %slice3A_832 : vector<400x1xf32> to vector<400xf32>
    %broadcast_in_dim3A_834 = vector.shape_cast %squeeze3A_833 : vector<400xf32> to vector<400x1xf32>
    %div3A_835 = vector.broadcast %broadcast_in_dim3A_834 : vector<400x1xf32> to vector<400x16xf32>
    %div3A_836 = arith.divf %add3A_831, %div3A_835 : vector<400x16xf32>
    %get3A_837 = arith.constant 0 : index
    %get3A_838 = arith.constant 0 : index
    %get3A_839 = vector.load %arg5[%get3A_837, %get3A_838] : memref<2x32xf32, #tpu.memory_space<vmem>>, vector<1x16xf32>
    %get3A_840 = vector.shape_cast %get3A_839 : vector<1x16xf32> to vector<16xf32>
    %broadcast_in_dim3A_841 = vector.shape_cast %get3A_840 : vector<16xf32> to vector<1x16xf32>
    %add3A_842 = vector.broadcast %broadcast_in_dim3A_841 : vector<1x16xf32> to vector<400x16xf32>
    %add3A_843 = arith.addf %div3A_836, %add3A_842 : vector<400x16xf32>
    %mul3A_844 = vector.broadcast %get3A_642 : f32 to vector<400x16xf32>
    %mul3A_845 = arith.mulf %mul3A_844, %add3A_843 : vector<400x16xf32>
    %get3A_846 = arith.constant 0 : index
    %get3A_847 = arith.constant 1 : index
    %get3A_848 = arith.constant 0 : index
    %get3A_849 = arith.constant 0 : index
    %get3A_850 = arith.constant 112 : index
    %get3A_851 = vector.load %arg3[%get3A_846, %get3A_847, %get3A_848, %get3A_849, %get3A_850] : memref<2x2x2x400x128xf32, #tpu.memory_space<vmem>>, vector<1x1x1x400x16xf32>
    %get3A_852 = vector.shape_cast %get3A_851 : vector<1x1x1x400x16xf32> to vector<400x16xf32>
    %get3A_853 = arith.constant 0 : index
    %get3A_854 = arith.constant 1 : index
    %get3A_855 = arith.constant 1 : index
    %get3A_856 = arith.constant 0 : index
    %get3A_857 = arith.constant 112 : index
    %get3A_858 = vector.load %arg3[%get3A_853, %get3A_854, %get3A_855, %get3A_856, %get3A_857] : memref<2x2x2x400x128xf32, #tpu.memory_space<vmem>>, vector<1x1x1x400x16xf32>
    %get3A_859 = vector.shape_cast %get3A_858 : vector<1x1x1x400x16xf32> to vector<400x16xf32>
    %add3A_860 = arith.addf %get3A_852, %get3A_859 : vector<400x16xf32>
    %slice3A_861 = vector.extract_strided_slice %add3A {offsets = [0, 15], sizes = [400, 1], strides = [1, 1]} : vector<400x16xf32> to vector<400x1xf32>
    %squeeze3A_862 = vector.shape_cast %slice3A_861 : vector<400x1xf32> to vector<400xf32>
    %broadcast_in_dim3A_863 = vector.shape_cast %squeeze3A_862 : vector<400xf32> to vector<400x1xf32>
    %div3A_864 = vector.broadcast %broadcast_in_dim3A_863 : vector<400x1xf32> to vector<400x16xf32>
    %div3A_865 = arith.divf %add3A_860, %div3A_864 : vector<400x16xf32>
    %get3A_866 = arith.constant 0 : index
    %get3A_867 = arith.constant 16 : index
    %get3A_868 = vector.load %arg5[%get3A_866, %get3A_867] : memref<2x32xf32, #tpu.memory_space<vmem>>, vector<1x16xf32>
    %get3A_869 = vector.shape_cast %get3A_868 : vector<1x16xf32> to vector<16xf32>
    %broadcast_in_dim3A_870 = vector.shape_cast %get3A_869 : vector<16xf32> to vector<1x16xf32>
    %add3A_871 = vector.broadcast %broadcast_in_dim3A_870 : vector<1x16xf32> to vector<400x16xf32>
    %add3A_872 = arith.addf %div3A_865, %add3A_871 : vector<400x16xf32>
    %mul3A_873 = vector.broadcast %get3A_642 : f32 to vector<400x16xf32>
    %mul3A_874 = arith.mulf %mul3A_873, %add3A_872 : vector<400x16xf32>
    %get3A_875 = arith.constant 1 : index
    %get3A_876 = arith.constant 0 : index
    %get3A_877 = vector.load %arg4[%get3A_875, %get3A_876] : memref<2x1xf32, #tpu.memory_space<vmem>>, vector<1x1xf32>
    %get3A_878 = vector.extract %get3A_877[0, 0] : f32 from vector<1x1xf32>
    %get3A_879 = arith.constant 1 : index
    %get3A_880 = arith.constant 1 : index
    %get3A_881 = arith.constant 0 : index
    %get3A_882 = arith.constant 0 : index
    %get3A_883 = arith.constant 0 : index
    %get3A_884 = vector.load %arg3[%get3A_879, %get3A_880, %get3A_881, %get3A_882, %get3A_883] : memref<2x2x2x400x128xf32, #tpu.memory_space<vmem>>, vector<1x1x1x400x16xf32>
    %get3A_885 = vector.shape_cast %get3A_884 : vector<1x1x1x400x16xf32> to vector<400x16xf32>
    %get3A_886 = arith.constant 1 : index
    %get3A_887 = arith.constant 1 : index
    %get3A_888 = arith.constant 1 : index
    %get3A_889 = arith.constant 0 : index
    %get3A_890 = arith.constant 0 : index
    %get3A_891 = vector.load %arg3[%get3A_886, %get3A_887, %get3A_888, %get3A_889, %get3A_890] : memref<2x2x2x400x128xf32, #tpu.memory_space<vmem>>, vector<1x1x1x400x16xf32>
    %get3A_892 = vector.shape_cast %get3A_891 : vector<1x1x1x400x16xf32> to vector<400x16xf32>
    %add3A_893 = arith.addf %get3A_885, %get3A_892 : vector<400x16xf32>
    %slice3A_894 = vector.extract_strided_slice %add3A_23 {offsets = [0, 8], sizes = [400, 1], strides = [1, 1]} : vector<400x16xf32> to vector<400x1xf32>
    %squeeze3A_895 = vector.shape_cast %slice3A_894 : vector<400x1xf32> to vector<400xf32>
    %broadcast_in_dim3A_896 = vector.shape_cast %squeeze3A_895 : vector<400xf32> to vector<400x1xf32>
    %div3A_897 = vector.broadcast %broadcast_in_dim3A_896 : vector<400x1xf32> to vector<400x16xf32>
    %div3A_898 = arith.divf %add3A_893, %div3A_897 : vector<400x16xf32>
    %get3A_899 = arith.constant 1 : index
    %get3A_900 = arith.constant 0 : index
    %get3A_901 = vector.load %arg5[%get3A_899, %get3A_900] : memref<2x32xf32, #tpu.memory_space<vmem>>, vector<1x16xf32>
    %get3A_902 = vector.shape_cast %get3A_901 : vector<1x16xf32> to vector<16xf32>
    %broadcast_in_dim3A_903 = vector.shape_cast %get3A_902 : vector<16xf32> to vector<1x16xf32>
    %add3A_904 = vector.broadcast %broadcast_in_dim3A_903 : vector<1x16xf32> to vector<400x16xf32>
    %add3A_905 = arith.addf %div3A_898, %add3A_904 : vector<400x16xf32>
    %mul3A_906 = vector.broadcast %get3A_878 : f32 to vector<400x16xf32>
    %mul3A_907 = arith.mulf %mul3A_906, %add3A_905 : vector<400x16xf32>
    %add3A_908 = arith.addf %mul3A_671, %mul3A_907 : vector<400x16xf32>
    %get3A_909 = arith.constant 1 : index
    %get3A_910 = arith.constant 1 : index
    %get3A_911 = arith.constant 0 : index
    %get3A_912 = arith.constant 0 : index
    %get3A_913 = arith.constant 16 : index
    %get3A_914 = vector.load %arg3[%get3A_909, %get3A_910, %get3A_911, %get3A_912, %get3A_913] : memref<2x2x2x400x128xf32, #tpu.memory_space<vmem>>, vector<1x1x1x400x16xf32>
    %get3A_915 = vector.shape_cast %get3A_914 : vector<1x1x1x400x16xf32> to vector<400x16xf32>
    %get3A_916 = arith.constant 1 : index
    %get3A_917 = arith.constant 1 : index
    %get3A_918 = arith.constant 1 : index
    %get3A_919 = arith.constant 0 : index
    %get3A_920 = arith.constant 16 : index
    %get3A_921 = vector.load %arg3[%get3A_916, %get3A_917, %get3A_918, %get3A_919, %get3A_920] : memref<2x2x2x400x128xf32, #tpu.memory_space<vmem>>, vector<1x1x1x400x16xf32>
    %get3A_922 = vector.shape_cast %get3A_921 : vector<1x1x1x400x16xf32> to vector<400x16xf32>
    %add3A_923 = arith.addf %get3A_915, %get3A_922 : vector<400x16xf32>
    %slice3A_924 = vector.extract_strided_slice %add3A_23 {offsets = [0, 9], sizes = [400, 1], strides = [1, 1]} : vector<400x16xf32> to vector<400x1xf32>
    %squeeze3A_925 = vector.shape_cast %slice3A_924 : vector<400x1xf32> to vector<400xf32>
    %broadcast_in_dim3A_926 = vector.shape_cast %squeeze3A_925 : vector<400xf32> to vector<400x1xf32>
    %div3A_927 = vector.broadcast %broadcast_in_dim3A_926 : vector<400x1xf32> to vector<400x16xf32>
    %div3A_928 = arith.divf %add3A_923, %div3A_927 : vector<400x16xf32>
    %get3A_929 = arith.constant 1 : index
    %get3A_930 = arith.constant 16 : index
    %get3A_931 = vector.load %arg5[%get3A_929, %get3A_930] : memref<2x32xf32, #tpu.memory_space<vmem>>, vector<1x16xf32>
    %get3A_932 = vector.shape_cast %get3A_931 : vector<1x16xf32> to vector<16xf32>
    %broadcast_in_dim3A_933 = vector.shape_cast %get3A_932 : vector<16xf32> to vector<1x16xf32>
    %add3A_934 = vector.broadcast %broadcast_in_dim3A_933 : vector<1x16xf32> to vector<400x16xf32>
    %add3A_935 = arith.addf %div3A_928, %add3A_934 : vector<400x16xf32>
    %mul3A_936 = vector.broadcast %get3A_878 : f32 to vector<400x16xf32>
    %mul3A_937 = arith.mulf %mul3A_936, %add3A_935 : vector<400x16xf32>
    %add3A_938 = arith.addf %mul3A_700, %mul3A_937 : vector<400x16xf32>
    %get3A_939 = arith.constant 1 : index
    %get3A_940 = arith.constant 1 : index
    %get3A_941 = arith.constant 0 : index
    %get3A_942 = arith.constant 0 : index
    %get3A_943 = arith.constant 32 : index
    %get3A_944 = vector.load %arg3[%get3A_939, %get3A_940, %get3A_941, %get3A_942, %get3A_943] : memref<2x2x2x400x128xf32, #tpu.memory_space<vmem>>, vector<1x1x1x400x16xf32>
    %get3A_945 = vector.shape_cast %get3A_944 : vector<1x1x1x400x16xf32> to vector<400x16xf32>
    %get3A_946 = arith.constant 1 : index
    %get3A_947 = arith.constant 1 : index
    %get3A_948 = arith.constant 1 : index
    %get3A_949 = arith.constant 0 : index
    %get3A_950 = arith.constant 32 : index
    %get3A_951 = vector.load %arg3[%get3A_946, %get3A_947, %get3A_948, %get3A_949, %get3A_950] : memref<2x2x2x400x128xf32, #tpu.memory_space<vmem>>, vector<1x1x1x400x16xf32>
    %get3A_952 = vector.shape_cast %get3A_951 : vector<1x1x1x400x16xf32> to vector<400x16xf32>
    %add3A_953 = arith.addf %get3A_945, %get3A_952 : vector<400x16xf32>
    %slice3A_954 = vector.extract_strided_slice %add3A_23 {offsets = [0, 10], sizes = [400, 1], strides = [1, 1]} : vector<400x16xf32> to vector<400x1xf32>
    %squeeze3A_955 = vector.shape_cast %slice3A_954 : vector<400x1xf32> to vector<400xf32>
    %broadcast_in_dim3A_956 = vector.shape_cast %squeeze3A_955 : vector<400xf32> to vector<400x1xf32>
    %div3A_957 = vector.broadcast %broadcast_in_dim3A_956 : vector<400x1xf32> to vector<400x16xf32>
    %div3A_958 = arith.divf %add3A_953, %div3A_957 : vector<400x16xf32>
    %get3A_959 = arith.constant 1 : index
    %get3A_960 = arith.constant 0 : index
    %get3A_961 = vector.load %arg5[%get3A_959, %get3A_960] : memref<2x32xf32, #tpu.memory_space<vmem>>, vector<1x16xf32>
    %get3A_962 = vector.shape_cast %get3A_961 : vector<1x16xf32> to vector<16xf32>
    %broadcast_in_dim3A_963 = vector.shape_cast %get3A_962 : vector<16xf32> to vector<1x16xf32>
    %add3A_964 = vector.broadcast %broadcast_in_dim3A_963 : vector<1x16xf32> to vector<400x16xf32>
    %add3A_965 = arith.addf %div3A_958, %add3A_964 : vector<400x16xf32>
    %mul3A_966 = vector.broadcast %get3A_878 : f32 to vector<400x16xf32>
    %mul3A_967 = arith.mulf %mul3A_966, %add3A_965 : vector<400x16xf32>
    %add3A_968 = arith.addf %mul3A_729, %mul3A_967 : vector<400x16xf32>
    %get3A_969 = arith.constant 1 : index
    %get3A_970 = arith.constant 1 : index
    %get3A_971 = arith.constant 0 : index
    %get3A_972 = arith.constant 0 : index
    %get3A_973 = arith.constant 48 : index
    %get3A_974 = vector.load %arg3[%get3A_969, %get3A_970, %get3A_971, %get3A_972, %get3A_973] : memref<2x2x2x400x128xf32, #tpu.memory_space<vmem>>, vector<1x1x1x400x16xf32>
    %get3A_975 = vector.shape_cast %get3A_974 : vector<1x1x1x400x16xf32> to vector<400x16xf32>
    %get3A_976 = arith.constant 1 : index
    %get3A_977 = arith.constant 1 : index
    %get3A_978 = arith.constant 1 : index
    %get3A_979 = arith.constant 0 : index
    %get3A_980 = arith.constant 48 : index
    %get3A_981 = vector.load %arg3[%get3A_976, %get3A_977, %get3A_978, %get3A_979, %get3A_980] : memref<2x2x2x400x128xf32, #tpu.memory_space<vmem>>, vector<1x1x1x400x16xf32>
    %get3A_982 = vector.shape_cast %get3A_981 : vector<1x1x1x400x16xf32> to vector<400x16xf32>
    %add3A_983 = arith.addf %get3A_975, %get3A_982 : vector<400x16xf32>
    %slice3A_984 = vector.extract_strided_slice %add3A_23 {offsets = [0, 11], sizes = [400, 1], strides = [1, 1]} : vector<400x16xf32> to vector<400x1xf32>
    %squeeze3A_985 = vector.shape_cast %slice3A_984 : vector<400x1xf32> to vector<400xf32>
    %broadcast_in_dim3A_986 = vector.shape_cast %squeeze3A_985 : vector<400xf32> to vector<400x1xf32>
    %div3A_987 = vector.broadcast %broadcast_in_dim3A_986 : vector<400x1xf32> to vector<400x16xf32>
    %div3A_988 = arith.divf %add3A_983, %div3A_987 : vector<400x16xf32>
    %get3A_989 = arith.constant 1 : index
    %get3A_990 = arith.constant 16 : index
    %get3A_991 = vector.load %arg5[%get3A_989, %get3A_990] : memref<2x32xf32, #tpu.memory_space<vmem>>, vector<1x16xf32>
    %get3A_992 = vector.shape_cast %get3A_991 : vector<1x16xf32> to vector<16xf32>
    %broadcast_in_dim3A_993 = vector.shape_cast %get3A_992 : vector<16xf32> to vector<1x16xf32>
    %add3A_994 = vector.broadcast %broadcast_in_dim3A_993 : vector<1x16xf32> to vector<400x16xf32>
    %add3A_995 = arith.addf %div3A_988, %add3A_994 : vector<400x16xf32>
    %mul3A_996 = vector.broadcast %get3A_878 : f32 to vector<400x16xf32>
    %mul3A_997 = arith.mulf %mul3A_996, %add3A_995 : vector<400x16xf32>
    %add3A_998 = arith.addf %mul3A_758, %mul3A_997 : vector<400x16xf32>
    %get3A_999 = arith.constant 1 : index
    %get3A_1000 = arith.constant 1 : index
    %get3A_1001 = arith.constant 0 : index
    %get3A_1002 = arith.constant 0 : index
    %get3A_1003 = arith.constant 64 : index
    %get3A_1004 = vector.load %arg3[%get3A_999, %get3A_1000, %get3A_1001, %get3A_1002, %get3A_1003] : memref<2x2x2x400x128xf32, #tpu.memory_space<vmem>>, vector<1x1x1x400x16xf32>
    %get3A_1005 = vector.shape_cast %get3A_1004 : vector<1x1x1x400x16xf32> to vector<400x16xf32>
    %get3A_1006 = arith.constant 1 : index
    %get3A_1007 = arith.constant 1 : index
    %get3A_1008 = arith.constant 1 : index
    %get3A_1009 = arith.constant 0 : index
    %get3A_1010 = arith.constant 64 : index
    %get3A_1011 = vector.load %arg3[%get3A_1006, %get3A_1007, %get3A_1008, %get3A_1009, %get3A_1010] : memref<2x2x2x400x128xf32, #tpu.memory_space<vmem>>, vector<1x1x1x400x16xf32>
    %get3A_1012 = vector.shape_cast %get3A_1011 : vector<1x1x1x400x16xf32> to vector<400x16xf32>
    %add3A_1013 = arith.addf %get3A_1005, %get3A_1012 : vector<400x16xf32>
    %slice3A_1014 = vector.extract_strided_slice %add3A_23 {offsets = [0, 12], sizes = [400, 1], strides = [1, 1]} : vector<400x16xf32> to vector<400x1xf32>
    %squeeze3A_1015 = vector.shape_cast %slice3A_1014 : vector<400x1xf32> to vector<400xf32>
    %broadcast_in_dim3A_1016 = vector.shape_cast %squeeze3A_1015 : vector<400xf32> to vector<400x1xf32>
    %div3A_1017 = vector.broadcast %broadcast_in_dim3A_1016 : vector<400x1xf32> to vector<400x16xf32>
    %div3A_1018 = arith.divf %add3A_1013, %div3A_1017 : vector<400x16xf32>
    %get3A_1019 = arith.constant 1 : index
    %get3A_1020 = arith.constant 0 : index
    %get3A_1021 = vector.load %arg5[%get3A_1019, %get3A_1020] : memref<2x32xf32, #tpu.memory_space<vmem>>, vector<1x16xf32>
    %get3A_1022 = vector.shape_cast %get3A_1021 : vector<1x16xf32> to vector<16xf32>
    %broadcast_in_dim3A_1023 = vector.shape_cast %get3A_1022 : vector<16xf32> to vector<1x16xf32>
    %add3A_1024 = vector.broadcast %broadcast_in_dim3A_1023 : vector<1x16xf32> to vector<400x16xf32>
    %add3A_1025 = arith.addf %div3A_1018, %add3A_1024 : vector<400x16xf32>
    %mul3A_1026 = vector.broadcast %get3A_878 : f32 to vector<400x16xf32>
    %mul3A_1027 = arith.mulf %mul3A_1026, %add3A_1025 : vector<400x16xf32>
    %add3A_1028 = arith.addf %mul3A_787, %mul3A_1027 : vector<400x16xf32>
    %get3A_1029 = arith.constant 1 : index
    %get3A_1030 = arith.constant 1 : index
    %get3A_1031 = arith.constant 0 : index
    %get3A_1032 = arith.constant 0 : index
    %get3A_1033 = arith.constant 80 : index
    %get3A_1034 = vector.load %arg3[%get3A_1029, %get3A_1030, %get3A_1031, %get3A_1032, %get3A_1033] : memref<2x2x2x400x128xf32, #tpu.memory_space<vmem>>, vector<1x1x1x400x16xf32>
    %get3A_1035 = vector.shape_cast %get3A_1034 : vector<1x1x1x400x16xf32> to vector<400x16xf32>
    %get3A_1036 = arith.constant 1 : index
    %get3A_1037 = arith.constant 1 : index
    %get3A_1038 = arith.constant 1 : index
    %get3A_1039 = arith.constant 0 : index
    %get3A_1040 = arith.constant 80 : index
    %get3A_1041 = vector.load %arg3[%get3A_1036, %get3A_1037, %get3A_1038, %get3A_1039, %get3A_1040] : memref<2x2x2x400x128xf32, #tpu.memory_space<vmem>>, vector<1x1x1x400x16xf32>
    %get3A_1042 = vector.shape_cast %get3A_1041 : vector<1x1x1x400x16xf32> to vector<400x16xf32>
    %add3A_1043 = arith.addf %get3A_1035, %get3A_1042 : vector<400x16xf32>
    %slice3A_1044 = vector.extract_strided_slice %add3A_23 {offsets = [0, 13], sizes = [400, 1], strides = [1, 1]} : vector<400x16xf32> to vector<400x1xf32>
    %squeeze3A_1045 = vector.shape_cast %slice3A_1044 : vector<400x1xf32> to vector<400xf32>
    %broadcast_in_dim3A_1046 = vector.shape_cast %squeeze3A_1045 : vector<400xf32> to vector<400x1xf32>
    %div3A_1047 = vector.broadcast %broadcast_in_dim3A_1046 : vector<400x1xf32> to vector<400x16xf32>
    %div3A_1048 = arith.divf %add3A_1043, %div3A_1047 : vector<400x16xf32>
    %get3A_1049 = arith.constant 1 : index
    %get3A_1050 = arith.constant 16 : index
    %get3A_1051 = vector.load %arg5[%get3A_1049, %get3A_1050] : memref<2x32xf32, #tpu.memory_space<vmem>>, vector<1x16xf32>
    %get3A_1052 = vector.shape_cast %get3A_1051 : vector<1x16xf32> to vector<16xf32>
    %broadcast_in_dim3A_1053 = vector.shape_cast %get3A_1052 : vector<16xf32> to vector<1x16xf32>
    %add3A_1054 = vector.broadcast %broadcast_in_dim3A_1053 : vector<1x16xf32> to vector<400x16xf32>
    %add3A_1055 = arith.addf %div3A_1048, %add3A_1054 : vector<400x16xf32>
    %mul3A_1056 = vector.broadcast %get3A_878 : f32 to vector<400x16xf32>
    %mul3A_1057 = arith.mulf %mul3A_1056, %add3A_1055 : vector<400x16xf32>
    %add3A_1058 = arith.addf %mul3A_816, %mul3A_1057 : vector<400x16xf32>
    %get3A_1059 = arith.constant 1 : index
    %get3A_1060 = arith.constant 1 : index
    %get3A_1061 = arith.constant 0 : index
    %get3A_1062 = arith.constant 0 : index
    %get3A_1063 = arith.constant 96 : index
    %get3A_1064 = vector.load %arg3[%get3A_1059, %get3A_1060, %get3A_1061, %get3A_1062, %get3A_1063] : memref<2x2x2x400x128xf32, #tpu.memory_space<vmem>>, vector<1x1x1x400x16xf32>
    %get3A_1065 = vector.shape_cast %get3A_1064 : vector<1x1x1x400x16xf32> to vector<400x16xf32>
    %get3A_1066 = arith.constant 1 : index
    %get3A_1067 = arith.constant 1 : index
    %get3A_1068 = arith.constant 1 : index
    %get3A_1069 = arith.constant 0 : index
    %get3A_1070 = arith.constant 96 : index
    %get3A_1071 = vector.load %arg3[%get3A_1066, %get3A_1067, %get3A_1068, %get3A_1069, %get3A_1070] : memref<2x2x2x400x128xf32, #tpu.memory_space<vmem>>, vector<1x1x1x400x16xf32>
    %get3A_1072 = vector.shape_cast %get3A_1071 : vector<1x1x1x400x16xf32> to vector<400x16xf32>
    %add3A_1073 = arith.addf %get3A_1065, %get3A_1072 : vector<400x16xf32>
    %slice3A_1074 = vector.extract_strided_slice %add3A_23 {offsets = [0, 14], sizes = [400, 1], strides = [1, 1]} : vector<400x16xf32> to vector<400x1xf32>
    %squeeze3A_1075 = vector.shape_cast %slice3A_1074 : vector<400x1xf32> to vector<400xf32>
    %broadcast_in_dim3A_1076 = vector.shape_cast %squeeze3A_1075 : vector<400xf32> to vector<400x1xf32>
    %div3A_1077 = vector.broadcast %broadcast_in_dim3A_1076 : vector<400x1xf32> to vector<400x16xf32>
    %div3A_1078 = arith.divf %add3A_1073, %div3A_1077 : vector<400x16xf32>
    %get3A_1079 = arith.constant 1 : index
    %get3A_1080 = arith.constant 0 : index
    %get3A_1081 = vector.load %arg5[%get3A_1079, %get3A_1080] : memref<2x32xf32, #tpu.memory_space<vmem>>, vector<1x16xf32>
    %get3A_1082 = vector.shape_cast %get3A_1081 : vector<1x16xf32> to vector<16xf32>
    %broadcast_in_dim3A_1083 = vector.shape_cast %get3A_1082 : vector<16xf32> to vector<1x16xf32>
    %add3A_1084 = vector.broadcast %broadcast_in_dim3A_1083 : vector<1x16xf32> to vector<400x16xf32>
    %add3A_1085 = arith.addf %div3A_1078, %add3A_1084 : vector<400x16xf32>
    %mul3A_1086 = vector.broadcast %get3A_878 : f32 to vector<400x16xf32>
    %mul3A_1087 = arith.mulf %mul3A_1086, %add3A_1085 : vector<400x16xf32>
    %add3A_1088 = arith.addf %mul3A_845, %mul3A_1087 : vector<400x16xf32>
    %get3A_1089 = arith.constant 1 : index
    %get3A_1090 = arith.constant 1 : index
    %get3A_1091 = arith.constant 0 : index
    %get3A_1092 = arith.constant 0 : index
    %get3A_1093 = arith.constant 112 : index
    %get3A_1094 = vector.load %arg3[%get3A_1089, %get3A_1090, %get3A_1091, %get3A_1092, %get3A_1093] : memref<2x2x2x400x128xf32, #tpu.memory_space<vmem>>, vector<1x1x1x400x16xf32>
    %get3A_1095 = vector.shape_cast %get3A_1094 : vector<1x1x1x400x16xf32> to vector<400x16xf32>
    %get3A_1096 = arith.constant 1 : index
    %get3A_1097 = arith.constant 1 : index
    %get3A_1098 = arith.constant 1 : index
    %get3A_1099 = arith.constant 0 : index
    %get3A_1100 = arith.constant 112 : index
    %get3A_1101 = vector.load %arg3[%get3A_1096, %get3A_1097, %get3A_1098, %get3A_1099, %get3A_1100] : memref<2x2x2x400x128xf32, #tpu.memory_space<vmem>>, vector<1x1x1x400x16xf32>
    %get3A_1102 = vector.shape_cast %get3A_1101 : vector<1x1x1x400x16xf32> to vector<400x16xf32>
    %add3A_1103 = arith.addf %get3A_1095, %get3A_1102 : vector<400x16xf32>
    %slice3A_1104 = vector.extract_strided_slice %add3A_23 {offsets = [0, 15], sizes = [400, 1], strides = [1, 1]} : vector<400x16xf32> to vector<400x1xf32>
    %squeeze3A_1105 = vector.shape_cast %slice3A_1104 : vector<400x1xf32> to vector<400xf32>
    %broadcast_in_dim3A_1106 = vector.shape_cast %squeeze3A_1105 : vector<400xf32> to vector<400x1xf32>
    %div3A_1107 = vector.broadcast %broadcast_in_dim3A_1106 : vector<400x1xf32> to vector<400x16xf32>
    %div3A_1108 = arith.divf %add3A_1103, %div3A_1107 : vector<400x16xf32>
    %get3A_1109 = arith.constant 1 : index
    %get3A_1110 = arith.constant 16 : index
    %get3A_1111 = vector.load %arg5[%get3A_1109, %get3A_1110] : memref<2x32xf32, #tpu.memory_space<vmem>>, vector<1x16xf32>
    %get3A_1112 = vector.shape_cast %get3A_1111 : vector<1x16xf32> to vector<16xf32>
    %broadcast_in_dim3A_1113 = vector.shape_cast %get3A_1112 : vector<16xf32> to vector<1x16xf32>
    %add3A_1114 = vector.broadcast %broadcast_in_dim3A_1113 : vector<1x16xf32> to vector<400x16xf32>
    %add3A_1115 = arith.addf %div3A_1108, %add3A_1114 : vector<400x16xf32>
    %mul3A_1116 = vector.broadcast %get3A_878 : f32 to vector<400x16xf32>
    %mul3A_1117 = arith.mulf %mul3A_1116, %add3A_1115 : vector<400x16xf32>
    %add3A_1118 = arith.addf %mul3A_874, %mul3A_1117 : vector<400x16xf32>
    %concatenate3A_1119 = tpu.concatenate %add3A_908, %add3A_938 in 1 : vector<400x16xf32>, vector<400x16xf32> -> vector<400x32xf32>
    %get3A_1120 = arith.constant 0 : index
    %get3A_1121 = arith.constant 0 : index
    %get3A_1122 = vector.load %arg6[%get3A_1120, %get3A_1121] : memref<16x32xf32, #tpu.memory_space<vmem>>, vector<16x32xf32>
    %dot_general3A_1123 = arith.constant dense<0.000000e+00> : vector<400x16xf32>
    %dot_general3A_1124 = tpu.matmul %concatenate3A_1119, %get3A_1122, %dot_general3A_1123 {dimension_numbers = #tpu.dot_dimension_numbers<[1], [1], [0], [0], [0, 0, 1, 0], [], []>, transpose_lhs_hint = false} : vector<400x32xf32>, vector<16x32xf32>, vector<400x16xf32> -> vector<400x16xf32>
    %get3A_1125 = arith.constant 0 : index
    %get3A_1126 = arith.constant 0 : index
    %get3A_1127 = vector.load %arg7[%get3A_1125, %get3A_1126] : memref<1x16xf32, #tpu.memory_space<vmem>>, vector<1x16xf32>
    %get3A_1128 = vector.shape_cast %get3A_1127 : vector<1x16xf32> to vector<16xf32>
    %broadcast_in_dim3A_1129 = vector.shape_cast %get3A_1128 : vector<16xf32> to vector<1x16xf32>
    %add3A_1130 = vector.broadcast %broadcast_in_dim3A_1129 : vector<1x16xf32> to vector<400x16xf32>
    %add3A_1131 = arith.addf %dot_general3A_1124, %add3A_1130 : vector<400x16xf32>
    %get3A_1132 = arith.constant 1 : index
    %get3A_1133 = arith.constant 0 : index
    %get3A_1134 = arith.constant 0 : index
    %get3A_1135 = arith.constant 0 : index
    %get3A_1136 = vector.load %arg1[%get3A_1132, %get3A_1133, %get3A_1134, %get3A_1135] : memref<2x400x4x32xf32, #tpu.memory_space<vmem>>, vector<1x400x1x32xf32>
    %get3A_1137 = vector.shape_cast %get3A_1136 : vector<1x400x1x32xf32> to vector<400x32xf32>
    %get3A_1138 = arith.constant 0 : index
    %get3A_1139 = arith.constant 0 : index
    %get3A_1140 = vector.load %arg8[%get3A_1138, %get3A_1139] : memref<16x32xf32, #tpu.memory_space<vmem>>, vector<16x32xf32>
    %dot_general3A_1141 = arith.constant dense<0.000000e+00> : vector<400x16xf32>
    %dot_general3A_1142 = tpu.matmul %get3A_1137, %get3A_1140, %dot_general3A_1141 {dimension_numbers = #tpu.dot_dimension_numbers<[1], [1], [0], [0], [0, 0, 1, 0], [], []>, transpose_lhs_hint = false} : vector<400x32xf32>, vector<16x32xf32>, vector<400x16xf32> -> vector<400x16xf32>
    %mul3A_1143 = arith.constant 0.00999999977 : f32
    %mul3A_1144 = vector.broadcast %mul3A_1143 : f32 to vector<400x16xf32>
    %mul3A_1145 = arith.mulf %mul3A_1144, %add3A_1131 : vector<400x16xf32>
    %max3A_1146 = arith.maximumf %add3A_1131, %mul3A_1145 : vector<400x16xf32>
    %add3A_1147 = arith.addf %max3A_1146, %dot_general3A_1142 : vector<400x16xf32>
    %swap3A_1148 = arith.constant 1 : index
    %swap3A_1149 = arith.constant 0 : index
    %swap3A_1150 = arith.constant 0 : index
    %swap3A_1151 = arith.constant 0 : index
    %swap3A_1152 = vector.load %arg9[%swap3A_1148, %swap3A_1149, %swap3A_1150, %swap3A_1151] : memref<2x400x4x16xf32, #tpu.memory_space<vmem>>, vector<1x400x1x16xf32>
    %swap3A_1153 = vector.shape_cast %swap3A_1152 : vector<1x400x1x16xf32> to vector<400x16xf32>
    %swap3A_1154 = vector.shape_cast %add3A_1147 : vector<400x16xf32> to vector<1x400x1x16xf32>
    tpu.vector_store %arg9[%swap3A_1148, %swap3A_1149, %swap3A_1150, %swap3A_1151], %swap3A_1154 {strides = array<i32>} : memref<2x400x4x16xf32, #tpu.memory_space<vmem>>, vector<1x400x1x16xf32>,
    %concatenate3A_1155 = tpu.concatenate %add3A_968, %add3A_998 in 1 : vector<400x16xf32>, vector<400x16xf32> -> vector<400x32xf32>
    %get3A_1156 = arith.constant 0 : index
    %get3A_1157 = arith.constant 0 : index
    %get3A_1158 = vector.load %arg6[%get3A_1156, %get3A_1157] : memref<16x32xf32, #tpu.memory_space<vmem>>, vector<16x32xf32>
    %dot_general3A_1159 = arith.constant dense<0.000000e+00> : vector<400x16xf32>
    %dot_general3A_1160 = tpu.matmul %concatenate3A_1155, %get3A_1158, %dot_general3A_1159 {dimension_numbers = #tpu.dot_dimension_numbers<[1], [1], [0], [0], [0, 0, 1, 0], [], []>, transpose_lhs_hint = false} : vector<400x32xf32>, vector<16x32xf32>, vector<400x16xf32> -> vector<400x16xf32>
    %get3A_1161 = arith.constant 0 : index
    %get3A_1162 = arith.constant 0 : index
    %get3A_1163 = vector.load %arg7[%get3A_1161, %get3A_1162] : memref<1x16xf32, #tpu.memory_space<vmem>>, vector<1x16xf32>
    %get3A_1164 = vector.shape_cast %get3A_1163 : vector<1x16xf32> to vector<16xf32>
    %broadcast_in_dim3A_1165 = vector.shape_cast %get3A_1164 : vector<16xf32> to vector<1x16xf32>
    %add3A_1166 = vector.broadcast %broadcast_in_dim3A_1165 : vector<1x16xf32> to vector<400x16xf32>
    %add3A_1167 = arith.addf %dot_general3A_1160, %add3A_1166 : vector<400x16xf32>
    %get3A_1168 = arith.constant 1 : index
    %get3A_1169 = arith.constant 0 : index
    %get3A_1170 = arith.constant 1 : index
    %get3A_1171 = arith.constant 0 : index
    %get3A_1172 = vector.load %arg1[%get3A_1168, %get3A_1169, %get3A_1170, %get3A_1171] : memref<2x400x4x32xf32, #tpu.memory_space<vmem>>, vector<1x400x1x32xf32>
    %get3A_1173 = vector.shape_cast %get3A_1172 : vector<1x400x1x32xf32> to vector<400x32xf32>
    %get3A_1174 = arith.constant 0 : index
    %get3A_1175 = arith.constant 0 : index
    %get3A_1176 = vector.load %arg8[%get3A_1174, %get3A_1175] : memref<16x32xf32, #tpu.memory_space<vmem>>, vector<16x32xf32>
    %dot_general3A_1177 = arith.constant dense<0.000000e+00> : vector<400x16xf32>
    %dot_general3A_1178 = tpu.matmul %get3A_1173, %get3A_1176, %dot_general3A_1177 {dimension_numbers = #tpu.dot_dimension_numbers<[1], [1], [0], [0], [0, 0, 1, 0], [], []>, transpose_lhs_hint = false} : vector<400x32xf32>, vector<16x32xf32>, vector<400x16xf32> -> vector<400x16xf32>
    %mul3A_1179 = arith.constant 0.00999999977 : f32
    %mul3A_1180 = vector.broadcast %mul3A_1179 : f32 to vector<400x16xf32>
    %mul3A_1181 = arith.mulf %mul3A_1180, %add3A_1167 : vector<400x16xf32>
    %max3A_1182 = arith.maximumf %add3A_1167, %mul3A_1181 : vector<400x16xf32>
    %add3A_1183 = arith.addf %max3A_1182, %dot_general3A_1178 : vector<400x16xf32>
    %swap3A_1184 = arith.constant 1 : index
    %swap3A_1185 = arith.constant 0 : index
    %swap3A_1186 = arith.constant 1 : index
    %swap3A_1187 = arith.constant 0 : index
    %swap3A_1188 = vector.load %arg9[%swap3A_1184, %swap3A_1185, %swap3A_1186, %swap3A_1187] : memref<2x400x4x16xf32, #tpu.memory_space<vmem>>, vector<1x400x1x16xf32>
    %swap3A_1189 = vector.shape_cast %swap3A_1188 : vector<1x400x1x16xf32> to vector<400x16xf32>
    %swap3A_1190 = vector.shape_cast %add3A_1183 : vector<400x16xf32> to vector<1x400x1x16xf32>
    tpu.vector_store %arg9[%swap3A_1184, %swap3A_1185, %swap3A_1186, %swap3A_1187], %swap3A_1190 {strides = array<i32>} : memref<2x400x4x16xf32, #tpu.memory_space<vmem>>, vector<1x400x1x16xf32>,
    %concatenate3A_1191 = tpu.concatenate %add3A_1028, %add3A_1058 in 1 : vector<400x16xf32>, vector<400x16xf32> -> vector<400x32xf32>
    %get3A_1192 = arith.constant 0 : index
    %get3A_1193 = arith.constant 0 : index
    %get3A_1194 = vector.load %arg6[%get3A_1192, %get3A_1193] : memref<16x32xf32, #tpu.memory_space<vmem>>, vector<16x32xf32>
    %dot_general3A_1195 = arith.constant dense<0.000000e+00> : vector<400x16xf32>
    %dot_general3A_1196 = tpu.matmul %concatenate3A_1191, %get3A_1194, %dot_general3A_1195 {dimension_numbers = #tpu.dot_dimension_numbers<[1], [1], [0], [0], [0, 0, 1, 0], [], []>, transpose_lhs_hint = false} : vector<400x32xf32>, vector<16x32xf32>, vector<400x16xf32> -> vector<400x16xf32>
    %get3A_1197 = arith.constant 0 : index
    %get3A_1198 = arith.constant 0 : index
    %get3A_1199 = vector.load %arg7[%get3A_1197, %get3A_1198] : memref<1x16xf32, #tpu.memory_space<vmem>>, vector<1x16xf32>
    %get3A_1200 = vector.shape_cast %get3A_1199 : vector<1x16xf32> to vector<16xf32>
    %broadcast_in_dim3A_1201 = vector.shape_cast %get3A_1200 : vector<16xf32> to vector<1x16xf32>
    %add3A_1202 = vector.broadcast %broadcast_in_dim3A_1201 : vector<1x16xf32> to vector<400x16xf32>
    %add3A_1203 = arith.addf %dot_general3A_1196, %add3A_1202 : vector<400x16xf32>
    %get3A_1204 = arith.constant 1 : index
    %get3A_1205 = arith.constant 0 : index
    %get3A_1206 = arith.constant 2 : index
    %get3A_1207 = arith.constant 0 : index
    %get3A_1208 = vector.load %arg1[%get3A_1204, %get3A_1205, %get3A_1206, %get3A_1207] : memref<2x400x4x32xf32, #tpu.memory_space<vmem>>, vector<1x400x1x32xf32>
    %get3A_1209 = vector.shape_cast %get3A_1208 : vector<1x400x1x32xf32> to vector<400x32xf32>
    %get3A_1210 = arith.constant 0 : index
    %get3A_1211 = arith.constant 0 : index
    %get3A_1212 = vector.load %arg8[%get3A_1210, %get3A_1211] : memref<16x32xf32, #tpu.memory_space<vmem>>, vector<16x32xf32>
    %dot_general3A_1213 = arith.constant dense<0.000000e+00> : vector<400x16xf32>
    %dot_general3A_1214 = tpu.matmul %get3A_1209, %get3A_1212, %dot_general3A_1213 {dimension_numbers = #tpu.dot_dimension_numbers<[1], [1], [0], [0], [0, 0, 1, 0], [], []>, transpose_lhs_hint = false} : vector<400x32xf32>, vector<16x32xf32>, vector<400x16xf32> -> vector<400x16xf32>
    %mul3A_1215 = arith.constant 0.00999999977 : f32
    %mul3A_1216 = vector.broadcast %mul3A_1215 : f32 to vector<400x16xf32>
    %mul3A_1217 = arith.mulf %mul3A_1216, %add3A_1203 : vector<400x16xf32>
    %max3A_1218 = arith.maximumf %add3A_1203, %mul3A_1217 : vector<400x16xf32>
    %add3A_1219 = arith.addf %max3A_1218, %dot_general3A_1214 : vector<400x16xf32>
    %swap3A_1220 = arith.constant 1 : index
    %swap3A_1221 = arith.constant 0 : index
    %swap3A_1222 = arith.constant 2 : index
    %swap3A_1223 = arith.constant 0 : index
    %swap3A_1224 = vector.load %arg9[%swap3A_1220, %swap3A_1221, %swap3A_1222, %swap3A_1223] : memref<2x400x4x16xf32, #tpu.memory_space<vmem>>, vector<1x400x1x16xf32>
    %swap3A_1225 = vector.shape_cast %swap3A_1224 : vector<1x400x1x16xf32> to vector<400x16xf32>
    %swap3A_1226 = vector.shape_cast %add3A_1219 : vector<400x16xf32> to vector<1x400x1x16xf32>
    tpu.vector_store %arg9[%swap3A_1220, %swap3A_1221, %swap3A_1222, %swap3A_1223], %swap3A_1226 {strides = array<i32>} : memref<2x400x4x16xf32, #tpu.memory_space<vmem>>, vector<1x400x1x16xf32>,
    %concatenate3A_1227 = tpu.concatenate %add3A_1088, %add3A_1118 in 1 : vector<400x16xf32>, vector<400x16xf32> -> vector<400x32xf32>
    %get3A_1228 = arith.constant 0 : index
    %get3A_1229 = arith.constant 0 : index
    %get3A_1230 = vector.load %arg6[%get3A_1228, %get3A_1229] : memref<16x32xf32, #tpu.memory_space<vmem>>, vector<16x32xf32>
    %dot_general3A_1231 = arith.constant dense<0.000000e+00> : vector<400x16xf32>
    %dot_general3A_1232 = tpu.matmul %concatenate3A_1227, %get3A_1230, %dot_general3A_1231 {dimension_numbers = #tpu.dot_dimension_numbers<[1], [1], [0], [0], [0, 0, 1, 0], [], []>, transpose_lhs_hint = false} : vector<400x32xf32>, vector<16x32xf32>, vector<400x16xf32> -> vector<400x16xf32>
    %get3A_1233 = arith.constant 0 : index
    %get3A_1234 = arith.constant 0 : index
    %get3A_1235 = vector.load %arg7[%get3A_1233, %get3A_1234] : memref<1x16xf32, #tpu.memory_space<vmem>>, vector<1x16xf32>
    %get3A_1236 = vector.shape_cast %get3A_1235 : vector<1x16xf32> to vector<16xf32>
    %broadcast_in_dim3A_1237 = vector.shape_cast %get3A_1236 : vector<16xf32> to vector<1x16xf32>
    %add3A_1238 = vector.broadcast %broadcast_in_dim3A_1237 : vector<1x16xf32> to vector<400x16xf32>
    %add3A_1239 = arith.addf %dot_general3A_1232, %add3A_1238 : vector<400x16xf32>
    %get3A_1240 = arith.constant 1 : index
    %get3A_1241 = arith.constant 0 : index
    %get3A_1242 = arith.constant 3 : index
    %get3A_1243 = arith.constant 0 : index
    %get3A_1244 = vector.load %arg1[%get3A_1240, %get3A_1241, %get3A_1242, %get3A_1243] : memref<2x400x4x32xf32, #tpu.memory_space<vmem>>, vector<1x400x1x32xf32>
    %get3A_1245 = vector.shape_cast %get3A_1244 : vector<1x400x1x32xf32> to vector<400x32xf32>
    %get3A_1246 = arith.constant 0 : index
    %get3A_1247 = arith.constant 0 : index
    %get3A_1248 = vector.load %arg8[%get3A_1246, %get3A_1247] : memref<16x32xf32, #tpu.memory_space<vmem>>, vector<16x32xf32>
    %dot_general3A_1249 = arith.constant dense<0.000000e+00> : vector<400x16xf32>
    %dot_general3A_1250 = tpu.matmul %get3A_1245, %get3A_1248, %dot_general3A_1249 {dimension_numbers = #tpu.dot_dimension_numbers<[1], [1], [0], [0], [0, 0, 1, 0], [], []>, transpose_lhs_hint = false} : vector<400x32xf32>, vector<16x32xf32>, vector<400x16xf32> -> vector<400x16xf32>
    %mul3A_1251 = arith.constant 0.00999999977 : f32
    %mul3A_1252 = vector.broadcast %mul3A_1251 : f32 to vector<400x16xf32>
    %mul3A_1253 = arith.mulf %mul3A_1252, %add3A_1239 : vector<400x16xf32>
    %max3A_1254 = arith.maximumf %add3A_1239, %mul3A_1253 : vector<400x16xf32>
    %add3A_1255 = arith.addf %max3A_1254, %dot_general3A_1250 : vector<400x16xf32>
    %swap3A_1256 = arith.constant 1 : index
    %swap3A_1257 = arith.constant 0 : index
    %swap3A_1258 = arith.constant 3 : index
    %swap3A_1259 = arith.constant 0 : index
    %swap3A_1260 = vector.load %arg9[%swap3A_1256, %swap3A_1257, %swap3A_1258, %swap3A_1259] : memref<2x400x4x16xf32, #tpu.memory_space<vmem>>, vector<1x400x1x16xf32>
    %swap3A_1261 = vector.shape_cast %swap3A_1260 : vector<1x400x1x16xf32> to vector<400x16xf32>
    %swap3A_1262 = vector.shape_cast %add3A_1255 : vector<400x16xf32> to vector<1x400x1x16xf32>
    tpu.vector_store %arg9[%swap3A_1256, %swap3A_1257, %swap3A_1258, %swap3A_1259], %swap3A_1262 {strides = array<i32>} : memref<2x400x4x16xf32, #tpu.memory_space<vmem>>, vector<1x400x1x16xf32>,
    return
  }
  func.func @transform_0(%arg0: i32) -> (i32, i32, i32, i32) {
    %c0_i32 = arith.constant 0 : i32
    %c0_i32_0 = arith.constant 0 : i32
    %c0_i32_1 = arith.constant 0 : i32
    %c0_i32_2 = arith.constant 0 : i32
    return %c0_i32, %arg0, %c0_i32_0, %c0_i32_1 : i32, i32, i32, i32
  }
  func.func @transform_1(%arg0: i32) -> (i32, i32, i32, i32) {
    %c0_i32 = arith.constant 0 : i32
    %c0_i32_0 = arith.constant 0 : i32
    %c0_i32_1 = arith.constant 0 : i32
    %c0_i32_2 = arith.constant 0 : i32
    return %c0_i32, %c0_i32_0, %arg0, %c0_i32_1 : i32, i32, i32, i32
  }
  func.func @transform_2(%arg0: i32) -> (i32, i32, i32, i32, i32) {
    %c0_i32 = arith.constant 0 : i32
    %c0_i32_0 = arith.constant 0 : i32
    %c0_i32_1 = arith.constant 0 : i32
    %c0_i32_2 = arith.constant 0 : i32
    %c0_i32_3 = arith.constant 0 : i32
    return %c0_i32, %c0_i32_0, %c0_i32_1, %arg0, %c0_i32_2 : i32, i32, i32, i32, i32
  }
  func.func @transform_3(%arg0: i32) -> (i32, i32) {
    %c0_i32 = arith.constant 0 : i32
    %c0_i32_0 = arith.constant 0 : i32
    %c0_i32_1 = arith.constant 0 : i32
    return %c0_i32, %c0_i32_0 : i32, i32
  }
  func.func @transform_4(%arg0: i32) -> (i32, i32) {
    %c0_i32 = arith.constant 0 : i32
    %c0_i32_0 = arith.constant 0 : i32
    %c0_i32_1 = arith.constant 0 : i32
    return %c0_i32, %c0_i32_0 : i32, i32
  }
  func.func @transform_5(%arg0: i32) -> (i32, i32) {
    %c0_i32 = arith.constant 0 : i32
    %c0_i32_0 = arith.constant 0 : i32
    %c0_i32_1 = arith.constant 0 : i32
    return %c0_i32, %c0_i32_0 : i32, i32
  }
  func.func @transform_6(%arg0: i32) -> (i32, i32) {
    %c0_i32 = arith.constant 0 : i32
    %c0_i32_0 = arith.constant 0 : i32
    %c0_i32_1 = arith.constant 0 : i32
    return %c0_i32, %c0_i32_0 : i32, i32
  }
  func.func @transform_7(%arg0: i32) -> (i32, i32) {
    %c0_i32 = arith.constant 0 : i32
    %c0_i32_0 = arith.constant 0 : i32
    %c0_i32_1 = arith.constant 0 : i32
    return %c0_i32, %c0_i32_0 : i32, i32
  }
  func.func @transform_8(%arg0: i32) -> (i32, i32, i32, i32) {
    %c0_i32 = arith.constant 0 : i32
    %c0_i32_0 = arith.constant 0 : i32
    %c0_i32_1 = arith.constant 0 : i32
    %c0_i32_2 = arith.constant 0 : i32
    return %c0_i32, %arg0, %c0_i32_0, %c0_i32_1 : i32, i32, i32, i32
  }
}

</mosaic_0001>

<sc_bundles>
// kernel: kernel.5.cloned.1.call-start
scs
__scs_entry_jumppad:
0x0: {  	(pc) =	sbr.rel $0x88, $3  }
0x1: {  	(tag) =	ssettag $0x0;
	lr =	simm.s32 $0x1  }
0x2: {  	[smem:$0x3F97] =	sst lr;
	_ =	strace $0xD0000000  }
0x3: {  	_ = 	snop  }
0x4: {  	_ = 	snop  }
0x5: {  	_ = 	snop  }
0x6: {  	_ = 	snop  }
0x7: {  	_ = 	snop  }
__scs_overlays_trampoline_lowered:
0x8: {  	[smem:$0x3FA6] =	sst s0  }
0x9: {  	[smem:$0x3FA7] =	sst s1  }
0xa: {  	[smem:$0x3FA8] =	sst s2  }
0xb: {  	[smem:$0x3FA9] =	sst s3  }
0xc: {  	[smem:$0x3FAA] =	sst s4  }
0xd: {  	[smem:$0x3FAB] =	sst s5  }
0xe: {  	[smem:$0x3FAC] =	sst s6  }
0xf: {  	[smem:$0x3FAD] =	sst s7  }
0x10: {  	[smem:$0x3FAE] =	sst s8  }
0x11: {  	[smem:$0x3FAF] =	sst s9;
	s0 =	simm.s32 @!p0 $0x0  }
0x12: {  	s1 =	sld [smem:$0x3F95];
	s0 =	simm.s32 @p0 $0x1  }
0x13: {  	[smem:$0x3FB0] =	sst s0;
	s0 =	simm.s32 @!p1 $0x0  }
0x14: {  	s2 =	sld [smem:$0x3F94];
	s0 =	simm.s32 @p1 $0x1  }
0x15: {  	[smem:$0x3FB1] =	sst s0;
	s0 =	simm.s32 @!p2 $0x0  }
0x16: {  	s3 =	sld [smem:$0x3FDB];
	s0 =	simm.s32 @p2 $0x1  }
0x17: {  	s4 =	simm.s32 $0x1BF5;
	[smem:$0x3FB3] =	sst s0  }
0x18: {  	s0 =	sld [smem:$0x3F96];
	_ =	swait.ge [sflag:s4], $0x0  }
0x19: {  	s7 =	sld [smem:$0x3F97]  }
0x1a: {  	s8 =	sadd.s32 $0xFFFFE003, lr  }
0x1b: {  	s9 =	sadd.s32 $0xFFFFFEF7, lr;
	s5 =	simm.s32 $0xFFFFFFFF;
	p2 =	slt.u32 s8, $0xFFFFF086  }
0x1c: {  	p1 =	slt.u32 s9, $0xF7A;
	s5 =	simm.s32 @!p2 $0x0  }
0x1d: {  	s5 =	simm.s32 @p1 $0x1;
	p0 =	seq.s32 s7, s2  }
0x1e: {  	s7 =	smul.u32 @!p0 $0xF7A, s2;
	p2 =	seq.s32 @!p0 s5, $0x0  }
0x1f: {  	s9 =	smul.u32 $0xF7A, s1;
	s8 =	simm.s32 @!p0 $0x1BF5;
	p2 =	por !p2, p0  }
0x20: {  	[sflag:s8] =	ssyncset.s32 @!p0 $0xFFFFF086;
	s6 =	sadd.s32 @!p0 s3, s7;
	s7 =	simm.s32 @!p0 $0x108  }
0x21: {  	s3 =	sadd.s32 s3, s9;
	s6 =	sadd.s32 @!p0 $0x88, s6;
	s7 =	simm.s32 @p2 $0x1082  }
0x22: {  	[simem:s7], [sflag:s8] =	dma.local @!p0 [hbm:s6], $0xF7A  }
0x23: {  	s9 =	sor.u32 $0xD0000000, s2;
	s6 =	simm.s32 $0x108;
	_ =	swait.ge @!p0 [sflag:s8], $0x0  }
0x24: {  	s3 =	sadd.s32 $0x88, s3;
	s6 =	simm.s32 @!p1 $0x1082;
	[sflag:s4] =	ssyncset.s32 $0xFFFFF086  }
0x25: {  	[simem:s6], [sflag:s4] =	dma.local [hbm:s3], $0xF7A  }
0x26: {  	[smem:$0x3F97] =	sst s1;
	(tag) =	ssettag s2;
	_ =	strace s9  }
0x27: {  	s1 =	sld [smem:$0x3FA7]  }
0x28: {  	s2 =	sld [smem:$0x3FA8]  }
0x29: {  	s4 =	sld [smem:$0x3FAA]  }
0x2a: {  	p0 =	seq.s32 s5, $0x0;
	s5 =	sld [smem:$0x3FAB]  }
0x2b: {  	s6 =	sld [smem:$0x3FAC]  }
0x2c: {  	s7 =	sld [smem:$0x3FAD]  }
0x2d: {  	s3 =	simm.s32 $0x108;
	s8 =	sld [smem:$0x3FAE]  }
0x2e: {  	s3 =	simm.s32 @!p0 $0x1082;
	s9 =	sld [smem:$0x3FAF]  }
0x2f: {  	lr =	sadd.s32 s0, s3;
	s0 =	sld [smem:$0x3FA6]  }
0x30: {  	s3 =	sld [smem:$0x3FA9]  }
0x31: {  	[smem:$0x3FB2] =	sst s10  }
0x32: {  	s10 =	sld [smem:$0x3FB0];
	_ =	sdelay $0x3  }
0x33: {  	p0 =	seq.s32 s10, $0x1;
	s10 =	sld [smem:$0x3FB2];
	_ =	sdelay $0x3  }
0x34: {  	[smem:$0x3FB2] =	sst s10  }
0x35: {  	s10 =	sld [smem:$0x3FB1];
	_ =	sdelay $0x3  }
0x36: {  	p1 =	seq.s32 s10, $0x1;
	s10 =	sld [smem:$0x3FB2];
	_ =	sdelay $0x3  }
0x37: {  	[smem:$0x3FB2] =	sst s10  }
0x38: {  	s10 =	sld [smem:$0x3FB3]  }
0x39: {  	_ = 	snop;
	(pc) =	sbr.ind lr, $3  }
0x3a: {  	_ = 	snop  }
0x3b: {  	_ = 	snop  }
0x3c: {  	p2 =	seq.s32 s10, $0x1;
	s10 =	sld [smem:$0x3FB2]  }
0x3d: {  	_ =	shalt  }
0x3e: {  	_ =	shalt  }
0x3f: {  	_ =	shalt  }
0x40: {  	_ =	shalt  }
0x41: {  	_ =	shalt  }
0x42: {  	_ =	shalt  }
0x43: {  	_ =	shalt  }
0x44: {  	_ =	shalt  }
0x45: {  	_ =	shalt  }
0x46: {  	_ =	shalt  }
0x47: {  	_ =	shalt  }
0x48: {  	_ =	shalt  }
0x49: {  	_ =	shalt  }
0x4a: {  	_ =	shalt  }
0x4b: {  	_ =	shalt  }
0x4c: {  	_ =	shalt  }
0x4d: {  	_ =	shalt  }
0x4e: {  	_ =	shalt  }
0x4f: {  	_ =	shalt  }
0x50: {  	_ =	shalt  }
0x51: {  	_ =	shalt  }
0x52: {  	_ =	shalt  }
0x53: {  	_ =	shalt  }
0x54: {  	_ =	shalt  }
0x55: {  	_ =	shalt  }
0x56: {  	_ =	shalt  }
0x57: {  	_ =	shalt  }
0x58: {  	_ =	shalt  }
0x59: {  	_ =	shalt  }
0x5a: {  	_ =	shalt  }
0x5b: {  	_ =	shalt  }
0x5c: {  	_ =	shalt  }
0x5d: {  	_ =	shalt  }
0x5e: {  	_ =	shalt  }
0x5f: {  	_ =	shalt  }
0x60: {  	_ =	shalt  }
0x61: {  	_ =	shalt  }
0x62: {  	_ =	shalt  }
0x63: {  	_ =	shalt  }
0x64: {  	_ =	shalt  }
0x65: {  	_ =	shalt  }
0x66: {  	_ =	shalt  }
0x67: {  	_ =	shalt  }
0x68: {  	_ =	shalt  }
0x69: {  	_ =	shalt  }
0x6a: {  	_ =	shalt  }
0x6b: {  	_ =	shalt  }
0x6c: {  	_ =	shalt  }
0x6d: {  	_ =	shalt  }
0x6e: {  	_ =	shalt  }
0x6f: {  	_ =	shalt  }
0x70: {  	_ =	shalt  }
0x71: {  	_ =	shalt  }
0x72: {  	_ =	shalt  }
0x73: {  	_ =	shalt  }
0x74: {  	_ =	shalt  }
0x75: {  	_ =	shalt  }
0x76: {  	_ =	shalt  }
0x77: {  	_ =	shalt  }
0x78: {  	_ =	shalt  }
0x79: {  	_ =	shalt  }
0x7a: {  	_ =	shalt  }
0x7b: {  	_ =	shalt  }
0x7c: {  	_ =	shalt  }
0x7d: {  	_ =	shalt  }
0x7e: {  	_ =	shalt  }
0x7f: {  	_ =	shalt  }
0x80: {  	_ =	shalt  }
0x81: {  	_ =	shalt  }
0x82: {  	_ =	shalt  }
0x83: {  	_ =	shalt  }
0x84: {  	_ =	shalt  }
0x85: {  	_ =	shalt  }
0x86: {  	_ =	shalt  }
0x87: {  	_ =	shalt  }
.Lfunc_end0:
.L_simem_size_0:
called_computation_lowered:
.L_overlay_start_0:
0x88: {  	s2 =	sld [smem:$0x3FD9]  }
0x89: {  	s3 =	sld [smem:$0x3FFE];
	_ =	sdelay $0x1  }
0x8a: {  	s1 =	srdreg.scid  }
0x8b: {  	s0 =	sand.u32 $0x1, s1  }
0x8c: {  	s17 =	sshll.u32 s0, $0xA;
	s2 =	sadd.s32 s3, s2  }
0x8d: {  	s2 =	sadd.s32 s2, s17  }
0x8e: {  	[smem:$0x3FBE] =	sst s2  }
0x8f: {  	_ = 	snop  }
0x90: {  	s2 =	sld [smem:$0x3FD0];
	(tm) =	ssettm $0x1  }
0x91: {  	s18 =	sld [smem:$0x3FFB];
	_ =	sdelay $0x3  }
0x92: {  	_ =	strace s18  }
0x93: {  	s3 =	sld [smem:$0x3FFC];
	_ =	sdelay $0x3  }
0x94: {  	_ =	strace s3  }
0x95: {  	s3 =	sld [smem:$0x3FFD];
	_ =	sdelay $0x3  }
0x96: {  	_ =	strace s3  }
0x97: {  	_ =	strace $0x8FFFFFFF  }
0x98: {  	s19 =	sld [smem:$0x3FDB];
	_ =	sdelay $0x1  }
0x99: {  	s4 =	simm.s32 $_scs_section_size  }
0x9a: {  	s5 =	simm.s32 $_size__tile_overlayer_lowered;
	s6 =	simm.s32 $_tile_overlayer_lowered  }
0x9b: {  	s22 =	simm.s32 $0x1BFF;
	s21 =	sshll.u32 s6, $0x1;
	s3 =	sadd.s32 s4, s19  }
0x9c: {  	s7 =	simm.s32 $0x0;
	s20 =	sshll.u32 s5, $0x1;
	s5 =	sadd.s32 s21, s3  }
0x9d: {  	[timem:s7], [sflag:s22] =	dma.local [hbm:s5], s20  }
0x9e: {  	_ =	swait.ge [sflag:s22], s20  }
0x9f: {  	s4 =	ssub.s32 $0x0, s20;
	[sflag:s22] =	ssyncset.done $0x0  }
0xa0: {  	[sflag:s22] =	ssyncadd.s32 s4;
	_ =	sdelay $0x1  }
0xa1: {  	s23 =	simm.s32 $0x1B8B  }
0xa2: {  	_ =	swait.ge [sflag:s23], $0x1  }
0xa3: {  	[sflag:s23] =	ssyncset.done $0x0  }
0xa4: {  	s25 =	simm.s32 $0x1B8E;
	s24 =	sld [smem:$0x3FFE];
	[sflag:s23] =	ssyncadd.s32 $0xFFFFFFFF  }
0xa5: {  	s26 =	simm.s32 $execute0_lowered;
	[smem:$0x3FD2] =	sst s25  }
0xa6: {  	s5 =	sshll.u32 s26, $0x1;
	_ =	strace $0x80000046;
	[dreg:$0x1] =	wrdreg $0xFFFFFFFF  }
0xa7: {  	s28 =	simm.s32 $_size_execute0_lowered;
	s3 =	sadd.s32 s3, s5;
	[dreg:$0x0] =	wrdreg $0x0  }
0xa8: {  	s5 =	sshll.u32 s28, $0x1;
	[dreg:$0x2] =	wrdreg s3  }
0xa9: {  	[dreg:$0x3] =	wrdreg s5  }
0xaa: {  	[dreg:$0x4] =	wrdreg $0xC0  }
0xab: {  	_ =	task [dreg:s7], $0x5FFFF  }
0xac: {  	[dreg:$0x1] =	wrdreg $0xFFFFFFFF  }
0xad: {  	[dreg:$0x0] =	wrdreg $0x60  }
0xae: {  	[dreg:$0x2] =	wrdreg s24  }
0xaf: {  	[dreg:$0x3] =	wrdreg s2  }
0xb0: {  	[dreg:$0x4] =	wrdreg $0x0  }
0xb1: {  	[dreg:$0x5] =	wrdreg $0x9  }
0xb2: {  	_ =	task.clear_ibuf [dreg:s7], $0x6FFFF;
	_ =	strace $0x90000046  }
0xb3: {  	s29 =	simm.s32 $0x9;
	_ =	strace $0x80000048  }
0xb4: {  	_ =	swait.ge [sflag:s29], $0x1  }
0xb5: {  	[sflag:s29] =	ssyncadd.s32 $0xFFFFFFFF  }
0xb6: {  	_ =	strace $0x90000048  }
0xb7: {  	_ =	sfence  }
0xb8: {  	s30 =	sld [smem:$0x0];
	_ =	sdelay $0x2  }
0xb9: {  	s31 =	sshll.u32 s1, $0xD;
	s1 =	sshrl.u32 s1, $0x2  }
0xba: {  	s3 =	sand.u32 $0x4000, s31;
	s1 =	sadd.s32 s1, s30  }
0xbb: {  	s0 =	sor.u32 s3, s0;
	s1 =	sshll.u32 s1, $0x11  }
0xbc: {  	s0 =	sor.u32 s1, s0  }
0xbd: {  	s0 =	sadd.s32 $0x8F2B, s0  }
0xbe: {  	[sflag:s0] =	ssyncadd.remote.s32 $0x1  }
0xbf: {  	_ =	sfence.sel $0xFFFF  }
0xc0: {  	[dreg:$0x0] =	wrdreg $0xFFFFFFFF;
	(pc) =	sbr.abs _section_cstart, $3  }
0xc1: {  	[dreg:$0x1] =	wrdreg $0xFFFFFFFF  }
0xc2: {  	_ =	task.clear_ibuf [dreg:s7], $0x2FFFF;
	_ =	strace $0x9FFFFFFF  }
0xc3: {  	(tm) =	ssettm $0x7FFFFFFF  }
tec
execute0_lowered:
.L_overlay_start_1:
0x0: {  	(tag) =	ssettag $0x1  }
0x1: {  	s0 =	rddreg [dreg:$0x0]  }
0x2: {  	s2 =	rddreg [dreg:$0x1]  }
0x3: {  	s1 =	rddreg [dreg:$0x2];
	s8 =	simm.s32 $0x0;
	s28 =	simm.s32 $0x19D00  }
0x4: {  	s5 =	srdreg.scid;
	s3 =	sadd.s32 $0x272E00, s0;
	s4 =	sadd.s32 $0x288E00, s0  }
0x5: {  	s13 =	stileid.u32;
	s6 =	sadd.s32 $0x1D5C00, s0;
	s20 =	sadd.s32 $0x223E00, s0  }
0x6: {  	s31 =	simm.s32 $0x4;
	s21 =	sadd.s32 $0x139800, s0;
	s9 =	sadd.s32 $0x29EE00, s0  }
0x7: {  	[smem:$0x7FF] =	sst s8;
	s10 =	smul.u32 $0x4F000, s13;
	s11 =	sadd.s32 $0x346E00, s0  }
0x8: {  	s5 =	sand.u32 $0x1, s5;
	s12 =	sadd.s32 $0x3E4E00, s0;
	s14 =	smul.u32 $0x2780, s13  }
0x9: {  	s24 =	sshll.u32 s13, $0x6;
	_ =	strace $0x80000047;
	[dreg:$0x4] =	wrdreg s6  }
0xa: {  	s17 =	sadd.s32 $0x160900, s0;
	s18 =	sadd.s32 $0x1FCD00, s0;
	[dreg:$0x5] =	wrdreg s20  }
0xb: {  	s19 =	sadd.s32 $0x24B600, s0;
	[dreg:$0x6] =	wrdreg s21;
	s22 =	ssub.s32 $0x2, s5  }
0xc: {  	s23 =	sshll.u32 s5, $0x4;
	s5 =	smul.u32 $0x13C000, s5;
	s20 =	sadd.s32 $0x187A00, s0  }
0xd: {  	s21 =	sadd.s32 $0x1AEB00, s0;
	s7 =	sshrl.u32 s22, $0x1;
	s10 =	sshrl.u32 s10, $0x2  }
0xe: {  	s2 =	sadd.s32 s2, s14;
	[dreg:$0x7] =	wrdreg s14;
	s6 =	ssub.s32 s22, s7  }
0xf: {  	s7 =	sor.u32 s13, s23;
	s10 =	sadd.s32 s10, s1;
	[dreg:$0x9] =	wrdreg s2  }
0x10: {  	s2 =	sor.u32 $0x1C04, s24;
	[dreg:$0x8] =	wrdreg s10;
	s13 =	smul.u32 $0x2C00, s7  }
0x11: {  	s25 =	sshrl.u32 s5, $0x3;
	[dreg:$0xa] =	wrdreg s2;
	s15 =	smul.u32 $0x15000, s7  }
0x12: {  	s5 =	sadd.s32 s11, s25;
	s26 =	sadd.s32 s12, s25;
	s2 =	sadd.s32 $0x4F000, s25  }
0x13: {  	s16 =	smax.u32 s6, $0x1;
	s10 =	simm.s32 $0x17D00;
	s6 =	simm.s32 $0x0  }
0x14: {  	s12 =	sadd.s32 s12, s2;
	s2 =	sadd.s32 s11, s2;
	[dreg:$0xc] =	wrdreg s16  }
0x15: {  	s22 =	sadd.s32 s14, s5;
	s24 =	sadd.s32 $0x9E000, s26;
	[dreg:$0xb] =	wrdreg s26  }
0x16: {  	s25 =	sadd.s32 $0xED000, s26;
	s5 =	simm.s32 $0x13C80;
	s11 =	simm.s32 $0x40  }
0x17: {  	v0 =	vimm.f32 $0.0e+00;
	v1 =	vimm.s32 $0x0;
	s16 =	simm.s32 $0x3;
	[dreg:$0xd] =	wrdreg s22;
	s23 =	sadd.s32 s14, s12  }
0x18: {  	v2 =	vimm.s32 $0x1;
	v3 =	vimm.s32 $0x2;
	v4 =	vimm.s32 $0x3;
	s2 =	sadd.s32 s14, s2;
	s0 =	sadd.s32 s14, s24;
	[dreg:$0xe] =	wrdreg s23  }
0x19: {  	v5 =	vimm.s32 $0x4;
	v6 =	vimm.s32 $0x5;
	v7 =	vimm.s32 $0x6;
	s26 =	sadd.s32 s14, s25;
	s29 =	sadd.s32 $0x58000, s13;
	[dreg:$0xf] =	wrdreg s2  }
0x1a: {  	v8 =	vimm.s32 $0x7;
	v9 =	vimm.s32 $0x8;
	v10 =	vimm.s32 $0x9;
	s30 =	sadd.s32 $0x2A0000, s15;
	s22 =	simm.s32 $0x13D00;
	[dreg:$0x10] =	wrdreg s0  }
0x1b: {  	v11 =	vimm.s32 $0xA;
	v12 =	vimm.s32 $0xB;
	v13 =	vimm.s32 $0xC;
	s24 =	simm.s32 $0x1;
	s25 =	simm.s32 $0x2;
	[dreg:$0x11] =	wrdreg s26  }
0x1c: {  	v14 =	vimm.s32 $0xD;
	v15 =	vimm.s32 $0xE;
	v16 =	vimm.s32 $0xF;
	s0 =	simm.s32 $0x13C00;
	s23 =	simm.s32 $0x15D00;
	s26 =	simm.s32 $0x1BD00  }
.LBB2_1:
0x1d: {  	[dreg:$0x12] =	wrdreg s6;
	s2 =	simm.s32 $0x0;
	s6 =	simm.s32 $0x200  }
.LBB2_2:
0x1e: {  	p0 =	sne.s32 s6, $0x7E00;
	[tilespmem:s2+$0x19D70] =	vst v0  }
0x1f: {  	[tilespmem:s2+$0x19D10] =	vst v0  }
.Ltmp0:
0x20: {  	[tilespmem:s2+$0x19D20] =	vst v0;
	(pc) =	sbr.rel @p0 .LBB2_2-.Ltmp0, $4  }
0x21: {  	[tilespmem:s2+$0x19D30] =	vst v0  }
0x22: {  	[tilespmem:s2+$0x19D40] =	vst v0  }
0x23: {  	[tilespmem:s2+$0x19D50] =	vst v0  }
0x24: {  	[tilespmem:s2+$0x19D60] =	vst v0;
	s2 =	sshra.s32 s6, $0x2;
	s6 =	sadd.s32 $0x200, s6  }
0x25: {  	[tilespmem:s2+$0x19D70] =	vst v0  }
0x26: {  	[tilespmem:s2+$0x19D10] =	vst v0  }
0x27: {  	[tilespmem:s2+$0x19D20] =	vst v0  }
0x28: {  	[tilespmem:s2+$0x19D30] =	vst v0;
	s12 =	rddreg [dreg:$0x8]  }
0x29: {  	[tilespmem:s2+$0x19D40] =	vst v0;
	s14 =	rddreg [dreg:$0x9]  }
0x2a: {  	[tilespmem:s2+$0x19D50] =	vst v0;
	s6 =	rddreg [dreg:$0xa];
	s7 =	sshrl.u32 s12, $0x3  }
0x2b: {  	[tilespmem:s2+$0x19D60] =	vst v0;
	[dreg:$0x13] =	wrdreg s7  }
0x2c: {  	[spmem:s7], [sflag:s6] =	dma.local [hbm:s14], $0x2780  }
0x2d: {  	_ =	swait.ge [sflag:s31], $0x2780  }
0x2e: {  	[sflag:s31] =	ssyncset.done $0x0  }
0x2f: {  	[sflag:s31] =	ssyncadd.s32 $0xFFFFD880  }
0x30: {  	s12 =	simm.s32 $0x0;
	s14 =	simm.s32 $0x0;
	[bflag:$0x0] =	sbarrier.arrive $0xFFFF  }
.LBB2_4:
0x31: {  	s2 =	sshll.u32 s14, $0x7  }
0x32: {  	s6 =	sand.u32 $0x3C00, s2  }
0x33: {  	s2 =	sand.u32 $0x380, s2;
	s6 =	sadd.s32 s13, s6  }
0x34: {  	s2 =	sor.u32 s2, s6  }
0x35: {  	s2 =	sshrl.u32 s2, $0x3  }
0x36: {  	s7 =	sadd.s32 s3, s2  }
0x37: {  	[tilespmem:s0], [sflag:$0x4] =	stream.linear.gather [hbm4b:s7+s12], $0x80, $0x38;
	[tilespmem:$0x1C100] =	vst v63  }
0x38: {  	_ =	swait.ge [sflag:s31], $0x80  }
0x39: {  	[sflag:s31] =	ssyncset.done $0x0  }
0x3a: {  	s2 =	sadd.s32 s4, s2;
	[sflag:s31] =	ssyncadd.s32 $0xFFFFFF80  }
0x3b: {  	[tilespmem:s5], [sflag:$0x4] =	stream.linear.gather [hbm4b:s2+s12], $0x80, $0x38;
	[tilespmem:$0x1C100] =	vst v63  }
0x3c: {  	_ =	swait.ge [sflag:s31], $0x80  }
0x3d: {  	[sflag:s31] =	ssyncset.done $0x0  }
0x3e: {  	s7 =	rddreg [dreg:$0x4];
	[sflag:s31] =	ssyncadd.s32 $0xFFFFFF80  }
0x3f: {  	[tilespmem:s22], [sflag:$0x1] =	stream.indirect.gather [hbm4b:s7+s11], $0x80, s0, s11, $0xb8;
	[tilespmem:$0x1C100] =	vst v63  }
0x40: {  	s6 =	rddreg [dreg:$0x5]  }
0x41: {  	[tilespmem:s23], [sflag:$0x2] =	stream.indirect.gather [hbm4b:s6+s11], $0x80, s5, s11, $0xb8;
	[tilespmem:$0x1C100] =	vst v63  }
0x42: {  	_ =	swait.ge [sflag:s24], $0x2000  }
0x43: {  	[sflag:s24] =	ssyncset.done $0x0  }
0x44: {  	[sflag:s24] =	ssyncadd.s32 $0xFFFFE000  }
0x45: {  	_ =	swait.ge [sflag:s25], $0x2000  }
0x46: {  	[sflag:s25] =	ssyncset.done $0x0  }
0x47: {  	s7 =	simm.s32 $0x0;
	[sflag:s25] =	ssyncadd.s32 $0xFFFFE000  }
0x48: {  	v17 =	vld [tilespmem:s7+$0x15D00]  }
0x49: {  	v18 =	vld [tilespmem:s7+$0x13D00];
	_ =	sdelay $0x4  }
0x4a: {  	v17 =	vadd.f32 v17, v18;
	_ =	sdelay $0x1  }
0x4b: {  	v18 =	vmul.f32 $2.000000030e-01, v17;
	_ =	sdelay $0x1  }
0x4c: {  	v17 =	vmax.f32 v17, v18  }
0x4d: {  	v17 =	vmul.f32 $1.442695020e+00, v17;
	_ =	sdelay $0x1  }
0x4e: {  	(erf) = vpow2.f32 v17;
	_ =	sdelay $0x8  }
0x4f: {  	v17 =	vpop (erf)  }
0x50: {  	s2 =	simm.s32 $0x1BD00;
	[tilespmem:s7+$0x19D00] =	vst v17  }
0x51: {  	s6 =	simm.s32 $0x80;
	[tilespmem:s2+$0x0] =	vst v17  }
0x52: {  	v17 =	vld [tilespmem:s6+$0x15D00]  }
0x53: {  	s7 =	simm.s32 $0x400;
	v18 =	vld [tilespmem:s6+$0x13D00]  }
.LBB2_5:
0x54: {  	p0 =	sne.s32 s7, $0x7E00;
	_ =	sdelay $0x3  }
0x55: {  	v17 =	vadd.f32 v17, v18;
	_ =	sdelay $0x1  }
0x56: {  	v18 =	vmul.f32 $2.000000030e-01, v17;
	_ =	sdelay $0x1  }
0x57: {  	v17 =	vmax.f32 v17, v18  }
0x58: {  	v17 =	vmul.f32 $1.442695020e+00, v17;
	_ =	sdelay $0x1  }
0x59: {  	(erf) = vpow2.f32 v17;
	_ =	sdelay $0x8  }
.Ltmp1:
0x5a: {  	v17 =	vpop (erf);
	(pc) =	sbr.rel @p0 .LBB2_5-.Ltmp1, $4  }
0x5b: {  	s2 =	sadd.s32 $0x10, s2;
	[tilespmem:s6+$0x19D00] =	vst v17  }
0x5c: {  	s6 =	sshra.s32 s7, $0x2;
	[tilespmem:s2+$0x0] =	vst v17  }
0x5d: {  	v17 =	vld [tilespmem:s6+$0x15D00]  }
0x5e: {  	s7 =	sadd.s32 $0x200, s7;
	v18 =	vld [tilespmem:s6+$0x13D00]  }
0x5f: {  	_ =	sdelay $0x3  }
0x60: {  	v17 =	vadd.f32 v17, v18;
	_ =	sdelay $0x1  }
0x61: {  	v18 =	vmul.f32 $2.000000030e-01, v17;
	_ =	sdelay $0x1  }
0x62: {  	v17 =	vmax.f32 v17, v18  }
0x63: {  	v17 =	vmul.f32 $1.442695020e+00, v17;
	_ =	sdelay $0x1  }
0x64: {  	(erf) = vpow2.f32 v17;
	_ =	sdelay $0x7  }
0x65: {  	s7 =	sshll.u32 s14, $0xA  }
0x66: {  	s7 =	sadd.s32 s15, s7;
	v17 =	vpop (erf)  }
0x67: {  	s2 =	sadd.s32 $0x10, s2;
	s7 =	sshrl.u32 s7, $0x3;
	[tilespmem:s6+$0x19D00] =	vst v17  }
0x68: {  	s7 =	sadd.s32 s9, s7;
	[tilespmem:s2+$0x0] =	vst v17  }
0x69: {  	[hbm4b:s7+s8] =	stream.linear.scatter [tilespmem:s26], [sflag:$0x3], $0x400, $0x38;
	[tilespmem:$0x1C100] =	vst v63  }
0x6a: {  	s14 =	sadd.s32 $0x1, s14  }
0x6b: {  	[spmem:s1] =	stream.indirect.scatter.add.f32 [tilespmem:s28], [sflag:$0x4], $0x80, s5, s11, $0xb8;
	[tilespmem:$0x1C100] =	vst v63  }
0x6c: {  	p0 =	sne.s32 s14, $0x54;
	_ =	swait.ge [sflag:s31], $0x2000  }
.Ltmp2:
0x6d: {  	[sflag:s31] =	ssyncset.done $0x0;
	(pc) =	sbr.rel @p0 .LBB2_4-.Ltmp2, $4  }
0x6e: {  	[sflag:s31] =	ssyncadd.s32 $0xFFFFE000  }
0x6f: {  	_ =	swait.ge [sflag:s16], $0x400  }
0x70: {  	[sflag:s16] =	ssyncset.done $0x0  }
0x71: {  	[sflag:s16] =	ssyncadd.s32 $0xFFFFFC00  }
0x72: {  	[bflag:$0x0] =	sbarrier.arrive $0xFFFF  }
0x73: {  	s6 =	rddreg [dreg:$0xa]  }
0x74: {  	s2 =	rddreg [dreg:$0xd]  }
0x75: {  	s7 =	rddreg [dreg:$0x13]  }
0x76: {  	[hbm:s2], [sflag:s6] =	dma.local [spmem:s7], $0x2780  }
0x77: {  	_ =	swait.ge [sflag:s31], $0x2780  }
0x78: {  	[sflag:s31] =	ssyncset.done $0x0  }
0x79: {  	[sflag:s31] =	ssyncadd.s32 $0xFFFFD880  }
0x7a: {  	[bflag:$0x0] =	sbarrier.arrive $0xFFFF  }
0x7b: {  	s14 =	rddreg [dreg:$0x9]  }
0x7c: {  	[spmem:s7], [sflag:s6] =	dma.local [hbm:s14], $0x2780  }
0x7d: {  	_ =	swait.ge [sflag:s31], $0x2780  }
0x7e: {  	[sflag:s31] =	ssyncset.done $0x0  }
0x7f: {  	[sflag:s31] =	ssyncadd.s32 $0xFFFFD880  }
0x80: {  	s12 =	simm.s32 $0x0;
	s14 =	simm.s32 $0x0;
	[bflag:$0x0] =	sbarrier.arrive $0xFFFF  }
.LBB2_8:
0x81: {  	s2 =	sshll.u32 s12, $0x7  }
0x82: {  	s6 =	sand.u32 $0x3C00, s2  }
0x83: {  	s2 =	sand.u32 $0x380, s2;
	s6 =	sadd.s32 s13, s6  }
0x84: {  	s2 =	sor.u32 s2, s6  }
0x85: {  	s2 =	sshrl.u32 s2, $0x3  }
0x86: {  	s8 =	sadd.s32 s4, s2  }
0x87: {  	[tilespmem:s5], [sflag:$0x4] =	stream.linear.gather [hbm4b:s8+s14], $0x80, $0x38;
	[tilespmem:$0x1C100] =	vst v63  }
0x88: {  	_ =	swait.ge [sflag:s31], $0x80  }
0x89: {  	[sflag:s31] =	ssyncset.done $0x0  }
0x8a: {  	s7 =	sshll.u32 s12, $0xA;
	s2 =	sadd.s32 s3, s2;
	[sflag:s31] =	ssyncadd.s32 $0xFFFFFF80  }
0x8b: {  	[tilespmem:s0], [sflag:$0x4] =	stream.linear.gather [hbm4b:s2+s14], $0x80, $0x38;
	[tilespmem:$0x1C100] =	vst v63  }
0x8c: {  	s2 =	sadd.s32 s15, s7;
	_ =	swait.ge [sflag:s31], $0x80  }
0x8d: {  	s2 =	sshrl.u32 s2, $0x3;
	[sflag:s31] =	ssyncset.done $0x0  }
0x8e: {  	s6 =	simm.s32 $0x1BD00;
	s2 =	sadd.s32 s9, s2;
	[sflag:s31] =	ssyncadd.s32 $0xFFFFFF80  }
0x8f: {  	[tilespmem:s6], [sflag:$0x1] =	stream.linear.gather [hbm4b:s2+s14], $0x400, $0x38;
	[tilespmem:$0x1C100] =	vst v63  }
0x90: {  	s8 =	rddreg [dreg:$0x6]  }
0x91: {  	[tilespmem:s10], [sflag:$0x2] =	stream.indirect.gather [hbm4b:s8+s11], $0x80, s0, s11, $0xb8;
	[tilespmem:$0x1C100] =	vst v63  }
0x92: {  	_ =	swait.ge [sflag:s24], $0x400  }
0x93: {  	[sflag:s24] =	ssyncset.done $0x0  }
0x94: {  	[sflag:s24] =	ssyncadd.s32 $0xFFFFFC00  }
0x95: {  	_ =	swait.ge [sflag:s25], $0x2000  }
0x96: {  	[sflag:s25] =	ssyncset.done $0x0  }
0x97: {  	s2 =	simm.s32 $0x0;
	[sflag:s25] =	ssyncadd.s32 $0xFFFFE000  }
0x98: {  	v18 =	vld [tilespmem:s2+$0x17D00]  }
0x99: {  	s7 =	simm.s32 $0x200;
	v17 =	vld [tilespmem:s6+$0x0]  }
.LBB2_9:
0x9a: {  	p0 =	sne.s32 s7, $0x7E00;
	v19 =	vld [tilespmem:s2+$0x17D10]  }
0x9b: {  	v20 =	vld [tilespmem:s2+$0x17D20]  }
0x9c: {  	v21 =	vld [tilespmem:s2+$0x17D30]  }
0x9d: {  	v22 =	vld [tilespmem:s2+$0x17D40]  }
0x9e: {  	v23 =	vperm.xlane v17, v1;
	v24 =	vperm.xlane v17, v2;
	v25 =	vld [tilespmem:s2+$0x17D50]  }
0x9f: {  	v26 =	vperm.xlane v17, v3;
	v27 =	vperm.xlane v17, v4;
	v28 =	vld [tilespmem:s2+$0x17D60]  }
0xa0: {  	v18 =	vmul.f32 v18, v23;
	v19 =	vmul.f32 v19, v24;
	v23 =	vld [tilespmem:s2+$0x17D70]  }
0xa1: {  	v20 =	vmul.f32 v20, v26;
	v21 =	vmul.f32 v21, v27  }
0xa2: {  	v24 =	vperm.xlane v17, v6;
	[tilespmem:s2+$0x19D00] =	vst v18;
	v18 =	vperm.xlane v17, v5  }
0xa3: {  	[tilespmem:s2+$0x19D10] =	vst v19;
	v19 =	vperm.xlane v17, v7;
	v17 =	vperm.xlane v17, v8  }
0xa4: {  	[tilespmem:s2+$0x19D20] =	vst v20;
	v18 =	vmul.f32 v22, v18;
	v20 =	vmul.f32 v25, v24  }
0xa5: {  	[tilespmem:s2+$0x19D30] =	vst v21;
	v19 =	vmul.f32 v28, v19;
	v17 =	vmul.f32 v23, v17  }
.Ltmp3:
0xa6: {  	[tilespmem:s2+$0x19D40] =	vst v18;
	(pc) =	sbr.rel @p0 .LBB2_9-.Ltmp3, $4  }
0xa7: {  	[tilespmem:s2+$0x19D50] =	vst v20  }
0xa8: {  	s8 =	sshra.s32 s7, $0x2;
	[tilespmem:s2+$0x19D60] =	vst v19  }
0xa9: {  	s6 =	sadd.s32 $0x10, s6;
	v18 =	vld [tilespmem:s8+$0x17D00];
	[tilespmem:s2+$0x19D70] =	vst v17;
	s2 =	smov.u32 s8  }
0xaa: {  	s7 =	sadd.s32 $0x200, s7;
	v17 =	vld [tilespmem:s6+$0x0]  }
0xab: {  	_ =	sdelay $0x1  }
0xac: {  	v19 =	vld [tilespmem:s2+$0x17D10]  }
0xad: {  	v20 =	vld [tilespmem:s2+$0x17D20]  }
0xae: {  	v21 =	vld [tilespmem:s2+$0x17D30];
	v23 =	vperm.xlane v17, v1  }
0xaf: {  	v25 =	vld [tilespmem:s2+$0x17D50];
	v24 =	vperm.xlane v17, v2  }
0xb0: {  	v22 =	vld [tilespmem:s2+$0x17D40];
	v26 =	vperm.xlane v17, v3;
	v18 =	vmul.f32 v18, v23  }
0xb1: {  	v27 =	vld [tilespmem:s2+$0x17D60];
	v60 =	vperm.xlane v17, v4;
	v19 =	vmul.f32 v19, v24  }
0xb2: {  	v61 =	vld [tilespmem:s2+$0x17D70];
	v62 =	vperm.xlane v17, v6;
	v20 =	vmul.f32 v20, v26;
	[tilespmem:s2+$0x19D00] =	vst v18  }
0xb3: {  	v21 =	vmul.f32 v21, v60;
	v18 =	vperm.xlane v17, v5;
	[tilespmem:s2+$0x19D10] =	vst v19  }
0xb4: {  	v63 =	vmul.f32 v25, v62;
	v19 =	vperm.xlane v17, v7;
	[tilespmem:s2+$0x19D20] =	vst v20  }
0xb5: {  	v17 =	vperm.xlane v17, v8;
	[tilespmem:s2+$0x19D30] =	vst v21;
	v18 =	vmul.f32 v22, v18  }
0xb6: {  	[tilespmem:s2+$0x19D50] =	vst v63;
	v19 =	vmul.f32 v27, v19  }
0xb7: {  	s12 =	sadd.s32 $0x1, s12;
	v17 =	vmul.f32 v61, v17;
	[tilespmem:s2+$0x19D40] =	vst v18  }
0xb8: {  	p0 =	sne.s32 s12, $0x54;
	[tilespmem:s2+$0x19D60] =	vst v19  }
.Ltmp4:
0xb9: {  	[tilespmem:s2+$0x19D70] =	vst v17;
	(pc) =	sbr.rel @p0 .LBB2_8-.Ltmp4, $4  }
0xba: {  	[spmem:s1] =	stream.indirect.scatter.add.f32 [tilespmem:s28], [sflag:$0x4], $0x80, s5, s11, $0xb8;
	[tilespmem:$0x1C100] =	vst v63  }
0xbb: {  	_ =	swait.ge [sflag:s31], $0x2000  }
0xbc: {  	[sflag:s31] =	ssyncset.done $0x0  }
0xbd: {  	[sflag:s31] =	ssyncadd.s32 $0xFFFFE000  }
0xbe: {  	[bflag:$0x0] =	sbarrier.arrive $0xFFFF  }
0xbf: {  	s2 =	rddreg [dreg:$0x7]  }
0xc0: {  	s6 =	rddreg [dreg:$0xb]  }
0xc1: {  	s12 =	rddreg [dreg:$0xa]  }
0xc2: {  	s7 =	rddreg [dreg:$0x13];
	s2 =	sadd.s32 s2, s6  }
0xc3: {  	[hbm:s2], [sflag:s12] =	dma.local [spmem:s7], $0x2780  }
0xc4: {  	_ =	swait.ge [sflag:s31], $0x2780  }
0xc5: {  	[sflag:s31] =	ssyncset.done $0x0  }
0xc6: {  	[sflag:s31] =	ssyncadd.s32 $0xFFFFD880  }
0xc7: {  	[bflag:$0x0] =	sbarrier.arrive $0xFFFF  }
0xc8: {  	s14 =	rddreg [dreg:$0x9]  }
0xc9: {  	[spmem:s7], [sflag:s12] =	dma.local [hbm:s14], $0x2780  }
0xca: {  	_ =	swait.ge [sflag:s31], $0x2780  }
0xcb: {  	[sflag:s31] =	ssyncset.done $0x0  }
0xcc: {  	[sflag:s31] =	ssyncadd.s32 $0xFFFFD880  }
0xcd: {  	s14 =	simm.s32 $0x0;
	s12 =	simm.s32 $0x0;
	[bflag:$0x0] =	sbarrier.arrive $0xFFFF  }
.LBB2_12:
0xce: {  	s2 =	sshll.u32 s12, $0x7  }
0xcf: {  	s6 =	sand.u32 $0x3C00, s2  }
0xd0: {  	s2 =	sand.u32 $0x380, s2;
	s6 =	sadd.s32 s13, s6  }
0xd1: {  	s2 =	sor.u32 s2, s6  }
0xd2: {  	s2 =	sshrl.u32 s2, $0x3  }
0xd3: {  	s7 =	sadd.s32 s4, s2  }
0xd4: {  	[tilespmem:s5], [sflag:$0x4] =	stream.linear.gather [hbm4b:s7+s14], $0x80, $0x38;
	[tilespmem:$0x1C100] =	vst v63  }
0xd5: {  	_ =	swait.ge [sflag:s31], $0x80  }
0xd6: {  	[sflag:s31] =	ssyncset.done $0x0  }
0xd7: {  	s8 =	sshll.u32 s12, $0xA;
	s2 =	sadd.s32 s3, s2;
	[sflag:s31] =	ssyncadd.s32 $0xFFFFFF80  }
0xd8: {  	[tilespmem:s0], [sflag:$0x4] =	stream.linear.gather [hbm4b:s2+s14], $0x80, $0x38;
	[tilespmem:$0x1C100] =	vst v63  }
0xd9: {  	s2 =	sadd.s32 s15, s8;
	_ =	swait.ge [sflag:s31], $0x80  }
0xda: {  	s2 =	sshrl.u32 s2, $0x3;
	[sflag:s31] =	ssyncset.done $0x0  }
0xdb: {  	s6 =	simm.s32 $0x1BD00;
	s2 =	sadd.s32 s9, s2;
	[sflag:s31] =	ssyncadd.s32 $0xFFFFFF80  }
0xdc: {  	[tilespmem:s6], [sflag:$0x1] =	stream.linear.gather [hbm4b:s2+s14], $0x400, $0x38;
	[tilespmem:$0x1C100] =	vst v63  }
0xdd: {  	_ = 	snop  }
0xde: {  	[tilespmem:s10], [sflag:$0x2] =	stream.indirect.gather [hbm4b:s17+s11], $0x80, s0, s11, $0xb8;
	[tilespmem:$0x1C100] =	vst v63  }
0xdf: {  	_ =	swait.ge [sflag:s24], $0x400  }
0xe0: {  	[sflag:s24] =	ssyncset.done $0x0  }
0xe1: {  	[sflag:s24] =	ssyncadd.s32 $0xFFFFFC00  }
0xe2: {  	_ =	swait.ge [sflag:s25], $0x2000  }
0xe3: {  	[sflag:s25] =	ssyncset.done $0x0  }
0xe4: {  	s2 =	simm.s32 $0x0;
	[sflag:s25] =	ssyncadd.s32 $0xFFFFE000  }
0xe5: {  	v18 =	vld [tilespmem:s2+$0x17D00]  }
0xe6: {  	s7 =	simm.s32 $0x200;
	v17 =	vld [tilespmem:s6+$0x0]  }
.LBB2_13:
0xe7: {  	p0 =	sne.s32 s7, $0x7E00;
	v19 =	vld [tilespmem:s2+$0x17D10]  }
0xe8: {  	v20 =	vld [tilespmem:s2+$0x17D20]  }
0xe9: {  	v21 =	vld [tilespmem:s2+$0x17D30]  }
0xea: {  	v22 =	vld [tilespmem:s2+$0x17D40]  }
0xeb: {  	v23 =	vperm.xlane v17, v9;
	v24 =	vperm.xlane v17, v10;
	v25 =	vld [tilespmem:s2+$0x17D50]  }
0xec: {  	v26 =	vperm.xlane v17, v11;
	v27 =	vperm.xlane v17, v12;
	v28 =	vld [tilespmem:s2+$0x17D60]  }
0xed: {  	v18 =	vmul.f32 v18, v23;
	v19 =	vmul.f32 v19, v24;
	v23 =	vld [tilespmem:s2+$0x17D70]  }
0xee: {  	v20 =	vmul.f32 v20, v26;
	v21 =	vmul.f32 v21, v27  }
0xef: {  	v24 =	vperm.xlane v17, v14;
	[tilespmem:s2+$0x19D00] =	vst v18;
	v18 =	vperm.xlane v17, v13  }
0xf0: {  	[tilespmem:s2+$0x19D10] =	vst v19;
	v19 =	vperm.xlane v17, v15;
	v17 =	vperm.xlane v17, v16  }
0xf1: {  	[tilespmem:s2+$0x19D20] =	vst v20;
	v18 =	vmul.f32 v22, v18;
	v20 =	vmul.f32 v25, v24  }
0xf2: {  	[tilespmem:s2+$0x19D30] =	vst v21;
	v19 =	vmul.f32 v28, v19;
	v17 =	vmul.f32 v23, v17  }
.Ltmp5:
0xf3: {  	[tilespmem:s2+$0x19D40] =	vst v18;
	(pc) =	sbr.rel @p0 .LBB2_13-.Ltmp5, $4  }
0xf4: {  	[tilespmem:s2+$0x19D50] =	vst v20  }
0xf5: {  	s8 =	sshra.s32 s7, $0x2;
	[tilespmem:s2+$0x19D60] =	vst v19  }
0xf6: {  	s6 =	sadd.s32 $0x10, s6;
	v18 =	vld [tilespmem:s8+$0x17D00];
	[tilespmem:s2+$0x19D70] =	vst v17;
	s2 =	smov.u32 s8  }
0xf7: {  	s7 =	sadd.s32 $0x200, s7;
	v17 =	vld [tilespmem:s6+$0x0]  }
0xf8: {  	_ =	sdelay $0x1  }
0xf9: {  	v19 =	vld [tilespmem:s2+$0x17D10]  }
0xfa: {  	v20 =	vld [tilespmem:s2+$0x17D20]  }
0xfb: {  	v21 =	vld [tilespmem:s2+$0x17D30];
	v23 =	vperm.xlane v17, v9  }
0xfc: {  	v25 =	vld [tilespmem:s2+$0x17D50];
	v24 =	vperm.xlane v17, v10  }
0xfd: {  	v22 =	vld [tilespmem:s2+$0x17D40];
	v26 =	vperm.xlane v17, v11;
	v18 =	vmul.f32 v18, v23  }
0xfe: {  	v27 =	vld [tilespmem:s2+$0x17D60];
	v60 =	vperm.xlane v17, v12;
	v19 =	vmul.f32 v19, v24  }
0xff: {  	v61 =	vld [tilespmem:s2+$0x17D70];
	v62 =	vperm.xlane v17, v14;
	v20 =	vmul.f32 v20, v26;
	[tilespmem:s2+$0x19D00] =	vst v18  }
0x100: {  	v21 =	vmul.f32 v21, v60;
	v18 =	vperm.xlane v17, v13;
	[tilespmem:s2+$0x19D10] =	vst v19  }
0x101: {  	v63 =	vmul.f32 v25, v62;
	v19 =	vperm.xlane v17, v15;
	[tilespmem:s2+$0x19D20] =	vst v20  }
0x102: {  	v17 =	vperm.xlane v17, v16;
	[tilespmem:s2+$0x19D30] =	vst v21;
	v18 =	vmul.f32 v22, v18  }
0x103: {  	[tilespmem:s2+$0x19D50] =	vst v63;
	v19 =	vmul.f32 v27, v19  }
0x104: {  	s12 =	sadd.s32 $0x1, s12;
	v17 =	vmul.f32 v61, v17;
	[tilespmem:s2+$0x19D40] =	vst v18  }
0x105: {  	p0 =	sne.s32 s12, $0x54;
	[tilespmem:s2+$0x19D60] =	vst v19  }
.Ltmp6:
0x106: {  	[tilespmem:s2+$0x19D70] =	vst v17;
	(pc) =	sbr.rel @p0 .LBB2_12-.Ltmp6, $4  }
0x107: {  	[spmem:s1] =	stream.indirect.scatter.add.f32 [tilespmem:s28], [sflag:$0x4], $0x80, s5, s11, $0xb8;
	[tilespmem:$0x1C100] =	vst v63  }
0x108: {  	_ =	swait.ge [sflag:s31], $0x2000  }
0x109: {  	[sflag:s31] =	ssyncset.done $0x0  }
0x10a: {  	[sflag:s31] =	ssyncadd.s32 $0xFFFFE000  }
0x10b: {  	[bflag:$0x0] =	sbarrier.arrive $0xFFFF  }
0x10c: {  	s2 =	rddreg [dreg:$0xa]  }
0x10d: {  	s6 =	rddreg [dreg:$0xe]  }
0x10e: {  	s7 =	rddreg [dreg:$0x13]  }
0x10f: {  	[hbm:s6], [sflag:s2] =	dma.local [spmem:s7], $0x2780  }
0x110: {  	_ =	swait.ge [sflag:s31], $0x2780  }
0x111: {  	[sflag:s31] =	ssyncset.done $0x0  }
0x112: {  	[sflag:s31] =	ssyncadd.s32 $0xFFFFD880  }
0x113: {  	s2 =	simm.s32 $0x0;
	s6 =	simm.s32 $0x200;
	[bflag:$0x0] =	sbarrier.arrive $0xFFFF  }
.LBB2_16:
0x114: {  	p0 =	sne.s32 s6, $0x7E00;
	[tilespmem:s2+$0x19D70] =	vst v0  }
0x115: {  	[tilespmem:s2+$0x19D10] =	vst v0  }
.Ltmp7:
0x116: {  	[tilespmem:s2+$0x19D20] =	vst v0;
	(pc) =	sbr.rel @p0 .LBB2_16-.Ltmp7, $4  }
0x117: {  	[tilespmem:s2+$0x19D30] =	vst v0  }
0x118: {  	[tilespmem:s2+$0x19D40] =	vst v0  }
0x119: {  	[tilespmem:s2+$0x19D50] =	vst v0  }
0x11a: {  	[tilespmem:s2+$0x19D60] =	vst v0;
	s2 =	sshra.s32 s6, $0x2;
	s6 =	sadd.s32 $0x200, s6  }
0x11b: {  	[tilespmem:s2+$0x19D70] =	vst v0  }
0x11c: {  	[tilespmem:s2+$0x19D10] =	vst v0  }
0x11d: {  	[tilespmem:s2+$0x19D20] =	vst v0  }
0x11e: {  	[tilespmem:s2+$0x19D30] =	vst v0  }
0x11f: {  	[tilespmem:s2+$0x19D40] =	vst v0;
	s14 =	rddreg [dreg:$0x9]  }
0x120: {  	[tilespmem:s2+$0x19D50] =	vst v0;
	s6 =	rddreg [dreg:$0xa]  }
0x121: {  	[tilespmem:s2+$0x19D60] =	vst v0;
	s7 =	rddreg [dreg:$0x13]  }
0x122: {  	[spmem:s7], [sflag:s6] =	dma.local [hbm:s14], $0x2780  }
0x123: {  	_ =	swait.ge [sflag:s31], $0x2780  }
0x124: {  	[sflag:s31] =	ssyncset.done $0x0  }
0x125: {  	s12 =	simm.s32 $0x0;
	[sflag:s31] =	ssyncadd.s32 $0xFFFFD880  }
0x126: {  	s8 =	simm.s32 $0x0;
	s14 =	simm.s32 $0x0;
	[bflag:$0x0] =	sbarrier.arrive $0xFFFF  }
.LBB2_18:
0x127: {  	s2 =	sshll.u32 s14, $0x7  }
0x128: {  	s6 =	sand.u32 $0x3C00, s2  }
0x129: {  	s2 =	sand.u32 $0x380, s2;
	s6 =	sadd.s32 s6, s29  }
0x12a: {  	s2 =	sor.u32 s2, s6  }
0x12b: {  	s2 =	sshrl.u32 s2, $0x3  }
0x12c: {  	s7 =	sadd.s32 s3, s2  }
0x12d: {  	[tilespmem:s0], [sflag:$0x4] =	stream.linear.gather [hbm4b:s7+s12], $0x80, $0x38;
	[tilespmem:$0x1C100] =	vst v63  }
0x12e: {  	_ =	swait.ge [sflag:s31], $0x80  }
0x12f: {  	[sflag:s31] =	ssyncset.done $0x0  }
0x130: {  	s2 =	sadd.s32 s4, s2;
	[sflag:s31] =	ssyncadd.s32 $0xFFFFFF80  }
0x131: {  	[tilespmem:s5], [sflag:$0x4] =	stream.linear.gather [hbm4b:s2+s12], $0x80, $0x38;
	[tilespmem:$0x1C100] =	vst v63  }
0x132: {  	_ =	swait.ge [sflag:s31], $0x80  }
0x133: {  	[sflag:s31] =	ssyncset.done $0x0  }
0x134: {  	[sflag:s31] =	ssyncadd.s32 $0xFFFFFF80  }
0x135: {  	[tilespmem:s22], [sflag:$0x1] =	stream.indirect.gather [hbm4b:s18+s11], $0x80, s0, s11, $0xb8;
	[tilespmem:$0x1C100] =	vst v63  }
0x136: {  	_ = 	snop  }
0x137: {  	[tilespmem:s23], [sflag:$0x2] =	stream.indirect.gather [hbm4b:s19+s11], $0x80, s5, s11, $0xb8;
	[tilespmem:$0x1C100] =	vst v63  }
0x138: {  	_ =	swait.ge [sflag:s24], $0x2000  }
0x139: {  	[sflag:s24] =	ssyncset.done $0x0  }
0x13a: {  	[sflag:s24] =	ssyncadd.s32 $0xFFFFE000  }
0x13b: {  	_ =	swait.ge [sflag:s25], $0x2000  }
0x13c: {  	[sflag:s25] =	ssyncset.done $0x0  }
0x13d: {  	s7 =	simm.s32 $0x0;
	[sflag:s25] =	ssyncadd.s32 $0xFFFFE000  }
0x13e: {  	v17 =	vld [tilespmem:s7+$0x15D00]  }
0x13f: {  	v18 =	vld [tilespmem:s7+$0x13D00];
	_ =	sdelay $0x4  }
0x140: {  	v17 =	vadd.f32 v17, v18;
	_ =	sdelay $0x1  }
0x141: {  	v18 =	vmul.f32 $2.000000030e-01, v17;
	_ =	sdelay $0x1  }
0x142: {  	v17 =	vmax.f32 v17, v18  }
0x143: {  	v17 =	vmul.f32 $1.442695020e+00, v17;
	_ =	sdelay $0x1  }
0x144: {  	(erf) = vpow2.f32 v17;
	_ =	sdelay $0x8  }
0x145: {  	v17 =	vpop (erf)  }
0x146: {  	s2 =	simm.s32 $0x1BD00;
	[tilespmem:s7+$0x19D00] =	vst v17  }
0x147: {  	s6 =	simm.s32 $0x80;
	[tilespmem:s2+$0x0] =	vst v17  }
0x148: {  	v17 =	vld [tilespmem:s6+$0x15D00]  }
0x149: {  	s7 =	simm.s32 $0x400;
	v18 =	vld [tilespmem:s6+$0x13D00]  }
.LBB2_19:
0x14a: {  	p0 =	sne.s32 s7, $0x7E00;
	_ =	sdelay $0x3  }
0x14b: {  	v17 =	vadd.f32 v17, v18;
	_ =	sdelay $0x1  }
0x14c: {  	v18 =	vmul.f32 $2.000000030e-01, v17;
	_ =	sdelay $0x1  }
0x14d: {  	v17 =	vmax.f32 v17, v18  }
0x14e: {  	v17 =	vmul.f32 $1.442695020e+00, v17;
	_ =	sdelay $0x1  }
0x14f: {  	(erf) = vpow2.f32 v17;
	_ =	sdelay $0x8  }
.Ltmp8:
0x150: {  	v17 =	vpop (erf);
	(pc) =	sbr.rel @p0 .LBB2_19-.Ltmp8, $4  }
0x151: {  	s2 =	sadd.s32 $0x10, s2;
	[tilespmem:s6+$0x19D00] =	vst v17  }
0x152: {  	s6 =	sshra.s32 s7, $0x2;
	[tilespmem:s2+$0x0] =	vst v17  }
0x153: {  	v17 =	vld [tilespmem:s6+$0x15D00]  }
0x154: {  	s7 =	sadd.s32 $0x200, s7;
	v18 =	vld [tilespmem:s6+$0x13D00]  }
0x155: {  	_ =	sdelay $0x3  }
0x156: {  	v17 =	vadd.f32 v17, v18;
	_ =	sdelay $0x1  }
0x157: {  	v18 =	vmul.f32 $2.000000030e-01, v17;
	_ =	sdelay $0x1  }
0x158: {  	v17 =	vmax.f32 v17, v18  }
0x159: {  	v17 =	vmul.f32 $1.442695020e+00, v17;
	_ =	sdelay $0x1  }
0x15a: {  	(erf) = vpow2.f32 v17;
	_ =	sdelay $0x7  }
0x15b: {  	s7 =	sshll.u32 s14, $0xA  }
0x15c: {  	s7 =	sadd.s32 s7, s30;
	v17 =	vpop (erf)  }
0x15d: {  	s2 =	sadd.s32 $0x10, s2;
	s7 =	sshrl.u32 s7, $0x3;
	[tilespmem:s6+$0x19D00] =	vst v17  }
0x15e: {  	s7 =	sadd.s32 s9, s7;
	[tilespmem:s2+$0x0] =	vst v17  }
0x15f: {  	[hbm4b:s7+s8] =	stream.linear.scatter [tilespmem:s26], [sflag:$0x3], $0x400, $0x38;
	[tilespmem:$0x1C100] =	vst v63  }
0x160: {  	s14 =	sadd.s32 $0x1, s14  }
0x161: {  	[spmem:s1] =	stream.indirect.scatter.add.f32 [tilespmem:s28], [sflag:$0x4], $0x80, s5, s11, $0xb8;
	[tilespmem:$0x1C100] =	vst v63  }
0x162: {  	p0 =	sne.s32 s14, $0x54;
	_ =	swait.ge [sflag:s31], $0x2000  }
.Ltmp9:
0x163: {  	[sflag:s31] =	ssyncset.done $0x0;
	(pc) =	sbr.rel @p0 .LBB2_18-.Ltmp9, $4  }
0x164: {  	[sflag:s31] =	ssyncadd.s32 $0xFFFFE000  }
0x165: {  	_ =	swait.ge [sflag:s16], $0x400  }
0x166: {  	[sflag:s16] =	ssyncset.done $0x0  }
0x167: {  	[sflag:s16] =	ssyncadd.s32 $0xFFFFFC00  }
0x168: {  	[bflag:$0x0] =	sbarrier.arrive $0xFFFF  }
0x169: {  	s6 =	rddreg [dreg:$0xa]  }
0x16a: {  	s2 =	rddreg [dreg:$0xf]  }
0x16b: {  	s7 =	rddreg [dreg:$0x13]  }
0x16c: {  	[hbm:s2], [sflag:s6] =	dma.local [spmem:s7], $0x2780  }
0x16d: {  	_ =	swait.ge [sflag:s31], $0x2780  }
0x16e: {  	[sflag:s31] =	ssyncset.done $0x0  }
0x16f: {  	[sflag:s31] =	ssyncadd.s32 $0xFFFFD880  }
0x170: {  	[bflag:$0x0] =	sbarrier.arrive $0xFFFF  }
0x171: {  	s14 =	rddreg [dreg:$0x9]  }
0x172: {  	[spmem:s7], [sflag:s6] =	dma.local [hbm:s14], $0x2780  }
0x173: {  	_ =	swait.ge [sflag:s31], $0x2780  }
0x174: {  	[sflag:s31] =	ssyncset.done $0x0  }
0x175: {  	[sflag:s31] =	ssyncadd.s32 $0xFFFFD880  }
0x176: {  	s12 =	simm.s32 $0x0;
	s14 =	simm.s32 $0x0;
	[bflag:$0x0] =	sbarrier.arrive $0xFFFF  }
.LBB2_22:
0x177: {  	s2 =	sshll.u32 s12, $0x7  }
0x178: {  	s6 =	sand.u32 $0x3C00, s2  }
0x179: {  	s2 =	sand.u32 $0x380, s2;
	s6 =	sadd.s32 s6, s29  }
0x17a: {  	s2 =	sor.u32 s2, s6  }
0x17b: {  	s2 =	sshrl.u32 s2, $0x3  }
0x17c: {  	s7 =	sadd.s32 s4, s2  }
0x17d: {  	[tilespmem:s5], [sflag:$0x4] =	stream.linear.gather [hbm4b:s7+s14], $0x80, $0x38;
	[tilespmem:$0x1C100] =	vst v63  }
0x17e: {  	_ =	swait.ge [sflag:s31], $0x80  }
0x17f: {  	[sflag:s31] =	ssyncset.done $0x0  }
0x180: {  	s8 =	sshll.u32 s12, $0xA;
	s2 =	sadd.s32 s3, s2;
	[sflag:s31] =	ssyncadd.s32 $0xFFFFFF80  }
0x181: {  	[tilespmem:s0], [sflag:$0x4] =	stream.linear.gather [hbm4b:s2+s14], $0x80, $0x38;
	[tilespmem:$0x1C100] =	vst v63  }
0x182: {  	s2 =	sadd.s32 s8, s30;
	_ =	swait.ge [sflag:s31], $0x80  }
0x183: {  	s2 =	sshrl.u32 s2, $0x3;
	[sflag:s31] =	ssyncset.done $0x0  }
0x184: {  	s6 =	simm.s32 $0x1BD00;
	s2 =	sadd.s32 s9, s2;
	[sflag:s31] =	ssyncadd.s32 $0xFFFFFF80  }
0x185: {  	[tilespmem:s6], [sflag:$0x1] =	stream.linear.gather [hbm4b:s2+s14], $0x400, $0x38;
	[tilespmem:$0x1C100] =	vst v63  }
0x186: {  	_ = 	snop  }
0x187: {  	[tilespmem:s10], [sflag:$0x2] =	stream.indirect.gather [hbm4b:s20+s11], $0x80, s0, s11, $0xb8;
	[tilespmem:$0x1C100] =	vst v63  }
0x188: {  	_ =	swait.ge [sflag:s24], $0x400  }
0x189: {  	[sflag:s24] =	ssyncset.done $0x0  }
0x18a: {  	[sflag:s24] =	ssyncadd.s32 $0xFFFFFC00  }
0x18b: {  	_ =	swait.ge [sflag:s25], $0x2000  }
0x18c: {  	[sflag:s25] =	ssyncset.done $0x0  }
0x18d: {  	s2 =	simm.s32 $0x0;
	[sflag:s25] =	ssyncadd.s32 $0xFFFFE000  }
0x18e: {  	v18 =	vld [tilespmem:s2+$0x17D00]  }
0x18f: {  	s7 =	simm.s32 $0x200;
	v17 =	vld [tilespmem:s6+$0x0]  }
.LBB2_23:
0x190: {  	p0 =	sne.s32 s7, $0x7E00;
	v19 =	vld [tilespmem:s2+$0x17D10]  }
0x191: {  	v20 =	vld [tilespmem:s2+$0x17D20]  }
0x192: {  	v21 =	vld [tilespmem:s2+$0x17D30]  }
0x193: {  	v22 =	vld [tilespmem:s2+$0x17D40]  }
0x194: {  	v23 =	vperm.xlane v17, v1;
	v24 =	vperm.xlane v17, v2;
	v25 =	vld [tilespmem:s2+$0x17D50]  }
0x195: {  	v26 =	vperm.xlane v17, v3;
	v27 =	vperm.xlane v17, v4;
	v28 =	vld [tilespmem:s2+$0x17D60]  }
0x196: {  	v18 =	vmul.f32 v18, v23;
	v19 =	vmul.f32 v19, v24;
	v23 =	vld [tilespmem:s2+$0x17D70]  }
0x197: {  	v20 =	vmul.f32 v20, v26;
	v21 =	vmul.f32 v21, v27  }
0x198: {  	v24 =	vperm.xlane v17, v6;
	[tilespmem:s2+$0x19D00] =	vst v18;
	v18 =	vperm.xlane v17, v5  }
0x199: {  	[tilespmem:s2+$0x19D10] =	vst v19;
	v19 =	vperm.xlane v17, v7;
	v17 =	vperm.xlane v17, v8  }
0x19a: {  	[tilespmem:s2+$0x19D20] =	vst v20;
	v18 =	vmul.f32 v22, v18;
	v20 =	vmul.f32 v25, v24  }
0x19b: {  	[tilespmem:s2+$0x19D30] =	vst v21;
	v19 =	vmul.f32 v28, v19;
	v17 =	vmul.f32 v23, v17  }
.Ltmp10:
0x19c: {  	[tilespmem:s2+$0x19D40] =	vst v18;
	(pc) =	sbr.rel @p0 .LBB2_23-.Ltmp10, $4  }
0x19d: {  	[tilespmem:s2+$0x19D50] =	vst v20  }
0x19e: {  	s8 =	sshra.s32 s7, $0x2;
	[tilespmem:s2+$0x19D60] =	vst v19  }
0x19f: {  	s6 =	sadd.s32 $0x10, s6;
	v18 =	vld [tilespmem:s8+$0x17D00];
	[tilespmem:s2+$0x19D70] =	vst v17;
	s2 =	smov.u32 s8  }
0x1a0: {  	s7 =	sadd.s32 $0x200, s7;
	v17 =	vld [tilespmem:s6+$0x0]  }
0x1a1: {  	_ =	sdelay $0x1  }
0x1a2: {  	v19 =	vld [tilespmem:s2+$0x17D10]  }
0x1a3: {  	v20 =	vld [tilespmem:s2+$0x17D20]  }
0x1a4: {  	v21 =	vld [tilespmem:s2+$0x17D30];
	v23 =	vperm.xlane v17, v1  }
0x1a5: {  	v25 =	vld [tilespmem:s2+$0x17D50];
	v24 =	vperm.xlane v17, v2  }
0x1a6: {  	v22 =	vld [tilespmem:s2+$0x17D40];
	v26 =	vperm.xlane v17, v3;
	v18 =	vmul.f32 v18, v23  }
0x1a7: {  	v27 =	vld [tilespmem:s2+$0x17D60];
	v60 =	vperm.xlane v17, v4;
	v19 =	vmul.f32 v19, v24  }
0x1a8: {  	v61 =	vld [tilespmem:s2+$0x17D70];
	v62 =	vperm.xlane v17, v6;
	v20 =	vmul.f32 v20, v26;
	[tilespmem:s2+$0x19D00] =	vst v18  }
0x1a9: {  	v21 =	vmul.f32 v21, v60;
	v18 =	vperm.xlane v17, v5;
	[tilespmem:s2+$0x19D10] =	vst v19  }
0x1aa: {  	v63 =	vmul.f32 v25, v62;
	v19 =	vperm.xlane v17, v7;
	[tilespmem:s2+$0x19D20] =	vst v20  }
0x1ab: {  	v17 =	vperm.xlane v17, v8;
	[tilespmem:s2+$0x19D30] =	vst v21;
	v18 =	vmul.f32 v22, v18  }
0x1ac: {  	[tilespmem:s2+$0x19D50] =	vst v63;
	v19 =	vmul.f32 v27, v19  }
0x1ad: {  	s12 =	sadd.s32 $0x1, s12;
	v17 =	vmul.f32 v61, v17;
	[tilespmem:s2+$0x19D40] =	vst v18  }
0x1ae: {  	p0 =	sne.s32 s12, $0x54;
	[tilespmem:s2+$0x19D60] =	vst v19  }
.Ltmp11:
0x1af: {  	[tilespmem:s2+$0x19D70] =	vst v17;
	(pc) =	sbr.rel @p0 .LBB2_22-.Ltmp11, $4  }
0x1b0: {  	[spmem:s1] =	stream.indirect.scatter.add.f32 [tilespmem:s28], [sflag:$0x4], $0x80, s5, s11, $0xb8;
	[tilespmem:$0x1C100] =	vst v63  }
0x1b1: {  	_ =	swait.ge [sflag:s31], $0x2000  }
0x1b2: {  	[sflag:s31] =	ssyncset.done $0x0  }
0x1b3: {  	[sflag:s31] =	ssyncadd.s32 $0xFFFFE000  }
0x1b4: {  	[bflag:$0x0] =	sbarrier.arrive $0xFFFF  }
0x1b5: {  	s6 =	rddreg [dreg:$0xa]  }
0x1b6: {  	s2 =	rddreg [dreg:$0x10]  }
0x1b7: {  	s7 =	rddreg [dreg:$0x13]  }
0x1b8: {  	[hbm:s2], [sflag:s6] =	dma.local [spmem:s7], $0x2780  }
0x1b9: {  	_ =	swait.ge [sflag:s31], $0x2780  }
0x1ba: {  	[sflag:s31] =	ssyncset.done $0x0  }
0x1bb: {  	[sflag:s31] =	ssyncadd.s32 $0xFFFFD880  }
0x1bc: {  	[bflag:$0x0] =	sbarrier.arrive $0xFFFF  }
0x1bd: {  	s14 =	rddreg [dreg:$0x9]  }
0x1be: {  	[spmem:s7], [sflag:s6] =	dma.local [hbm:s14], $0x2780  }
0x1bf: {  	_ =	swait.ge [sflag:s31], $0x2780  }
0x1c0: {  	[sflag:s31] =	ssyncset.done $0x0  }
0x1c1: {  	[sflag:s31] =	ssyncadd.s32 $0xFFFFD880  }
0x1c2: {  	s12 =	simm.s32 $0x0;
	s14 =	simm.s32 $0x0;
	[bflag:$0x0] =	sbarrier.arrive $0xFFFF  }
.LBB2_26:
0x1c3: {  	s2 =	sshll.u32 s12, $0x7  }
0x1c4: {  	s6 =	sand.u32 $0x3C00, s2  }
0x1c5: {  	s2 =	sand.u32 $0x380, s2;
	s6 =	sadd.s32 s6, s29  }
0x1c6: {  	s2 =	sor.u32 s2, s6  }
0x1c7: {  	s2 =	sshrl.u32 s2, $0x3  }
0x1c8: {  	s7 =	sadd.s32 s4, s2  }
0x1c9: {  	[tilespmem:s5], [sflag:$0x4] =	stream.linear.gather [hbm4b:s7+s14], $0x80, $0x38;
	[tilespmem:$0x1C100] =	vst v63  }
0x1ca: {  	_ =	swait.ge [sflag:s31], $0x80  }
0x1cb: {  	[sflag:s31] =	ssyncset.done $0x0  }
0x1cc: {  	s8 =	sshll.u32 s12, $0xA;
	s2 =	sadd.s32 s3, s2;
	[sflag:s31] =	ssyncadd.s32 $0xFFFFFF80  }
0x1cd: {  	[tilespmem:s0], [sflag:$0x4] =	stream.linear.gather [hbm4b:s2+s14], $0x80, $0x38;
	[tilespmem:$0x1C100] =	vst v63  }
0x1ce: {  	s2 =	sadd.s32 s8, s30;
	_ =	swait.ge [sflag:s31], $0x80  }
0x1cf: {  	s2 =	sshrl.u32 s2, $0x3;
	[sflag:s31] =	ssyncset.done $0x0  }
0x1d0: {  	s6 =	simm.s32 $0x1BD00;
	s2 =	sadd.s32 s9, s2;
	[sflag:s31] =	ssyncadd.s32 $0xFFFFFF80  }
0x1d1: {  	[tilespmem:s6], [sflag:$0x1] =	stream.linear.gather [hbm4b:s2+s14], $0x400, $0x38;
	[tilespmem:$0x1C100] =	vst v63  }
0x1d2: {  	_ = 	snop  }
0x1d3: {  	[tilespmem:s10], [sflag:$0x2] =	stream.indirect.gather [hbm4b:s21+s11], $0x80, s0, s11, $0xb8;
	[tilespmem:$0x1C100] =	vst v63  }
0x1d4: {  	_ =	swait.ge [sflag:s24], $0x400  }
0x1d5: {  	[sflag:s24] =	ssyncset.done $0x0  }
0x1d6: {  	[sflag:s24] =	ssyncadd.s32 $0xFFFFFC00  }
0x1d7: {  	_ =	swait.ge [sflag:s25], $0x2000  }
0x1d8: {  	[sflag:s25] =	ssyncset.done $0x0  }
0x1d9: {  	s2 =	simm.s32 $0x0;
	[sflag:s25] =	ssyncadd.s32 $0xFFFFE000  }
0x1da: {  	v18 =	vld [tilespmem:s2+$0x17D00]  }
0x1db: {  	s7 =	simm.s32 $0x200;
	v17 =	vld [tilespmem:s6+$0x0]  }
.LBB2_27:
0x1dc: {  	p0 =	sne.s32 s7, $0x7E00;
	v19 =	vld [tilespmem:s2+$0x17D10]  }
0x1dd: {  	v20 =	vld [tilespmem:s2+$0x17D20]  }
0x1de: {  	v21 =	vld [tilespmem:s2+$0x17D30]  }
0x1df: {  	v22 =	vld [tilespmem:s2+$0x17D40]  }
0x1e0: {  	v23 =	vperm.xlane v17, v9;
	v24 =	vperm.xlane v17, v10;
	v25 =	vld [tilespmem:s2+$0x17D50]  }
0x1e1: {  	v26 =	vperm.xlane v17, v11;
	v27 =	vperm.xlane v17, v12;
	v28 =	vld [tilespmem:s2+$0x17D60]  }
0x1e2: {  	v18 =	vmul.f32 v18, v23;
	v19 =	vmul.f32 v19, v24;
	v23 =	vld [tilespmem:s2+$0x17D70]  }
0x1e3: {  	v20 =	vmul.f32 v20, v26;
	v21 =	vmul.f32 v21, v27  }
0x1e4: {  	v24 =	vperm.xlane v17, v14;
	[tilespmem:s2+$0x19D00] =	vst v18;
	v18 =	vperm.xlane v17, v13  }
0x1e5: {  	[tilespmem:s2+$0x19D10] =	vst v19;
	v19 =	vperm.xlane v17, v15;
	v17 =	vperm.xlane v17, v16  }
0x1e6: {  	[tilespmem:s2+$0x19D20] =	vst v20;
	v18 =	vmul.f32 v22, v18;
	v20 =	vmul.f32 v25, v24  }
0x1e7: {  	[tilespmem:s2+$0x19D30] =	vst v21;
	v19 =	vmul.f32 v28, v19;
	v17 =	vmul.f32 v23, v17  }
.Ltmp12:
0x1e8: {  	[tilespmem:s2+$0x19D40] =	vst v18;
	(pc) =	sbr.rel @p0 .LBB2_27-.Ltmp12, $4  }
0x1e9: {  	[tilespmem:s2+$0x19D50] =	vst v20  }
0x1ea: {  	s8 =	sshra.s32 s7, $0x2;
	[tilespmem:s2+$0x19D60] =	vst v19  }
0x1eb: {  	s6 =	sadd.s32 $0x10, s6;
	v18 =	vld [tilespmem:s8+$0x17D00];
	[tilespmem:s2+$0x19D70] =	vst v17;
	s2 =	smov.u32 s8  }
0x1ec: {  	s7 =	sadd.s32 $0x200, s7;
	v17 =	vld [tilespmem:s6+$0x0]  }
0x1ed: {  	_ =	sdelay $0x1  }
0x1ee: {  	v19 =	vld [tilespmem:s2+$0x17D10]  }
0x1ef: {  	v20 =	vld [tilespmem:s2+$0x17D20]  }
0x1f0: {  	v21 =	vld [tilespmem:s2+$0x17D30];
	v23 =	vperm.xlane v17, v9  }
0x1f1: {  	v25 =	vld [tilespmem:s2+$0x17D50];
	v24 =	vperm.xlane v17, v10  }
0x1f2: {  	v22 =	vld [tilespmem:s2+$0x17D40];
	v26 =	vperm.xlane v17, v11;
	v18 =	vmul.f32 v18, v23  }
0x1f3: {  	v27 =	vld [tilespmem:s2+$0x17D60];
	v60 =	vperm.xlane v17, v12;
	v19 =	vmul.f32 v19, v24  }
0x1f4: {  	v61 =	vld [tilespmem:s2+$0x17D70];
	v62 =	vperm.xlane v17, v14;
	v20 =	vmul.f32 v20, v26;
	[tilespmem:s2+$0x19D00] =	vst v18  }
0x1f5: {  	v21 =	vmul.f32 v21, v60;
	v18 =	vperm.xlane v17, v13;
	[tilespmem:s2+$0x19D10] =	vst v19  }
0x1f6: {  	v63 =	vmul.f32 v25, v62;
	v19 =	vperm.xlane v17, v15;
	[tilespmem:s2+$0x19D20] =	vst v20  }
0x1f7: {  	v17 =	vperm.xlane v17, v16;
	[tilespmem:s2+$0x19D30] =	vst v21;
	v18 =	vmul.f32 v22, v18  }
0x1f8: {  	[tilespmem:s2+$0x19D50] =	vst v63;
	v19 =	vmul.f32 v27, v19  }
0x1f9: {  	s12 =	sadd.s32 $0x1, s12;
	v17 =	vmul.f32 v61, v17;
	[tilespmem:s2+$0x19D40] =	vst v18  }
0x1fa: {  	p0 =	sne.s32 s12, $0x54;
	[tilespmem:s2+$0x19D60] =	vst v19  }
.Ltmp13:
0x1fb: {  	[tilespmem:s2+$0x19D70] =	vst v17;
	(pc) =	sbr.rel @p0 .LBB2_26-.Ltmp13, $4  }
0x1fc: {  	[spmem:s1] =	stream.indirect.scatter.add.f32 [tilespmem:s28], [sflag:$0x4], $0x80, s5, s11, $0xb8;
	[tilespmem:$0x1C100] =	vst v63  }
0x1fd: {  	_ =	swait.ge [sflag:s31], $0x2000  }
0x1fe: {  	[sflag:s31] =	ssyncset.done $0x0  }
0x1ff: {  	[sflag:s31] =	ssyncadd.s32 $0xFFFFE000  }
0x200: {  	[bflag:$0x0] =	sbarrier.arrive $0xFFFF  }
0x201: {  	s2 =	rddreg [dreg:$0xa]  }
0x202: {  	s6 =	rddreg [dreg:$0x11]  }
0x203: {  	s7 =	rddreg [dreg:$0x13]  }
0x204: {  	[hbm:s6], [sflag:s2] =	dma.local [spmem:s7], $0x2780  }
0x205: {  	_ =	swait.ge [sflag:s31], $0x2780  }
0x206: {  	s12 =	rddreg [dreg:$0x12]  }
0x207: {  	s14 =	rddreg [dreg:$0xc];
	s6 =	sadd.s32 $0x1, s12  }
0x208: {  	p0 =	sne.s32 s6, s14  }
.Ltmp14:
0x209: {  	_ = 	snop;
	(pc) =	sbr.rel @p0 .LBB2_1-.Ltmp14, $4  }
0x20a: {  	[sflag:s31] =	ssyncset.done $0x0  }
0x20b: {  	[sflag:s31] =	ssyncadd.s32 $0xFFFFD880  }
0x20c: {  	[bflag:$0x0] =	sbarrier.arrive $0xFFFF  }
0x20d: {  	s8 =	simm.s32 $0x0  }
0x20e: {  	_ =	sfence.sel $0x180000  }
0x20f: {  	[bflag:$0x0] =	sbarrier.arrive $0xFFFF  }
0x210: {  	_ =	strace $0x90000047  }
0x211: {  	s0 =	stileid.u32;
	[bflag:$0x2] =	sbarrier.arrive $0xFFFF  }
0x212: {  	p0 =	sne.s32 s0, $0x0;
	s0 =	rddreg [dreg:$0x3]  }
0x213: {  	s0 =	sadd.s32 @!p0 $0x100000, s0  }
0x214: {  	[sflag:s0] =	ssyncadd.tile.s32 @!p0 $0x1;
	_ =	shalt  }
.Lfunc_end2:
_tile_overlayer_lowered:
.L_overlay_start_2:
0x215: {  	(tag) =	ssettag $0x2  }
0x216: {  	s0 =	rddreg [dreg:$0x0];
	s2 =	stileid.u32  }
0x217: {  	s1 =	rddreg [dreg:$0x1];
	p0 =	sne.s32 s2, $0x0  }
0x218: {  	s3 =	rddreg [dreg:$0x2];
	[bflag:$0x3] =	sbarrier.arrive $0xFFFF;
	s2 =	simm.s32 @!p0 $0x1C04  }
0x219: {  	[timem:s3], [sflag:s2] =	dma.local @!p0 [hbm:s0], s1  }
0x21a: {  	s0 =	simm.s32 @!p0 $0x4  }
0x21b: {  	_ =	swait.ge @!p0 [sflag:s0], s1  }
0x21c: {  	s1 =	ssub.s32 @!p0 $0x0, s1;
	[sflag:s0] =	ssyncset.done @!p0 $0x0  }
0x21d: {  	[sflag:s0] =	ssyncadd.s32 @!p0 s1  }
0x21e: {  	[bflag:$0x3] =	sbarrier.arrive $0xFFFF  }
0x21f: {  	_ =	shalt  }

</sc_bundles>
